<compile_context>
chip_gen: v7x
topology: tpu7x:2x2x1
jax: 0.10.2.dev20260603
libtpu: 0.0.44.dev20260713+nightly
codegen_flags: <defaults>
</compile_context>

<pallas_src>
import functools

import jax
import jax.numpy as jnp
from jax import lax
from jax.experimental import pallas as pl
from jax.experimental.pallas import tpu as pltpu
from jax.experimental.pallas import tpu_sc as plsc

N_ATOMS = 100000
HALF = N_ATOMS // 2
HIDDEN = 128
N_MOL = 5000
M_PAD = 8192
STRIP = 512

NC = 2
NS = 16
LANES = 16
N_TILES = NC * NS
APT = 1568
H_PAD = N_TILES * APT
VREGS = APT // LANES

TC_BLOCK = 2000
TC_GRID = HALF // TC_BLOCK


def _tc_body(v_ref, w_ref, mu_ref):
    vb = v_ref[...].reshape(3 * TC_BLOCK, HIDDEN)
    w = w_ref[...]
    r = lax.dot_general(w, vb, (((1,), (1,)), ((), ())),
                        preferred_element_type=jnp.float32)
    mu_ref[pl.program_id(0), :] = r[0]


def _tc_project(vt, w2d, half):
    base = half * TC_GRID
    return pl.pallas_call(
        _tc_body,
        grid=(TC_GRID,),
        in_specs=[
            pl.BlockSpec((3, TC_BLOCK, HIDDEN), lambda i: (0, base + i, 0)),
            pl.BlockSpec((1, HIDDEN), lambda i: (0, 0)),
        ],
        out_specs=pl.BlockSpec((TC_GRID, 3 * TC_BLOCK), lambda i: (0, 0)),
        out_shape=jax.ShapeDtypeStruct((TC_GRID, 3 * TC_BLOCK), jnp.float32),
    )(vt, w2d)


def _sc_body(mu0_hbm, mu1_hbm, mu2_hbm, idx_hbm, zeros_hbm, out_hbm,
             idx_v, v0, v1, v2, a0, a1, a2, stage, red, r0, r1, r2, sem):
    c = lax.axis_index("c")
    s = lax.axis_index("s")
    wid = s * NC + c
    base = wid * APT

    loads = [
        pltpu.async_copy(idx_hbm.at[pl.ds(base, APT)], idx_v, sem),
        pltpu.async_copy(mu0_hbm.at[pl.ds(base, APT)], v0, sem),
        pltpu.async_copy(mu1_hbm.at[pl.ds(base, APT)], v1, sem),
        pltpu.async_copy(mu2_hbm.at[pl.ds(base, APT)], v2, sem),
        pltpu.async_copy(zeros_hbm, a0, sem),
        pltpu.async_copy(zeros_hbm, a1, sem),
        pltpu.async_copy(zeros_hbm, a2, sem),
    ]
    for d in loads:
        d.wait()

    def _acc(i):
        sl = pl.ds(i * LANES, LANES)
        ids = idx_v[sl]
        plsc.addupdate_scatter(a0, [ids], v0[sl])
        plsc.addupdate_scatter(a1, [ids], v1[sl])
        plsc.addupdate_scatter(a2, [ids], v2[sl])

    pl.loop(0, VREGS)(_acc)

    stores = [
        pltpu.async_copy(a0, stage.at[pl.ds((s * 3 + 0) * M_PAD, M_PAD)], sem),
        pltpu.async_copy(a1, stage.at[pl.ds((s * 3 + 1) * M_PAD, M_PAD)], sem),
        pltpu.async_copy(a2, stage.at[pl.ds((s * 3 + 2) * M_PAD, M_PAD)], sem),
    ]
    for d in stores:
        d.wait()
    plsc.subcore_barrier()

    for k, rk in ((0, r0), (1, r1), (2, r2)):
        descs = [
            pltpu.async_copy(
                stage.at[pl.ds((t * 3 + k) * M_PAD + s * STRIP, STRIP)],
                red.at[pl.ds(t * STRIP, STRIP)], sem)
            for t in range(NS)
        ]
        for d in descs:
            d.wait()

        def _sum(i, _rk=rk):
            tot = red[pl.ds(0 * STRIP + i * LANES, LANES)]
            for t in range(1, NS):
                tot = tot + red[pl.ds(t * STRIP + i * LANES, LANES)]
            _rk[pl.ds(i * LANES, LANES)] = tot

        pl.loop(0, STRIP // LANES)(_sum)

        pltpu.sync_copy(
            rk, out_hbm.at[pl.ds(c * 3 * M_PAD + k * M_PAD + s * STRIP, STRIP)])


def _sc_scatter(mu0, mu1, mu2, idx_flat, zeros):
    mesh = plsc.VectorSubcoreMesh(core_axis_name="c", subcore_axis_name="s")
    fn = pl.kernel(
        _sc_body,
        out_type=jax.ShapeDtypeStruct((NC * 3 * M_PAD,), jnp.float32),
        mesh=mesh,
        compiler_params=pltpu.CompilerParams(needs_layout_passes=False),
        scratch_types=[
            pltpu.VMEM((APT,), jnp.int32),
            pltpu.VMEM((APT,), jnp.float32),
            pltpu.VMEM((APT,), jnp.float32),
            pltpu.VMEM((APT,), jnp.float32),
            pltpu.VMEM((M_PAD,), jnp.float32),
            pltpu.VMEM((M_PAD,), jnp.float32),
            pltpu.VMEM((M_PAD,), jnp.float32),
            pltpu.VMEM_SHARED((NS * 3 * M_PAD,), jnp.float32),
            pltpu.VMEM((NS * STRIP,), jnp.float32),
            pltpu.VMEM((STRIP,), jnp.float32),
            pltpu.VMEM((STRIP,), jnp.float32),
            pltpu.VMEM((STRIP,), jnp.float32),
            pltpu.SemaphoreType.DMA,
        ],
    )
    return fn(mu0, mu1, mu2, idx_flat, zeros)


def _half_inputs(mu_blk, batch_half):
    mu = (mu_blk.reshape(TC_GRID, 3, TC_BLOCK)
          .transpose(1, 0, 2).reshape(3, HALF))
    mu_pad = jnp.pad(mu, ((0, 0), (0, H_PAD - HALF)))
    idx_flat = jnp.concatenate(
        [batch_half.astype(jnp.int32),
         jnp.full((H_PAD - HALF,), N_MOL - 1, jnp.int32)]
    )
    return mu_pad, idx_flat


def kernel(v, batch, weight):
    vt = jnp.transpose(v, (2, 0, 1))
    w2d = weight.reshape(1, HIDDEN)
    zeros = jnp.zeros((M_PAD,), jnp.float32)

    mu_a = _tc_project(vt, w2d, 0)
    mua_pad, idx_a = _half_inputs(mu_a, batch[:HALF])
    part_a = _sc_scatter(mua_pad[0], mua_pad[1], mua_pad[2], idx_a, zeros)

    mu_b = _tc_project(vt, w2d, 1)
    mub_pad, idx_b = _half_inputs(mu_b, batch[HALF:])
    part_b = _sc_scatter(mub_pad[0], mub_pad[1], mub_pad[2], idx_b, zeros)

    planes = (part_a + part_b).reshape(NC, 3, M_PAD)[:, :, :N_MOL]
    return (planes[0] + planes[1]).T

# --- scband reference (transcript-rebuilt; emitter-appended) ---
"""Pipeline reference for scband-dipole-head-75926431859184 (READ-ONLY COPY).

The authoritative reference and input builder live on the scoring server;
editing this copy changes nothing except your own understanding.
"""

import jax, jax.numpy as jnp
import numpy as np

NUM_ATOMS = 100000
HIDDEN_DIM = 128
NUM_MOLECULES = 5000

def setup_inputs(seed: int = 0) -> dict:
    key = jax.random.key(seed)
    k1, k2, k3 = jax.random.split(key, 3)
    v = jax.random.normal(k1, (NUM_ATOMS, HIDDEN_DIM, 3), dtype=jnp.float32)
    batch = jnp.sort(jax.random.randint(k2, (NUM_ATOMS,), 0, NUM_MOLECULES, dtype=jnp.int64 if jax.config.jax_enable_x64 else jnp.int32))
    weight = jax.random.normal(k3, (HIDDEN_DIM,), dtype=jnp.float32)
    return {"v": v, "batch": batch, "weight": weight}

def reference(v, batch, weight):
    # mu_atom = einsum('nfk,f->nk', v, weight)
    mu_atom = jnp.einsum('nfk,f->nk', v, weight)
    # scatter_sum over molecule indices
    out = jax.ops.segment_sum(mu_atom, batch, num_segments=NUM_MOLECULES)
    return out

if __name__ == "__main__":
    import jax
    _d = setup_inputs()
    print(jax.jit(kernel)(*tuple(_d.values())))

</pallas_src>

<mosaic_0001>
#map = affine_map<(d0, d1) -> (0)>
module attributes {stable_mosaic.version = 14 : i64} {
  func.func @_sc_body(%arg0: i32, %arg1: i32, %arg2: memref<50176xf32, #tpu.memory_space<hbm>>, %arg3: memref<50176xf32, #tpu.memory_space<hbm>>, %arg4: memref<50176xf32, #tpu.memory_space<hbm>>, %arg5: memref<50176xi32, #tpu.memory_space<hbm>>, %arg6: memref<8192xf32, #tpu.memory_space<hbm>>, %arg7: memref<49152xf32, #tpu.memory_space<hbm>>, %arg8: memref<1568xi32, #tpu.memory_space<vmem>>, %arg9: memref<1568xf32, #tpu.memory_space<vmem>>, %arg10: memref<1568xf32, #tpu.memory_space<vmem>>, %arg11: memref<1568xf32, #tpu.memory_space<vmem>>, %arg12: memref<8192xf32, #tpu.memory_space<vmem>>, %arg13: memref<8192xf32, #tpu.memory_space<vmem>>, %arg14: memref<8192xf32, #tpu.memory_space<vmem>>, %arg15: memref<393216xf32, #tpu.memory_space<vmem_shared>>, %arg16: memref<8192xf32, #tpu.memory_space<vmem>>, %arg17: memref<512xf32, #tpu.memory_space<vmem>>, %arg18: memref<512xf32, #tpu.memory_space<vmem>>, %arg19: memref<512xf32, #tpu.memory_space<vmem>>, %arg20: memref<!tpu.dma_semaphore, #tpu.memory_space<semaphore_mem>>) attributes {dimension_semantics = [#tpu.dimension_semantics<core_parallel>, #tpu.dimension_semantics<subcore_parallel>], iteration_bounds = array<i64: 2, 16>, scalar_prefetch = 0 : i64, scratch_operands = 13 : i64, tpu.core_type = #tpu.core_type<sc_vector_subcore>, window_params = [{transform_indices = #map}, {transform_indices = #map}, {transform_indices = #map}, {transform_indices = #map}, {transform_indices = #map}, {transform_indices = #map}]} {
    %mul3A = arith.constant 2 : i32
    %mul3A_0 = arith.muli %arg1, %mul3A : i32
    %add3A = arith.addi %mul3A_0, %arg0 : i32
    %mul3A_1 = arith.constant 1568 : i32
    %mul3A_2 = arith.muli %add3A, %mul3A_1 : i32
    %dma_start3A = tpu.memref_slice %arg5[%mul3A_2] : memref<50176xi32, #tpu.memory_space<hbm>> -> memref<1568xi32, #tpu.memory_space<hbm>>
    %dma_start3A_3 = tpu.memref_slice %arg5[%mul3A_2] : memref<50176xi32, #tpu.memory_space<hbm>> -> memref<1568xi32, #tpu.memory_space<hbm>>
    tpu.enqueue_dma source(%dma_start3A_3 : memref<1568xi32, #tpu.memory_space<hbm>>) target(%arg8 : memref<1568xi32, #tpu.memory_space<vmem>>) target_semaphore(%arg20 : memref<!tpu.dma_semaphore, #tpu.memory_space<semaphore_mem>>)
    %dma_start3A_4 = tpu.memref_slice %arg2[%mul3A_2] : memref<50176xf32, #tpu.memory_space<hbm>> -> memref<1568xf32, #tpu.memory_space<hbm>>
    %dma_start3A_5 = tpu.memref_slice %arg2[%mul3A_2] : memref<50176xf32, #tpu.memory_space<hbm>> -> memref<1568xf32, #tpu.memory_space<hbm>>
    tpu.enqueue_dma source(%dma_start3A_5 : memref<1568xf32, #tpu.memory_space<hbm>>) target(%arg9 : memref<1568xf32, #tpu.memory_space<vmem>>) target_semaphore(%arg20 : memref<!tpu.dma_semaphore, #tpu.memory_space<semaphore_mem>>)
    %dma_start3A_6 = tpu.memref_slice %arg3[%mul3A_2] : memref<50176xf32, #tpu.memory_space<hbm>> -> memref<1568xf32, #tpu.memory_space<hbm>>
    %dma_start3A_7 = tpu.memref_slice %arg3[%mul3A_2] : memref<50176xf32, #tpu.memory_space<hbm>> -> memref<1568xf32, #tpu.memory_space<hbm>>
    tpu.enqueue_dma source(%dma_start3A_7 : memref<1568xf32, #tpu.memory_space<hbm>>) target(%arg10 : memref<1568xf32, #tpu.memory_space<vmem>>) target_semaphore(%arg20 : memref<!tpu.dma_semaphore, #tpu.memory_space<semaphore_mem>>)
    %dma_start3A_8 = tpu.memref_slice %arg4[%mul3A_2] : memref<50176xf32, #tpu.memory_space<hbm>> -> memref<1568xf32, #tpu.memory_space<hbm>>
    %dma_start3A_9 = tpu.memref_slice %arg4[%mul3A_2] : memref<50176xf32, #tpu.memory_space<hbm>> -> memref<1568xf32, #tpu.memory_space<hbm>>
    tpu.enqueue_dma source(%dma_start3A_9 : memref<1568xf32, #tpu.memory_space<hbm>>) target(%arg11 : memref<1568xf32, #tpu.memory_space<vmem>>) target_semaphore(%arg20 : memref<!tpu.dma_semaphore, #tpu.memory_space<semaphore_mem>>)
    tpu.enqueue_dma source(%arg6 : memref<8192xf32, #tpu.memory_space<hbm>>) target(%arg12 : memref<8192xf32, #tpu.memory_space<vmem>>) target_semaphore(%arg20 : memref<!tpu.dma_semaphore, #tpu.memory_space<semaphore_mem>>)
    tpu.enqueue_dma source(%arg6 : memref<8192xf32, #tpu.memory_space<hbm>>) target(%arg13 : memref<8192xf32, #tpu.memory_space<vmem>>) target_semaphore(%arg20 : memref<!tpu.dma_semaphore, #tpu.memory_space<semaphore_mem>>)
    tpu.enqueue_dma source(%arg6 : memref<8192xf32, #tpu.memory_space<hbm>>) target(%arg14 : memref<8192xf32, #tpu.memory_space<vmem>>) target_semaphore(%arg20 : memref<!tpu.dma_semaphore, #tpu.memory_space<semaphore_mem>>)
    %dma_wait3A = tpu.memref_slice %arg5[%mul3A_2] : memref<50176xi32, #tpu.memory_space<hbm>> -> memref<1568xi32, #tpu.memory_space<hbm>>
    %dma_wait3A_10 = tpu.memref_slice %arg5[%mul3A_2] : memref<50176xi32, #tpu.memory_space<hbm>> -> memref<1568xi32, #tpu.memory_space<hbm>>
    tpu.wait_dma2 semaphore(%arg20 : memref<!tpu.dma_semaphore, #tpu.memory_space<semaphore_mem>>) src(%dma_wait3A_10 : memref<1568xi32, #tpu.memory_space<hbm>>) dst(%arg8 : memref<1568xi32, #tpu.memory_space<vmem>>)
    %dma_wait3A_11 = tpu.memref_slice %arg2[%mul3A_2] : memref<50176xf32, #tpu.memory_space<hbm>> -> memref<1568xf32, #tpu.memory_space<hbm>>
    %dma_wait3A_12 = tpu.memref_slice %arg2[%mul3A_2] : memref<50176xf32, #tpu.memory_space<hbm>> -> memref<1568xf32, #tpu.memory_space<hbm>>
    tpu.wait_dma2 semaphore(%arg20 : memref<!tpu.dma_semaphore, #tpu.memory_space<semaphore_mem>>) src(%dma_wait3A_12 : memref<1568xf32, #tpu.memory_space<hbm>>) dst(%arg9 : memref<1568xf32, #tpu.memory_space<vmem>>)
    %dma_wait3A_13 = tpu.memref_slice %arg3[%mul3A_2] : memref<50176xf32, #tpu.memory_space<hbm>> -> memref<1568xf32, #tpu.memory_space<hbm>>
    %dma_wait3A_14 = tpu.memref_slice %arg3[%mul3A_2] : memref<50176xf32, #tpu.memory_space<hbm>> -> memref<1568xf32, #tpu.memory_space<hbm>>
    tpu.wait_dma2 semaphore(%arg20 : memref<!tpu.dma_semaphore, #tpu.memory_space<semaphore_mem>>) src(%dma_wait3A_14 : memref<1568xf32, #tpu.memory_space<hbm>>) dst(%arg10 : memref<1568xf32, #tpu.memory_space<vmem>>)
    %dma_wait3A_15 = tpu.memref_slice %arg4[%mul3A_2] : memref<50176xf32, #tpu.memory_space<hbm>> -> memref<1568xf32, #tpu.memory_space<hbm>>
    %dma_wait3A_16 = tpu.memref_slice %arg4[%mul3A_2] : memref<50176xf32, #tpu.memory_space<hbm>> -> memref<1568xf32, #tpu.memory_space<hbm>>
    tpu.wait_dma2 semaphore(%arg20 : memref<!tpu.dma_semaphore, #tpu.memory_space<semaphore_mem>>) src(%dma_wait3A_16 : memref<1568xf32, #tpu.memory_space<hbm>>) dst(%arg11 : memref<1568xf32, #tpu.memory_space<vmem>>)
    tpu.wait_dma2 semaphore(%arg20 : memref<!tpu.dma_semaphore, #tpu.memory_space<semaphore_mem>>) src(%arg6 : memref<8192xf32, #tpu.memory_space<hbm>>) dst(%arg12 : memref<8192xf32, #tpu.memory_space<vmem>>)
    tpu.wait_dma2 semaphore(%arg20 : memref<!tpu.dma_semaphore, #tpu.memory_space<semaphore_mem>>) src(%arg6 : memref<8192xf32, #tpu.memory_space<hbm>>) dst(%arg13 : memref<8192xf32, #tpu.memory_space<vmem>>)
    tpu.wait_dma2 semaphore(%arg20 : memref<!tpu.dma_semaphore, #tpu.memory_space<semaphore_mem>>) src(%arg6 : memref<8192xf32, #tpu.memory_space<hbm>>) dst(%arg14 : memref<8192xf32, #tpu.memory_space<vmem>>)
    %scan3A = arith.constant 0 : i32
    %scan3A_17 = arith.constant 98 : i32
    %scan3A_18 = arith.addi %scan3A, %scan3A_17 : i32
    %scan3A_19 = arith.constant 1 : i32
    scf.for %scan3A_861 = %scan3A to %scan3A_18 step %scan3A_19  : i32 {
      %mul3A_862 = arith.constant 1 : i32
      %mul3A_863 = arith.muli %scan3A_861, %mul3A_862 : i32
      %add3A_864 = arith.constant 0 : i32
      %add3A_865 = arith.addi %add3A_864, %mul3A_863 : i32
      %mul3A_866 = arith.constant 16 : i32
      %mul3A_867 = arith.muli %add3A_865, %mul3A_866 : i32
      %get3A = arith.index_cast %mul3A_867 : i32 to index
      %get3A_868 = tpu.vector_load %arg8[%get3A] {strides = array<i32>} : memref<1568xi32, #tpu.memory_space<vmem>>, vector<16xi32>,
      %get3A_869 = arith.index_cast %mul3A_867 : i32 to index
      %get3A_870 = tpu.vector_load %arg9[%get3A_869] {strides = array<i32>} : memref<1568xf32, #tpu.memory_space<vmem>>, vector<16xf32>,
      tpu.vector_store_idx %arg12[%get3A_868], %get3A_870 {add = true} : memref<8192xf32, #tpu.memory_space<vmem>>[vector<16xi32>], vector<16xf32>,
      %get3A_871 = arith.index_cast %mul3A_867 : i32 to index
      %get3A_872 = tpu.vector_load %arg10[%get3A_871] {strides = array<i32>} : memref<1568xf32, #tpu.memory_space<vmem>>, vector<16xf32>,
      tpu.vector_store_idx %arg13[%get3A_868], %get3A_872 {add = true} : memref<8192xf32, #tpu.memory_space<vmem>>[vector<16xi32>], vector<16xf32>,
      %get3A_873 = arith.index_cast %mul3A_867 : i32 to index
      %get3A_874 = tpu.vector_load %arg11[%get3A_873] {strides = array<i32>} : memref<1568xf32, #tpu.memory_space<vmem>>, vector<16xf32>,
      tpu.vector_store_idx %arg14[%get3A_868], %get3A_874 {add = true} : memref<8192xf32, #tpu.memory_space<vmem>>[vector<16xi32>], vector<16xf32>,
    }
    %scan3A_20 = arith.constant 98 : i32
    %mul3A_21 = arith.constant 3 : i32
    %mul3A_22 = arith.muli %arg1, %mul3A_21 : i32
    %add3A_23 = arith.constant 0 : i32
    %add3A_24 = arith.addi %mul3A_22, %add3A_23 : i32
    %mul3A_25 = arith.constant 8192 : i32
    %mul3A_26 = arith.muli %add3A_24, %mul3A_25 : i32
    %dma_start3A_27 = tpu.memref_slice %arg15[%mul3A_26] : memref<393216xf32, #tpu.memory_space<vmem_shared>> -> memref<8192xf32, #tpu.memory_space<vmem_shared>>
    %dma_start3A_28 = tpu.memref_slice %arg15[%mul3A_26] : memref<393216xf32, #tpu.memory_space<vmem_shared>> -> memref<8192xf32, #tpu.memory_space<vmem_shared>>
    tpu.enqueue_dma source(%arg12 : memref<8192xf32, #tpu.memory_space<vmem>>) target(%dma_start3A_28 : memref<8192xf32, #tpu.memory_space<vmem_shared>>) target_semaphore(%arg20 : memref<!tpu.dma_semaphore, #tpu.memory_space<semaphore_mem>>)
    %mul3A_29 = arith.constant 3 : i32
    %mul3A_30 = arith.muli %arg1, %mul3A_29 : i32
    %add3A_31 = arith.constant 1 : i32
    %add3A_32 = arith.addi %mul3A_30, %add3A_31 : i32
    %mul3A_33 = arith.constant 8192 : i32
    %mul3A_34 = arith.muli %add3A_32, %mul3A_33 : i32
    %dma_start3A_35 = tpu.memref_slice %arg15[%mul3A_34] : memref<393216xf32, #tpu.memory_space<vmem_shared>> -> memref<8192xf32, #tpu.memory_space<vmem_shared>>
    %dma_start3A_36 = tpu.memref_slice %arg15[%mul3A_34] : memref<393216xf32, #tpu.memory_space<vmem_shared>> -> memref<8192xf32, #tpu.memory_space<vmem_shared>>
    tpu.enqueue_dma source(%arg13 : memref<8192xf32, #tpu.memory_space<vmem>>) target(%dma_start3A_36 : memref<8192xf32, #tpu.memory_space<vmem_shared>>) target_semaphore(%arg20 : memref<!tpu.dma_semaphore, #tpu.memory_space<semaphore_mem>>)
    %mul3A_37 = arith.constant 3 : i32
    %mul3A_38 = arith.muli %arg1, %mul3A_37 : i32
    %add3A_39 = arith.constant 2 : i32
    %add3A_40 = arith.addi %mul3A_38, %add3A_39 : i32
    %mul3A_41 = arith.constant 8192 : i32
    %mul3A_42 = arith.muli %add3A_40, %mul3A_41 : i32
    %dma_start3A_43 = tpu.memref_slice %arg15[%mul3A_42] : memref<393216xf32, #tpu.memory_space<vmem_shared>> -> memref<8192xf32, #tpu.memory_space<vmem_shared>>
    %dma_start3A_44 = tpu.memref_slice %arg15[%mul3A_42] : memref<393216xf32, #tpu.memory_space<vmem_shared>> -> memref<8192xf32, #tpu.memory_space<vmem_shared>>
    tpu.enqueue_dma source(%arg14 : memref<8192xf32, #tpu.memory_space<vmem>>) target(%dma_start3A_44 : memref<8192xf32, #tpu.memory_space<vmem_shared>>) target_semaphore(%arg20 : memref<!tpu.dma_semaphore, #tpu.memory_space<semaphore_mem>>)
    %dma_wait3A_45 = tpu.memref_slice %arg15[%mul3A_26] : memref<393216xf32, #tpu.memory_space<vmem_shared>> -> memref<8192xf32, #tpu.memory_space<vmem_shared>>
    %dma_wait3A_46 = tpu.memref_slice %arg15[%mul3A_26] : memref<393216xf32, #tpu.memory_space<vmem_shared>> -> memref<8192xf32, #tpu.memory_space<vmem_shared>>
    tpu.wait_dma2 semaphore(%arg20 : memref<!tpu.dma_semaphore, #tpu.memory_space<semaphore_mem>>) src(%arg12 : memref<8192xf32, #tpu.memory_space<vmem>>) dst(%dma_wait3A_46 : memref<8192xf32, #tpu.memory_space<vmem_shared>>)
    %dma_wait3A_47 = tpu.memref_slice %arg15[%mul3A_34] : memref<393216xf32, #tpu.memory_space<vmem_shared>> -> memref<8192xf32, #tpu.memory_space<vmem_shared>>
    %dma_wait3A_48 = tpu.memref_slice %arg15[%mul3A_34] : memref<393216xf32, #tpu.memory_space<vmem_shared>> -> memref<8192xf32, #tpu.memory_space<vmem_shared>>
    tpu.wait_dma2 semaphore(%arg20 : memref<!tpu.dma_semaphore, #tpu.memory_space<semaphore_mem>>) src(%arg13 : memref<8192xf32, #tpu.memory_space<vmem>>) dst(%dma_wait3A_48 : memref<8192xf32, #tpu.memory_space<vmem_shared>>)
    %dma_wait3A_49 = tpu.memref_slice %arg15[%mul3A_42] : memref<393216xf32, #tpu.memory_space<vmem_shared>> -> memref<8192xf32, #tpu.memory_space<vmem_shared>>
    %dma_wait3A_50 = tpu.memref_slice %arg15[%mul3A_42] : memref<393216xf32, #tpu.memory_space<vmem_shared>> -> memref<8192xf32, #tpu.memory_space<vmem_shared>>
    tpu.wait_dma2 semaphore(%arg20 : memref<!tpu.dma_semaphore, #tpu.memory_space<semaphore_mem>>) src(%arg14 : memref<8192xf32, #tpu.memory_space<vmem>>) dst(%dma_wait3A_50 : memref<8192xf32, #tpu.memory_space<vmem_shared>>)
    %barrier3A = arith.constant 0 : index
    tpu.barrier barrier_id(%barrier3A)
    %mul3A_51 = arith.constant 512 : i32
    %mul3A_52 = arith.muli %arg1, %mul3A_51 : i32
    %add3A_53 = arith.constant 0 : i32
    %add3A_54 = arith.addi %add3A_53, %mul3A_52 : i32
    %dma_start3A_55 = arith.constant 0 : i32
    %dma_start3A_56 = tpu.memref_slice %arg16[%dma_start3A_55] : memref<8192xf32, #tpu.memory_space<vmem>> -> memref<512xf32, #tpu.memory_space<vmem>>
    %dma_start3A_57 = tpu.memref_slice %arg15[%add3A_54] : memref<393216xf32, #tpu.memory_space<vmem_shared>> -> memref<512xf32, #tpu.memory_space<vmem_shared>>
    %dma_start3A_58 = arith.constant 0 : i32
    %dma_start3A_59 = tpu.memref_slice %arg16[%dma_start3A_58] : memref<8192xf32, #tpu.memory_space<vmem>> -> memref<512xf32, #tpu.memory_space<vmem>>
    %dma_start3A_60 = tpu.memref_slice %arg15[%add3A_54] : memref<393216xf32, #tpu.memory_space<vmem_shared>> -> memref<512xf32, #tpu.memory_space<vmem_shared>>
    tpu.enqueue_dma source(%dma_start3A_60 : memref<512xf32, #tpu.memory_space<vmem_shared>>) target(%dma_start3A_59 : memref<512xf32, #tpu.memory_space<vmem>>) target_semaphore(%arg20 : memref<!tpu.dma_semaphore, #tpu.memory_space<semaphore_mem>>)
    %mul3A_61 = arith.constant 512 : i32
    %mul3A_62 = arith.muli %arg1, %mul3A_61 : i32
    %add3A_63 = arith.constant 24576 : i32
    %add3A_64 = arith.addi %add3A_63, %mul3A_62 : i32
    %dma_start3A_65 = arith.constant 512 : i32
    %dma_start3A_66 = tpu.memref_slice %arg16[%dma_start3A_65] : memref<8192xf32, #tpu.memory_space<vmem>> -> memref<512xf32, #tpu.memory_space<vmem>>
    %dma_start3A_67 = tpu.memref_slice %arg15[%add3A_64] : memref<393216xf32, #tpu.memory_space<vmem_shared>> -> memref<512xf32, #tpu.memory_space<vmem_shared>>
    %dma_start3A_68 = arith.constant 512 : i32
    %dma_start3A_69 = tpu.memref_slice %arg16[%dma_start3A_68] : memref<8192xf32, #tpu.memory_space<vmem>> -> memref<512xf32, #tpu.memory_space<vmem>>
    %dma_start3A_70 = tpu.memref_slice %arg15[%add3A_64] : memref<393216xf32, #tpu.memory_space<vmem_shared>> -> memref<512xf32, #tpu.memory_space<vmem_shared>>
    tpu.enqueue_dma source(%dma_start3A_70 : memref<512xf32, #tpu.memory_space<vmem_shared>>) target(%dma_start3A_69 : memref<512xf32, #tpu.memory_space<vmem>>) target_semaphore(%arg20 : memref<!tpu.dma_semaphore, #tpu.memory_space<semaphore_mem>>)
    %mul3A_71 = arith.constant 512 : i32
    %mul3A_72 = arith.muli %arg1, %mul3A_71 : i32
    %add3A_73 = arith.constant 49152 : i32
    %add3A_74 = arith.addi %add3A_73, %mul3A_72 : i32
    %dma_start3A_75 = arith.constant 1024 : i32
    %dma_start3A_76 = tpu.memref_slice %arg16[%dma_start3A_75] : memref<8192xf32, #tpu.memory_space<vmem>> -> memref<512xf32, #tpu.memory_space<vmem>>
    %dma_start3A_77 = tpu.memref_slice %arg15[%add3A_74] : memref<393216xf32, #tpu.memory_space<vmem_shared>> -> memref<512xf32, #tpu.memory_space<vmem_shared>>
    %dma_start3A_78 = arith.constant 1024 : i32
    %dma_start3A_79 = tpu.memref_slice %arg16[%dma_start3A_78] : memref<8192xf32, #tpu.memory_space<vmem>> -> memref<512xf32, #tpu.memory_space<vmem>>
    %dma_start3A_80 = tpu.memref_slice %arg15[%add3A_74] : memref<393216xf32, #tpu.memory_space<vmem_shared>> -> memref<512xf32, #tpu.memory_space<vmem_shared>>
    tpu.enqueue_dma source(%dma_start3A_80 : memref<512xf32, #tpu.memory_space<vmem_shared>>) target(%dma_start3A_79 : memref<512xf32, #tpu.memory_space<vmem>>) target_semaphore(%arg20 : memref<!tpu.dma_semaphore, #tpu.memory_space<semaphore_mem>>)
    %mul3A_81 = arith.constant 512 : i32
    %mul3A_82 = arith.muli %arg1, %mul3A_81 : i32
    %add3A_83 = arith.constant 73728 : i32
    %add3A_84 = arith.addi %add3A_83, %mul3A_82 : i32
    %dma_start3A_85 = arith.constant 1536 : i32
    %dma_start3A_86 = tpu.memref_slice %arg16[%dma_start3A_85] : memref<8192xf32, #tpu.memory_space<vmem>> -> memref<512xf32, #tpu.memory_space<vmem>>
    %dma_start3A_87 = tpu.memref_slice %arg15[%add3A_84] : memref<393216xf32, #tpu.memory_space<vmem_shared>> -> memref<512xf32, #tpu.memory_space<vmem_shared>>
    %dma_start3A_88 = arith.constant 1536 : i32
    %dma_start3A_89 = tpu.memref_slice %arg16[%dma_start3A_88] : memref<8192xf32, #tpu.memory_space<vmem>> -> memref<512xf32, #tpu.memory_space<vmem>>
    %dma_start3A_90 = tpu.memref_slice %arg15[%add3A_84] : memref<393216xf32, #tpu.memory_space<vmem_shared>> -> memref<512xf32, #tpu.memory_space<vmem_shared>>
    tpu.enqueue_dma source(%dma_start3A_90 : memref<512xf32, #tpu.memory_space<vmem_shared>>) target(%dma_start3A_89 : memref<512xf32, #tpu.memory_space<vmem>>) target_semaphore(%arg20 : memref<!tpu.dma_semaphore, #tpu.memory_space<semaphore_mem>>)
    %mul3A_91 = arith.constant 512 : i32
    %mul3A_92 = arith.muli %arg1, %mul3A_91 : i32
    %add3A_93 = arith.constant 98304 : i32
    %add3A_94 = arith.addi %add3A_93, %mul3A_92 : i32
    %dma_start3A_95 = arith.constant 2048 : i32
    %dma_start3A_96 = tpu.memref_slice %arg16[%dma_start3A_95] : memref<8192xf32, #tpu.memory_space<vmem>> -> memref<512xf32, #tpu.memory_space<vmem>>
    %dma_start3A_97 = tpu.memref_slice %arg15[%add3A_94] : memref<393216xf32, #tpu.memory_space<vmem_shared>> -> memref<512xf32, #tpu.memory_space<vmem_shared>>
    %dma_start3A_98 = arith.constant 2048 : i32
    %dma_start3A_99 = tpu.memref_slice %arg16[%dma_start3A_98] : memref<8192xf32, #tpu.memory_space<vmem>> -> memref<512xf32, #tpu.memory_space<vmem>>
    %dma_start3A_100 = tpu.memref_slice %arg15[%add3A_94] : memref<393216xf32, #tpu.memory_space<vmem_shared>> -> memref<512xf32, #tpu.memory_space<vmem_shared>>
    tpu.enqueue_dma source(%dma_start3A_100 : memref<512xf32, #tpu.memory_space<vmem_shared>>) target(%dma_start3A_99 : memref<512xf32, #tpu.memory_space<vmem>>) target_semaphore(%arg20 : memref<!tpu.dma_semaphore, #tpu.memory_space<semaphore_mem>>)
    %mul3A_101 = arith.constant 512 : i32
    %mul3A_102 = arith.muli %arg1, %mul3A_101 : i32
    %add3A_103 = arith.constant 122880 : i32
    %add3A_104 = arith.addi %add3A_103, %mul3A_102 : i32
    %dma_start3A_105 = arith.constant 2560 : i32
    %dma_start3A_106 = tpu.memref_slice %arg16[%dma_start3A_105] : memref<8192xf32, #tpu.memory_space<vmem>> -> memref<512xf32, #tpu.memory_space<vmem>>
    %dma_start3A_107 = tpu.memref_slice %arg15[%add3A_104] : memref<393216xf32, #tpu.memory_space<vmem_shared>> -> memref<512xf32, #tpu.memory_space<vmem_shared>>
    %dma_start3A_108 = arith.constant 2560 : i32
    %dma_start3A_109 = tpu.memref_slice %arg16[%dma_start3A_108] : memref<8192xf32, #tpu.memory_space<vmem>> -> memref<512xf32, #tpu.memory_space<vmem>>
    %dma_start3A_110 = tpu.memref_slice %arg15[%add3A_104] : memref<393216xf32, #tpu.memory_space<vmem_shared>> -> memref<512xf32, #tpu.memory_space<vmem_shared>>
    tpu.enqueue_dma source(%dma_start3A_110 : memref<512xf32, #tpu.memory_space<vmem_shared>>) target(%dma_start3A_109 : memref<512xf32, #tpu.memory_space<vmem>>) target_semaphore(%arg20 : memref<!tpu.dma_semaphore, #tpu.memory_space<semaphore_mem>>)
    %mul3A_111 = arith.constant 512 : i32
    %mul3A_112 = arith.muli %arg1, %mul3A_111 : i32
    %add3A_113 = arith.constant 147456 : i32
    %add3A_114 = arith.addi %add3A_113, %mul3A_112 : i32
    %dma_start3A_115 = arith.constant 3072 : i32
    %dma_start3A_116 = tpu.memref_slice %arg16[%dma_start3A_115] : memref<8192xf32, #tpu.memory_space<vmem>> -> memref<512xf32, #tpu.memory_space<vmem>>
    %dma_start3A_117 = tpu.memref_slice %arg15[%add3A_114] : memref<393216xf32, #tpu.memory_space<vmem_shared>> -> memref<512xf32, #tpu.memory_space<vmem_shared>>
    %dma_start3A_118 = arith.constant 3072 : i32
    %dma_start3A_119 = tpu.memref_slice %arg16[%dma_start3A_118] : memref<8192xf32, #tpu.memory_space<vmem>> -> memref<512xf32, #tpu.memory_space<vmem>>
    %dma_start3A_120 = tpu.memref_slice %arg15[%add3A_114] : memref<393216xf32, #tpu.memory_space<vmem_shared>> -> memref<512xf32, #tpu.memory_space<vmem_shared>>
    tpu.enqueue_dma source(%dma_start3A_120 : memref<512xf32, #tpu.memory_space<vmem_shared>>) target(%dma_start3A_119 : memref<512xf32, #tpu.memory_space<vmem>>) target_semaphore(%arg20 : memref<!tpu.dma_semaphore, #tpu.memory_space<semaphore_mem>>)
    %mul3A_121 = arith.constant 512 : i32
    %mul3A_122 = arith.muli %arg1, %mul3A_121 : i32
    %add3A_123 = arith.constant 172032 : i32
    %add3A_124 = arith.addi %add3A_123, %mul3A_122 : i32
    %dma_start3A_125 = arith.constant 3584 : i32
    %dma_start3A_126 = tpu.memref_slice %arg16[%dma_start3A_125] : memref<8192xf32, #tpu.memory_space<vmem>> -> memref<512xf32, #tpu.memory_space<vmem>>
    %dma_start3A_127 = tpu.memref_slice %arg15[%add3A_124] : memref<393216xf32, #tpu.memory_space<vmem_shared>> -> memref<512xf32, #tpu.memory_space<vmem_shared>>
    %dma_start3A_128 = arith.constant 3584 : i32
    %dma_start3A_129 = tpu.memref_slice %arg16[%dma_start3A_128] : memref<8192xf32, #tpu.memory_space<vmem>> -> memref<512xf32, #tpu.memory_space<vmem>>
    %dma_start3A_130 = tpu.memref_slice %arg15[%add3A_124] : memref<393216xf32, #tpu.memory_space<vmem_shared>> -> memref<512xf32, #tpu.memory_space<vmem_shared>>
    tpu.enqueue_dma source(%dma_start3A_130 : memref<512xf32, #tpu.memory_space<vmem_shared>>) target(%dma_start3A_129 : memref<512xf32, #tpu.memory_space<vmem>>) target_semaphore(%arg20 : memref<!tpu.dma_semaphore, #tpu.memory_space<semaphore_mem>>)
    %mul3A_131 = arith.constant 512 : i32
    %mul3A_132 = arith.muli %arg1, %mul3A_131 : i32
    %add3A_133 = arith.constant 196608 : i32
    %add3A_134 = arith.addi %add3A_133, %mul3A_132 : i32
    %dma_start3A_135 = arith.constant 4096 : i32
    %dma_start3A_136 = tpu.memref_slice %arg16[%dma_start3A_135] : memref<8192xf32, #tpu.memory_space<vmem>> -> memref<512xf32, #tpu.memory_space<vmem>>
    %dma_start3A_137 = tpu.memref_slice %arg15[%add3A_134] : memref<393216xf32, #tpu.memory_space<vmem_shared>> -> memref<512xf32, #tpu.memory_space<vmem_shared>>
    %dma_start3A_138 = arith.constant 4096 : i32
    %dma_start3A_139 = tpu.memref_slice %arg16[%dma_start3A_138] : memref<8192xf32, #tpu.memory_space<vmem>> -> memref<512xf32, #tpu.memory_space<vmem>>
    %dma_start3A_140 = tpu.memref_slice %arg15[%add3A_134] : memref<393216xf32, #tpu.memory_space<vmem_shared>> -> memref<512xf32, #tpu.memory_space<vmem_shared>>
    tpu.enqueue_dma source(%dma_start3A_140 : memref<512xf32, #tpu.memory_space<vmem_shared>>) target(%dma_start3A_139 : memref<512xf32, #tpu.memory_space<vmem>>) target_semaphore(%arg20 : memref<!tpu.dma_semaphore, #tpu.memory_space<semaphore_mem>>)
    %mul3A_141 = arith.constant 512 : i32
    %mul3A_142 = arith.muli %arg1, %mul3A_141 : i32
    %add3A_143 = arith.constant 221184 : i32
    %add3A_144 = arith.addi %add3A_143, %mul3A_142 : i32
    %dma_start3A_145 = arith.constant 4608 : i32
    %dma_start3A_146 = tpu.memref_slice %arg16[%dma_start3A_145] : memref<8192xf32, #tpu.memory_space<vmem>> -> memref<512xf32, #tpu.memory_space<vmem>>
    %dma_start3A_147 = tpu.memref_slice %arg15[%add3A_144] : memref<393216xf32, #tpu.memory_space<vmem_shared>> -> memref<512xf32, #tpu.memory_space<vmem_shared>>
    %dma_start3A_148 = arith.constant 4608 : i32
    %dma_start3A_149 = tpu.memref_slice %arg16[%dma_start3A_148] : memref<8192xf32, #tpu.memory_space<vmem>> -> memref<512xf32, #tpu.memory_space<vmem>>
    %dma_start3A_150 = tpu.memref_slice %arg15[%add3A_144] : memref<393216xf32, #tpu.memory_space<vmem_shared>> -> memref<512xf32, #tpu.memory_space<vmem_shared>>
    tpu.enqueue_dma source(%dma_start3A_150 : memref<512xf32, #tpu.memory_space<vmem_shared>>) target(%dma_start3A_149 : memref<512xf32, #tpu.memory_space<vmem>>) target_semaphore(%arg20 : memref<!tpu.dma_semaphore, #tpu.memory_space<semaphore_mem>>)
    %mul3A_151 = arith.constant 512 : i32
    %mul3A_152 = arith.muli %arg1, %mul3A_151 : i32
    %add3A_153 = arith.constant 245760 : i32
    %add3A_154 = arith.addi %add3A_153, %mul3A_152 : i32
    %dma_start3A_155 = arith.constant 5120 : i32
    %dma_start3A_156 = tpu.memref_slice %arg16[%dma_start3A_155] : memref<8192xf32, #tpu.memory_space<vmem>> -> memref<512xf32, #tpu.memory_space<vmem>>
    %dma_start3A_157 = tpu.memref_slice %arg15[%add3A_154] : memref<393216xf32, #tpu.memory_space<vmem_shared>> -> memref<512xf32, #tpu.memory_space<vmem_shared>>
    %dma_start3A_158 = arith.constant 5120 : i32
    %dma_start3A_159 = tpu.memref_slice %arg16[%dma_start3A_158] : memref<8192xf32, #tpu.memory_space<vmem>> -> memref<512xf32, #tpu.memory_space<vmem>>
    %dma_start3A_160 = tpu.memref_slice %arg15[%add3A_154] : memref<393216xf32, #tpu.memory_space<vmem_shared>> -> memref<512xf32, #tpu.memory_space<vmem_shared>>
    tpu.enqueue_dma source(%dma_start3A_160 : memref<512xf32, #tpu.memory_space<vmem_shared>>) target(%dma_start3A_159 : memref<512xf32, #tpu.memory_space<vmem>>) target_semaphore(%arg20 : memref<!tpu.dma_semaphore, #tpu.memory_space<semaphore_mem>>)
    %mul3A_161 = arith.constant 512 : i32
    %mul3A_162 = arith.muli %arg1, %mul3A_161 : i32
    %add3A_163 = arith.constant 270336 : i32
    %add3A_164 = arith.addi %add3A_163, %mul3A_162 : i32
    %dma_start3A_165 = arith.constant 5632 : i32
    %dma_start3A_166 = tpu.memref_slice %arg16[%dma_start3A_165] : memref<8192xf32, #tpu.memory_space<vmem>> -> memref<512xf32, #tpu.memory_space<vmem>>
    %dma_start3A_167 = tpu.memref_slice %arg15[%add3A_164] : memref<393216xf32, #tpu.memory_space<vmem_shared>> -> memref<512xf32, #tpu.memory_space<vmem_shared>>
    %dma_start3A_168 = arith.constant 5632 : i32
    %dma_start3A_169 = tpu.memref_slice %arg16[%dma_start3A_168] : memref<8192xf32, #tpu.memory_space<vmem>> -> memref<512xf32, #tpu.memory_space<vmem>>
    %dma_start3A_170 = tpu.memref_slice %arg15[%add3A_164] : memref<393216xf32, #tpu.memory_space<vmem_shared>> -> memref<512xf32, #tpu.memory_space<vmem_shared>>
    tpu.enqueue_dma source(%dma_start3A_170 : memref<512xf32, #tpu.memory_space<vmem_shared>>) target(%dma_start3A_169 : memref<512xf32, #tpu.memory_space<vmem>>) target_semaphore(%arg20 : memref<!tpu.dma_semaphore, #tpu.memory_space<semaphore_mem>>)
    %mul3A_171 = arith.constant 512 : i32
    %mul3A_172 = arith.muli %arg1, %mul3A_171 : i32
    %add3A_173 = arith.constant 294912 : i32
    %add3A_174 = arith.addi %add3A_173, %mul3A_172 : i32
    %dma_start3A_175 = arith.constant 6144 : i32
    %dma_start3A_176 = tpu.memref_slice %arg16[%dma_start3A_175] : memref<8192xf32, #tpu.memory_space<vmem>> -> memref<512xf32, #tpu.memory_space<vmem>>
    %dma_start3A_177 = tpu.memref_slice %arg15[%add3A_174] : memref<393216xf32, #tpu.memory_space<vmem_shared>> -> memref<512xf32, #tpu.memory_space<vmem_shared>>
    %dma_start3A_178 = arith.constant 6144 : i32
    %dma_start3A_179 = tpu.memref_slice %arg16[%dma_start3A_178] : memref<8192xf32, #tpu.memory_space<vmem>> -> memref<512xf32, #tpu.memory_space<vmem>>
    %dma_start3A_180 = tpu.memref_slice %arg15[%add3A_174] : memref<393216xf32, #tpu.memory_space<vmem_shared>> -> memref<512xf32, #tpu.memory_space<vmem_shared>>
    tpu.enqueue_dma source(%dma_start3A_180 : memref<512xf32, #tpu.memory_space<vmem_shared>>) target(%dma_start3A_179 : memref<512xf32, #tpu.memory_space<vmem>>) target_semaphore(%arg20 : memref<!tpu.dma_semaphore, #tpu.memory_space<semaphore_mem>>)
    %mul3A_181 = arith.constant 512 : i32
    %mul3A_182 = arith.muli %arg1, %mul3A_181 : i32
    %add3A_183 = arith.constant 319488 : i32
    %add3A_184 = arith.addi %add3A_183, %mul3A_182 : i32
    %dma_start3A_185 = arith.constant 6656 : i32
    %dma_start3A_186 = tpu.memref_slice %arg16[%dma_start3A_185] : memref<8192xf32, #tpu.memory_space<vmem>> -> memref<512xf32, #tpu.memory_space<vmem>>
    %dma_start3A_187 = tpu.memref_slice %arg15[%add3A_184] : memref<393216xf32, #tpu.memory_space<vmem_shared>> -> memref<512xf32, #tpu.memory_space<vmem_shared>>
    %dma_start3A_188 = arith.constant 6656 : i32
    %dma_start3A_189 = tpu.memref_slice %arg16[%dma_start3A_188] : memref<8192xf32, #tpu.memory_space<vmem>> -> memref<512xf32, #tpu.memory_space<vmem>>
    %dma_start3A_190 = tpu.memref_slice %arg15[%add3A_184] : memref<393216xf32, #tpu.memory_space<vmem_shared>> -> memref<512xf32, #tpu.memory_space<vmem_shared>>
    tpu.enqueue_dma source(%dma_start3A_190 : memref<512xf32, #tpu.memory_space<vmem_shared>>) target(%dma_start3A_189 : memref<512xf32, #tpu.memory_space<vmem>>) target_semaphore(%arg20 : memref<!tpu.dma_semaphore, #tpu.memory_space<semaphore_mem>>)
    %mul3A_191 = arith.constant 512 : i32
    %mul3A_192 = arith.muli %arg1, %mul3A_191 : i32
    %add3A_193 = arith.constant 344064 : i32
    %add3A_194 = arith.addi %add3A_193, %mul3A_192 : i32
    %dma_start3A_195 = arith.constant 7168 : i32
    %dma_start3A_196 = tpu.memref_slice %arg16[%dma_start3A_195] : memref<8192xf32, #tpu.memory_space<vmem>> -> memref<512xf32, #tpu.memory_space<vmem>>
    %dma_start3A_197 = tpu.memref_slice %arg15[%add3A_194] : memref<393216xf32, #tpu.memory_space<vmem_shared>> -> memref<512xf32, #tpu.memory_space<vmem_shared>>
    %dma_start3A_198 = arith.constant 7168 : i32
    %dma_start3A_199 = tpu.memref_slice %arg16[%dma_start3A_198] : memref<8192xf32, #tpu.memory_space<vmem>> -> memref<512xf32, #tpu.memory_space<vmem>>
    %dma_start3A_200 = tpu.memref_slice %arg15[%add3A_194] : memref<393216xf32, #tpu.memory_space<vmem_shared>> -> memref<512xf32, #tpu.memory_space<vmem_shared>>
    tpu.enqueue_dma source(%dma_start3A_200 : memref<512xf32, #tpu.memory_space<vmem_shared>>) target(%dma_start3A_199 : memref<512xf32, #tpu.memory_space<vmem>>) target_semaphore(%arg20 : memref<!tpu.dma_semaphore, #tpu.memory_space<semaphore_mem>>)
    %mul3A_201 = arith.constant 512 : i32
    %mul3A_202 = arith.muli %arg1, %mul3A_201 : i32
    %add3A_203 = arith.constant 368640 : i32
    %add3A_204 = arith.addi %add3A_203, %mul3A_202 : i32
    %dma_start3A_205 = arith.constant 7680 : i32
    %dma_start3A_206 = tpu.memref_slice %arg16[%dma_start3A_205] : memref<8192xf32, #tpu.memory_space<vmem>> -> memref<512xf32, #tpu.memory_space<vmem>>
    %dma_start3A_207 = tpu.memref_slice %arg15[%add3A_204] : memref<393216xf32, #tpu.memory_space<vmem_shared>> -> memref<512xf32, #tpu.memory_space<vmem_shared>>
    %dma_start3A_208 = arith.constant 7680 : i32
    %dma_start3A_209 = tpu.memref_slice %arg16[%dma_start3A_208] : memref<8192xf32, #tpu.memory_space<vmem>> -> memref<512xf32, #tpu.memory_space<vmem>>
    %dma_start3A_210 = tpu.memref_slice %arg15[%add3A_204] : memref<393216xf32, #tpu.memory_space<vmem_shared>> -> memref<512xf32, #tpu.memory_space<vmem_shared>>
    tpu.enqueue_dma source(%dma_start3A_210 : memref<512xf32, #tpu.memory_space<vmem_shared>>) target(%dma_start3A_209 : memref<512xf32, #tpu.memory_space<vmem>>) target_semaphore(%arg20 : memref<!tpu.dma_semaphore, #tpu.memory_space<semaphore_mem>>)
    %dma_wait3A_211 = arith.constant 0 : i32
    %dma_wait3A_212 = tpu.memref_slice %arg16[%dma_wait3A_211] : memref<8192xf32, #tpu.memory_space<vmem>> -> memref<512xf32, #tpu.memory_space<vmem>>
    %dma_wait3A_213 = tpu.memref_slice %arg15[%add3A_54] : memref<393216xf32, #tpu.memory_space<vmem_shared>> -> memref<512xf32, #tpu.memory_space<vmem_shared>>
    %dma_wait3A_214 = arith.constant 0 : i32
    %dma_wait3A_215 = tpu.memref_slice %arg16[%dma_wait3A_214] : memref<8192xf32, #tpu.memory_space<vmem>> -> memref<512xf32, #tpu.memory_space<vmem>>
    %dma_wait3A_216 = tpu.memref_slice %arg15[%add3A_54] : memref<393216xf32, #tpu.memory_space<vmem_shared>> -> memref<512xf32, #tpu.memory_space<vmem_shared>>
    tpu.wait_dma2 semaphore(%arg20 : memref<!tpu.dma_semaphore, #tpu.memory_space<semaphore_mem>>) src(%dma_wait3A_216 : memref<512xf32, #tpu.memory_space<vmem_shared>>) dst(%dma_wait3A_215 : memref<512xf32, #tpu.memory_space<vmem>>)
    %dma_wait3A_217 = arith.constant 512 : i32
    %dma_wait3A_218 = tpu.memref_slice %arg16[%dma_wait3A_217] : memref<8192xf32, #tpu.memory_space<vmem>> -> memref<512xf32, #tpu.memory_space<vmem>>
    %dma_wait3A_219 = tpu.memref_slice %arg15[%add3A_64] : memref<393216xf32, #tpu.memory_space<vmem_shared>> -> memref<512xf32, #tpu.memory_space<vmem_shared>>
    %dma_wait3A_220 = arith.constant 512 : i32
    %dma_wait3A_221 = tpu.memref_slice %arg16[%dma_wait3A_220] : memref<8192xf32, #tpu.memory_space<vmem>> -> memref<512xf32, #tpu.memory_space<vmem>>
    %dma_wait3A_222 = tpu.memref_slice %arg15[%add3A_64] : memref<393216xf32, #tpu.memory_space<vmem_shared>> -> memref<512xf32, #tpu.memory_space<vmem_shared>>
    tpu.wait_dma2 semaphore(%arg20 : memref<!tpu.dma_semaphore, #tpu.memory_space<semaphore_mem>>) src(%dma_wait3A_222 : memref<512xf32, #tpu.memory_space<vmem_shared>>) dst(%dma_wait3A_221 : memref<512xf32, #tpu.memory_space<vmem>>)
    %dma_wait3A_223 = arith.constant 1024 : i32
    %dma_wait3A_224 = tpu.memref_slice %arg16[%dma_wait3A_223] : memref<8192xf32, #tpu.memory_space<vmem>> -> memref<512xf32, #tpu.memory_space<vmem>>
    %dma_wait3A_225 = tpu.memref_slice %arg15[%add3A_74] : memref<393216xf32, #tpu.memory_space<vmem_shared>> -> memref<512xf32, #tpu.memory_space<vmem_shared>>
    %dma_wait3A_226 = arith.constant 1024 : i32
    %dma_wait3A_227 = tpu.memref_slice %arg16[%dma_wait3A_226] : memref<8192xf32, #tpu.memory_space<vmem>> -> memref<512xf32, #tpu.memory_space<vmem>>
    %dma_wait3A_228 = tpu.memref_slice %arg15[%add3A_74] : memref<393216xf32, #tpu.memory_space<vmem_shared>> -> memref<512xf32, #tpu.memory_space<vmem_shared>>
    tpu.wait_dma2 semaphore(%arg20 : memref<!tpu.dma_semaphore, #tpu.memory_space<semaphore_mem>>) src(%dma_wait3A_228 : memref<512xf32, #tpu.memory_space<vmem_shared>>) dst(%dma_wait3A_227 : memref<512xf32, #tpu.memory_space<vmem>>)
    %dma_wait3A_229 = arith.constant 1536 : i32
    %dma_wait3A_230 = tpu.memref_slice %arg16[%dma_wait3A_229] : memref<8192xf32, #tpu.memory_space<vmem>> -> memref<512xf32, #tpu.memory_space<vmem>>
    %dma_wait3A_231 = tpu.memref_slice %arg15[%add3A_84] : memref<393216xf32, #tpu.memory_space<vmem_shared>> -> memref<512xf32, #tpu.memory_space<vmem_shared>>
    %dma_wait3A_232 = arith.constant 1536 : i32
    %dma_wait3A_233 = tpu.memref_slice %arg16[%dma_wait3A_232] : memref<8192xf32, #tpu.memory_space<vmem>> -> memref<512xf32, #tpu.memory_space<vmem>>
    %dma_wait3A_234 = tpu.memref_slice %arg15[%add3A_84] : memref<393216xf32, #tpu.memory_space<vmem_shared>> -> memref<512xf32, #tpu.memory_space<vmem_shared>>
    tpu.wait_dma2 semaphore(%arg20 : memref<!tpu.dma_semaphore, #tpu.memory_space<semaphore_mem>>) src(%dma_wait3A_234 : memref<512xf32, #tpu.memory_space<vmem_shared>>) dst(%dma_wait3A_233 : memref<512xf32, #tpu.memory_space<vmem>>)
    %dma_wait3A_235 = arith.constant 2048 : i32
    %dma_wait3A_236 = tpu.memref_slice %arg16[%dma_wait3A_235] : memref<8192xf32, #tpu.memory_space<vmem>> -> memref<512xf32, #tpu.memory_space<vmem>>
    %dma_wait3A_237 = tpu.memref_slice %arg15[%add3A_94] : memref<393216xf32, #tpu.memory_space<vmem_shared>> -> memref<512xf32, #tpu.memory_space<vmem_shared>>
    %dma_wait3A_238 = arith.constant 2048 : i32
    %dma_wait3A_239 = tpu.memref_slice %arg16[%dma_wait3A_238] : memref<8192xf32, #tpu.memory_space<vmem>> -> memref<512xf32, #tpu.memory_space<vmem>>
    %dma_wait3A_240 = tpu.memref_slice %arg15[%add3A_94] : memref<393216xf32, #tpu.memory_space<vmem_shared>> -> memref<512xf32, #tpu.memory_space<vmem_shared>>
    tpu.wait_dma2 semaphore(%arg20 : memref<!tpu.dma_semaphore, #tpu.memory_space<semaphore_mem>>) src(%dma_wait3A_240 : memref<512xf32, #tpu.memory_space<vmem_shared>>) dst(%dma_wait3A_239 : memref<512xf32, #tpu.memory_space<vmem>>)
    %dma_wait3A_241 = arith.constant 2560 : i32
    %dma_wait3A_242 = tpu.memref_slice %arg16[%dma_wait3A_241] : memref<8192xf32, #tpu.memory_space<vmem>> -> memref<512xf32, #tpu.memory_space<vmem>>
    %dma_wait3A_243 = tpu.memref_slice %arg15[%add3A_104] : memref<393216xf32, #tpu.memory_space<vmem_shared>> -> memref<512xf32, #tpu.memory_space<vmem_shared>>
    %dma_wait3A_244 = arith.constant 2560 : i32
    %dma_wait3A_245 = tpu.memref_slice %arg16[%dma_wait3A_244] : memref<8192xf32, #tpu.memory_space<vmem>> -> memref<512xf32, #tpu.memory_space<vmem>>
    %dma_wait3A_246 = tpu.memref_slice %arg15[%add3A_104] : memref<393216xf32, #tpu.memory_space<vmem_shared>> -> memref<512xf32, #tpu.memory_space<vmem_shared>>
    tpu.wait_dma2 semaphore(%arg20 : memref<!tpu.dma_semaphore, #tpu.memory_space<semaphore_mem>>) src(%dma_wait3A_246 : memref<512xf32, #tpu.memory_space<vmem_shared>>) dst(%dma_wait3A_245 : memref<512xf32, #tpu.memory_space<vmem>>)
    %dma_wait3A_247 = arith.constant 3072 : i32
    %dma_wait3A_248 = tpu.memref_slice %arg16[%dma_wait3A_247] : memref<8192xf32, #tpu.memory_space<vmem>> -> memref<512xf32, #tpu.memory_space<vmem>>
    %dma_wait3A_249 = tpu.memref_slice %arg15[%add3A_114] : memref<393216xf32, #tpu.memory_space<vmem_shared>> -> memref<512xf32, #tpu.memory_space<vmem_shared>>
    %dma_wait3A_250 = arith.constant 3072 : i32
    %dma_wait3A_251 = tpu.memref_slice %arg16[%dma_wait3A_250] : memref<8192xf32, #tpu.memory_space<vmem>> -> memref<512xf32, #tpu.memory_space<vmem>>
    %dma_wait3A_252 = tpu.memref_slice %arg15[%add3A_114] : memref<393216xf32, #tpu.memory_space<vmem_shared>> -> memref<512xf32, #tpu.memory_space<vmem_shared>>
    tpu.wait_dma2 semaphore(%arg20 : memref<!tpu.dma_semaphore, #tpu.memory_space<semaphore_mem>>) src(%dma_wait3A_252 : memref<512xf32, #tpu.memory_space<vmem_shared>>) dst(%dma_wait3A_251 : memref<512xf32, #tpu.memory_space<vmem>>)
    %dma_wait3A_253 = arith.constant 3584 : i32
    %dma_wait3A_254 = tpu.memref_slice %arg16[%dma_wait3A_253] : memref<8192xf32, #tpu.memory_space<vmem>> -> memref<512xf32, #tpu.memory_space<vmem>>
    %dma_wait3A_255 = tpu.memref_slice %arg15[%add3A_124] : memref<393216xf32, #tpu.memory_space<vmem_shared>> -> memref<512xf32, #tpu.memory_space<vmem_shared>>
    %dma_wait3A_256 = arith.constant 3584 : i32
    %dma_wait3A_257 = tpu.memref_slice %arg16[%dma_wait3A_256] : memref<8192xf32, #tpu.memory_space<vmem>> -> memref<512xf32, #tpu.memory_space<vmem>>
    %dma_wait3A_258 = tpu.memref_slice %arg15[%add3A_124] : memref<393216xf32, #tpu.memory_space<vmem_shared>> -> memref<512xf32, #tpu.memory_space<vmem_shared>>
    tpu.wait_dma2 semaphore(%arg20 : memref<!tpu.dma_semaphore, #tpu.memory_space<semaphore_mem>>) src(%dma_wait3A_258 : memref<512xf32, #tpu.memory_space<vmem_shared>>) dst(%dma_wait3A_257 : memref<512xf32, #tpu.memory_space<vmem>>)
    %dma_wait3A_259 = arith.constant 4096 : i32
    %dma_wait3A_260 = tpu.memref_slice %arg16[%dma_wait3A_259] : memref<8192xf32, #tpu.memory_space<vmem>> -> memref<512xf32, #tpu.memory_space<vmem>>
    %dma_wait3A_261 = tpu.memref_slice %arg15[%add3A_134] : memref<393216xf32, #tpu.memory_space<vmem_shared>> -> memref<512xf32, #tpu.memory_space<vmem_shared>>
    %dma_wait3A_262 = arith.constant 4096 : i32
    %dma_wait3A_263 = tpu.memref_slice %arg16[%dma_wait3A_262] : memref<8192xf32, #tpu.memory_space<vmem>> -> memref<512xf32, #tpu.memory_space<vmem>>
    %dma_wait3A_264 = tpu.memref_slice %arg15[%add3A_134] : memref<393216xf32, #tpu.memory_space<vmem_shared>> -> memref<512xf32, #tpu.memory_space<vmem_shared>>
    tpu.wait_dma2 semaphore(%arg20 : memref<!tpu.dma_semaphore, #tpu.memory_space<semaphore_mem>>) src(%dma_wait3A_264 : memref<512xf32, #tpu.memory_space<vmem_shared>>) dst(%dma_wait3A_263 : memref<512xf32, #tpu.memory_space<vmem>>)
    %dma_wait3A_265 = arith.constant 4608 : i32
    %dma_wait3A_266 = tpu.memref_slice %arg16[%dma_wait3A_265] : memref<8192xf32, #tpu.memory_space<vmem>> -> memref<512xf32, #tpu.memory_space<vmem>>
    %dma_wait3A_267 = tpu.memref_slice %arg15[%add3A_144] : memref<393216xf32, #tpu.memory_space<vmem_shared>> -> memref<512xf32, #tpu.memory_space<vmem_shared>>
    %dma_wait3A_268 = arith.constant 4608 : i32
    %dma_wait3A_269 = tpu.memref_slice %arg16[%dma_wait3A_268] : memref<8192xf32, #tpu.memory_space<vmem>> -> memref<512xf32, #tpu.memory_space<vmem>>
    %dma_wait3A_270 = tpu.memref_slice %arg15[%add3A_144] : memref<393216xf32, #tpu.memory_space<vmem_shared>> -> memref<512xf32, #tpu.memory_space<vmem_shared>>
    tpu.wait_dma2 semaphore(%arg20 : memref<!tpu.dma_semaphore, #tpu.memory_space<semaphore_mem>>) src(%dma_wait3A_270 : memref<512xf32, #tpu.memory_space<vmem_shared>>) dst(%dma_wait3A_269 : memref<512xf32, #tpu.memory_space<vmem>>)
    %dma_wait3A_271 = arith.constant 5120 : i32
    %dma_wait3A_272 = tpu.memref_slice %arg16[%dma_wait3A_271] : memref<8192xf32, #tpu.memory_space<vmem>> -> memref<512xf32, #tpu.memory_space<vmem>>
    %dma_wait3A_273 = tpu.memref_slice %arg15[%add3A_154] : memref<393216xf32, #tpu.memory_space<vmem_shared>> -> memref<512xf32, #tpu.memory_space<vmem_shared>>
    %dma_wait3A_274 = arith.constant 5120 : i32
    %dma_wait3A_275 = tpu.memref_slice %arg16[%dma_wait3A_274] : memref<8192xf32, #tpu.memory_space<vmem>> -> memref<512xf32, #tpu.memory_space<vmem>>
    %dma_wait3A_276 = tpu.memref_slice %arg15[%add3A_154] : memref<393216xf32, #tpu.memory_space<vmem_shared>> -> memref<512xf32, #tpu.memory_space<vmem_shared>>
    tpu.wait_dma2 semaphore(%arg20 : memref<!tpu.dma_semaphore, #tpu.memory_space<semaphore_mem>>) src(%dma_wait3A_276 : memref<512xf32, #tpu.memory_space<vmem_shared>>) dst(%dma_wait3A_275 : memref<512xf32, #tpu.memory_space<vmem>>)
    %dma_wait3A_277 = arith.constant 5632 : i32
    %dma_wait3A_278 = tpu.memref_slice %arg16[%dma_wait3A_277] : memref<8192xf32, #tpu.memory_space<vmem>> -> memref<512xf32, #tpu.memory_space<vmem>>
    %dma_wait3A_279 = tpu.memref_slice %arg15[%add3A_164] : memref<393216xf32, #tpu.memory_space<vmem_shared>> -> memref<512xf32, #tpu.memory_space<vmem_shared>>
    %dma_wait3A_280 = arith.constant 5632 : i32
    %dma_wait3A_281 = tpu.memref_slice %arg16[%dma_wait3A_280] : memref<8192xf32, #tpu.memory_space<vmem>> -> memref<512xf32, #tpu.memory_space<vmem>>
    %dma_wait3A_282 = tpu.memref_slice %arg15[%add3A_164] : memref<393216xf32, #tpu.memory_space<vmem_shared>> -> memref<512xf32, #tpu.memory_space<vmem_shared>>
    tpu.wait_dma2 semaphore(%arg20 : memref<!tpu.dma_semaphore, #tpu.memory_space<semaphore_mem>>) src(%dma_wait3A_282 : memref<512xf32, #tpu.memory_space<vmem_shared>>) dst(%dma_wait3A_281 : memref<512xf32, #tpu.memory_space<vmem>>)
    %dma_wait3A_283 = arith.constant 6144 : i32
    %dma_wait3A_284 = tpu.memref_slice %arg16[%dma_wait3A_283] : memref<8192xf32, #tpu.memory_space<vmem>> -> memref<512xf32, #tpu.memory_space<vmem>>
    %dma_wait3A_285 = tpu.memref_slice %arg15[%add3A_174] : memref<393216xf32, #tpu.memory_space<vmem_shared>> -> memref<512xf32, #tpu.memory_space<vmem_shared>>
    %dma_wait3A_286 = arith.constant 6144 : i32
    %dma_wait3A_287 = tpu.memref_slice %arg16[%dma_wait3A_286] : memref<8192xf32, #tpu.memory_space<vmem>> -> memref<512xf32, #tpu.memory_space<vmem>>
    %dma_wait3A_288 = tpu.memref_slice %arg15[%add3A_174] : memref<393216xf32, #tpu.memory_space<vmem_shared>> -> memref<512xf32, #tpu.memory_space<vmem_shared>>
    tpu.wait_dma2 semaphore(%arg20 : memref<!tpu.dma_semaphore, #tpu.memory_space<semaphore_mem>>) src(%dma_wait3A_288 : memref<512xf32, #tpu.memory_space<vmem_shared>>) dst(%dma_wait3A_287 : memref<512xf32, #tpu.memory_space<vmem>>)
    %dma_wait3A_289 = arith.constant 6656 : i32
    %dma_wait3A_290 = tpu.memref_slice %arg16[%dma_wait3A_289] : memref<8192xf32, #tpu.memory_space<vmem>> -> memref<512xf32, #tpu.memory_space<vmem>>
    %dma_wait3A_291 = tpu.memref_slice %arg15[%add3A_184] : memref<393216xf32, #tpu.memory_space<vmem_shared>> -> memref<512xf32, #tpu.memory_space<vmem_shared>>
    %dma_wait3A_292 = arith.constant 6656 : i32
    %dma_wait3A_293 = tpu.memref_slice %arg16[%dma_wait3A_292] : memref<8192xf32, #tpu.memory_space<vmem>> -> memref<512xf32, #tpu.memory_space<vmem>>
    %dma_wait3A_294 = tpu.memref_slice %arg15[%add3A_184] : memref<393216xf32, #tpu.memory_space<vmem_shared>> -> memref<512xf32, #tpu.memory_space<vmem_shared>>
    tpu.wait_dma2 semaphore(%arg20 : memref<!tpu.dma_semaphore, #tpu.memory_space<semaphore_mem>>) src(%dma_wait3A_294 : memref<512xf32, #tpu.memory_space<vmem_shared>>) dst(%dma_wait3A_293 : memref<512xf32, #tpu.memory_space<vmem>>)
    %dma_wait3A_295 = arith.constant 7168 : i32
    %dma_wait3A_296 = tpu.memref_slice %arg16[%dma_wait3A_295] : memref<8192xf32, #tpu.memory_space<vmem>> -> memref<512xf32, #tpu.memory_space<vmem>>
    %dma_wait3A_297 = tpu.memref_slice %arg15[%add3A_194] : memref<393216xf32, #tpu.memory_space<vmem_shared>> -> memref<512xf32, #tpu.memory_space<vmem_shared>>
    %dma_wait3A_298 = arith.constant 7168 : i32
    %dma_wait3A_299 = tpu.memref_slice %arg16[%dma_wait3A_298] : memref<8192xf32, #tpu.memory_space<vmem>> -> memref<512xf32, #tpu.memory_space<vmem>>
    %dma_wait3A_300 = tpu.memref_slice %arg15[%add3A_194] : memref<393216xf32, #tpu.memory_space<vmem_shared>> -> memref<512xf32, #tpu.memory_space<vmem_shared>>
    tpu.wait_dma2 semaphore(%arg20 : memref<!tpu.dma_semaphore, #tpu.memory_space<semaphore_mem>>) src(%dma_wait3A_300 : memref<512xf32, #tpu.memory_space<vmem_shared>>) dst(%dma_wait3A_299 : memref<512xf32, #tpu.memory_space<vmem>>)
    %dma_wait3A_301 = arith.constant 7680 : i32
    %dma_wait3A_302 = tpu.memref_slice %arg16[%dma_wait3A_301] : memref<8192xf32, #tpu.memory_space<vmem>> -> memref<512xf32, #tpu.memory_space<vmem>>
    %dma_wait3A_303 = tpu.memref_slice %arg15[%add3A_204] : memref<393216xf32, #tpu.memory_space<vmem_shared>> -> memref<512xf32, #tpu.memory_space<vmem_shared>>
    %dma_wait3A_304 = arith.constant 7680 : i32
    %dma_wait3A_305 = tpu.memref_slice %arg16[%dma_wait3A_304] : memref<8192xf32, #tpu.memory_space<vmem>> -> memref<512xf32, #tpu.memory_space<vmem>>
    %dma_wait3A_306 = tpu.memref_slice %arg15[%add3A_204] : memref<393216xf32, #tpu.memory_space<vmem_shared>> -> memref<512xf32, #tpu.memory_space<vmem_shared>>
    tpu.wait_dma2 semaphore(%arg20 : memref<!tpu.dma_semaphore, #tpu.memory_space<semaphore_mem>>) src(%dma_wait3A_306 : memref<512xf32, #tpu.memory_space<vmem_shared>>) dst(%dma_wait3A_305 : memref<512xf32, #tpu.memory_space<vmem>>)
    %scan3A_307 = arith.constant 0 : i32
    %scan3A_308 = arith.constant 32 : i32
    %scan3A_309 = arith.addi %scan3A_307, %scan3A_308 : i32
    %scan3A_310 = arith.constant 1 : i32
    scf.for %scan3A_861 = %scan3A_307 to %scan3A_309 step %scan3A_310  : i32 {
      %mul3A_862 = arith.constant 1 : i32
      %mul3A_863 = arith.muli %scan3A_861, %mul3A_862 : i32
      %add3A_864 = arith.constant 0 : i32
      %add3A_865 = arith.addi %add3A_864, %mul3A_863 : i32
      %mul3A_866 = arith.constant 16 : i32
      %mul3A_867 = arith.muli %add3A_865, %mul3A_866 : i32
      %add3A_868 = arith.constant 0 : i32
      %add3A_869 = arith.addi %add3A_868, %mul3A_867 : i32
      %get3A = arith.index_cast %add3A_869 : i32 to index
      %get3A_870 = tpu.vector_load %arg16[%get3A] {strides = array<i32>} : memref<8192xf32, #tpu.memory_space<vmem>>, vector<16xf32>,
      %mul3A_871 = arith.constant 16 : i32
      %mul3A_872 = arith.muli %add3A_865, %mul3A_871 : i32
      %add3A_873 = arith.constant 512 : i32
      %add3A_874 = arith.addi %add3A_873, %mul3A_872 : i32
      %get3A_875 = arith.index_cast %add3A_874 : i32 to index
      %get3A_876 = tpu.vector_load %arg16[%get3A_875] {strides = array<i32>} : memref<8192xf32, #tpu.memory_space<vmem>>, vector<16xf32>,
      %add3A_877 = arith.addf %get3A_870, %get3A_876 : vector<16xf32>
      %mul3A_878 = arith.constant 16 : i32
      %mul3A_879 = arith.muli %add3A_865, %mul3A_878 : i32
      %add3A_880 = arith.constant 1024 : i32
      %add3A_881 = arith.addi %add3A_880, %mul3A_879 : i32
      %get3A_882 = arith.index_cast %add3A_881 : i32 to index
      %get3A_883 = tpu.vector_load %arg16[%get3A_882] {strides = array<i32>} : memref<8192xf32, #tpu.memory_space<vmem>>, vector<16xf32>,
      %add3A_884 = arith.addf %add3A_877, %get3A_883 : vector<16xf32>
      %mul3A_885 = arith.constant 16 : i32
      %mul3A_886 = arith.muli %add3A_865, %mul3A_885 : i32
      %add3A_887 = arith.constant 1536 : i32
      %add3A_888 = arith.addi %add3A_887, %mul3A_886 : i32
      %get3A_889 = arith.index_cast %add3A_888 : i32 to index
      %get3A_890 = tpu.vector_load %arg16[%get3A_889] {strides = array<i32>} : memref<8192xf32, #tpu.memory_space<vmem>>, vector<16xf32>,
      %add3A_891 = arith.addf %add3A_884, %get3A_890 : vector<16xf32>
      %mul3A_892 = arith.constant 16 : i32
      %mul3A_893 = arith.muli %add3A_865, %mul3A_892 : i32
      %add3A_894 = arith.constant 2048 : i32
      %add3A_895 = arith.addi %add3A_894, %mul3A_893 : i32
      %get3A_896 = arith.index_cast %add3A_895 : i32 to index
      %get3A_897 = tpu.vector_load %arg16[%get3A_896] {strides = array<i32>} : memref<8192xf32, #tpu.memory_space<vmem>>, vector<16xf32>,
      %add3A_898 = arith.addf %add3A_891, %get3A_897 : vector<16xf32>
      %mul3A_899 = arith.constant 16 : i32
      %mul3A_900 = arith.muli %add3A_865, %mul3A_899 : i32
      %add3A_901 = arith.constant 2560 : i32
      %add3A_902 = arith.addi %add3A_901, %mul3A_900 : i32
      %get3A_903 = arith.index_cast %add3A_902 : i32 to index
      %get3A_904 = tpu.vector_load %arg16[%get3A_903] {strides = array<i32>} : memref<8192xf32, #tpu.memory_space<vmem>>, vector<16xf32>,
      %add3A_905 = arith.addf %add3A_898, %get3A_904 : vector<16xf32>
      %mul3A_906 = arith.constant 16 : i32
      %mul3A_907 = arith.muli %add3A_865, %mul3A_906 : i32
      %add3A_908 = arith.constant 3072 : i32
      %add3A_909 = arith.addi %add3A_908, %mul3A_907 : i32
      %get3A_910 = arith.index_cast %add3A_909 : i32 to index
      %get3A_911 = tpu.vector_load %arg16[%get3A_910] {strides = array<i32>} : memref<8192xf32, #tpu.memory_space<vmem>>, vector<16xf32>,
      %add3A_912 = arith.addf %add3A_905, %get3A_911 : vector<16xf32>
      %mul3A_913 = arith.constant 16 : i32
      %mul3A_914 = arith.muli %add3A_865, %mul3A_913 : i32
      %add3A_915 = arith.constant 3584 : i32
      %add3A_916 = arith.addi %add3A_915, %mul3A_914 : i32
      %get3A_917 = arith.index_cast %add3A_916 : i32 to index
      %get3A_918 = tpu.vector_load %arg16[%get3A_917] {strides = array<i32>} : memref<8192xf32, #tpu.memory_space<vmem>>, vector<16xf32>,
      %add3A_919 = arith.addf %add3A_912, %get3A_918 : vector<16xf32>
      %mul3A_920 = arith.constant 16 : i32
      %mul3A_921 = arith.muli %add3A_865, %mul3A_920 : i32
      %add3A_922 = arith.constant 4096 : i32
      %add3A_923 = arith.addi %add3A_922, %mul3A_921 : i32
      %get3A_924 = arith.index_cast %add3A_923 : i32 to index
      %get3A_925 = tpu.vector_load %arg16[%get3A_924] {strides = array<i32>} : memref<8192xf32, #tpu.memory_space<vmem>>, vector<16xf32>,
      %add3A_926 = arith.addf %add3A_919, %get3A_925 : vector<16xf32>
      %mul3A_927 = arith.constant 16 : i32
      %mul3A_928 = arith.muli %add3A_865, %mul3A_927 : i32
      %add3A_929 = arith.constant 4608 : i32
      %add3A_930 = arith.addi %add3A_929, %mul3A_928 : i32
      %get3A_931 = arith.index_cast %add3A_930 : i32 to index
      %get3A_932 = tpu.vector_load %arg16[%get3A_931] {strides = array<i32>} : memref<8192xf32, #tpu.memory_space<vmem>>, vector<16xf32>,
      %add3A_933 = arith.addf %add3A_926, %get3A_932 : vector<16xf32>
      %mul3A_934 = arith.constant 16 : i32
      %mul3A_935 = arith.muli %add3A_865, %mul3A_934 : i32
      %add3A_936 = arith.constant 5120 : i32
      %add3A_937 = arith.addi %add3A_936, %mul3A_935 : i32
      %get3A_938 = arith.index_cast %add3A_937 : i32 to index
      %get3A_939 = tpu.vector_load %arg16[%get3A_938] {strides = array<i32>} : memref<8192xf32, #tpu.memory_space<vmem>>, vector<16xf32>,
      %add3A_940 = arith.addf %add3A_933, %get3A_939 : vector<16xf32>
      %mul3A_941 = arith.constant 16 : i32
      %mul3A_942 = arith.muli %add3A_865, %mul3A_941 : i32
      %add3A_943 = arith.constant 5632 : i32
      %add3A_944 = arith.addi %add3A_943, %mul3A_942 : i32
      %get3A_945 = arith.index_cast %add3A_944 : i32 to index
      %get3A_946 = tpu.vector_load %arg16[%get3A_945] {strides = array<i32>} : memref<8192xf32, #tpu.memory_space<vmem>>, vector<16xf32>,
      %add3A_947 = arith.addf %add3A_940, %get3A_946 : vector<16xf32>
      %mul3A_948 = arith.constant 16 : i32
      %mul3A_949 = arith.muli %add3A_865, %mul3A_948 : i32
      %add3A_950 = arith.constant 6144 : i32
      %add3A_951 = arith.addi %add3A_950, %mul3A_949 : i32
      %get3A_952 = arith.index_cast %add3A_951 : i32 to index
      %get3A_953 = tpu.vector_load %arg16[%get3A_952] {strides = array<i32>} : memref<8192xf32, #tpu.memory_space<vmem>>, vector<16xf32>,
      %add3A_954 = arith.addf %add3A_947, %get3A_953 : vector<16xf32>
      %mul3A_955 = arith.constant 16 : i32
      %mul3A_956 = arith.muli %add3A_865, %mul3A_955 : i32
      %add3A_957 = arith.constant 6656 : i32
      %add3A_958 = arith.addi %add3A_957, %mul3A_956 : i32
      %get3A_959 = arith.index_cast %add3A_958 : i32 to index
      %get3A_960 = tpu.vector_load %arg16[%get3A_959] {strides = array<i32>} : memref<8192xf32, #tpu.memory_space<vmem>>, vector<16xf32>,
      %add3A_961 = arith.addf %add3A_954, %get3A_960 : vector<16xf32>
      %mul3A_962 = arith.constant 16 : i32
      %mul3A_963 = arith.muli %add3A_865, %mul3A_962 : i32
      %add3A_964 = arith.constant 7168 : i32
      %add3A_965 = arith.addi %add3A_964, %mul3A_963 : i32
      %get3A_966 = arith.index_cast %add3A_965 : i32 to index
      %get3A_967 = tpu.vector_load %arg16[%get3A_966] {strides = array<i32>} : memref<8192xf32, #tpu.memory_space<vmem>>, vector<16xf32>,
      %add3A_968 = arith.addf %add3A_961, %get3A_967 : vector<16xf32>
      %mul3A_969 = arith.constant 16 : i32
      %mul3A_970 = arith.muli %add3A_865, %mul3A_969 : i32
      %add3A_971 = arith.constant 7680 : i32
      %add3A_972 = arith.addi %add3A_971, %mul3A_970 : i32
      %get3A_973 = arith.index_cast %add3A_972 : i32 to index
      %get3A_974 = tpu.vector_load %arg16[%get3A_973] {strides = array<i32>} : memref<8192xf32, #tpu.memory_space<vmem>>, vector<16xf32>,
      %add3A_975 = arith.addf %add3A_968, %get3A_974 : vector<16xf32>
      %mul3A_976 = arith.constant 16 : i32
      %mul3A_977 = arith.muli %add3A_865, %mul3A_976 : i32
      %swap3A = arith.index_cast %mul3A_977 : i32 to index
      %swap3A_978 = tpu.vector_load %arg17[%swap3A] {strides = array<i32>} : memref<512xf32, #tpu.memory_space<vmem>>, vector<16xf32>,
      tpu.vector_store %arg17[%swap3A], %add3A_975 {strides = array<i32>} : memref<512xf32, #tpu.memory_space<vmem>>, vector<16xf32>,
    }
    %scan3A_311 = arith.constant 32 : i32
    %mul3A_312 = arith.constant 3 : i32
    %mul3A_313 = arith.muli %arg0, %mul3A_312 : i32
    %mul3A_314 = arith.constant 8192 : i32
    %mul3A_315 = arith.muli %mul3A_313, %mul3A_314 : i32
    %add3A_316 = arith.constant 0 : i32
    %add3A_317 = arith.addi %mul3A_315, %add3A_316 : i32
    %mul3A_318 = arith.constant 512 : i32
    %mul3A_319 = arith.muli %arg1, %mul3A_318 : i32
    %add3A_320 = arith.addi %add3A_317, %mul3A_319 : i32
    "tpu.region"() ({
      %run_scoped3A = tpu.sem_alloc : memref<!tpu.dma_semaphore, #tpu.memory_space<semaphore_mem>>
      %dma_start3A_861 = tpu.memref_slice %arg7[%add3A_320] : memref<49152xf32, #tpu.memory_space<hbm>> -> memref<512xf32, #tpu.memory_space<hbm>>
      %dma_start3A_862 = tpu.memref_slice %arg7[%add3A_320] : memref<49152xf32, #tpu.memory_space<hbm>> -> memref<512xf32, #tpu.memory_space<hbm>>
      tpu.enqueue_dma source(%arg17 : memref<512xf32, #tpu.memory_space<vmem>>) target(%dma_start3A_862 : memref<512xf32, #tpu.memory_space<hbm>>) target_semaphore(%run_scoped3A : memref<!tpu.dma_semaphore, #tpu.memory_space<semaphore_mem>>)
      %dma_wait3A_863 = tpu.memref_slice %arg7[%add3A_320] : memref<49152xf32, #tpu.memory_space<hbm>> -> memref<512xf32, #tpu.memory_space<hbm>>
      %dma_wait3A_864 = tpu.memref_slice %arg7[%add3A_320] : memref<49152xf32, #tpu.memory_space<hbm>> -> memref<512xf32, #tpu.memory_space<hbm>>
      tpu.wait_dma2 semaphore(%run_scoped3A : memref<!tpu.dma_semaphore, #tpu.memory_space<semaphore_mem>>) src(%arg17 : memref<512xf32, #tpu.memory_space<vmem>>) dst(%dma_wait3A_864 : memref<512xf32, #tpu.memory_space<hbm>>)
      tpu.yield
    }) : () -> ()
    %mul3A_321 = arith.constant 512 : i32
    %mul3A_322 = arith.muli %arg1, %mul3A_321 : i32
    %add3A_323 = arith.constant 8192 : i32
    %add3A_324 = arith.addi %add3A_323, %mul3A_322 : i32
    %dma_start3A_325 = arith.constant 0 : i32
    %dma_start3A_326 = tpu.memref_slice %arg16[%dma_start3A_325] : memref<8192xf32, #tpu.memory_space<vmem>> -> memref<512xf32, #tpu.memory_space<vmem>>
    %dma_start3A_327 = tpu.memref_slice %arg15[%add3A_324] : memref<393216xf32, #tpu.memory_space<vmem_shared>> -> memref<512xf32, #tpu.memory_space<vmem_shared>>
    %dma_start3A_328 = arith.constant 0 : i32
    %dma_start3A_329 = tpu.memref_slice %arg16[%dma_start3A_328] : memref<8192xf32, #tpu.memory_space<vmem>> -> memref<512xf32, #tpu.memory_space<vmem>>
    %dma_start3A_330 = tpu.memref_slice %arg15[%add3A_324] : memref<393216xf32, #tpu.memory_space<vmem_shared>> -> memref<512xf32, #tpu.memory_space<vmem_shared>>
    tpu.enqueue_dma source(%dma_start3A_330 : memref<512xf32, #tpu.memory_space<vmem_shared>>) target(%dma_start3A_329 : memref<512xf32, #tpu.memory_space<vmem>>) target_semaphore(%arg20 : memref<!tpu.dma_semaphore, #tpu.memory_space<semaphore_mem>>)
    %mul3A_331 = arith.constant 512 : i32
    %mul3A_332 = arith.muli %arg1, %mul3A_331 : i32
    %add3A_333 = arith.constant 32768 : i32
    %add3A_334 = arith.addi %add3A_333, %mul3A_332 : i32
    %dma_start3A_335 = arith.constant 512 : i32
    %dma_start3A_336 = tpu.memref_slice %arg16[%dma_start3A_335] : memref<8192xf32, #tpu.memory_space<vmem>> -> memref<512xf32, #tpu.memory_space<vmem>>
    %dma_start3A_337 = tpu.memref_slice %arg15[%add3A_334] : memref<393216xf32, #tpu.memory_space<vmem_shared>> -> memref<512xf32, #tpu.memory_space<vmem_shared>>
    %dma_start3A_338 = arith.constant 512 : i32
    %dma_start3A_339 = tpu.memref_slice %arg16[%dma_start3A_338] : memref<8192xf32, #tpu.memory_space<vmem>> -> memref<512xf32, #tpu.memory_space<vmem>>
    %dma_start3A_340 = tpu.memref_slice %arg15[%add3A_334] : memref<393216xf32, #tpu.memory_space<vmem_shared>> -> memref<512xf32, #tpu.memory_space<vmem_shared>>
    tpu.enqueue_dma source(%dma_start3A_340 : memref<512xf32, #tpu.memory_space<vmem_shared>>) target(%dma_start3A_339 : memref<512xf32, #tpu.memory_space<vmem>>) target_semaphore(%arg20 : memref<!tpu.dma_semaphore, #tpu.memory_space<semaphore_mem>>)
    %mul3A_341 = arith.constant 512 : i32
    %mul3A_342 = arith.muli %arg1, %mul3A_341 : i32
    %add3A_343 = arith.constant 57344 : i32
    %add3A_344 = arith.addi %add3A_343, %mul3A_342 : i32
    %dma_start3A_345 = arith.constant 1024 : i32
    %dma_start3A_346 = tpu.memref_slice %arg16[%dma_start3A_345] : memref<8192xf32, #tpu.memory_space<vmem>> -> memref<512xf32, #tpu.memory_space<vmem>>
    %dma_start3A_347 = tpu.memref_slice %arg15[%add3A_344] : memref<393216xf32, #tpu.memory_space<vmem_shared>> -> memref<512xf32, #tpu.memory_space<vmem_shared>>
    %dma_start3A_348 = arith.constant 1024 : i32
    %dma_start3A_349 = tpu.memref_slice %arg16[%dma_start3A_348] : memref<8192xf32, #tpu.memory_space<vmem>> -> memref<512xf32, #tpu.memory_space<vmem>>
    %dma_start3A_350 = tpu.memref_slice %arg15[%add3A_344] : memref<393216xf32, #tpu.memory_space<vmem_shared>> -> memref<512xf32, #tpu.memory_space<vmem_shared>>
    tpu.enqueue_dma source(%dma_start3A_350 : memref<512xf32, #tpu.memory_space<vmem_shared>>) target(%dma_start3A_349 : memref<512xf32, #tpu.memory_space<vmem>>) target_semaphore(%arg20 : memref<!tpu.dma_semaphore, #tpu.memory_space<semaphore_mem>>)
    %mul3A_351 = arith.constant 512 : i32
    %mul3A_352 = arith.muli %arg1, %mul3A_351 : i32
    %add3A_353 = arith.constant 81920 : i32
    %add3A_354 = arith.addi %add3A_353, %mul3A_352 : i32
    %dma_start3A_355 = arith.constant 1536 : i32
    %dma_start3A_356 = tpu.memref_slice %arg16[%dma_start3A_355] : memref<8192xf32, #tpu.memory_space<vmem>> -> memref<512xf32, #tpu.memory_space<vmem>>
    %dma_start3A_357 = tpu.memref_slice %arg15[%add3A_354] : memref<393216xf32, #tpu.memory_space<vmem_shared>> -> memref<512xf32, #tpu.memory_space<vmem_shared>>
    %dma_start3A_358 = arith.constant 1536 : i32
    %dma_start3A_359 = tpu.memref_slice %arg16[%dma_start3A_358] : memref<8192xf32, #tpu.memory_space<vmem>> -> memref<512xf32, #tpu.memory_space<vmem>>
    %dma_start3A_360 = tpu.memref_slice %arg15[%add3A_354] : memref<393216xf32, #tpu.memory_space<vmem_shared>> -> memref<512xf32, #tpu.memory_space<vmem_shared>>
    tpu.enqueue_dma source(%dma_start3A_360 : memref<512xf32, #tpu.memory_space<vmem_shared>>) target(%dma_start3A_359 : memref<512xf32, #tpu.memory_space<vmem>>) target_semaphore(%arg20 : memref<!tpu.dma_semaphore, #tpu.memory_space<semaphore_mem>>)
    %mul3A_361 = arith.constant 512 : i32
    %mul3A_362 = arith.muli %arg1, %mul3A_361 : i32
    %add3A_363 = arith.constant 106496 : i32
    %add3A_364 = arith.addi %add3A_363, %mul3A_362 : i32
    %dma_start3A_365 = arith.constant 2048 : i32
    %dma_start3A_366 = tpu.memref_slice %arg16[%dma_start3A_365] : memref<8192xf32, #tpu.memory_space<vmem>> -> memref<512xf32, #tpu.memory_space<vmem>>
    %dma_start3A_367 = tpu.memref_slice %arg15[%add3A_364] : memref<393216xf32, #tpu.memory_space<vmem_shared>> -> memref<512xf32, #tpu.memory_space<vmem_shared>>
    %dma_start3A_368 = arith.constant 2048 : i32
    %dma_start3A_369 = tpu.memref_slice %arg16[%dma_start3A_368] : memref<8192xf32, #tpu.memory_space<vmem>> -> memref<512xf32, #tpu.memory_space<vmem>>
    %dma_start3A_370 = tpu.memref_slice %arg15[%add3A_364] : memref<393216xf32, #tpu.memory_space<vmem_shared>> -> memref<512xf32, #tpu.memory_space<vmem_shared>>
    tpu.enqueue_dma source(%dma_start3A_370 : memref<512xf32, #tpu.memory_space<vmem_shared>>) target(%dma_start3A_369 : memref<512xf32, #tpu.memory_space<vmem>>) target_semaphore(%arg20 : memref<!tpu.dma_semaphore, #tpu.memory_space<semaphore_mem>>)
    %mul3A_371 = arith.constant 512 : i32
    %mul3A_372 = arith.muli %arg1, %mul3A_371 : i32
    %add3A_373 = arith.constant 131072 : i32
    %add3A_374 = arith.addi %add3A_373, %mul3A_372 : i32
    %dma_start3A_375 = arith.constant 2560 : i32
    %dma_start3A_376 = tpu.memref_slice %arg16[%dma_start3A_375] : memref<8192xf32, #tpu.memory_space<vmem>> -> memref<512xf32, #tpu.memory_space<vmem>>
    %dma_start3A_377 = tpu.memref_slice %arg15[%add3A_374] : memref<393216xf32, #tpu.memory_space<vmem_shared>> -> memref<512xf32, #tpu.memory_space<vmem_shared>>
    %dma_start3A_378 = arith.constant 2560 : i32
    %dma_start3A_379 = tpu.memref_slice %arg16[%dma_start3A_378] : memref<8192xf32, #tpu.memory_space<vmem>> -> memref<512xf32, #tpu.memory_space<vmem>>
    %dma_start3A_380 = tpu.memref_slice %arg15[%add3A_374] : memref<393216xf32, #tpu.memory_space<vmem_shared>> -> memref<512xf32, #tpu.memory_space<vmem_shared>>
    tpu.enqueue_dma source(%dma_start3A_380 : memref<512xf32, #tpu.memory_space<vmem_shared>>) target(%dma_start3A_379 : memref<512xf32, #tpu.memory_space<vmem>>) target_semaphore(%arg20 : memref<!tpu.dma_semaphore, #tpu.memory_space<semaphore_mem>>)
    %mul3A_381 = arith.constant 512 : i32
    %mul3A_382 = arith.muli %arg1, %mul3A_381 : i32
    %add3A_383 = arith.constant 155648 : i32
    %add3A_384 = arith.addi %add3A_383, %mul3A_382 : i32
    %dma_start3A_385 = arith.constant 3072 : i32
    %dma_start3A_386 = tpu.memref_slice %arg16[%dma_start3A_385] : memref<8192xf32, #tpu.memory_space<vmem>> -> memref<512xf32, #tpu.memory_space<vmem>>
    %dma_start3A_387 = tpu.memref_slice %arg15[%add3A_384] : memref<393216xf32, #tpu.memory_space<vmem_shared>> -> memref<512xf32, #tpu.memory_space<vmem_shared>>
    %dma_start3A_388 = arith.constant 3072 : i32
    %dma_start3A_389 = tpu.memref_slice %arg16[%dma_start3A_388] : memref<8192xf32, #tpu.memory_space<vmem>> -> memref<512xf32, #tpu.memory_space<vmem>>
    %dma_start3A_390 = tpu.memref_slice %arg15[%add3A_384] : memref<393216xf32, #tpu.memory_space<vmem_shared>> -> memref<512xf32, #tpu.memory_space<vmem_shared>>
    tpu.enqueue_dma source(%dma_start3A_390 : memref<512xf32, #tpu.memory_space<vmem_shared>>) target(%dma_start3A_389 : memref<512xf32, #tpu.memory_space<vmem>>) target_semaphore(%arg20 : memref<!tpu.dma_semaphore, #tpu.memory_space<semaphore_mem>>)
    %mul3A_391 = arith.constant 512 : i32
    %mul3A_392 = arith.muli %arg1, %mul3A_391 : i32
    %add3A_393 = arith.constant 180224 : i32
    %add3A_394 = arith.addi %add3A_393, %mul3A_392 : i32
    %dma_start3A_395 = arith.constant 3584 : i32
    %dma_start3A_396 = tpu.memref_slice %arg16[%dma_start3A_395] : memref<8192xf32, #tpu.memory_space<vmem>> -> memref<512xf32, #tpu.memory_space<vmem>>
    %dma_start3A_397 = tpu.memref_slice %arg15[%add3A_394] : memref<393216xf32, #tpu.memory_space<vmem_shared>> -> memref<512xf32, #tpu.memory_space<vmem_shared>>
    %dma_start3A_398 = arith.constant 3584 : i32
    %dma_start3A_399 = tpu.memref_slice %arg16[%dma_start3A_398] : memref<8192xf32, #tpu.memory_space<vmem>> -> memref<512xf32, #tpu.memory_space<vmem>>
    %dma_start3A_400 = tpu.memref_slice %arg15[%add3A_394] : memref<393216xf32, #tpu.memory_space<vmem_shared>> -> memref<512xf32, #tpu.memory_space<vmem_shared>>
    tpu.enqueue_dma source(%dma_start3A_400 : memref<512xf32, #tpu.memory_space<vmem_shared>>) target(%dma_start3A_399 : memref<512xf32, #tpu.memory_space<vmem>>) target_semaphore(%arg20 : memref<!tpu.dma_semaphore, #tpu.memory_space<semaphore_mem>>)
    %mul3A_401 = arith.constant 512 : i32
    %mul3A_402 = arith.muli %arg1, %mul3A_401 : i32
    %add3A_403 = arith.constant 204800 : i32
    %add3A_404 = arith.addi %add3A_403, %mul3A_402 : i32
    %dma_start3A_405 = arith.constant 4096 : i32
    %dma_start3A_406 = tpu.memref_slice %arg16[%dma_start3A_405] : memref<8192xf32, #tpu.memory_space<vmem>> -> memref<512xf32, #tpu.memory_space<vmem>>
    %dma_start3A_407 = tpu.memref_slice %arg15[%add3A_404] : memref<393216xf32, #tpu.memory_space<vmem_shared>> -> memref<512xf32, #tpu.memory_space<vmem_shared>>
    %dma_start3A_408 = arith.constant 4096 : i32
    %dma_start3A_409 = tpu.memref_slice %arg16[%dma_start3A_408] : memref<8192xf32, #tpu.memory_space<vmem>> -> memref<512xf32, #tpu.memory_space<vmem>>
    %dma_start3A_410 = tpu.memref_slice %arg15[%add3A_404] : memref<393216xf32, #tpu.memory_space<vmem_shared>> -> memref<512xf32, #tpu.memory_space<vmem_shared>>
    tpu.enqueue_dma source(%dma_start3A_410 : memref<512xf32, #tpu.memory_space<vmem_shared>>) target(%dma_start3A_409 : memref<512xf32, #tpu.memory_space<vmem>>) target_semaphore(%arg20 : memref<!tpu.dma_semaphore, #tpu.memory_space<semaphore_mem>>)
    %mul3A_411 = arith.constant 512 : i32
    %mul3A_412 = arith.muli %arg1, %mul3A_411 : i32
    %add3A_413 = arith.constant 229376 : i32
    %add3A_414 = arith.addi %add3A_413, %mul3A_412 : i32
    %dma_start3A_415 = arith.constant 4608 : i32
    %dma_start3A_416 = tpu.memref_slice %arg16[%dma_start3A_415] : memref<8192xf32, #tpu.memory_space<vmem>> -> memref<512xf32, #tpu.memory_space<vmem>>
    %dma_start3A_417 = tpu.memref_slice %arg15[%add3A_414] : memref<393216xf32, #tpu.memory_space<vmem_shared>> -> memref<512xf32, #tpu.memory_space<vmem_shared>>
    %dma_start3A_418 = arith.constant 4608 : i32
    %dma_start3A_419 = tpu.memref_slice %arg16[%dma_start3A_418] : memref<8192xf32, #tpu.memory_space<vmem>> -> memref<512xf32, #tpu.memory_space<vmem>>
    %dma_start3A_420 = tpu.memref_slice %arg15[%add3A_414] : memref<393216xf32, #tpu.memory_space<vmem_shared>> -> memref<512xf32, #tpu.memory_space<vmem_shared>>
    tpu.enqueue_dma source(%dma_start3A_420 : memref<512xf32, #tpu.memory_space<vmem_shared>>) target(%dma_start3A_419 : memref<512xf32, #tpu.memory_space<vmem>>) target_semaphore(%arg20 : memref<!tpu.dma_semaphore, #tpu.memory_space<semaphore_mem>>)
    %mul3A_421 = arith.constant 512 : i32
    %mul3A_422 = arith.muli %arg1, %mul3A_421 : i32
    %add3A_423 = arith.constant 253952 : i32
    %add3A_424 = arith.addi %add3A_423, %mul3A_422 : i32
    %dma_start3A_425 = arith.constant 5120 : i32
    %dma_start3A_426 = tpu.memref_slice %arg16[%dma_start3A_425] : memref<8192xf32, #tpu.memory_space<vmem>> -> memref<512xf32, #tpu.memory_space<vmem>>
    %dma_start3A_427 = tpu.memref_slice %arg15[%add3A_424] : memref<393216xf32, #tpu.memory_space<vmem_shared>> -> memref<512xf32, #tpu.memory_space<vmem_shared>>
    %dma_start3A_428 = arith.constant 5120 : i32
    %dma_start3A_429 = tpu.memref_slice %arg16[%dma_start3A_428] : memref<8192xf32, #tpu.memory_space<vmem>> -> memref<512xf32, #tpu.memory_space<vmem>>
    %dma_start3A_430 = tpu.memref_slice %arg15[%add3A_424] : memref<393216xf32, #tpu.memory_space<vmem_shared>> -> memref<512xf32, #tpu.memory_space<vmem_shared>>
    tpu.enqueue_dma source(%dma_start3A_430 : memref<512xf32, #tpu.memory_space<vmem_shared>>) target(%dma_start3A_429 : memref<512xf32, #tpu.memory_space<vmem>>) target_semaphore(%arg20 : memref<!tpu.dma_semaphore, #tpu.memory_space<semaphore_mem>>)
    %mul3A_431 = arith.constant 512 : i32
    %mul3A_432 = arith.muli %arg1, %mul3A_431 : i32
    %add3A_433 = arith.constant 278528 : i32
    %add3A_434 = arith.addi %add3A_433, %mul3A_432 : i32
    %dma_start3A_435 = arith.constant 5632 : i32
    %dma_start3A_436 = tpu.memref_slice %arg16[%dma_start3A_435] : memref<8192xf32, #tpu.memory_space<vmem>> -> memref<512xf32, #tpu.memory_space<vmem>>
    %dma_start3A_437 = tpu.memref_slice %arg15[%add3A_434] : memref<393216xf32, #tpu.memory_space<vmem_shared>> -> memref<512xf32, #tpu.memory_space<vmem_shared>>
    %dma_start3A_438 = arith.constant 5632 : i32
    %dma_start3A_439 = tpu.memref_slice %arg16[%dma_start3A_438] : memref<8192xf32, #tpu.memory_space<vmem>> -> memref<512xf32, #tpu.memory_space<vmem>>
    %dma_start3A_440 = tpu.memref_slice %arg15[%add3A_434] : memref<393216xf32, #tpu.memory_space<vmem_shared>> -> memref<512xf32, #tpu.memory_space<vmem_shared>>
    tpu.enqueue_dma source(%dma_start3A_440 : memref<512xf32, #tpu.memory_space<vmem_shared>>) target(%dma_start3A_439 : memref<512xf32, #tpu.memory_space<vmem>>) target_semaphore(%arg20 : memref<!tpu.dma_semaphore, #tpu.memory_space<semaphore_mem>>)
    %mul3A_441 = arith.constant 512 : i32
    %mul3A_442 = arith.muli %arg1, %mul3A_441 : i32
    %add3A_443 = arith.constant 303104 : i32
    %add3A_444 = arith.addi %add3A_443, %mul3A_442 : i32
    %dma_start3A_445 = arith.constant 6144 : i32
    %dma_start3A_446 = tpu.memref_slice %arg16[%dma_start3A_445] : memref<8192xf32, #tpu.memory_space<vmem>> -> memref<512xf32, #tpu.memory_space<vmem>>
    %dma_start3A_447 = tpu.memref_slice %arg15[%add3A_444] : memref<393216xf32, #tpu.memory_space<vmem_shared>> -> memref<512xf32, #tpu.memory_space<vmem_shared>>
    %dma_start3A_448 = arith.constant 6144 : i32
    %dma_start3A_449 = tpu.memref_slice %arg16[%dma_start3A_448] : memref<8192xf32, #tpu.memory_space<vmem>> -> memref<512xf32, #tpu.memory_space<vmem>>
    %dma_start3A_450 = tpu.memref_slice %arg15[%add3A_444] : memref<393216xf32, #tpu.memory_space<vmem_shared>> -> memref<512xf32, #tpu.memory_space<vmem_shared>>
    tpu.enqueue_dma source(%dma_start3A_450 : memref<512xf32, #tpu.memory_space<vmem_shared>>) target(%dma_start3A_449 : memref<512xf32, #tpu.memory_space<vmem>>) target_semaphore(%arg20 : memref<!tpu.dma_semaphore, #tpu.memory_space<semaphore_mem>>)
    %mul3A_451 = arith.constant 512 : i32
    %mul3A_452 = arith.muli %arg1, %mul3A_451 : i32
    %add3A_453 = arith.constant 327680 : i32
    %add3A_454 = arith.addi %add3A_453, %mul3A_452 : i32
    %dma_start3A_455 = arith.constant 6656 : i32
    %dma_start3A_456 = tpu.memref_slice %arg16[%dma_start3A_455] : memref<8192xf32, #tpu.memory_space<vmem>> -> memref<512xf32, #tpu.memory_space<vmem>>
    %dma_start3A_457 = tpu.memref_slice %arg15[%add3A_454] : memref<393216xf32, #tpu.memory_space<vmem_shared>> -> memref<512xf32, #tpu.memory_space<vmem_shared>>
    %dma_start3A_458 = arith.constant 6656 : i32
    %dma_start3A_459 = tpu.memref_slice %arg16[%dma_start3A_458] : memref<8192xf32, #tpu.memory_space<vmem>> -> memref<512xf32, #tpu.memory_space<vmem>>
    %dma_start3A_460 = tpu.memref_slice %arg15[%add3A_454] : memref<393216xf32, #tpu.memory_space<vmem_shared>> -> memref<512xf32, #tpu.memory_space<vmem_shared>>
    tpu.enqueue_dma source(%dma_start3A_460 : memref<512xf32, #tpu.memory_space<vmem_shared>>) target(%dma_start3A_459 : memref<512xf32, #tpu.memory_space<vmem>>) target_semaphore(%arg20 : memref<!tpu.dma_semaphore, #tpu.memory_space<semaphore_mem>>)
    %mul3A_461 = arith.constant 512 : i32
    %mul3A_462 = arith.muli %arg1, %mul3A_461 : i32
    %add3A_463 = arith.constant 352256 : i32
    %add3A_464 = arith.addi %add3A_463, %mul3A_462 : i32
    %dma_start3A_465 = arith.constant 7168 : i32
    %dma_start3A_466 = tpu.memref_slice %arg16[%dma_start3A_465] : memref<8192xf32, #tpu.memory_space<vmem>> -> memref<512xf32, #tpu.memory_space<vmem>>
    %dma_start3A_467 = tpu.memref_slice %arg15[%add3A_464] : memref<393216xf32, #tpu.memory_space<vmem_shared>> -> memref<512xf32, #tpu.memory_space<vmem_shared>>
    %dma_start3A_468 = arith.constant 7168 : i32
    %dma_start3A_469 = tpu.memref_slice %arg16[%dma_start3A_468] : memref<8192xf32, #tpu.memory_space<vmem>> -> memref<512xf32, #tpu.memory_space<vmem>>
    %dma_start3A_470 = tpu.memref_slice %arg15[%add3A_464] : memref<393216xf32, #tpu.memory_space<vmem_shared>> -> memref<512xf32, #tpu.memory_space<vmem_shared>>
    tpu.enqueue_dma source(%dma_start3A_470 : memref<512xf32, #tpu.memory_space<vmem_shared>>) target(%dma_start3A_469 : memref<512xf32, #tpu.memory_space<vmem>>) target_semaphore(%arg20 : memref<!tpu.dma_semaphore, #tpu.memory_space<semaphore_mem>>)
    %mul3A_471 = arith.constant 512 : i32
    %mul3A_472 = arith.muli %arg1, %mul3A_471 : i32
    %add3A_473 = arith.constant 376832 : i32
    %add3A_474 = arith.addi %add3A_473, %mul3A_472 : i32
    %dma_start3A_475 = arith.constant 7680 : i32
    %dma_start3A_476 = tpu.memref_slice %arg16[%dma_start3A_475] : memref<8192xf32, #tpu.memory_space<vmem>> -> memref<512xf32, #tpu.memory_space<vmem>>
    %dma_start3A_477 = tpu.memref_slice %arg15[%add3A_474] : memref<393216xf32, #tpu.memory_space<vmem_shared>> -> memref<512xf32, #tpu.memory_space<vmem_shared>>
    %dma_start3A_478 = arith.constant 7680 : i32
    %dma_start3A_479 = tpu.memref_slice %arg16[%dma_start3A_478] : memref<8192xf32, #tpu.memory_space<vmem>> -> memref<512xf32, #tpu.memory_space<vmem>>
    %dma_start3A_480 = tpu.memref_slice %arg15[%add3A_474] : memref<393216xf32, #tpu.memory_space<vmem_shared>> -> memref<512xf32, #tpu.memory_space<vmem_shared>>
    tpu.enqueue_dma source(%dma_start3A_480 : memref<512xf32, #tpu.memory_space<vmem_shared>>) target(%dma_start3A_479 : memref<512xf32, #tpu.memory_space<vmem>>) target_semaphore(%arg20 : memref<!tpu.dma_semaphore, #tpu.memory_space<semaphore_mem>>)
    %dma_wait3A_481 = arith.constant 0 : i32
    %dma_wait3A_482 = tpu.memref_slice %arg16[%dma_wait3A_481] : memref<8192xf32, #tpu.memory_space<vmem>> -> memref<512xf32, #tpu.memory_space<vmem>>
    %dma_wait3A_483 = tpu.memref_slice %arg15[%add3A_324] : memref<393216xf32, #tpu.memory_space<vmem_shared>> -> memref<512xf32, #tpu.memory_space<vmem_shared>>
    %dma_wait3A_484 = arith.constant 0 : i32
    %dma_wait3A_485 = tpu.memref_slice %arg16[%dma_wait3A_484] : memref<8192xf32, #tpu.memory_space<vmem>> -> memref<512xf32, #tpu.memory_space<vmem>>
    %dma_wait3A_486 = tpu.memref_slice %arg15[%add3A_324] : memref<393216xf32, #tpu.memory_space<vmem_shared>> -> memref<512xf32, #tpu.memory_space<vmem_shared>>
    tpu.wait_dma2 semaphore(%arg20 : memref<!tpu.dma_semaphore, #tpu.memory_space<semaphore_mem>>) src(%dma_wait3A_486 : memref<512xf32, #tpu.memory_space<vmem_shared>>) dst(%dma_wait3A_485 : memref<512xf32, #tpu.memory_space<vmem>>)
    %dma_wait3A_487 = arith.constant 512 : i32
    %dma_wait3A_488 = tpu.memref_slice %arg16[%dma_wait3A_487] : memref<8192xf32, #tpu.memory_space<vmem>> -> memref<512xf32, #tpu.memory_space<vmem>>
    %dma_wait3A_489 = tpu.memref_slice %arg15[%add3A_334] : memref<393216xf32, #tpu.memory_space<vmem_shared>> -> memref<512xf32, #tpu.memory_space<vmem_shared>>
    %dma_wait3A_490 = arith.constant 512 : i32
    %dma_wait3A_491 = tpu.memref_slice %arg16[%dma_wait3A_490] : memref<8192xf32, #tpu.memory_space<vmem>> -> memref<512xf32, #tpu.memory_space<vmem>>
    %dma_wait3A_492 = tpu.memref_slice %arg15[%add3A_334] : memref<393216xf32, #tpu.memory_space<vmem_shared>> -> memref<512xf32, #tpu.memory_space<vmem_shared>>
    tpu.wait_dma2 semaphore(%arg20 : memref<!tpu.dma_semaphore, #tpu.memory_space<semaphore_mem>>) src(%dma_wait3A_492 : memref<512xf32, #tpu.memory_space<vmem_shared>>) dst(%dma_wait3A_491 : memref<512xf32, #tpu.memory_space<vmem>>)
    %dma_wait3A_493 = arith.constant 1024 : i32
    %dma_wait3A_494 = tpu.memref_slice %arg16[%dma_wait3A_493] : memref<8192xf32, #tpu.memory_space<vmem>> -> memref<512xf32, #tpu.memory_space<vmem>>
    %dma_wait3A_495 = tpu.memref_slice %arg15[%add3A_344] : memref<393216xf32, #tpu.memory_space<vmem_shared>> -> memref<512xf32, #tpu.memory_space<vmem_shared>>
    %dma_wait3A_496 = arith.constant 1024 : i32
    %dma_wait3A_497 = tpu.memref_slice %arg16[%dma_wait3A_496] : memref<8192xf32, #tpu.memory_space<vmem>> -> memref<512xf32, #tpu.memory_space<vmem>>
    %dma_wait3A_498 = tpu.memref_slice %arg15[%add3A_344] : memref<393216xf32, #tpu.memory_space<vmem_shared>> -> memref<512xf32, #tpu.memory_space<vmem_shared>>
    tpu.wait_dma2 semaphore(%arg20 : memref<!tpu.dma_semaphore, #tpu.memory_space<semaphore_mem>>) src(%dma_wait3A_498 : memref<512xf32, #tpu.memory_space<vmem_shared>>) dst(%dma_wait3A_497 : memref<512xf32, #tpu.memory_space<vmem>>)
    %dma_wait3A_499 = arith.constant 1536 : i32
    %dma_wait3A_500 = tpu.memref_slice %arg16[%dma_wait3A_499] : memref<8192xf32, #tpu.memory_space<vmem>> -> memref<512xf32, #tpu.memory_space<vmem>>
    %dma_wait3A_501 = tpu.memref_slice %arg15[%add3A_354] : memref<393216xf32, #tpu.memory_space<vmem_shared>> -> memref<512xf32, #tpu.memory_space<vmem_shared>>
    %dma_wait3A_502 = arith.constant 1536 : i32
    %dma_wait3A_503 = tpu.memref_slice %arg16[%dma_wait3A_502] : memref<8192xf32, #tpu.memory_space<vmem>> -> memref<512xf32, #tpu.memory_space<vmem>>
    %dma_wait3A_504 = tpu.memref_slice %arg15[%add3A_354] : memref<393216xf32, #tpu.memory_space<vmem_shared>> -> memref<512xf32, #tpu.memory_space<vmem_shared>>
    tpu.wait_dma2 semaphore(%arg20 : memref<!tpu.dma_semaphore, #tpu.memory_space<semaphore_mem>>) src(%dma_wait3A_504 : memref<512xf32, #tpu.memory_space<vmem_shared>>) dst(%dma_wait3A_503 : memref<512xf32, #tpu.memory_space<vmem>>)
    %dma_wait3A_505 = arith.constant 2048 : i32
    %dma_wait3A_506 = tpu.memref_slice %arg16[%dma_wait3A_505] : memref<8192xf32, #tpu.memory_space<vmem>> -> memref<512xf32, #tpu.memory_space<vmem>>
    %dma_wait3A_507 = tpu.memref_slice %arg15[%add3A_364] : memref<393216xf32, #tpu.memory_space<vmem_shared>> -> memref<512xf32, #tpu.memory_space<vmem_shared>>
    %dma_wait3A_508 = arith.constant 2048 : i32
    %dma_wait3A_509 = tpu.memref_slice %arg16[%dma_wait3A_508] : memref<8192xf32, #tpu.memory_space<vmem>> -> memref<512xf32, #tpu.memory_space<vmem>>
    %dma_wait3A_510 = tpu.memref_slice %arg15[%add3A_364] : memref<393216xf32, #tpu.memory_space<vmem_shared>> -> memref<512xf32, #tpu.memory_space<vmem_shared>>
    tpu.wait_dma2 semaphore(%arg20 : memref<!tpu.dma_semaphore, #tpu.memory_space<semaphore_mem>>) src(%dma_wait3A_510 : memref<512xf32, #tpu.memory_space<vmem_shared>>) dst(%dma_wait3A_509 : memref<512xf32, #tpu.memory_space<vmem>>)
    %dma_wait3A_511 = arith.constant 2560 : i32
    %dma_wait3A_512 = tpu.memref_slice %arg16[%dma_wait3A_511] : memref<8192xf32, #tpu.memory_space<vmem>> -> memref<512xf32, #tpu.memory_space<vmem>>
    %dma_wait3A_513 = tpu.memref_slice %arg15[%add3A_374] : memref<393216xf32, #tpu.memory_space<vmem_shared>> -> memref<512xf32, #tpu.memory_space<vmem_shared>>
    %dma_wait3A_514 = arith.constant 2560 : i32
    %dma_wait3A_515 = tpu.memref_slice %arg16[%dma_wait3A_514] : memref<8192xf32, #tpu.memory_space<vmem>> -> memref<512xf32, #tpu.memory_space<vmem>>
    %dma_wait3A_516 = tpu.memref_slice %arg15[%add3A_374] : memref<393216xf32, #tpu.memory_space<vmem_shared>> -> memref<512xf32, #tpu.memory_space<vmem_shared>>
    tpu.wait_dma2 semaphore(%arg20 : memref<!tpu.dma_semaphore, #tpu.memory_space<semaphore_mem>>) src(%dma_wait3A_516 : memref<512xf32, #tpu.memory_space<vmem_shared>>) dst(%dma_wait3A_515 : memref<512xf32, #tpu.memory_space<vmem>>)
    %dma_wait3A_517 = arith.constant 3072 : i32
    %dma_wait3A_518 = tpu.memref_slice %arg16[%dma_wait3A_517] : memref<8192xf32, #tpu.memory_space<vmem>> -> memref<512xf32, #tpu.memory_space<vmem>>
    %dma_wait3A_519 = tpu.memref_slice %arg15[%add3A_384] : memref<393216xf32, #tpu.memory_space<vmem_shared>> -> memref<512xf32, #tpu.memory_space<vmem_shared>>
    %dma_wait3A_520 = arith.constant 3072 : i32
    %dma_wait3A_521 = tpu.memref_slice %arg16[%dma_wait3A_520] : memref<8192xf32, #tpu.memory_space<vmem>> -> memref<512xf32, #tpu.memory_space<vmem>>
    %dma_wait3A_522 = tpu.memref_slice %arg15[%add3A_384] : memref<393216xf32, #tpu.memory_space<vmem_shared>> -> memref<512xf32, #tpu.memory_space<vmem_shared>>
    tpu.wait_dma2 semaphore(%arg20 : memref<!tpu.dma_semaphore, #tpu.memory_space<semaphore_mem>>) src(%dma_wait3A_522 : memref<512xf32, #tpu.memory_space<vmem_shared>>) dst(%dma_wait3A_521 : memref<512xf32, #tpu.memory_space<vmem>>)
    %dma_wait3A_523 = arith.constant 3584 : i32
    %dma_wait3A_524 = tpu.memref_slice %arg16[%dma_wait3A_523] : memref<8192xf32, #tpu.memory_space<vmem>> -> memref<512xf32, #tpu.memory_space<vmem>>
    %dma_wait3A_525 = tpu.memref_slice %arg15[%add3A_394] : memref<393216xf32, #tpu.memory_space<vmem_shared>> -> memref<512xf32, #tpu.memory_space<vmem_shared>>
    %dma_wait3A_526 = arith.constant 3584 : i32
    %dma_wait3A_527 = tpu.memref_slice %arg16[%dma_wait3A_526] : memref<8192xf32, #tpu.memory_space<vmem>> -> memref<512xf32, #tpu.memory_space<vmem>>
    %dma_wait3A_528 = tpu.memref_slice %arg15[%add3A_394] : memref<393216xf32, #tpu.memory_space<vmem_shared>> -> memref<512xf32, #tpu.memory_space<vmem_shared>>
    tpu.wait_dma2 semaphore(%arg20 : memref<!tpu.dma_semaphore, #tpu.memory_space<semaphore_mem>>) src(%dma_wait3A_528 : memref<512xf32, #tpu.memory_space<vmem_shared>>) dst(%dma_wait3A_527 : memref<512xf32, #tpu.memory_space<vmem>>)
    %dma_wait3A_529 = arith.constant 4096 : i32
    %dma_wait3A_530 = tpu.memref_slice %arg16[%dma_wait3A_529] : memref<8192xf32, #tpu.memory_space<vmem>> -> memref<512xf32, #tpu.memory_space<vmem>>
    %dma_wait3A_531 = tpu.memref_slice %arg15[%add3A_404] : memref<393216xf32, #tpu.memory_space<vmem_shared>> -> memref<512xf32, #tpu.memory_space<vmem_shared>>
    %dma_wait3A_532 = arith.constant 4096 : i32
    %dma_wait3A_533 = tpu.memref_slice %arg16[%dma_wait3A_532] : memref<8192xf32, #tpu.memory_space<vmem>> -> memref<512xf32, #tpu.memory_space<vmem>>
    %dma_wait3A_534 = tpu.memref_slice %arg15[%add3A_404] : memref<393216xf32, #tpu.memory_space<vmem_shared>> -> memref<512xf32, #tpu.memory_space<vmem_shared>>
    tpu.wait_dma2 semaphore(%arg20 : memref<!tpu.dma_semaphore, #tpu.memory_space<semaphore_mem>>) src(%dma_wait3A_534 : memref<512xf32, #tpu.memory_space<vmem_shared>>) dst(%dma_wait3A_533 : memref<512xf32, #tpu.memory_space<vmem>>)
    %dma_wait3A_535 = arith.constant 4608 : i32
    %dma_wait3A_536 = tpu.memref_slice %arg16[%dma_wait3A_535] : memref<8192xf32, #tpu.memory_space<vmem>> -> memref<512xf32, #tpu.memory_space<vmem>>
    %dma_wait3A_537 = tpu.memref_slice %arg15[%add3A_414] : memref<393216xf32, #tpu.memory_space<vmem_shared>> -> memref<512xf32, #tpu.memory_space<vmem_shared>>
    %dma_wait3A_538 = arith.constant 4608 : i32
    %dma_wait3A_539 = tpu.memref_slice %arg16[%dma_wait3A_538] : memref<8192xf32, #tpu.memory_space<vmem>> -> memref<512xf32, #tpu.memory_space<vmem>>
    %dma_wait3A_540 = tpu.memref_slice %arg15[%add3A_414] : memref<393216xf32, #tpu.memory_space<vmem_shared>> -> memref<512xf32, #tpu.memory_space<vmem_shared>>
    tpu.wait_dma2 semaphore(%arg20 : memref<!tpu.dma_semaphore, #tpu.memory_space<semaphore_mem>>) src(%dma_wait3A_540 : memref<512xf32, #tpu.memory_space<vmem_shared>>) dst(%dma_wait3A_539 : memref<512xf32, #tpu.memory_space<vmem>>)
    %dma_wait3A_541 = arith.constant 5120 : i32
    %dma_wait3A_542 = tpu.memref_slice %arg16[%dma_wait3A_541] : memref<8192xf32, #tpu.memory_space<vmem>> -> memref<512xf32, #tpu.memory_space<vmem>>
    %dma_wait3A_543 = tpu.memref_slice %arg15[%add3A_424] : memref<393216xf32, #tpu.memory_space<vmem_shared>> -> memref<512xf32, #tpu.memory_space<vmem_shared>>
    %dma_wait3A_544 = arith.constant 5120 : i32
    %dma_wait3A_545 = tpu.memref_slice %arg16[%dma_wait3A_544] : memref<8192xf32, #tpu.memory_space<vmem>> -> memref<512xf32, #tpu.memory_space<vmem>>
    %dma_wait3A_546 = tpu.memref_slice %arg15[%add3A_424] : memref<393216xf32, #tpu.memory_space<vmem_shared>> -> memref<512xf32, #tpu.memory_space<vmem_shared>>
    tpu.wait_dma2 semaphore(%arg20 : memref<!tpu.dma_semaphore, #tpu.memory_space<semaphore_mem>>) src(%dma_wait3A_546 : memref<512xf32, #tpu.memory_space<vmem_shared>>) dst(%dma_wait3A_545 : memref<512xf32, #tpu.memory_space<vmem>>)
    %dma_wait3A_547 = arith.constant 5632 : i32
    %dma_wait3A_548 = tpu.memref_slice %arg16[%dma_wait3A_547] : memref<8192xf32, #tpu.memory_space<vmem>> -> memref<512xf32, #tpu.memory_space<vmem>>
    %dma_wait3A_549 = tpu.memref_slice %arg15[%add3A_434] : memref<393216xf32, #tpu.memory_space<vmem_shared>> -> memref<512xf32, #tpu.memory_space<vmem_shared>>
    %dma_wait3A_550 = arith.constant 5632 : i32
    %dma_wait3A_551 = tpu.memref_slice %arg16[%dma_wait3A_550] : memref<8192xf32, #tpu.memory_space<vmem>> -> memref<512xf32, #tpu.memory_space<vmem>>
    %dma_wait3A_552 = tpu.memref_slice %arg15[%add3A_434] : memref<393216xf32, #tpu.memory_space<vmem_shared>> -> memref<512xf32, #tpu.memory_space<vmem_shared>>
    tpu.wait_dma2 semaphore(%arg20 : memref<!tpu.dma_semaphore, #tpu.memory_space<semaphore_mem>>) src(%dma_wait3A_552 : memref<512xf32, #tpu.memory_space<vmem_shared>>) dst(%dma_wait3A_551 : memref<512xf32, #tpu.memory_space<vmem>>)
    %dma_wait3A_553 = arith.constant 6144 : i32
    %dma_wait3A_554 = tpu.memref_slice %arg16[%dma_wait3A_553] : memref<8192xf32, #tpu.memory_space<vmem>> -> memref<512xf32, #tpu.memory_space<vmem>>
    %dma_wait3A_555 = tpu.memref_slice %arg15[%add3A_444] : memref<393216xf32, #tpu.memory_space<vmem_shared>> -> memref<512xf32, #tpu.memory_space<vmem_shared>>
    %dma_wait3A_556 = arith.constant 6144 : i32
    %dma_wait3A_557 = tpu.memref_slice %arg16[%dma_wait3A_556] : memref<8192xf32, #tpu.memory_space<vmem>> -> memref<512xf32, #tpu.memory_space<vmem>>
    %dma_wait3A_558 = tpu.memref_slice %arg15[%add3A_444] : memref<393216xf32, #tpu.memory_space<vmem_shared>> -> memref<512xf32, #tpu.memory_space<vmem_shared>>
    tpu.wait_dma2 semaphore(%arg20 : memref<!tpu.dma_semaphore, #tpu.memory_space<semaphore_mem>>) src(%dma_wait3A_558 : memref<512xf32, #tpu.memory_space<vmem_shared>>) dst(%dma_wait3A_557 : memref<512xf32, #tpu.memory_space<vmem>>)
    %dma_wait3A_559 = arith.constant 6656 : i32
    %dma_wait3A_560 = tpu.memref_slice %arg16[%dma_wait3A_559] : memref<8192xf32, #tpu.memory_space<vmem>> -> memref<512xf32, #tpu.memory_space<vmem>>
    %dma_wait3A_561 = tpu.memref_slice %arg15[%add3A_454] : memref<393216xf32, #tpu.memory_space<vmem_shared>> -> memref<512xf32, #tpu.memory_space<vmem_shared>>
    %dma_wait3A_562 = arith.constant 6656 : i32
    %dma_wait3A_563 = tpu.memref_slice %arg16[%dma_wait3A_562] : memref<8192xf32, #tpu.memory_space<vmem>> -> memref<512xf32, #tpu.memory_space<vmem>>
    %dma_wait3A_564 = tpu.memref_slice %arg15[%add3A_454] : memref<393216xf32, #tpu.memory_space<vmem_shared>> -> memref<512xf32, #tpu.memory_space<vmem_shared>>
    tpu.wait_dma2 semaphore(%arg20 : memref<!tpu.dma_semaphore, #tpu.memory_space<semaphore_mem>>) src(%dma_wait3A_564 : memref<512xf32, #tpu.memory_space<vmem_shared>>) dst(%dma_wait3A_563 : memref<512xf32, #tpu.memory_space<vmem>>)
    %dma_wait3A_565 = arith.constant 7168 : i32
    %dma_wait3A_566 = tpu.memref_slice %arg16[%dma_wait3A_565] : memref<8192xf32, #tpu.memory_space<vmem>> -> memref<512xf32, #tpu.memory_space<vmem>>
    %dma_wait3A_567 = tpu.memref_slice %arg15[%add3A_464] : memref<393216xf32, #tpu.memory_space<vmem_shared>> -> memref<512xf32, #tpu.memory_space<vmem_shared>>
    %dma_wait3A_568 = arith.constant 7168 : i32
    %dma_wait3A_569 = tpu.memref_slice %arg16[%dma_wait3A_568] : memref<8192xf32, #tpu.memory_space<vmem>> -> memref<512xf32, #tpu.memory_space<vmem>>
    %dma_wait3A_570 = tpu.memref_slice %arg15[%add3A_464] : memref<393216xf32, #tpu.memory_space<vmem_shared>> -> memref<512xf32, #tpu.memory_space<vmem_shared>>
    tpu.wait_dma2 semaphore(%arg20 : memref<!tpu.dma_semaphore, #tpu.memory_space<semaphore_mem>>) src(%dma_wait3A_570 : memref<512xf32, #tpu.memory_space<vmem_shared>>) dst(%dma_wait3A_569 : memref<512xf32, #tpu.memory_space<vmem>>)
    %dma_wait3A_571 = arith.constant 7680 : i32
    %dma_wait3A_572 = tpu.memref_slice %arg16[%dma_wait3A_571] : memref<8192xf32, #tpu.memory_space<vmem>> -> memref<512xf32, #tpu.memory_space<vmem>>
    %dma_wait3A_573 = tpu.memref_slice %arg15[%add3A_474] : memref<393216xf32, #tpu.memory_space<vmem_shared>> -> memref<512xf32, #tpu.memory_space<vmem_shared>>
    %dma_wait3A_574 = arith.constant 7680 : i32
    %dma_wait3A_575 = tpu.memref_slice %arg16[%dma_wait3A_574] : memref<8192xf32, #tpu.memory_space<vmem>> -> memref<512xf32, #tpu.memory_space<vmem>>
    %dma_wait3A_576 = tpu.memref_slice %arg15[%add3A_474] : memref<393216xf32, #tpu.memory_space<vmem_shared>> -> memref<512xf32, #tpu.memory_space<vmem_shared>>
    tpu.wait_dma2 semaphore(%arg20 : memref<!tpu.dma_semaphore, #tpu.memory_space<semaphore_mem>>) src(%dma_wait3A_576 : memref<512xf32, #tpu.memory_space<vmem_shared>>) dst(%dma_wait3A_575 : memref<512xf32, #tpu.memory_space<vmem>>)
    %scan3A_577 = arith.constant 0 : i32
    %scan3A_578 = arith.constant 32 : i32
    %scan3A_579 = arith.addi %scan3A_577, %scan3A_578 : i32
    %scan3A_580 = arith.constant 1 : i32
    scf.for %scan3A_861 = %scan3A_577 to %scan3A_579 step %scan3A_580  : i32 {
      %mul3A_862 = arith.constant 1 : i32
      %mul3A_863 = arith.muli %scan3A_861, %mul3A_862 : i32
      %add3A_864 = arith.constant 0 : i32
      %add3A_865 = arith.addi %add3A_864, %mul3A_863 : i32
      %mul3A_866 = arith.constant 16 : i32
      %mul3A_867 = arith.muli %add3A_865, %mul3A_866 : i32
      %add3A_868 = arith.constant 0 : i32
      %add3A_869 = arith.addi %add3A_868, %mul3A_867 : i32
      %get3A = arith.index_cast %add3A_869 : i32 to index
      %get3A_870 = tpu.vector_load %arg16[%get3A] {strides = array<i32>} : memref<8192xf32, #tpu.memory_space<vmem>>, vector<16xf32>,
      %mul3A_871 = arith.constant 16 : i32
      %mul3A_872 = arith.muli %add3A_865, %mul3A_871 : i32
      %add3A_873 = arith.constant 512 : i32
      %add3A_874 = arith.addi %add3A_873, %mul3A_872 : i32
      %get3A_875 = arith.index_cast %add3A_874 : i32 to index
      %get3A_876 = tpu.vector_load %arg16[%get3A_875] {strides = array<i32>} : memref<8192xf32, #tpu.memory_space<vmem>>, vector<16xf32>,
      %add3A_877 = arith.addf %get3A_870, %get3A_876 : vector<16xf32>
      %mul3A_878 = arith.constant 16 : i32
      %mul3A_879 = arith.muli %add3A_865, %mul3A_878 : i32
      %add3A_880 = arith.constant 1024 : i32
      %add3A_881 = arith.addi %add3A_880, %mul3A_879 : i32
      %get3A_882 = arith.index_cast %add3A_881 : i32 to index
      %get3A_883 = tpu.vector_load %arg16[%get3A_882] {strides = array<i32>} : memref<8192xf32, #tpu.memory_space<vmem>>, vector<16xf32>,
      %add3A_884 = arith.addf %add3A_877, %get3A_883 : vector<16xf32>
      %mul3A_885 = arith.constant 16 : i32
      %mul3A_886 = arith.muli %add3A_865, %mul3A_885 : i32
      %add3A_887 = arith.constant 1536 : i32
      %add3A_888 = arith.addi %add3A_887, %mul3A_886 : i32
      %get3A_889 = arith.index_cast %add3A_888 : i32 to index
      %get3A_890 = tpu.vector_load %arg16[%get3A_889] {strides = array<i32>} : memref<8192xf32, #tpu.memory_space<vmem>>, vector<16xf32>,
      %add3A_891 = arith.addf %add3A_884, %get3A_890 : vector<16xf32>
      %mul3A_892 = arith.constant 16 : i32
      %mul3A_893 = arith.muli %add3A_865, %mul3A_892 : i32
      %add3A_894 = arith.constant 2048 : i32
      %add3A_895 = arith.addi %add3A_894, %mul3A_893 : i32
      %get3A_896 = arith.index_cast %add3A_895 : i32 to index
      %get3A_897 = tpu.vector_load %arg16[%get3A_896] {strides = array<i32>} : memref<8192xf32, #tpu.memory_space<vmem>>, vector<16xf32>,
      %add3A_898 = arith.addf %add3A_891, %get3A_897 : vector<16xf32>
      %mul3A_899 = arith.constant 16 : i32
      %mul3A_900 = arith.muli %add3A_865, %mul3A_899 : i32
      %add3A_901 = arith.constant 2560 : i32
      %add3A_902 = arith.addi %add3A_901, %mul3A_900 : i32
      %get3A_903 = arith.index_cast %add3A_902 : i32 to index
      %get3A_904 = tpu.vector_load %arg16[%get3A_903] {strides = array<i32>} : memref<8192xf32, #tpu.memory_space<vmem>>, vector<16xf32>,
      %add3A_905 = arith.addf %add3A_898, %get3A_904 : vector<16xf32>
      %mul3A_906 = arith.constant 16 : i32
      %mul3A_907 = arith.muli %add3A_865, %mul3A_906 : i32
      %add3A_908 = arith.constant 3072 : i32
      %add3A_909 = arith.addi %add3A_908, %mul3A_907 : i32
      %get3A_910 = arith.index_cast %add3A_909 : i32 to index
      %get3A_911 = tpu.vector_load %arg16[%get3A_910] {strides = array<i32>} : memref<8192xf32, #tpu.memory_space<vmem>>, vector<16xf32>,
      %add3A_912 = arith.addf %add3A_905, %get3A_911 : vector<16xf32>
      %mul3A_913 = arith.constant 16 : i32
      %mul3A_914 = arith.muli %add3A_865, %mul3A_913 : i32
      %add3A_915 = arith.constant 3584 : i32
      %add3A_916 = arith.addi %add3A_915, %mul3A_914 : i32
      %get3A_917 = arith.index_cast %add3A_916 : i32 to index
      %get3A_918 = tpu.vector_load %arg16[%get3A_917] {strides = array<i32>} : memref<8192xf32, #tpu.memory_space<vmem>>, vector<16xf32>,
      %add3A_919 = arith.addf %add3A_912, %get3A_918 : vector<16xf32>
      %mul3A_920 = arith.constant 16 : i32
      %mul3A_921 = arith.muli %add3A_865, %mul3A_920 : i32
      %add3A_922 = arith.constant 4096 : i32
      %add3A_923 = arith.addi %add3A_922, %mul3A_921 : i32
      %get3A_924 = arith.index_cast %add3A_923 : i32 to index
      %get3A_925 = tpu.vector_load %arg16[%get3A_924] {strides = array<i32>} : memref<8192xf32, #tpu.memory_space<vmem>>, vector<16xf32>,
      %add3A_926 = arith.addf %add3A_919, %get3A_925 : vector<16xf32>
      %mul3A_927 = arith.constant 16 : i32
      %mul3A_928 = arith.muli %add3A_865, %mul3A_927 : i32
      %add3A_929 = arith.constant 4608 : i32
      %add3A_930 = arith.addi %add3A_929, %mul3A_928 : i32
      %get3A_931 = arith.index_cast %add3A_930 : i32 to index
      %get3A_932 = tpu.vector_load %arg16[%get3A_931] {strides = array<i32>} : memref<8192xf32, #tpu.memory_space<vmem>>, vector<16xf32>,
      %add3A_933 = arith.addf %add3A_926, %get3A_932 : vector<16xf32>
      %mul3A_934 = arith.constant 16 : i32
      %mul3A_935 = arith.muli %add3A_865, %mul3A_934 : i32
      %add3A_936 = arith.constant 5120 : i32
      %add3A_937 = arith.addi %add3A_936, %mul3A_935 : i32
      %get3A_938 = arith.index_cast %add3A_937 : i32 to index
      %get3A_939 = tpu.vector_load %arg16[%get3A_938] {strides = array<i32>} : memref<8192xf32, #tpu.memory_space<vmem>>, vector<16xf32>,
      %add3A_940 = arith.addf %add3A_933, %get3A_939 : vector<16xf32>
      %mul3A_941 = arith.constant 16 : i32
      %mul3A_942 = arith.muli %add3A_865, %mul3A_941 : i32
      %add3A_943 = arith.constant 5632 : i32
      %add3A_944 = arith.addi %add3A_943, %mul3A_942 : i32
      %get3A_945 = arith.index_cast %add3A_944 : i32 to index
      %get3A_946 = tpu.vector_load %arg16[%get3A_945] {strides = array<i32>} : memref<8192xf32, #tpu.memory_space<vmem>>, vector<16xf32>,
      %add3A_947 = arith.addf %add3A_940, %get3A_946 : vector<16xf32>
      %mul3A_948 = arith.constant 16 : i32
      %mul3A_949 = arith.muli %add3A_865, %mul3A_948 : i32
      %add3A_950 = arith.constant 6144 : i32
      %add3A_951 = arith.addi %add3A_950, %mul3A_949 : i32
      %get3A_952 = arith.index_cast %add3A_951 : i32 to index
      %get3A_953 = tpu.vector_load %arg16[%get3A_952] {strides = array<i32>} : memref<8192xf32, #tpu.memory_space<vmem>>, vector<16xf32>,
      %add3A_954 = arith.addf %add3A_947, %get3A_953 : vector<16xf32>
      %mul3A_955 = arith.constant 16 : i32
      %mul3A_956 = arith.muli %add3A_865, %mul3A_955 : i32
      %add3A_957 = arith.constant 6656 : i32
      %add3A_958 = arith.addi %add3A_957, %mul3A_956 : i32
      %get3A_959 = arith.index_cast %add3A_958 : i32 to index
      %get3A_960 = tpu.vector_load %arg16[%get3A_959] {strides = array<i32>} : memref<8192xf32, #tpu.memory_space<vmem>>, vector<16xf32>,
      %add3A_961 = arith.addf %add3A_954, %get3A_960 : vector<16xf32>
      %mul3A_962 = arith.constant 16 : i32
      %mul3A_963 = arith.muli %add3A_865, %mul3A_962 : i32
      %add3A_964 = arith.constant 7168 : i32
      %add3A_965 = arith.addi %add3A_964, %mul3A_963 : i32
      %get3A_966 = arith.index_cast %add3A_965 : i32 to index
      %get3A_967 = tpu.vector_load %arg16[%get3A_966] {strides = array<i32>} : memref<8192xf32, #tpu.memory_space<vmem>>, vector<16xf32>,
      %add3A_968 = arith.addf %add3A_961, %get3A_967 : vector<16xf32>
      %mul3A_969 = arith.constant 16 : i32
      %mul3A_970 = arith.muli %add3A_865, %mul3A_969 : i32
      %add3A_971 = arith.constant 7680 : i32
      %add3A_972 = arith.addi %add3A_971, %mul3A_970 : i32
      %get3A_973 = arith.index_cast %add3A_972 : i32 to index
      %get3A_974 = tpu.vector_load %arg16[%get3A_973] {strides = array<i32>} : memref<8192xf32, #tpu.memory_space<vmem>>, vector<16xf32>,
      %add3A_975 = arith.addf %add3A_968, %get3A_974 : vector<16xf32>
      %mul3A_976 = arith.constant 16 : i32
      %mul3A_977 = arith.muli %add3A_865, %mul3A_976 : i32
      %swap3A = arith.index_cast %mul3A_977 : i32 to index
      %swap3A_978 = tpu.vector_load %arg18[%swap3A] {strides = array<i32>} : memref<512xf32, #tpu.memory_space<vmem>>, vector<16xf32>,
      tpu.vector_store %arg18[%swap3A], %add3A_975 {strides = array<i32>} : memref<512xf32, #tpu.memory_space<vmem>>, vector<16xf32>,
    }
    %scan3A_581 = arith.constant 32 : i32
    %mul3A_582 = arith.constant 3 : i32
    %mul3A_583 = arith.muli %arg0, %mul3A_582 : i32
    %mul3A_584 = arith.constant 8192 : i32
    %mul3A_585 = arith.muli %mul3A_583, %mul3A_584 : i32
    %add3A_586 = arith.constant 8192 : i32
    %add3A_587 = arith.addi %mul3A_585, %add3A_586 : i32
    %mul3A_588 = arith.constant 512 : i32
    %mul3A_589 = arith.muli %arg1, %mul3A_588 : i32
    %add3A_590 = arith.addi %add3A_587, %mul3A_589 : i32
    "tpu.region"() ({
      %run_scoped3A = tpu.sem_alloc : memref<!tpu.dma_semaphore, #tpu.memory_space<semaphore_mem>>
      %dma_start3A_861 = tpu.memref_slice %arg7[%add3A_590] : memref<49152xf32, #tpu.memory_space<hbm>> -> memref<512xf32, #tpu.memory_space<hbm>>
      %dma_start3A_862 = tpu.memref_slice %arg7[%add3A_590] : memref<49152xf32, #tpu.memory_space<hbm>> -> memref<512xf32, #tpu.memory_space<hbm>>
      tpu.enqueue_dma source(%arg18 : memref<512xf32, #tpu.memory_space<vmem>>) target(%dma_start3A_862 : memref<512xf32, #tpu.memory_space<hbm>>) target_semaphore(%run_scoped3A : memref<!tpu.dma_semaphore, #tpu.memory_space<semaphore_mem>>)
      %dma_wait3A_863 = tpu.memref_slice %arg7[%add3A_590] : memref<49152xf32, #tpu.memory_space<hbm>> -> memref<512xf32, #tpu.memory_space<hbm>>
      %dma_wait3A_864 = tpu.memref_slice %arg7[%add3A_590] : memref<49152xf32, #tpu.memory_space<hbm>> -> memref<512xf32, #tpu.memory_space<hbm>>
      tpu.wait_dma2 semaphore(%run_scoped3A : memref<!tpu.dma_semaphore, #tpu.memory_space<semaphore_mem>>) src(%arg18 : memref<512xf32, #tpu.memory_space<vmem>>) dst(%dma_wait3A_864 : memref<512xf32, #tpu.memory_space<hbm>>)
      tpu.yield
    }) : () -> ()
    %mul3A_591 = arith.constant 512 : i32
    %mul3A_592 = arith.muli %arg1, %mul3A_591 : i32
    %add3A_593 = arith.constant 16384 : i32
    %add3A_594 = arith.addi %add3A_593, %mul3A_592 : i32
    %dma_start3A_595 = arith.constant 0 : i32
    %dma_start3A_596 = tpu.memref_slice %arg16[%dma_start3A_595] : memref<8192xf32, #tpu.memory_space<vmem>> -> memref<512xf32, #tpu.memory_space<vmem>>
    %dma_start3A_597 = tpu.memref_slice %arg15[%add3A_594] : memref<393216xf32, #tpu.memory_space<vmem_shared>> -> memref<512xf32, #tpu.memory_space<vmem_shared>>
    %dma_start3A_598 = arith.constant 0 : i32
    %dma_start3A_599 = tpu.memref_slice %arg16[%dma_start3A_598] : memref<8192xf32, #tpu.memory_space<vmem>> -> memref<512xf32, #tpu.memory_space<vmem>>
    %dma_start3A_600 = tpu.memref_slice %arg15[%add3A_594] : memref<393216xf32, #tpu.memory_space<vmem_shared>> -> memref<512xf32, #tpu.memory_space<vmem_shared>>
    tpu.enqueue_dma source(%dma_start3A_600 : memref<512xf32, #tpu.memory_space<vmem_shared>>) target(%dma_start3A_599 : memref<512xf32, #tpu.memory_space<vmem>>) target_semaphore(%arg20 : memref<!tpu.dma_semaphore, #tpu.memory_space<semaphore_mem>>)
    %mul3A_601 = arith.constant 512 : i32
    %mul3A_602 = arith.muli %arg1, %mul3A_601 : i32
    %add3A_603 = arith.constant 40960 : i32
    %add3A_604 = arith.addi %add3A_603, %mul3A_602 : i32
    %dma_start3A_605 = arith.constant 512 : i32
    %dma_start3A_606 = tpu.memref_slice %arg16[%dma_start3A_605] : memref<8192xf32, #tpu.memory_space<vmem>> -> memref<512xf32, #tpu.memory_space<vmem>>
    %dma_start3A_607 = tpu.memref_slice %arg15[%add3A_604] : memref<393216xf32, #tpu.memory_space<vmem_shared>> -> memref<512xf32, #tpu.memory_space<vmem_shared>>
    %dma_start3A_608 = arith.constant 512 : i32
    %dma_start3A_609 = tpu.memref_slice %arg16[%dma_start3A_608] : memref<8192xf32, #tpu.memory_space<vmem>> -> memref<512xf32, #tpu.memory_space<vmem>>
    %dma_start3A_610 = tpu.memref_slice %arg15[%add3A_604] : memref<393216xf32, #tpu.memory_space<vmem_shared>> -> memref<512xf32, #tpu.memory_space<vmem_shared>>
    tpu.enqueue_dma source(%dma_start3A_610 : memref<512xf32, #tpu.memory_space<vmem_shared>>) target(%dma_start3A_609 : memref<512xf32, #tpu.memory_space<vmem>>) target_semaphore(%arg20 : memref<!tpu.dma_semaphore, #tpu.memory_space<semaphore_mem>>)
    %mul3A_611 = arith.constant 512 : i32
    %mul3A_612 = arith.muli %arg1, %mul3A_611 : i32
    %add3A_613 = arith.constant 65536 : i32
    %add3A_614 = arith.addi %add3A_613, %mul3A_612 : i32
    %dma_start3A_615 = arith.constant 1024 : i32
    %dma_start3A_616 = tpu.memref_slice %arg16[%dma_start3A_615] : memref<8192xf32, #tpu.memory_space<vmem>> -> memref<512xf32, #tpu.memory_space<vmem>>
    %dma_start3A_617 = tpu.memref_slice %arg15[%add3A_614] : memref<393216xf32, #tpu.memory_space<vmem_shared>> -> memref<512xf32, #tpu.memory_space<vmem_shared>>
    %dma_start3A_618 = arith.constant 1024 : i32
    %dma_start3A_619 = tpu.memref_slice %arg16[%dma_start3A_618] : memref<8192xf32, #tpu.memory_space<vmem>> -> memref<512xf32, #tpu.memory_space<vmem>>
    %dma_start3A_620 = tpu.memref_slice %arg15[%add3A_614] : memref<393216xf32, #tpu.memory_space<vmem_shared>> -> memref<512xf32, #tpu.memory_space<vmem_shared>>
    tpu.enqueue_dma source(%dma_start3A_620 : memref<512xf32, #tpu.memory_space<vmem_shared>>) target(%dma_start3A_619 : memref<512xf32, #tpu.memory_space<vmem>>) target_semaphore(%arg20 : memref<!tpu.dma_semaphore, #tpu.memory_space<semaphore_mem>>)
    %mul3A_621 = arith.constant 512 : i32
    %mul3A_622 = arith.muli %arg1, %mul3A_621 : i32
    %add3A_623 = arith.constant 90112 : i32
    %add3A_624 = arith.addi %add3A_623, %mul3A_622 : i32
    %dma_start3A_625 = arith.constant 1536 : i32
    %dma_start3A_626 = tpu.memref_slice %arg16[%dma_start3A_625] : memref<8192xf32, #tpu.memory_space<vmem>> -> memref<512xf32, #tpu.memory_space<vmem>>
    %dma_start3A_627 = tpu.memref_slice %arg15[%add3A_624] : memref<393216xf32, #tpu.memory_space<vmem_shared>> -> memref<512xf32, #tpu.memory_space<vmem_shared>>
    %dma_start3A_628 = arith.constant 1536 : i32
    %dma_start3A_629 = tpu.memref_slice %arg16[%dma_start3A_628] : memref<8192xf32, #tpu.memory_space<vmem>> -> memref<512xf32, #tpu.memory_space<vmem>>
    %dma_start3A_630 = tpu.memref_slice %arg15[%add3A_624] : memref<393216xf32, #tpu.memory_space<vmem_shared>> -> memref<512xf32, #tpu.memory_space<vmem_shared>>
    tpu.enqueue_dma source(%dma_start3A_630 : memref<512xf32, #tpu.memory_space<vmem_shared>>) target(%dma_start3A_629 : memref<512xf32, #tpu.memory_space<vmem>>) target_semaphore(%arg20 : memref<!tpu.dma_semaphore, #tpu.memory_space<semaphore_mem>>)
    %mul3A_631 = arith.constant 512 : i32
    %mul3A_632 = arith.muli %arg1, %mul3A_631 : i32
    %add3A_633 = arith.constant 114688 : i32
    %add3A_634 = arith.addi %add3A_633, %mul3A_632 : i32
    %dma_start3A_635 = arith.constant 2048 : i32
    %dma_start3A_636 = tpu.memref_slice %arg16[%dma_start3A_635] : memref<8192xf32, #tpu.memory_space<vmem>> -> memref<512xf32, #tpu.memory_space<vmem>>
    %dma_start3A_637 = tpu.memref_slice %arg15[%add3A_634] : memref<393216xf32, #tpu.memory_space<vmem_shared>> -> memref<512xf32, #tpu.memory_space<vmem_shared>>
    %dma_start3A_638 = arith.constant 2048 : i32
    %dma_start3A_639 = tpu.memref_slice %arg16[%dma_start3A_638] : memref<8192xf32, #tpu.memory_space<vmem>> -> memref<512xf32, #tpu.memory_space<vmem>>
    %dma_start3A_640 = tpu.memref_slice %arg15[%add3A_634] : memref<393216xf32, #tpu.memory_space<vmem_shared>> -> memref<512xf32, #tpu.memory_space<vmem_shared>>
    tpu.enqueue_dma source(%dma_start3A_640 : memref<512xf32, #tpu.memory_space<vmem_shared>>) target(%dma_start3A_639 : memref<512xf32, #tpu.memory_space<vmem>>) target_semaphore(%arg20 : memref<!tpu.dma_semaphore, #tpu.memory_space<semaphore_mem>>)
    %mul3A_641 = arith.constant 512 : i32
    %mul3A_642 = arith.muli %arg1, %mul3A_641 : i32
    %add3A_643 = arith.constant 139264 : i32
    %add3A_644 = arith.addi %add3A_643, %mul3A_642 : i32
    %dma_start3A_645 = arith.constant 2560 : i32
    %dma_start3A_646 = tpu.memref_slice %arg16[%dma_start3A_645] : memref<8192xf32, #tpu.memory_space<vmem>> -> memref<512xf32, #tpu.memory_space<vmem>>
    %dma_start3A_647 = tpu.memref_slice %arg15[%add3A_644] : memref<393216xf32, #tpu.memory_space<vmem_shared>> -> memref<512xf32, #tpu.memory_space<vmem_shared>>
    %dma_start3A_648 = arith.constant 2560 : i32
    %dma_start3A_649 = tpu.memref_slice %arg16[%dma_start3A_648] : memref<8192xf32, #tpu.memory_space<vmem>> -> memref<512xf32, #tpu.memory_space<vmem>>
    %dma_start3A_650 = tpu.memref_slice %arg15[%add3A_644] : memref<393216xf32, #tpu.memory_space<vmem_shared>> -> memref<512xf32, #tpu.memory_space<vmem_shared>>
    tpu.enqueue_dma source(%dma_start3A_650 : memref<512xf32, #tpu.memory_space<vmem_shared>>) target(%dma_start3A_649 : memref<512xf32, #tpu.memory_space<vmem>>) target_semaphore(%arg20 : memref<!tpu.dma_semaphore, #tpu.memory_space<semaphore_mem>>)
    %mul3A_651 = arith.constant 512 : i32
    %mul3A_652 = arith.muli %arg1, %mul3A_651 : i32
    %add3A_653 = arith.constant 163840 : i32
    %add3A_654 = arith.addi %add3A_653, %mul3A_652 : i32
    %dma_start3A_655 = arith.constant 3072 : i32
    %dma_start3A_656 = tpu.memref_slice %arg16[%dma_start3A_655] : memref<8192xf32, #tpu.memory_space<vmem>> -> memref<512xf32, #tpu.memory_space<vmem>>
    %dma_start3A_657 = tpu.memref_slice %arg15[%add3A_654] : memref<393216xf32, #tpu.memory_space<vmem_shared>> -> memref<512xf32, #tpu.memory_space<vmem_shared>>
    %dma_start3A_658 = arith.constant 3072 : i32
    %dma_start3A_659 = tpu.memref_slice %arg16[%dma_start3A_658] : memref<8192xf32, #tpu.memory_space<vmem>> -> memref<512xf32, #tpu.memory_space<vmem>>
    %dma_start3A_660 = tpu.memref_slice %arg15[%add3A_654] : memref<393216xf32, #tpu.memory_space<vmem_shared>> -> memref<512xf32, #tpu.memory_space<vmem_shared>>
    tpu.enqueue_dma source(%dma_start3A_660 : memref<512xf32, #tpu.memory_space<vmem_shared>>) target(%dma_start3A_659 : memref<512xf32, #tpu.memory_space<vmem>>) target_semaphore(%arg20 : memref<!tpu.dma_semaphore, #tpu.memory_space<semaphore_mem>>)
    %mul3A_661 = arith.constant 512 : i32
    %mul3A_662 = arith.muli %arg1, %mul3A_661 : i32
    %add3A_663 = arith.constant 188416 : i32
    %add3A_664 = arith.addi %add3A_663, %mul3A_662 : i32
    %dma_start3A_665 = arith.constant 3584 : i32
    %dma_start3A_666 = tpu.memref_slice %arg16[%dma_start3A_665] : memref<8192xf32, #tpu.memory_space<vmem>> -> memref<512xf32, #tpu.memory_space<vmem>>
    %dma_start3A_667 = tpu.memref_slice %arg15[%add3A_664] : memref<393216xf32, #tpu.memory_space<vmem_shared>> -> memref<512xf32, #tpu.memory_space<vmem_shared>>
    %dma_start3A_668 = arith.constant 3584 : i32
    %dma_start3A_669 = tpu.memref_slice %arg16[%dma_start3A_668] : memref<8192xf32, #tpu.memory_space<vmem>> -> memref<512xf32, #tpu.memory_space<vmem>>
    %dma_start3A_670 = tpu.memref_slice %arg15[%add3A_664] : memref<393216xf32, #tpu.memory_space<vmem_shared>> -> memref<512xf32, #tpu.memory_space<vmem_shared>>
    tpu.enqueue_dma source(%dma_start3A_670 : memref<512xf32, #tpu.memory_space<vmem_shared>>) target(%dma_start3A_669 : memref<512xf32, #tpu.memory_space<vmem>>) target_semaphore(%arg20 : memref<!tpu.dma_semaphore, #tpu.memory_space<semaphore_mem>>)
    %mul3A_671 = arith.constant 512 : i32
    %mul3A_672 = arith.muli %arg1, %mul3A_671 : i32
    %add3A_673 = arith.constant 212992 : i32
    %add3A_674 = arith.addi %add3A_673, %mul3A_672 : i32
    %dma_start3A_675 = arith.constant 4096 : i32
    %dma_start3A_676 = tpu.memref_slice %arg16[%dma_start3A_675] : memref<8192xf32, #tpu.memory_space<vmem>> -> memref<512xf32, #tpu.memory_space<vmem>>
    %dma_start3A_677 = tpu.memref_slice %arg15[%add3A_674] : memref<393216xf32, #tpu.memory_space<vmem_shared>> -> memref<512xf32, #tpu.memory_space<vmem_shared>>
    %dma_start3A_678 = arith.constant 4096 : i32
    %dma_start3A_679 = tpu.memref_slice %arg16[%dma_start3A_678] : memref<8192xf32, #tpu.memory_space<vmem>> -> memref<512xf32, #tpu.memory_space<vmem>>
    %dma_start3A_680 = tpu.memref_slice %arg15[%add3A_674] : memref<393216xf32, #tpu.memory_space<vmem_shared>> -> memref<512xf32, #tpu.memory_space<vmem_shared>>
    tpu.enqueue_dma source(%dma_start3A_680 : memref<512xf32, #tpu.memory_space<vmem_shared>>) target(%dma_start3A_679 : memref<512xf32, #tpu.memory_space<vmem>>) target_semaphore(%arg20 : memref<!tpu.dma_semaphore, #tpu.memory_space<semaphore_mem>>)
    %mul3A_681 = arith.constant 512 : i32
    %mul3A_682 = arith.muli %arg1, %mul3A_681 : i32
    %add3A_683 = arith.constant 237568 : i32
    %add3A_684 = arith.addi %add3A_683, %mul3A_682 : i32
    %dma_start3A_685 = arith.constant 4608 : i32
    %dma_start3A_686 = tpu.memref_slice %arg16[%dma_start3A_685] : memref<8192xf32, #tpu.memory_space<vmem>> -> memref<512xf32, #tpu.memory_space<vmem>>
    %dma_start3A_687 = tpu.memref_slice %arg15[%add3A_684] : memref<393216xf32, #tpu.memory_space<vmem_shared>> -> memref<512xf32, #tpu.memory_space<vmem_shared>>
    %dma_start3A_688 = arith.constant 4608 : i32
    %dma_start3A_689 = tpu.memref_slice %arg16[%dma_start3A_688] : memref<8192xf32, #tpu.memory_space<vmem>> -> memref<512xf32, #tpu.memory_space<vmem>>
    %dma_start3A_690 = tpu.memref_slice %arg15[%add3A_684] : memref<393216xf32, #tpu.memory_space<vmem_shared>> -> memref<512xf32, #tpu.memory_space<vmem_shared>>
    tpu.enqueue_dma source(%dma_start3A_690 : memref<512xf32, #tpu.memory_space<vmem_shared>>) target(%dma_start3A_689 : memref<512xf32, #tpu.memory_space<vmem>>) target_semaphore(%arg20 : memref<!tpu.dma_semaphore, #tpu.memory_space<semaphore_mem>>)
    %mul3A_691 = arith.constant 512 : i32
    %mul3A_692 = arith.muli %arg1, %mul3A_691 : i32
    %add3A_693 = arith.constant 262144 : i32
    %add3A_694 = arith.addi %add3A_693, %mul3A_692 : i32
    %dma_start3A_695 = arith.constant 5120 : i32
    %dma_start3A_696 = tpu.memref_slice %arg16[%dma_start3A_695] : memref<8192xf32, #tpu.memory_space<vmem>> -> memref<512xf32, #tpu.memory_space<vmem>>
    %dma_start3A_697 = tpu.memref_slice %arg15[%add3A_694] : memref<393216xf32, #tpu.memory_space<vmem_shared>> -> memref<512xf32, #tpu.memory_space<vmem_shared>>
    %dma_start3A_698 = arith.constant 5120 : i32
    %dma_start3A_699 = tpu.memref_slice %arg16[%dma_start3A_698] : memref<8192xf32, #tpu.memory_space<vmem>> -> memref<512xf32, #tpu.memory_space<vmem>>
    %dma_start3A_700 = tpu.memref_slice %arg15[%add3A_694] : memref<393216xf32, #tpu.memory_space<vmem_shared>> -> memref<512xf32, #tpu.memory_space<vmem_shared>>
    tpu.enqueue_dma source(%dma_start3A_700 : memref<512xf32, #tpu.memory_space<vmem_shared>>) target(%dma_start3A_699 : memref<512xf32, #tpu.memory_space<vmem>>) target_semaphore(%arg20 : memref<!tpu.dma_semaphore, #tpu.memory_space<semaphore_mem>>)
    %mul3A_701 = arith.constant 512 : i32
    %mul3A_702 = arith.muli %arg1, %mul3A_701 : i32
    %add3A_703 = arith.constant 286720 : i32
    %add3A_704 = arith.addi %add3A_703, %mul3A_702 : i32
    %dma_start3A_705 = arith.constant 5632 : i32
    %dma_start3A_706 = tpu.memref_slice %arg16[%dma_start3A_705] : memref<8192xf32, #tpu.memory_space<vmem>> -> memref<512xf32, #tpu.memory_space<vmem>>
    %dma_start3A_707 = tpu.memref_slice %arg15[%add3A_704] : memref<393216xf32, #tpu.memory_space<vmem_shared>> -> memref<512xf32, #tpu.memory_space<vmem_shared>>
    %dma_start3A_708 = arith.constant 5632 : i32
    %dma_start3A_709 = tpu.memref_slice %arg16[%dma_start3A_708] : memref<8192xf32, #tpu.memory_space<vmem>> -> memref<512xf32, #tpu.memory_space<vmem>>
    %dma_start3A_710 = tpu.memref_slice %arg15[%add3A_704] : memref<393216xf32, #tpu.memory_space<vmem_shared>> -> memref<512xf32, #tpu.memory_space<vmem_shared>>
    tpu.enqueue_dma source(%dma_start3A_710 : memref<512xf32, #tpu.memory_space<vmem_shared>>) target(%dma_start3A_709 : memref<512xf32, #tpu.memory_space<vmem>>) target_semaphore(%arg20 : memref<!tpu.dma_semaphore, #tpu.memory_space<semaphore_mem>>)
    %mul3A_711 = arith.constant 512 : i32
    %mul3A_712 = arith.muli %arg1, %mul3A_711 : i32
    %add3A_713 = arith.constant 311296 : i32
    %add3A_714 = arith.addi %add3A_713, %mul3A_712 : i32
    %dma_start3A_715 = arith.constant 6144 : i32
    %dma_start3A_716 = tpu.memref_slice %arg16[%dma_start3A_715] : memref<8192xf32, #tpu.memory_space<vmem>> -> memref<512xf32, #tpu.memory_space<vmem>>
    %dma_start3A_717 = tpu.memref_slice %arg15[%add3A_714] : memref<393216xf32, #tpu.memory_space<vmem_shared>> -> memref<512xf32, #tpu.memory_space<vmem_shared>>
    %dma_start3A_718 = arith.constant 6144 : i32
    %dma_start3A_719 = tpu.memref_slice %arg16[%dma_start3A_718] : memref<8192xf32, #tpu.memory_space<vmem>> -> memref<512xf32, #tpu.memory_space<vmem>>
    %dma_start3A_720 = tpu.memref_slice %arg15[%add3A_714] : memref<393216xf32, #tpu.memory_space<vmem_shared>> -> memref<512xf32, #tpu.memory_space<vmem_shared>>
    tpu.enqueue_dma source(%dma_start3A_720 : memref<512xf32, #tpu.memory_space<vmem_shared>>) target(%dma_start3A_719 : memref<512xf32, #tpu.memory_space<vmem>>) target_semaphore(%arg20 : memref<!tpu.dma_semaphore, #tpu.memory_space<semaphore_mem>>)
    %mul3A_721 = arith.constant 512 : i32
    %mul3A_722 = arith.muli %arg1, %mul3A_721 : i32
    %add3A_723 = arith.constant 335872 : i32
    %add3A_724 = arith.addi %add3A_723, %mul3A_722 : i32
    %dma_start3A_725 = arith.constant 6656 : i32
    %dma_start3A_726 = tpu.memref_slice %arg16[%dma_start3A_725] : memref<8192xf32, #tpu.memory_space<vmem>> -> memref<512xf32, #tpu.memory_space<vmem>>
    %dma_start3A_727 = tpu.memref_slice %arg15[%add3A_724] : memref<393216xf32, #tpu.memory_space<vmem_shared>> -> memref<512xf32, #tpu.memory_space<vmem_shared>>
    %dma_start3A_728 = arith.constant 6656 : i32
    %dma_start3A_729 = tpu.memref_slice %arg16[%dma_start3A_728] : memref<8192xf32, #tpu.memory_space<vmem>> -> memref<512xf32, #tpu.memory_space<vmem>>
    %dma_start3A_730 = tpu.memref_slice %arg15[%add3A_724] : memref<393216xf32, #tpu.memory_space<vmem_shared>> -> memref<512xf32, #tpu.memory_space<vmem_shared>>
    tpu.enqueue_dma source(%dma_start3A_730 : memref<512xf32, #tpu.memory_space<vmem_shared>>) target(%dma_start3A_729 : memref<512xf32, #tpu.memory_space<vmem>>) target_semaphore(%arg20 : memref<!tpu.dma_semaphore, #tpu.memory_space<semaphore_mem>>)
    %mul3A_731 = arith.constant 512 : i32
    %mul3A_732 = arith.muli %arg1, %mul3A_731 : i32
    %add3A_733 = arith.constant 360448 : i32
    %add3A_734 = arith.addi %add3A_733, %mul3A_732 : i32
    %dma_start3A_735 = arith.constant 7168 : i32
    %dma_start3A_736 = tpu.memref_slice %arg16[%dma_start3A_735] : memref<8192xf32, #tpu.memory_space<vmem>> -> memref<512xf32, #tpu.memory_space<vmem>>
    %dma_start3A_737 = tpu.memref_slice %arg15[%add3A_734] : memref<393216xf32, #tpu.memory_space<vmem_shared>> -> memref<512xf32, #tpu.memory_space<vmem_shared>>
    %dma_start3A_738 = arith.constant 7168 : i32
    %dma_start3A_739 = tpu.memref_slice %arg16[%dma_start3A_738] : memref<8192xf32, #tpu.memory_space<vmem>> -> memref<512xf32, #tpu.memory_space<vmem>>
    %dma_start3A_740 = tpu.memref_slice %arg15[%add3A_734] : memref<393216xf32, #tpu.memory_space<vmem_shared>> -> memref<512xf32, #tpu.memory_space<vmem_shared>>
    tpu.enqueue_dma source(%dma_start3A_740 : memref<512xf32, #tpu.memory_space<vmem_shared>>) target(%dma_start3A_739 : memref<512xf32, #tpu.memory_space<vmem>>) target_semaphore(%arg20 : memref<!tpu.dma_semaphore, #tpu.memory_space<semaphore_mem>>)
    %mul3A_741 = arith.constant 512 : i32
    %mul3A_742 = arith.muli %arg1, %mul3A_741 : i32
    %add3A_743 = arith.constant 385024 : i32
    %add3A_744 = arith.addi %add3A_743, %mul3A_742 : i32
    %dma_start3A_745 = arith.constant 7680 : i32
    %dma_start3A_746 = tpu.memref_slice %arg16[%dma_start3A_745] : memref<8192xf32, #tpu.memory_space<vmem>> -> memref<512xf32, #tpu.memory_space<vmem>>
    %dma_start3A_747 = tpu.memref_slice %arg15[%add3A_744] : memref<393216xf32, #tpu.memory_space<vmem_shared>> -> memref<512xf32, #tpu.memory_space<vmem_shared>>
    %dma_start3A_748 = arith.constant 7680 : i32
    %dma_start3A_749 = tpu.memref_slice %arg16[%dma_start3A_748] : memref<8192xf32, #tpu.memory_space<vmem>> -> memref<512xf32, #tpu.memory_space<vmem>>
    %dma_start3A_750 = tpu.memref_slice %arg15[%add3A_744] : memref<393216xf32, #tpu.memory_space<vmem_shared>> -> memref<512xf32, #tpu.memory_space<vmem_shared>>
    tpu.enqueue_dma source(%dma_start3A_750 : memref<512xf32, #tpu.memory_space<vmem_shared>>) target(%dma_start3A_749 : memref<512xf32, #tpu.memory_space<vmem>>) target_semaphore(%arg20 : memref<!tpu.dma_semaphore, #tpu.memory_space<semaphore_mem>>)
    %dma_wait3A_751 = arith.constant 0 : i32
    %dma_wait3A_752 = tpu.memref_slice %arg16[%dma_wait3A_751] : memref<8192xf32, #tpu.memory_space<vmem>> -> memref<512xf32, #tpu.memory_space<vmem>>
    %dma_wait3A_753 = tpu.memref_slice %arg15[%add3A_594] : memref<393216xf32, #tpu.memory_space<vmem_shared>> -> memref<512xf32, #tpu.memory_space<vmem_shared>>
    %dma_wait3A_754 = arith.constant 0 : i32
    %dma_wait3A_755 = tpu.memref_slice %arg16[%dma_wait3A_754] : memref<8192xf32, #tpu.memory_space<vmem>> -> memref<512xf32, #tpu.memory_space<vmem>>
    %dma_wait3A_756 = tpu.memref_slice %arg15[%add3A_594] : memref<393216xf32, #tpu.memory_space<vmem_shared>> -> memref<512xf32, #tpu.memory_space<vmem_shared>>
    tpu.wait_dma2 semaphore(%arg20 : memref<!tpu.dma_semaphore, #tpu.memory_space<semaphore_mem>>) src(%dma_wait3A_756 : memref<512xf32, #tpu.memory_space<vmem_shared>>) dst(%dma_wait3A_755 : memref<512xf32, #tpu.memory_space<vmem>>)
    %dma_wait3A_757 = arith.constant 512 : i32
    %dma_wait3A_758 = tpu.memref_slice %arg16[%dma_wait3A_757] : memref<8192xf32, #tpu.memory_space<vmem>> -> memref<512xf32, #tpu.memory_space<vmem>>
    %dma_wait3A_759 = tpu.memref_slice %arg15[%add3A_604] : memref<393216xf32, #tpu.memory_space<vmem_shared>> -> memref<512xf32, #tpu.memory_space<vmem_shared>>
    %dma_wait3A_760 = arith.constant 512 : i32
    %dma_wait3A_761 = tpu.memref_slice %arg16[%dma_wait3A_760] : memref<8192xf32, #tpu.memory_space<vmem>> -> memref<512xf32, #tpu.memory_space<vmem>>
    %dma_wait3A_762 = tpu.memref_slice %arg15[%add3A_604] : memref<393216xf32, #tpu.memory_space<vmem_shared>> -> memref<512xf32, #tpu.memory_space<vmem_shared>>
    tpu.wait_dma2 semaphore(%arg20 : memref<!tpu.dma_semaphore, #tpu.memory_space<semaphore_mem>>) src(%dma_wait3A_762 : memref<512xf32, #tpu.memory_space<vmem_shared>>) dst(%dma_wait3A_761 : memref<512xf32, #tpu.memory_space<vmem>>)
    %dma_wait3A_763 = arith.constant 1024 : i32
    %dma_wait3A_764 = tpu.memref_slice %arg16[%dma_wait3A_763] : memref<8192xf32, #tpu.memory_space<vmem>> -> memref<512xf32, #tpu.memory_space<vmem>>
    %dma_wait3A_765 = tpu.memref_slice %arg15[%add3A_614] : memref<393216xf32, #tpu.memory_space<vmem_shared>> -> memref<512xf32, #tpu.memory_space<vmem_shared>>
    %dma_wait3A_766 = arith.constant 1024 : i32
    %dma_wait3A_767 = tpu.memref_slice %arg16[%dma_wait3A_766] : memref<8192xf32, #tpu.memory_space<vmem>> -> memref<512xf32, #tpu.memory_space<vmem>>
    %dma_wait3A_768 = tpu.memref_slice %arg15[%add3A_614] : memref<393216xf32, #tpu.memory_space<vmem_shared>> -> memref<512xf32, #tpu.memory_space<vmem_shared>>
    tpu.wait_dma2 semaphore(%arg20 : memref<!tpu.dma_semaphore, #tpu.memory_space<semaphore_mem>>) src(%dma_wait3A_768 : memref<512xf32, #tpu.memory_space<vmem_shared>>) dst(%dma_wait3A_767 : memref<512xf32, #tpu.memory_space<vmem>>)
    %dma_wait3A_769 = arith.constant 1536 : i32
    %dma_wait3A_770 = tpu.memref_slice %arg16[%dma_wait3A_769] : memref<8192xf32, #tpu.memory_space<vmem>> -> memref<512xf32, #tpu.memory_space<vmem>>
    %dma_wait3A_771 = tpu.memref_slice %arg15[%add3A_624] : memref<393216xf32, #tpu.memory_space<vmem_shared>> -> memref<512xf32, #tpu.memory_space<vmem_shared>>
    %dma_wait3A_772 = arith.constant 1536 : i32
    %dma_wait3A_773 = tpu.memref_slice %arg16[%dma_wait3A_772] : memref<8192xf32, #tpu.memory_space<vmem>> -> memref<512xf32, #tpu.memory_space<vmem>>
    %dma_wait3A_774 = tpu.memref_slice %arg15[%add3A_624] : memref<393216xf32, #tpu.memory_space<vmem_shared>> -> memref<512xf32, #tpu.memory_space<vmem_shared>>
    tpu.wait_dma2 semaphore(%arg20 : memref<!tpu.dma_semaphore, #tpu.memory_space<semaphore_mem>>) src(%dma_wait3A_774 : memref<512xf32, #tpu.memory_space<vmem_shared>>) dst(%dma_wait3A_773 : memref<512xf32, #tpu.memory_space<vmem>>)
    %dma_wait3A_775 = arith.constant 2048 : i32
    %dma_wait3A_776 = tpu.memref_slice %arg16[%dma_wait3A_775] : memref<8192xf32, #tpu.memory_space<vmem>> -> memref<512xf32, #tpu.memory_space<vmem>>
    %dma_wait3A_777 = tpu.memref_slice %arg15[%add3A_634] : memref<393216xf32, #tpu.memory_space<vmem_shared>> -> memref<512xf32, #tpu.memory_space<vmem_shared>>
    %dma_wait3A_778 = arith.constant 2048 : i32
    %dma_wait3A_779 = tpu.memref_slice %arg16[%dma_wait3A_778] : memref<8192xf32, #tpu.memory_space<vmem>> -> memref<512xf32, #tpu.memory_space<vmem>>
    %dma_wait3A_780 = tpu.memref_slice %arg15[%add3A_634] : memref<393216xf32, #tpu.memory_space<vmem_shared>> -> memref<512xf32, #tpu.memory_space<vmem_shared>>
    tpu.wait_dma2 semaphore(%arg20 : memref<!tpu.dma_semaphore, #tpu.memory_space<semaphore_mem>>) src(%dma_wait3A_780 : memref<512xf32, #tpu.memory_space<vmem_shared>>) dst(%dma_wait3A_779 : memref<512xf32, #tpu.memory_space<vmem>>)
    %dma_wait3A_781 = arith.constant 2560 : i32
    %dma_wait3A_782 = tpu.memref_slice %arg16[%dma_wait3A_781] : memref<8192xf32, #tpu.memory_space<vmem>> -> memref<512xf32, #tpu.memory_space<vmem>>
    %dma_wait3A_783 = tpu.memref_slice %arg15[%add3A_644] : memref<393216xf32, #tpu.memory_space<vmem_shared>> -> memref<512xf32, #tpu.memory_space<vmem_shared>>
    %dma_wait3A_784 = arith.constant 2560 : i32
    %dma_wait3A_785 = tpu.memref_slice %arg16[%dma_wait3A_784] : memref<8192xf32, #tpu.memory_space<vmem>> -> memref<512xf32, #tpu.memory_space<vmem>>
    %dma_wait3A_786 = tpu.memref_slice %arg15[%add3A_644] : memref<393216xf32, #tpu.memory_space<vmem_shared>> -> memref<512xf32, #tpu.memory_space<vmem_shared>>
    tpu.wait_dma2 semaphore(%arg20 : memref<!tpu.dma_semaphore, #tpu.memory_space<semaphore_mem>>) src(%dma_wait3A_786 : memref<512xf32, #tpu.memory_space<vmem_shared>>) dst(%dma_wait3A_785 : memref<512xf32, #tpu.memory_space<vmem>>)
    %dma_wait3A_787 = arith.constant 3072 : i32
    %dma_wait3A_788 = tpu.memref_slice %arg16[%dma_wait3A_787] : memref<8192xf32, #tpu.memory_space<vmem>> -> memref<512xf32, #tpu.memory_space<vmem>>
    %dma_wait3A_789 = tpu.memref_slice %arg15[%add3A_654] : memref<393216xf32, #tpu.memory_space<vmem_shared>> -> memref<512xf32, #tpu.memory_space<vmem_shared>>
    %dma_wait3A_790 = arith.constant 3072 : i32
    %dma_wait3A_791 = tpu.memref_slice %arg16[%dma_wait3A_790] : memref<8192xf32, #tpu.memory_space<vmem>> -> memref<512xf32, #tpu.memory_space<vmem>>
    %dma_wait3A_792 = tpu.memref_slice %arg15[%add3A_654] : memref<393216xf32, #tpu.memory_space<vmem_shared>> -> memref<512xf32, #tpu.memory_space<vmem_shared>>
    tpu.wait_dma2 semaphore(%arg20 : memref<!tpu.dma_semaphore, #tpu.memory_space<semaphore_mem>>) src(%dma_wait3A_792 : memref<512xf32, #tpu.memory_space<vmem_shared>>) dst(%dma_wait3A_791 : memref<512xf32, #tpu.memory_space<vmem>>)
    %dma_wait3A_793 = arith.constant 3584 : i32
    %dma_wait3A_794 = tpu.memref_slice %arg16[%dma_wait3A_793] : memref<8192xf32, #tpu.memory_space<vmem>> -> memref<512xf32, #tpu.memory_space<vmem>>
    %dma_wait3A_795 = tpu.memref_slice %arg15[%add3A_664] : memref<393216xf32, #tpu.memory_space<vmem_shared>> -> memref<512xf32, #tpu.memory_space<vmem_shared>>
    %dma_wait3A_796 = arith.constant 3584 : i32
    %dma_wait3A_797 = tpu.memref_slice %arg16[%dma_wait3A_796] : memref<8192xf32, #tpu.memory_space<vmem>> -> memref<512xf32, #tpu.memory_space<vmem>>
    %dma_wait3A_798 = tpu.memref_slice %arg15[%add3A_664] : memref<393216xf32, #tpu.memory_space<vmem_shared>> -> memref<512xf32, #tpu.memory_space<vmem_shared>>
    tpu.wait_dma2 semaphore(%arg20 : memref<!tpu.dma_semaphore, #tpu.memory_space<semaphore_mem>>) src(%dma_wait3A_798 : memref<512xf32, #tpu.memory_space<vmem_shared>>) dst(%dma_wait3A_797 : memref<512xf32, #tpu.memory_space<vmem>>)
    %dma_wait3A_799 = arith.constant 4096 : i32
    %dma_wait3A_800 = tpu.memref_slice %arg16[%dma_wait3A_799] : memref<8192xf32, #tpu.memory_space<vmem>> -> memref<512xf32, #tpu.memory_space<vmem>>
    %dma_wait3A_801 = tpu.memref_slice %arg15[%add3A_674] : memref<393216xf32, #tpu.memory_space<vmem_shared>> -> memref<512xf32, #tpu.memory_space<vmem_shared>>
    %dma_wait3A_802 = arith.constant 4096 : i32
    %dma_wait3A_803 = tpu.memref_slice %arg16[%dma_wait3A_802] : memref<8192xf32, #tpu.memory_space<vmem>> -> memref<512xf32, #tpu.memory_space<vmem>>
    %dma_wait3A_804 = tpu.memref_slice %arg15[%add3A_674] : memref<393216xf32, #tpu.memory_space<vmem_shared>> -> memref<512xf32, #tpu.memory_space<vmem_shared>>
    tpu.wait_dma2 semaphore(%arg20 : memref<!tpu.dma_semaphore, #tpu.memory_space<semaphore_mem>>) src(%dma_wait3A_804 : memref<512xf32, #tpu.memory_space<vmem_shared>>) dst(%dma_wait3A_803 : memref<512xf32, #tpu.memory_space<vmem>>)
    %dma_wait3A_805 = arith.constant 4608 : i32
    %dma_wait3A_806 = tpu.memref_slice %arg16[%dma_wait3A_805] : memref<8192xf32, #tpu.memory_space<vmem>> -> memref<512xf32, #tpu.memory_space<vmem>>
    %dma_wait3A_807 = tpu.memref_slice %arg15[%add3A_684] : memref<393216xf32, #tpu.memory_space<vmem_shared>> -> memref<512xf32, #tpu.memory_space<vmem_shared>>
    %dma_wait3A_808 = arith.constant 4608 : i32
    %dma_wait3A_809 = tpu.memref_slice %arg16[%dma_wait3A_808] : memref<8192xf32, #tpu.memory_space<vmem>> -> memref<512xf32, #tpu.memory_space<vmem>>
    %dma_wait3A_810 = tpu.memref_slice %arg15[%add3A_684] : memref<393216xf32, #tpu.memory_space<vmem_shared>> -> memref<512xf32, #tpu.memory_space<vmem_shared>>
    tpu.wait_dma2 semaphore(%arg20 : memref<!tpu.dma_semaphore, #tpu.memory_space<semaphore_mem>>) src(%dma_wait3A_810 : memref<512xf32, #tpu.memory_space<vmem_shared>>) dst(%dma_wait3A_809 : memref<512xf32, #tpu.memory_space<vmem>>)
    %dma_wait3A_811 = arith.constant 5120 : i32
    %dma_wait3A_812 = tpu.memref_slice %arg16[%dma_wait3A_811] : memref<8192xf32, #tpu.memory_space<vmem>> -> memref<512xf32, #tpu.memory_space<vmem>>
    %dma_wait3A_813 = tpu.memref_slice %arg15[%add3A_694] : memref<393216xf32, #tpu.memory_space<vmem_shared>> -> memref<512xf32, #tpu.memory_space<vmem_shared>>
    %dma_wait3A_814 = arith.constant 5120 : i32
    %dma_wait3A_815 = tpu.memref_slice %arg16[%dma_wait3A_814] : memref<8192xf32, #tpu.memory_space<vmem>> -> memref<512xf32, #tpu.memory_space<vmem>>
    %dma_wait3A_816 = tpu.memref_slice %arg15[%add3A_694] : memref<393216xf32, #tpu.memory_space<vmem_shared>> -> memref<512xf32, #tpu.memory_space<vmem_shared>>
    tpu.wait_dma2 semaphore(%arg20 : memref<!tpu.dma_semaphore, #tpu.memory_space<semaphore_mem>>) src(%dma_wait3A_816 : memref<512xf32, #tpu.memory_space<vmem_shared>>) dst(%dma_wait3A_815 : memref<512xf32, #tpu.memory_space<vmem>>)
    %dma_wait3A_817 = arith.constant 5632 : i32
    %dma_wait3A_818 = tpu.memref_slice %arg16[%dma_wait3A_817] : memref<8192xf32, #tpu.memory_space<vmem>> -> memref<512xf32, #tpu.memory_space<vmem>>
    %dma_wait3A_819 = tpu.memref_slice %arg15[%add3A_704] : memref<393216xf32, #tpu.memory_space<vmem_shared>> -> memref<512xf32, #tpu.memory_space<vmem_shared>>
    %dma_wait3A_820 = arith.constant 5632 : i32
    %dma_wait3A_821 = tpu.memref_slice %arg16[%dma_wait3A_820] : memref<8192xf32, #tpu.memory_space<vmem>> -> memref<512xf32, #tpu.memory_space<vmem>>
    %dma_wait3A_822 = tpu.memref_slice %arg15[%add3A_704] : memref<393216xf32, #tpu.memory_space<vmem_shared>> -> memref<512xf32, #tpu.memory_space<vmem_shared>>
    tpu.wait_dma2 semaphore(%arg20 : memref<!tpu.dma_semaphore, #tpu.memory_space<semaphore_mem>>) src(%dma_wait3A_822 : memref<512xf32, #tpu.memory_space<vmem_shared>>) dst(%dma_wait3A_821 : memref<512xf32, #tpu.memory_space<vmem>>)
    %dma_wait3A_823 = arith.constant 6144 : i32
    %dma_wait3A_824 = tpu.memref_slice %arg16[%dma_wait3A_823] : memref<8192xf32, #tpu.memory_space<vmem>> -> memref<512xf32, #tpu.memory_space<vmem>>
    %dma_wait3A_825 = tpu.memref_slice %arg15[%add3A_714] : memref<393216xf32, #tpu.memory_space<vmem_shared>> -> memref<512xf32, #tpu.memory_space<vmem_shared>>
    %dma_wait3A_826 = arith.constant 6144 : i32
    %dma_wait3A_827 = tpu.memref_slice %arg16[%dma_wait3A_826] : memref<8192xf32, #tpu.memory_space<vmem>> -> memref<512xf32, #tpu.memory_space<vmem>>
    %dma_wait3A_828 = tpu.memref_slice %arg15[%add3A_714] : memref<393216xf32, #tpu.memory_space<vmem_shared>> -> memref<512xf32, #tpu.memory_space<vmem_shared>>
    tpu.wait_dma2 semaphore(%arg20 : memref<!tpu.dma_semaphore, #tpu.memory_space<semaphore_mem>>) src(%dma_wait3A_828 : memref<512xf32, #tpu.memory_space<vmem_shared>>) dst(%dma_wait3A_827 : memref<512xf32, #tpu.memory_space<vmem>>)
    %dma_wait3A_829 = arith.constant 6656 : i32
    %dma_wait3A_830 = tpu.memref_slice %arg16[%dma_wait3A_829] : memref<8192xf32, #tpu.memory_space<vmem>> -> memref<512xf32, #tpu.memory_space<vmem>>
    %dma_wait3A_831 = tpu.memref_slice %arg15[%add3A_724] : memref<393216xf32, #tpu.memory_space<vmem_shared>> -> memref<512xf32, #tpu.memory_space<vmem_shared>>
    %dma_wait3A_832 = arith.constant 6656 : i32
    %dma_wait3A_833 = tpu.memref_slice %arg16[%dma_wait3A_832] : memref<8192xf32, #tpu.memory_space<vmem>> -> memref<512xf32, #tpu.memory_space<vmem>>
    %dma_wait3A_834 = tpu.memref_slice %arg15[%add3A_724] : memref<393216xf32, #tpu.memory_space<vmem_shared>> -> memref<512xf32, #tpu.memory_space<vmem_shared>>
    tpu.wait_dma2 semaphore(%arg20 : memref<!tpu.dma_semaphore, #tpu.memory_space<semaphore_mem>>) src(%dma_wait3A_834 : memref<512xf32, #tpu.memory_space<vmem_shared>>) dst(%dma_wait3A_833 : memref<512xf32, #tpu.memory_space<vmem>>)
    %dma_wait3A_835 = arith.constant 7168 : i32
    %dma_wait3A_836 = tpu.memref_slice %arg16[%dma_wait3A_835] : memref<8192xf32, #tpu.memory_space<vmem>> -> memref<512xf32, #tpu.memory_space<vmem>>
    %dma_wait3A_837 = tpu.memref_slice %arg15[%add3A_734] : memref<393216xf32, #tpu.memory_space<vmem_shared>> -> memref<512xf32, #tpu.memory_space<vmem_shared>>
    %dma_wait3A_838 = arith.constant 7168 : i32
    %dma_wait3A_839 = tpu.memref_slice %arg16[%dma_wait3A_838] : memref<8192xf32, #tpu.memory_space<vmem>> -> memref<512xf32, #tpu.memory_space<vmem>>
    %dma_wait3A_840 = tpu.memref_slice %arg15[%add3A_734] : memref<393216xf32, #tpu.memory_space<vmem_shared>> -> memref<512xf32, #tpu.memory_space<vmem_shared>>
    tpu.wait_dma2 semaphore(%arg20 : memref<!tpu.dma_semaphore, #tpu.memory_space<semaphore_mem>>) src(%dma_wait3A_840 : memref<512xf32, #tpu.memory_space<vmem_shared>>) dst(%dma_wait3A_839 : memref<512xf32, #tpu.memory_space<vmem>>)
    %dma_wait3A_841 = arith.constant 7680 : i32
    %dma_wait3A_842 = tpu.memref_slice %arg16[%dma_wait3A_841] : memref<8192xf32, #tpu.memory_space<vmem>> -> memref<512xf32, #tpu.memory_space<vmem>>
    %dma_wait3A_843 = tpu.memref_slice %arg15[%add3A_744] : memref<393216xf32, #tpu.memory_space<vmem_shared>> -> memref<512xf32, #tpu.memory_space<vmem_shared>>
    %dma_wait3A_844 = arith.constant 7680 : i32
    %dma_wait3A_845 = tpu.memref_slice %arg16[%dma_wait3A_844] : memref<8192xf32, #tpu.memory_space<vmem>> -> memref<512xf32, #tpu.memory_space<vmem>>
    %dma_wait3A_846 = tpu.memref_slice %arg15[%add3A_744] : memref<393216xf32, #tpu.memory_space<vmem_shared>> -> memref<512xf32, #tpu.memory_space<vmem_shared>>
    tpu.wait_dma2 semaphore(%arg20 : memref<!tpu.dma_semaphore, #tpu.memory_space<semaphore_mem>>) src(%dma_wait3A_846 : memref<512xf32, #tpu.memory_space<vmem_shared>>) dst(%dma_wait3A_845 : memref<512xf32, #tpu.memory_space<vmem>>)
    %scan3A_847 = arith.constant 0 : i32
    %scan3A_848 = arith.constant 32 : i32
    %scan3A_849 = arith.addi %scan3A_847, %scan3A_848 : i32
    %scan3A_850 = arith.constant 1 : i32
    scf.for %scan3A_861 = %scan3A_847 to %scan3A_849 step %scan3A_850  : i32 {
      %mul3A_862 = arith.constant 1 : i32
      %mul3A_863 = arith.muli %scan3A_861, %mul3A_862 : i32
      %add3A_864 = arith.constant 0 : i32
      %add3A_865 = arith.addi %add3A_864, %mul3A_863 : i32
      %mul3A_866 = arith.constant 16 : i32
      %mul3A_867 = arith.muli %add3A_865, %mul3A_866 : i32
      %add3A_868 = arith.constant 0 : i32
      %add3A_869 = arith.addi %add3A_868, %mul3A_867 : i32
      %get3A = arith.index_cast %add3A_869 : i32 to index
      %get3A_870 = tpu.vector_load %arg16[%get3A] {strides = array<i32>} : memref<8192xf32, #tpu.memory_space<vmem>>, vector<16xf32>,
      %mul3A_871 = arith.constant 16 : i32
      %mul3A_872 = arith.muli %add3A_865, %mul3A_871 : i32
      %add3A_873 = arith.constant 512 : i32
      %add3A_874 = arith.addi %add3A_873, %mul3A_872 : i32
      %get3A_875 = arith.index_cast %add3A_874 : i32 to index
      %get3A_876 = tpu.vector_load %arg16[%get3A_875] {strides = array<i32>} : memref<8192xf32, #tpu.memory_space<vmem>>, vector<16xf32>,
      %add3A_877 = arith.addf %get3A_870, %get3A_876 : vector<16xf32>
      %mul3A_878 = arith.constant 16 : i32
      %mul3A_879 = arith.muli %add3A_865, %mul3A_878 : i32
      %add3A_880 = arith.constant 1024 : i32
      %add3A_881 = arith.addi %add3A_880, %mul3A_879 : i32
      %get3A_882 = arith.index_cast %add3A_881 : i32 to index
      %get3A_883 = tpu.vector_load %arg16[%get3A_882] {strides = array<i32>} : memref<8192xf32, #tpu.memory_space<vmem>>, vector<16xf32>,
      %add3A_884 = arith.addf %add3A_877, %get3A_883 : vector<16xf32>
      %mul3A_885 = arith.constant 16 : i32
      %mul3A_886 = arith.muli %add3A_865, %mul3A_885 : i32
      %add3A_887 = arith.constant 1536 : i32
      %add3A_888 = arith.addi %add3A_887, %mul3A_886 : i32
      %get3A_889 = arith.index_cast %add3A_888 : i32 to index
      %get3A_890 = tpu.vector_load %arg16[%get3A_889] {strides = array<i32>} : memref<8192xf32, #tpu.memory_space<vmem>>, vector<16xf32>,
      %add3A_891 = arith.addf %add3A_884, %get3A_890 : vector<16xf32>
      %mul3A_892 = arith.constant 16 : i32
      %mul3A_893 = arith.muli %add3A_865, %mul3A_892 : i32
      %add3A_894 = arith.constant 2048 : i32
      %add3A_895 = arith.addi %add3A_894, %mul3A_893 : i32
      %get3A_896 = arith.index_cast %add3A_895 : i32 to index
      %get3A_897 = tpu.vector_load %arg16[%get3A_896] {strides = array<i32>} : memref<8192xf32, #tpu.memory_space<vmem>>, vector<16xf32>,
      %add3A_898 = arith.addf %add3A_891, %get3A_897 : vector<16xf32>
      %mul3A_899 = arith.constant 16 : i32
      %mul3A_900 = arith.muli %add3A_865, %mul3A_899 : i32
      %add3A_901 = arith.constant 2560 : i32
      %add3A_902 = arith.addi %add3A_901, %mul3A_900 : i32
      %get3A_903 = arith.index_cast %add3A_902 : i32 to index
      %get3A_904 = tpu.vector_load %arg16[%get3A_903] {strides = array<i32>} : memref<8192xf32, #tpu.memory_space<vmem>>, vector<16xf32>,
      %add3A_905 = arith.addf %add3A_898, %get3A_904 : vector<16xf32>
      %mul3A_906 = arith.constant 16 : i32
      %mul3A_907 = arith.muli %add3A_865, %mul3A_906 : i32
      %add3A_908 = arith.constant 3072 : i32
      %add3A_909 = arith.addi %add3A_908, %mul3A_907 : i32
      %get3A_910 = arith.index_cast %add3A_909 : i32 to index
      %get3A_911 = tpu.vector_load %arg16[%get3A_910] {strides = array<i32>} : memref<8192xf32, #tpu.memory_space<vmem>>, vector<16xf32>,
      %add3A_912 = arith.addf %add3A_905, %get3A_911 : vector<16xf32>
      %mul3A_913 = arith.constant 16 : i32
      %mul3A_914 = arith.muli %add3A_865, %mul3A_913 : i32
      %add3A_915 = arith.constant 3584 : i32
      %add3A_916 = arith.addi %add3A_915, %mul3A_914 : i32
      %get3A_917 = arith.index_cast %add3A_916 : i32 to index
      %get3A_918 = tpu.vector_load %arg16[%get3A_917] {strides = array<i32>} : memref<8192xf32, #tpu.memory_space<vmem>>, vector<16xf32>,
      %add3A_919 = arith.addf %add3A_912, %get3A_918 : vector<16xf32>
      %mul3A_920 = arith.constant 16 : i32
      %mul3A_921 = arith.muli %add3A_865, %mul3A_920 : i32
      %add3A_922 = arith.constant 4096 : i32
      %add3A_923 = arith.addi %add3A_922, %mul3A_921 : i32
      %get3A_924 = arith.index_cast %add3A_923 : i32 to index
      %get3A_925 = tpu.vector_load %arg16[%get3A_924] {strides = array<i32>} : memref<8192xf32, #tpu.memory_space<vmem>>, vector<16xf32>,
      %add3A_926 = arith.addf %add3A_919, %get3A_925 : vector<16xf32>
      %mul3A_927 = arith.constant 16 : i32
      %mul3A_928 = arith.muli %add3A_865, %mul3A_927 : i32
      %add3A_929 = arith.constant 4608 : i32
      %add3A_930 = arith.addi %add3A_929, %mul3A_928 : i32
      %get3A_931 = arith.index_cast %add3A_930 : i32 to index
      %get3A_932 = tpu.vector_load %arg16[%get3A_931] {strides = array<i32>} : memref<8192xf32, #tpu.memory_space<vmem>>, vector<16xf32>,
      %add3A_933 = arith.addf %add3A_926, %get3A_932 : vector<16xf32>
      %mul3A_934 = arith.constant 16 : i32
      %mul3A_935 = arith.muli %add3A_865, %mul3A_934 : i32
      %add3A_936 = arith.constant 5120 : i32
      %add3A_937 = arith.addi %add3A_936, %mul3A_935 : i32
      %get3A_938 = arith.index_cast %add3A_937 : i32 to index
      %get3A_939 = tpu.vector_load %arg16[%get3A_938] {strides = array<i32>} : memref<8192xf32, #tpu.memory_space<vmem>>, vector<16xf32>,
      %add3A_940 = arith.addf %add3A_933, %get3A_939 : vector<16xf32>
      %mul3A_941 = arith.constant 16 : i32
      %mul3A_942 = arith.muli %add3A_865, %mul3A_941 : i32
      %add3A_943 = arith.constant 5632 : i32
      %add3A_944 = arith.addi %add3A_943, %mul3A_942 : i32
      %get3A_945 = arith.index_cast %add3A_944 : i32 to index
      %get3A_946 = tpu.vector_load %arg16[%get3A_945] {strides = array<i32>} : memref<8192xf32, #tpu.memory_space<vmem>>, vector<16xf32>,
      %add3A_947 = arith.addf %add3A_940, %get3A_946 : vector<16xf32>
      %mul3A_948 = arith.constant 16 : i32
      %mul3A_949 = arith.muli %add3A_865, %mul3A_948 : i32
      %add3A_950 = arith.constant 6144 : i32
      %add3A_951 = arith.addi %add3A_950, %mul3A_949 : i32
      %get3A_952 = arith.index_cast %add3A_951 : i32 to index
      %get3A_953 = tpu.vector_load %arg16[%get3A_952] {strides = array<i32>} : memref<8192xf32, #tpu.memory_space<vmem>>, vector<16xf32>,
      %add3A_954 = arith.addf %add3A_947, %get3A_953 : vector<16xf32>
      %mul3A_955 = arith.constant 16 : i32
      %mul3A_956 = arith.muli %add3A_865, %mul3A_955 : i32
      %add3A_957 = arith.constant 6656 : i32
      %add3A_958 = arith.addi %add3A_957, %mul3A_956 : i32
      %get3A_959 = arith.index_cast %add3A_958 : i32 to index
      %get3A_960 = tpu.vector_load %arg16[%get3A_959] {strides = array<i32>} : memref<8192xf32, #tpu.memory_space<vmem>>, vector<16xf32>,
      %add3A_961 = arith.addf %add3A_954, %get3A_960 : vector<16xf32>
      %mul3A_962 = arith.constant 16 : i32
      %mul3A_963 = arith.muli %add3A_865, %mul3A_962 : i32
      %add3A_964 = arith.constant 7168 : i32
      %add3A_965 = arith.addi %add3A_964, %mul3A_963 : i32
      %get3A_966 = arith.index_cast %add3A_965 : i32 to index
      %get3A_967 = tpu.vector_load %arg16[%get3A_966] {strides = array<i32>} : memref<8192xf32, #tpu.memory_space<vmem>>, vector<16xf32>,
      %add3A_968 = arith.addf %add3A_961, %get3A_967 : vector<16xf32>
      %mul3A_969 = arith.constant 16 : i32
      %mul3A_970 = arith.muli %add3A_865, %mul3A_969 : i32
      %add3A_971 = arith.constant 7680 : i32
      %add3A_972 = arith.addi %add3A_971, %mul3A_970 : i32
      %get3A_973 = arith.index_cast %add3A_972 : i32 to index
      %get3A_974 = tpu.vector_load %arg16[%get3A_973] {strides = array<i32>} : memref<8192xf32, #tpu.memory_space<vmem>>, vector<16xf32>,
      %add3A_975 = arith.addf %add3A_968, %get3A_974 : vector<16xf32>
      %mul3A_976 = arith.constant 16 : i32
      %mul3A_977 = arith.muli %add3A_865, %mul3A_976 : i32
      %swap3A = arith.index_cast %mul3A_977 : i32 to index
      %swap3A_978 = tpu.vector_load %arg19[%swap3A] {strides = array<i32>} : memref<512xf32, #tpu.memory_space<vmem>>, vector<16xf32>,
      tpu.vector_store %arg19[%swap3A], %add3A_975 {strides = array<i32>} : memref<512xf32, #tpu.memory_space<vmem>>, vector<16xf32>,
    }
    %scan3A_851 = arith.constant 32 : i32
    %mul3A_852 = arith.constant 3 : i32
    %mul3A_853 = arith.muli %arg0, %mul3A_852 : i32
    %mul3A_854 = arith.constant 8192 : i32
    %mul3A_855 = arith.muli %mul3A_853, %mul3A_854 : i32
    %add3A_856 = arith.constant 16384 : i32
    %add3A_857 = arith.addi %mul3A_855, %add3A_856 : i32
    %mul3A_858 = arith.constant 512 : i32
    %mul3A_859 = arith.muli %arg1, %mul3A_858 : i32
    %add3A_860 = arith.addi %add3A_857, %mul3A_859 : i32
    "tpu.region"() ({
      %run_scoped3A = tpu.sem_alloc : memref<!tpu.dma_semaphore, #tpu.memory_space<semaphore_mem>>
      %dma_start3A_861 = tpu.memref_slice %arg7[%add3A_860] : memref<49152xf32, #tpu.memory_space<hbm>> -> memref<512xf32, #tpu.memory_space<hbm>>
      %dma_start3A_862 = tpu.memref_slice %arg7[%add3A_860] : memref<49152xf32, #tpu.memory_space<hbm>> -> memref<512xf32, #tpu.memory_space<hbm>>
      tpu.enqueue_dma source(%arg19 : memref<512xf32, #tpu.memory_space<vmem>>) target(%dma_start3A_862 : memref<512xf32, #tpu.memory_space<hbm>>) target_semaphore(%run_scoped3A : memref<!tpu.dma_semaphore, #tpu.memory_space<semaphore_mem>>)
      %dma_wait3A_863 = tpu.memref_slice %arg7[%add3A_860] : memref<49152xf32, #tpu.memory_space<hbm>> -> memref<512xf32, #tpu.memory_space<hbm>>
      %dma_wait3A_864 = tpu.memref_slice %arg7[%add3A_860] : memref<49152xf32, #tpu.memory_space<hbm>> -> memref<512xf32, #tpu.memory_space<hbm>>
      tpu.wait_dma2 semaphore(%run_scoped3A : memref<!tpu.dma_semaphore, #tpu.memory_space<semaphore_mem>>) src(%arg19 : memref<512xf32, #tpu.memory_space<vmem>>) dst(%dma_wait3A_864 : memref<512xf32, #tpu.memory_space<hbm>>)
      tpu.yield
    }) : () -> ()
    return
  }
}

#map = affine_map<(d0, d1) -> (0)>
module attributes {stable_mosaic.version = 14 : i64} {
  func.func @_sc_body(%arg0: i32, %arg1: i32, %arg2: memref<50176xf32, #tpu.memory_space<hbm>>, %arg3: memref<50176xf32, #tpu.memory_space<hbm>>, %arg4: memref<50176xf32, #tpu.memory_space<hbm>>, %arg5: memref<50176xi32, #tpu.memory_space<hbm>>, %arg6: memref<8192xf32, #tpu.memory_space<hbm>>, %arg7: memref<49152xf32, #tpu.memory_space<hbm>>, %arg8: memref<1568xi32, #tpu.memory_space<vmem>>, %arg9: memref<1568xf32, #tpu.memory_space<vmem>>, %arg10: memref<1568xf32, #tpu.memory_space<vmem>>, %arg11: memref<1568xf32, #tpu.memory_space<vmem>>, %arg12: memref<8192xf32, #tpu.memory_space<vmem>>, %arg13: memref<8192xf32, #tpu.memory_space<vmem>>, %arg14: memref<8192xf32, #tpu.memory_space<vmem>>, %arg15: memref<393216xf32, #tpu.memory_space<vmem_shared>>, %arg16: memref<8192xf32, #tpu.memory_space<vmem>>, %arg17: memref<512xf32, #tpu.memory_space<vmem>>, %arg18: memref<512xf32, #tpu.memory_space<vmem>>, %arg19: memref<512xf32, #tpu.memory_space<vmem>>, %arg20: memref<!tpu.dma_semaphore, #tpu.memory_space<semaphore_mem>>) attributes {dimension_semantics = [#tpu.dimension_semantics<core_parallel>, #tpu.dimension_semantics<subcore_parallel>], iteration_bounds = array<i64: 2, 16>, scalar_prefetch = 0 : i64, scratch_operands = 13 : i64, tpu.core_type = #tpu.core_type<sc_vector_subcore>, window_params = [{transform_indices = #map}, {transform_indices = #map}, {transform_indices = #map}, {transform_indices = #map}, {transform_indices = #map}, {transform_indices = #map}]} {
    %mul3A = arith.constant 2 : i32
    %mul3A_0 = arith.muli %arg1, %mul3A : i32
    %add3A = arith.addi %mul3A_0, %arg0 : i32
    %mul3A_1 = arith.constant 1568 : i32
    %mul3A_2 = arith.muli %add3A, %mul3A_1 : i32
    %dma_start3A = tpu.memref_slice %arg5[%mul3A_2] : memref<50176xi32, #tpu.memory_space<hbm>> -> memref<1568xi32, #tpu.memory_space<hbm>>
    %dma_start3A_3 = tpu.memref_slice %arg5[%mul3A_2] : memref<50176xi32, #tpu.memory_space<hbm>> -> memref<1568xi32, #tpu.memory_space<hbm>>
    tpu.enqueue_dma source(%dma_start3A_3 : memref<1568xi32, #tpu.memory_space<hbm>>) target(%arg8 : memref<1568xi32, #tpu.memory_space<vmem>>) target_semaphore(%arg20 : memref<!tpu.dma_semaphore, #tpu.memory_space<semaphore_mem>>)
    %dma_start3A_4 = tpu.memref_slice %arg2[%mul3A_2] : memref<50176xf32, #tpu.memory_space<hbm>> -> memref<1568xf32, #tpu.memory_space<hbm>>
    %dma_start3A_5 = tpu.memref_slice %arg2[%mul3A_2] : memref<50176xf32, #tpu.memory_space<hbm>> -> memref<1568xf32, #tpu.memory_space<hbm>>
    tpu.enqueue_dma source(%dma_start3A_5 : memref<1568xf32, #tpu.memory_space<hbm>>) target(%arg9 : memref<1568xf32, #tpu.memory_space<vmem>>) target_semaphore(%arg20 : memref<!tpu.dma_semaphore, #tpu.memory_space<semaphore_mem>>)
    %dma_start3A_6 = tpu.memref_slice %arg3[%mul3A_2] : memref<50176xf32, #tpu.memory_space<hbm>> -> memref<1568xf32, #tpu.memory_space<hbm>>
    %dma_start3A_7 = tpu.memref_slice %arg3[%mul3A_2] : memref<50176xf32, #tpu.memory_space<hbm>> -> memref<1568xf32, #tpu.memory_space<hbm>>
    tpu.enqueue_dma source(%dma_start3A_7 : memref<1568xf32, #tpu.memory_space<hbm>>) target(%arg10 : memref<1568xf32, #tpu.memory_space<vmem>>) target_semaphore(%arg20 : memref<!tpu.dma_semaphore, #tpu.memory_space<semaphore_mem>>)
    %dma_start3A_8 = tpu.memref_slice %arg4[%mul3A_2] : memref<50176xf32, #tpu.memory_space<hbm>> -> memref<1568xf32, #tpu.memory_space<hbm>>
    %dma_start3A_9 = tpu.memref_slice %arg4[%mul3A_2] : memref<50176xf32, #tpu.memory_space<hbm>> -> memref<1568xf32, #tpu.memory_space<hbm>>
    tpu.enqueue_dma source(%dma_start3A_9 : memref<1568xf32, #tpu.memory_space<hbm>>) target(%arg11 : memref<1568xf32, #tpu.memory_space<vmem>>) target_semaphore(%arg20 : memref<!tpu.dma_semaphore, #tpu.memory_space<semaphore_mem>>)
    tpu.enqueue_dma source(%arg6 : memref<8192xf32, #tpu.memory_space<hbm>>) target(%arg12 : memref<8192xf32, #tpu.memory_space<vmem>>) target_semaphore(%arg20 : memref<!tpu.dma_semaphore, #tpu.memory_space<semaphore_mem>>)
    tpu.enqueue_dma source(%arg6 : memref<8192xf32, #tpu.memory_space<hbm>>) target(%arg13 : memref<8192xf32, #tpu.memory_space<vmem>>) target_semaphore(%arg20 : memref<!tpu.dma_semaphore, #tpu.memory_space<semaphore_mem>>)
    tpu.enqueue_dma source(%arg6 : memref<8192xf32, #tpu.memory_space<hbm>>) target(%arg14 : memref<8192xf32, #tpu.memory_space<vmem>>) target_semaphore(%arg20 : memref<!tpu.dma_semaphore, #tpu.memory_space<semaphore_mem>>)
    %dma_wait3A = tpu.memref_slice %arg5[%mul3A_2] : memref<50176xi32, #tpu.memory_space<hbm>> -> memref<1568xi32, #tpu.memory_space<hbm>>
    %dma_wait3A_10 = tpu.memref_slice %arg5[%mul3A_2] : memref<50176xi32, #tpu.memory_space<hbm>> -> memref<1568xi32, #tpu.memory_space<hbm>>
    tpu.wait_dma2 semaphore(%arg20 : memref<!tpu.dma_semaphore, #tpu.memory_space<semaphore_mem>>) src(%dma_wait3A_10 : memref<1568xi32, #tpu.memory_space<hbm>>) dst(%arg8 : memref<1568xi32, #tpu.memory_space<vmem>>)
    %dma_wait3A_11 = tpu.memref_slice %arg2[%mul3A_2] : memref<50176xf32, #tpu.memory_space<hbm>> -> memref<1568xf32, #tpu.memory_space<hbm>>
    %dma_wait3A_12 = tpu.memref_slice %arg2[%mul3A_2] : memref<50176xf32, #tpu.memory_space<hbm>> -> memref<1568xf32, #tpu.memory_space<hbm>>
    tpu.wait_dma2 semaphore(%arg20 : memref<!tpu.dma_semaphore, #tpu.memory_space<semaphore_mem>>) src(%dma_wait3A_12 : memref<1568xf32, #tpu.memory_space<hbm>>) dst(%arg9 : memref<1568xf32, #tpu.memory_space<vmem>>)
    %dma_wait3A_13 = tpu.memref_slice %arg3[%mul3A_2] : memref<50176xf32, #tpu.memory_space<hbm>> -> memref<1568xf32, #tpu.memory_space<hbm>>
    %dma_wait3A_14 = tpu.memref_slice %arg3[%mul3A_2] : memref<50176xf32, #tpu.memory_space<hbm>> -> memref<1568xf32, #tpu.memory_space<hbm>>
    tpu.wait_dma2 semaphore(%arg20 : memref<!tpu.dma_semaphore, #tpu.memory_space<semaphore_mem>>) src(%dma_wait3A_14 : memref<1568xf32, #tpu.memory_space<hbm>>) dst(%arg10 : memref<1568xf32, #tpu.memory_space<vmem>>)
    %dma_wait3A_15 = tpu.memref_slice %arg4[%mul3A_2] : memref<50176xf32, #tpu.memory_space<hbm>> -> memref<1568xf32, #tpu.memory_space<hbm>>
    %dma_wait3A_16 = tpu.memref_slice %arg4[%mul3A_2] : memref<50176xf32, #tpu.memory_space<hbm>> -> memref<1568xf32, #tpu.memory_space<hbm>>
    tpu.wait_dma2 semaphore(%arg20 : memref<!tpu.dma_semaphore, #tpu.memory_space<semaphore_mem>>) src(%dma_wait3A_16 : memref<1568xf32, #tpu.memory_space<hbm>>) dst(%arg11 : memref<1568xf32, #tpu.memory_space<vmem>>)
    tpu.wait_dma2 semaphore(%arg20 : memref<!tpu.dma_semaphore, #tpu.memory_space<semaphore_mem>>) src(%arg6 : memref<8192xf32, #tpu.memory_space<hbm>>) dst(%arg12 : memref<8192xf32, #tpu.memory_space<vmem>>)
    tpu.wait_dma2 semaphore(%arg20 : memref<!tpu.dma_semaphore, #tpu.memory_space<semaphore_mem>>) src(%arg6 : memref<8192xf32, #tpu.memory_space<hbm>>) dst(%arg13 : memref<8192xf32, #tpu.memory_space<vmem>>)
    tpu.wait_dma2 semaphore(%arg20 : memref<!tpu.dma_semaphore, #tpu.memory_space<semaphore_mem>>) src(%arg6 : memref<8192xf32, #tpu.memory_space<hbm>>) dst(%arg14 : memref<8192xf32, #tpu.memory_space<vmem>>)
    %scan3A = arith.constant 0 : i32
    %scan3A_17 = arith.constant 98 : i32
    %scan3A_18 = arith.addi %scan3A, %scan3A_17 : i32
    %scan3A_19 = arith.constant 1 : i32
    scf.for %scan3A_861 = %scan3A to %scan3A_18 step %scan3A_19  : i32 {
      %mul3A_862 = arith.constant 1 : i32
      %mul3A_863 = arith.muli %scan3A_861, %mul3A_862 : i32
      %add3A_864 = arith.constant 0 : i32
      %add3A_865 = arith.addi %add3A_864, %mul3A_863 : i32
      %mul3A_866 = arith.constant 16 : i32
      %mul3A_867 = arith.muli %add3A_865, %mul3A_866 : i32
      %get3A = arith.index_cast %mul3A_867 : i32 to index
      %get3A_868 = tpu.vector_load %arg8[%get3A] {strides = array<i32>} : memref<1568xi32, #tpu.memory_space<vmem>>, vector<16xi32>,
      %get3A_869 = arith.index_cast %mul3A_867 : i32 to index
      %get3A_870 = tpu.vector_load %arg9[%get3A_869] {strides = array<i32>} : memref<1568xf32, #tpu.memory_space<vmem>>, vector<16xf32>,
      tpu.vector_store_idx %arg12[%get3A_868], %get3A_870 {add = true} : memref<8192xf32, #tpu.memory_space<vmem>>[vector<16xi32>], vector<16xf32>,
      %get3A_871 = arith.index_cast %mul3A_867 : i32 to index
      %get3A_872 = tpu.vector_load %arg10[%get3A_871] {strides = array<i32>} : memref<1568xf32, #tpu.memory_space<vmem>>, vector<16xf32>,
      tpu.vector_store_idx %arg13[%get3A_868], %get3A_872 {add = true} : memref<8192xf32, #tpu.memory_space<vmem>>[vector<16xi32>], vector<16xf32>,
      %get3A_873 = arith.index_cast %mul3A_867 : i32 to index
      %get3A_874 = tpu.vector_load %arg11[%get3A_873] {strides = array<i32>} : memref<1568xf32, #tpu.memory_space<vmem>>, vector<16xf32>,
      tpu.vector_store_idx %arg14[%get3A_868], %get3A_874 {add = true} : memref<8192xf32, #tpu.memory_space<vmem>>[vector<16xi32>], vector<16xf32>,
    }
    %scan3A_20 = arith.constant 98 : i32
    %mul3A_21 = arith.constant 3 : i32
    %mul3A_22 = arith.muli %arg1, %mul3A_21 : i32
    %add3A_23 = arith.constant 0 : i32
    %add3A_24 = arith.addi %mul3A_22, %add3A_23 : i32
    %mul3A_25 = arith.constant 8192 : i32
    %mul3A_26 = arith.muli %add3A_24, %mul3A_25 : i32
    %dma_start3A_27 = tpu.memref_slice %arg15[%mul3A_26] : memref<393216xf32, #tpu.memory_space<vmem_shared>> -> memref<8192xf32, #tpu.memory_space<vmem_shared>>
    %dma_start3A_28 = tpu.memref_slice %arg15[%mul3A_26] : memref<393216xf32, #tpu.memory_space<vmem_shared>> -> memref<8192xf32, #tpu.memory_space<vmem_shared>>
    tpu.enqueue_dma source(%arg12 : memref<8192xf32, #tpu.memory_space<vmem>>) target(%dma_start3A_28 : memref<8192xf32, #tpu.memory_space<vmem_shared>>) target_semaphore(%arg20 : memref<!tpu.dma_semaphore, #tpu.memory_space<semaphore_mem>>)
    %mul3A_29 = arith.constant 3 : i32
    %mul3A_30 = arith.muli %arg1, %mul3A_29 : i32
    %add3A_31 = arith.constant 1 : i32
    %add3A_32 = arith.addi %mul3A_30, %add3A_31 : i32
    %mul3A_33 = arith.constant 8192 : i32
    %mul3A_34 = arith.muli %add3A_32, %mul3A_33 : i32
    %dma_start3A_35 = tpu.memref_slice %arg15[%mul3A_34] : memref<393216xf32, #tpu.memory_space<vmem_shared>> -> memref<8192xf32, #tpu.memory_space<vmem_shared>>
    %dma_start3A_36 = tpu.memref_slice %arg15[%mul3A_34] : memref<393216xf32, #tpu.memory_space<vmem_shared>> -> memref<8192xf32, #tpu.memory_space<vmem_shared>>
    tpu.enqueue_dma source(%arg13 : memref<8192xf32, #tpu.memory_space<vmem>>) target(%dma_start3A_36 : memref<8192xf32, #tpu.memory_space<vmem_shared>>) target_semaphore(%arg20 : memref<!tpu.dma_semaphore, #tpu.memory_space<semaphore_mem>>)
    %mul3A_37 = arith.constant 3 : i32
    %mul3A_38 = arith.muli %arg1, %mul3A_37 : i32
    %add3A_39 = arith.constant 2 : i32
    %add3A_40 = arith.addi %mul3A_38, %add3A_39 : i32
    %mul3A_41 = arith.constant 8192 : i32
    %mul3A_42 = arith.muli %add3A_40, %mul3A_41 : i32
    %dma_start3A_43 = tpu.memref_slice %arg15[%mul3A_42] : memref<393216xf32, #tpu.memory_space<vmem_shared>> -> memref<8192xf32, #tpu.memory_space<vmem_shared>>
    %dma_start3A_44 = tpu.memref_slice %arg15[%mul3A_42] : memref<393216xf32, #tpu.memory_space<vmem_shared>> -> memref<8192xf32, #tpu.memory_space<vmem_shared>>
    tpu.enqueue_dma source(%arg14 : memref<8192xf32, #tpu.memory_space<vmem>>) target(%dma_start3A_44 : memref<8192xf32, #tpu.memory_space<vmem_shared>>) target_semaphore(%arg20 : memref<!tpu.dma_semaphore, #tpu.memory_space<semaphore_mem>>)
    %dma_wait3A_45 = tpu.memref_slice %arg15[%mul3A_26] : memref<393216xf32, #tpu.memory_space<vmem_shared>> -> memref<8192xf32, #tpu.memory_space<vmem_shared>>
    %dma_wait3A_46 = tpu.memref_slice %arg15[%mul3A_26] : memref<393216xf32, #tpu.memory_space<vmem_shared>> -> memref<8192xf32, #tpu.memory_space<vmem_shared>>
    tpu.wait_dma2 semaphore(%arg20 : memref<!tpu.dma_semaphore, #tpu.memory_space<semaphore_mem>>) src(%arg12 : memref<8192xf32, #tpu.memory_space<vmem>>) dst(%dma_wait3A_46 : memref<8192xf32, #tpu.memory_space<vmem_shared>>)
    %dma_wait3A_47 = tpu.memref_slice %arg15[%mul3A_34] : memref<393216xf32, #tpu.memory_space<vmem_shared>> -> memref<8192xf32, #tpu.memory_space<vmem_shared>>
    %dma_wait3A_48 = tpu.memref_slice %arg15[%mul3A_34] : memref<393216xf32, #tpu.memory_space<vmem_shared>> -> memref<8192xf32, #tpu.memory_space<vmem_shared>>
    tpu.wait_dma2 semaphore(%arg20 : memref<!tpu.dma_semaphore, #tpu.memory_space<semaphore_mem>>) src(%arg13 : memref<8192xf32, #tpu.memory_space<vmem>>) dst(%dma_wait3A_48 : memref<8192xf32, #tpu.memory_space<vmem_shared>>)
    %dma_wait3A_49 = tpu.memref_slice %arg15[%mul3A_42] : memref<393216xf32, #tpu.memory_space<vmem_shared>> -> memref<8192xf32, #tpu.memory_space<vmem_shared>>
    %dma_wait3A_50 = tpu.memref_slice %arg15[%mul3A_42] : memref<393216xf32, #tpu.memory_space<vmem_shared>> -> memref<8192xf32, #tpu.memory_space<vmem_shared>>
    tpu.wait_dma2 semaphore(%arg20 : memref<!tpu.dma_semaphore, #tpu.memory_space<semaphore_mem>>) src(%arg14 : memref<8192xf32, #tpu.memory_space<vmem>>) dst(%dma_wait3A_50 : memref<8192xf32, #tpu.memory_space<vmem_shared>>)
    %barrier3A = arith.constant 0 : index
    tpu.barrier barrier_id(%barrier3A)
    %mul3A_51 = arith.constant 512 : i32
    %mul3A_52 = arith.muli %arg1, %mul3A_51 : i32
    %add3A_53 = arith.constant 0 : i32
    %add3A_54 = arith.addi %add3A_53, %mul3A_52 : i32
    %dma_start3A_55 = arith.constant 0 : i32
    %dma_start3A_56 = tpu.memref_slice %arg16[%dma_start3A_55] : memref<8192xf32, #tpu.memory_space<vmem>> -> memref<512xf32, #tpu.memory_space<vmem>>
    %dma_start3A_57 = tpu.memref_slice %arg15[%add3A_54] : memref<393216xf32, #tpu.memory_space<vmem_shared>> -> memref<512xf32, #tpu.memory_space<vmem_shared>>
    %dma_start3A_58 = arith.constant 0 : i32
    %dma_start3A_59 = tpu.memref_slice %arg16[%dma_start3A_58] : memref<8192xf32, #tpu.memory_space<vmem>> -> memref<512xf32, #tpu.memory_space<vmem>>
    %dma_start3A_60 = tpu.memref_slice %arg15[%add3A_54] : memref<393216xf32, #tpu.memory_space<vmem_shared>> -> memref<512xf32, #tpu.memory_space<vmem_shared>>
    tpu.enqueue_dma source(%dma_start3A_60 : memref<512xf32, #tpu.memory_space<vmem_shared>>) target(%dma_start3A_59 : memref<512xf32, #tpu.memory_space<vmem>>) target_semaphore(%arg20 : memref<!tpu.dma_semaphore, #tpu.memory_space<semaphore_mem>>)
    %mul3A_61 = arith.constant 512 : i32
    %mul3A_62 = arith.muli %arg1, %mul3A_61 : i32
    %add3A_63 = arith.constant 24576 : i32
    %add3A_64 = arith.addi %add3A_63, %mul3A_62 : i32
    %dma_start3A_65 = arith.constant 512 : i32
    %dma_start3A_66 = tpu.memref_slice %arg16[%dma_start3A_65] : memref<8192xf32, #tpu.memory_space<vmem>> -> memref<512xf32, #tpu.memory_space<vmem>>
    %dma_start3A_67 = tpu.memref_slice %arg15[%add3A_64] : memref<393216xf32, #tpu.memory_space<vmem_shared>> -> memref<512xf32, #tpu.memory_space<vmem_shared>>
    %dma_start3A_68 = arith.constant 512 : i32
    %dma_start3A_69 = tpu.memref_slice %arg16[%dma_start3A_68] : memref<8192xf32, #tpu.memory_space<vmem>> -> memref<512xf32, #tpu.memory_space<vmem>>
    %dma_start3A_70 = tpu.memref_slice %arg15[%add3A_64] : memref<393216xf32, #tpu.memory_space<vmem_shared>> -> memref<512xf32, #tpu.memory_space<vmem_shared>>
    tpu.enqueue_dma source(%dma_start3A_70 : memref<512xf32, #tpu.memory_space<vmem_shared>>) target(%dma_start3A_69 : memref<512xf32, #tpu.memory_space<vmem>>) target_semaphore(%arg20 : memref<!tpu.dma_semaphore, #tpu.memory_space<semaphore_mem>>)
    %mul3A_71 = arith.constant 512 : i32
    %mul3A_72 = arith.muli %arg1, %mul3A_71 : i32
    %add3A_73 = arith.constant 49152 : i32
    %add3A_74 = arith.addi %add3A_73, %mul3A_72 : i32
    %dma_start3A_75 = arith.constant 1024 : i32
    %dma_start3A_76 = tpu.memref_slice %arg16[%dma_start3A_75] : memref<8192xf32, #tpu.memory_space<vmem>> -> memref<512xf32, #tpu.memory_space<vmem>>
    %dma_start3A_77 = tpu.memref_slice %arg15[%add3A_74] : memref<393216xf32, #tpu.memory_space<vmem_shared>> -> memref<512xf32, #tpu.memory_space<vmem_shared>>
    %dma_start3A_78 = arith.constant 1024 : i32
    %dma_start3A_79 = tpu.memref_slice %arg16[%dma_start3A_78] : memref<8192xf32, #tpu.memory_space<vmem>> -> memref<512xf32, #tpu.memory_space<vmem>>
    %dma_start3A_80 = tpu.memref_slice %arg15[%add3A_74] : memref<393216xf32, #tpu.memory_space<vmem_shared>> -> memref<512xf32, #tpu.memory_space<vmem_shared>>
    tpu.enqueue_dma source(%dma_start3A_80 : memref<512xf32, #tpu.memory_space<vmem_shared>>) target(%dma_start3A_79 : memref<512xf32, #tpu.memory_space<vmem>>) target_semaphore(%arg20 : memref<!tpu.dma_semaphore, #tpu.memory_space<semaphore_mem>>)
    %mul3A_81 = arith.constant 512 : i32
    %mul3A_82 = arith.muli %arg1, %mul3A_81 : i32
    %add3A_83 = arith.constant 73728 : i32
    %add3A_84 = arith.addi %add3A_83, %mul3A_82 : i32
    %dma_start3A_85 = arith.constant 1536 : i32
    %dma_start3A_86 = tpu.memref_slice %arg16[%dma_start3A_85] : memref<8192xf32, #tpu.memory_space<vmem>> -> memref<512xf32, #tpu.memory_space<vmem>>
    %dma_start3A_87 = tpu.memref_slice %arg15[%add3A_84] : memref<393216xf32, #tpu.memory_space<vmem_shared>> -> memref<512xf32, #tpu.memory_space<vmem_shared>>
    %dma_start3A_88 = arith.constant 1536 : i32
    %dma_start3A_89 = tpu.memref_slice %arg16[%dma_start3A_88] : memref<8192xf32, #tpu.memory_space<vmem>> -> memref<512xf32, #tpu.memory_space<vmem>>
    %dma_start3A_90 = tpu.memref_slice %arg15[%add3A_84] : memref<393216xf32, #tpu.memory_space<vmem_shared>> -> memref<512xf32, #tpu.memory_space<vmem_shared>>
    tpu.enqueue_dma source(%dma_start3A_90 : memref<512xf32, #tpu.memory_space<vmem_shared>>) target(%dma_start3A_89 : memref<512xf32, #tpu.memory_space<vmem>>) target_semaphore(%arg20 : memref<!tpu.dma_semaphore, #tpu.memory_space<semaphore_mem>>)
    %mul3A_91 = arith.constant 512 : i32
    %mul3A_92 = arith.muli %arg1, %mul3A_91 : i32
    %add3A_93 = arith.constant 98304 : i32
    %add3A_94 = arith.addi %add3A_93, %mul3A_92 : i32
    %dma_start3A_95 = arith.constant 2048 : i32
    %dma_start3A_96 = tpu.memref_slice %arg16[%dma_start3A_95] : memref<8192xf32, #tpu.memory_space<vmem>> -> memref<512xf32, #tpu.memory_space<vmem>>
    %dma_start3A_97 = tpu.memref_slice %arg15[%add3A_94] : memref<393216xf32, #tpu.memory_space<vmem_shared>> -> memref<512xf32, #tpu.memory_space<vmem_shared>>
    %dma_start3A_98 = arith.constant 2048 : i32
    %dma_start3A_99 = tpu.memref_slice %arg16[%dma_start3A_98] : memref<8192xf32, #tpu.memory_space<vmem>> -> memref<512xf32, #tpu.memory_space<vmem>>
    %dma_start3A_100 = tpu.memref_slice %arg15[%add3A_94] : memref<393216xf32, #tpu.memory_space<vmem_shared>> -> memref<512xf32, #tpu.memory_space<vmem_shared>>
    tpu.enqueue_dma source(%dma_start3A_100 : memref<512xf32, #tpu.memory_space<vmem_shared>>) target(%dma_start3A_99 : memref<512xf32, #tpu.memory_space<vmem>>) target_semaphore(%arg20 : memref<!tpu.dma_semaphore, #tpu.memory_space<semaphore_mem>>)
    %mul3A_101 = arith.constant 512 : i32
    %mul3A_102 = arith.muli %arg1, %mul3A_101 : i32
    %add3A_103 = arith.constant 122880 : i32
    %add3A_104 = arith.addi %add3A_103, %mul3A_102 : i32
    %dma_start3A_105 = arith.constant 2560 : i32
    %dma_start3A_106 = tpu.memref_slice %arg16[%dma_start3A_105] : memref<8192xf32, #tpu.memory_space<vmem>> -> memref<512xf32, #tpu.memory_space<vmem>>
    %dma_start3A_107 = tpu.memref_slice %arg15[%add3A_104] : memref<393216xf32, #tpu.memory_space<vmem_shared>> -> memref<512xf32, #tpu.memory_space<vmem_shared>>
    %dma_start3A_108 = arith.constant 2560 : i32
    %dma_start3A_109 = tpu.memref_slice %arg16[%dma_start3A_108] : memref<8192xf32, #tpu.memory_space<vmem>> -> memref<512xf32, #tpu.memory_space<vmem>>
    %dma_start3A_110 = tpu.memref_slice %arg15[%add3A_104] : memref<393216xf32, #tpu.memory_space<vmem_shared>> -> memref<512xf32, #tpu.memory_space<vmem_shared>>
    tpu.enqueue_dma source(%dma_start3A_110 : memref<512xf32, #tpu.memory_space<vmem_shared>>) target(%dma_start3A_109 : memref<512xf32, #tpu.memory_space<vmem>>) target_semaphore(%arg20 : memref<!tpu.dma_semaphore, #tpu.memory_space<semaphore_mem>>)
    %mul3A_111 = arith.constant 512 : i32
    %mul3A_112 = arith.muli %arg1, %mul3A_111 : i32
    %add3A_113 = arith.constant 147456 : i32
    %add3A_114 = arith.addi %add3A_113, %mul3A_112 : i32
    %dma_start3A_115 = arith.constant 3072 : i32
    %dma_start3A_116 = tpu.memref_slice %arg16[%dma_start3A_115] : memref<8192xf32, #tpu.memory_space<vmem>> -> memref<512xf32, #tpu.memory_space<vmem>>
    %dma_start3A_117 = tpu.memref_slice %arg15[%add3A_114] : memref<393216xf32, #tpu.memory_space<vmem_shared>> -> memref<512xf32, #tpu.memory_space<vmem_shared>>
    %dma_start3A_118 = arith.constant 3072 : i32
    %dma_start3A_119 = tpu.memref_slice %arg16[%dma_start3A_118] : memref<8192xf32, #tpu.memory_space<vmem>> -> memref<512xf32, #tpu.memory_space<vmem>>
    %dma_start3A_120 = tpu.memref_slice %arg15[%add3A_114] : memref<393216xf32, #tpu.memory_space<vmem_shared>> -> memref<512xf32, #tpu.memory_space<vmem_shared>>
    tpu.enqueue_dma source(%dma_start3A_120 : memref<512xf32, #tpu.memory_space<vmem_shared>>) target(%dma_start3A_119 : memref<512xf32, #tpu.memory_space<vmem>>) target_semaphore(%arg20 : memref<!tpu.dma_semaphore, #tpu.memory_space<semaphore_mem>>)
    %mul3A_121 = arith.constant 512 : i32
    %mul3A_122 = arith.muli %arg1, %mul3A_121 : i32
    %add3A_123 = arith.constant 172032 : i32
    %add3A_124 = arith.addi %add3A_123, %mul3A_122 : i32
    %dma_start3A_125 = arith.constant 3584 : i32
    %dma_start3A_126 = tpu.memref_slice %arg16[%dma_start3A_125] : memref<8192xf32, #tpu.memory_space<vmem>> -> memref<512xf32, #tpu.memory_space<vmem>>
    %dma_start3A_127 = tpu.memref_slice %arg15[%add3A_124] : memref<393216xf32, #tpu.memory_space<vmem_shared>> -> memref<512xf32, #tpu.memory_space<vmem_shared>>
    %dma_start3A_128 = arith.constant 3584 : i32
    %dma_start3A_129 = tpu.memref_slice %arg16[%dma_start3A_128] : memref<8192xf32, #tpu.memory_space<vmem>> -> memref<512xf32, #tpu.memory_space<vmem>>
    %dma_start3A_130 = tpu.memref_slice %arg15[%add3A_124] : memref<393216xf32, #tpu.memory_space<vmem_shared>> -> memref<512xf32, #tpu.memory_space<vmem_shared>>
    tpu.enqueue_dma source(%dma_start3A_130 : memref<512xf32, #tpu.memory_space<vmem_shared>>) target(%dma_start3A_129 : memref<512xf32, #tpu.memory_space<vmem>>) target_semaphore(%arg20 : memref<!tpu.dma_semaphore, #tpu.memory_space<semaphore_mem>>)
    %mul3A_131 = arith.constant 512 : i32
    %mul3A_132 = arith.muli %arg1, %mul3A_131 : i32
    %add3A_133 = arith.constant 196608 : i32
    %add3A_134 = arith.addi %add3A_133, %mul3A_132 : i32
    %dma_start3A_135 = arith.constant 4096 : i32
    %dma_start3A_136 = tpu.memref_slice %arg16[%dma_start3A_135] : memref<8192xf32, #tpu.memory_space<vmem>> -> memref<512xf32, #tpu.memory_space<vmem>>
    %dma_start3A_137 = tpu.memref_slice %arg15[%add3A_134] : memref<393216xf32, #tpu.memory_space<vmem_shared>> -> memref<512xf32, #tpu.memory_space<vmem_shared>>
    %dma_start3A_138 = arith.constant 4096 : i32
    %dma_start3A_139 = tpu.memref_slice %arg16[%dma_start3A_138] : memref<8192xf32, #tpu.memory_space<vmem>> -> memref<512xf32, #tpu.memory_space<vmem>>
    %dma_start3A_140 = tpu.memref_slice %arg15[%add3A_134] : memref<393216xf32, #tpu.memory_space<vmem_shared>> -> memref<512xf32, #tpu.memory_space<vmem_shared>>
    tpu.enqueue_dma source(%dma_start3A_140 : memref<512xf32, #tpu.memory_space<vmem_shared>>) target(%dma_start3A_139 : memref<512xf32, #tpu.memory_space<vmem>>) target_semaphore(%arg20 : memref<!tpu.dma_semaphore, #tpu.memory_space<semaphore_mem>>)
    %mul3A_141 = arith.constant 512 : i32
    %mul3A_142 = arith.muli %arg1, %mul3A_141 : i32
    %add3A_143 = arith.constant 221184 : i32
    %add3A_144 = arith.addi %add3A_143, %mul3A_142 : i32
    %dma_start3A_145 = arith.constant 4608 : i32
    %dma_start3A_146 = tpu.memref_slice %arg16[%dma_start3A_145] : memref<8192xf32, #tpu.memory_space<vmem>> -> memref<512xf32, #tpu.memory_space<vmem>>
    %dma_start3A_147 = tpu.memref_slice %arg15[%add3A_144] : memref<393216xf32, #tpu.memory_space<vmem_shared>> -> memref<512xf32, #tpu.memory_space<vmem_shared>>
    %dma_start3A_148 = arith.constant 4608 : i32
    %dma_start3A_149 = tpu.memref_slice %arg16[%dma_start3A_148] : memref<8192xf32, #tpu.memory_space<vmem>> -> memref<512xf32, #tpu.memory_space<vmem>>
    %dma_start3A_150 = tpu.memref_slice %arg15[%add3A_144] : memref<393216xf32, #tpu.memory_space<vmem_shared>> -> memref<512xf32, #tpu.memory_space<vmem_shared>>
    tpu.enqueue_dma source(%dma_start3A_150 : memref<512xf32, #tpu.memory_space<vmem_shared>>) target(%dma_start3A_149 : memref<512xf32, #tpu.memory_space<vmem>>) target_semaphore(%arg20 : memref<!tpu.dma_semaphore, #tpu.memory_space<semaphore_mem>>)
    %mul3A_151 = arith.constant 512 : i32
    %mul3A_152 = arith.muli %arg1, %mul3A_151 : i32
    %add3A_153 = arith.constant 245760 : i32
    %add3A_154 = arith.addi %add3A_153, %mul3A_152 : i32
    %dma_start3A_155 = arith.constant 5120 : i32
    %dma_start3A_156 = tpu.memref_slice %arg16[%dma_start3A_155] : memref<8192xf32, #tpu.memory_space<vmem>> -> memref<512xf32, #tpu.memory_space<vmem>>
    %dma_start3A_157 = tpu.memref_slice %arg15[%add3A_154] : memref<393216xf32, #tpu.memory_space<vmem_shared>> -> memref<512xf32, #tpu.memory_space<vmem_shared>>
    %dma_start3A_158 = arith.constant 5120 : i32
    %dma_start3A_159 = tpu.memref_slice %arg16[%dma_start3A_158] : memref<8192xf32, #tpu.memory_space<vmem>> -> memref<512xf32, #tpu.memory_space<vmem>>
    %dma_start3A_160 = tpu.memref_slice %arg15[%add3A_154] : memref<393216xf32, #tpu.memory_space<vmem_shared>> -> memref<512xf32, #tpu.memory_space<vmem_shared>>
    tpu.enqueue_dma source(%dma_start3A_160 : memref<512xf32, #tpu.memory_space<vmem_shared>>) target(%dma_start3A_159 : memref<512xf32, #tpu.memory_space<vmem>>) target_semaphore(%arg20 : memref<!tpu.dma_semaphore, #tpu.memory_space<semaphore_mem>>)
    %mul3A_161 = arith.constant 512 : i32
    %mul3A_162 = arith.muli %arg1, %mul3A_161 : i32
    %add3A_163 = arith.constant 270336 : i32
    %add3A_164 = arith.addi %add3A_163, %mul3A_162 : i32
    %dma_start3A_165 = arith.constant 5632 : i32
    %dma_start3A_166 = tpu.memref_slice %arg16[%dma_start3A_165] : memref<8192xf32, #tpu.memory_space<vmem>> -> memref<512xf32, #tpu.memory_space<vmem>>
    %dma_start3A_167 = tpu.memref_slice %arg15[%add3A_164] : memref<393216xf32, #tpu.memory_space<vmem_shared>> -> memref<512xf32, #tpu.memory_space<vmem_shared>>
    %dma_start3A_168 = arith.constant 5632 : i32
    %dma_start3A_169 = tpu.memref_slice %arg16[%dma_start3A_168] : memref<8192xf32, #tpu.memory_space<vmem>> -> memref<512xf32, #tpu.memory_space<vmem>>
    %dma_start3A_170 = tpu.memref_slice %arg15[%add3A_164] : memref<393216xf32, #tpu.memory_space<vmem_shared>> -> memref<512xf32, #tpu.memory_space<vmem_shared>>
    tpu.enqueue_dma source(%dma_start3A_170 : memref<512xf32, #tpu.memory_space<vmem_shared>>) target(%dma_start3A_169 : memref<512xf32, #tpu.memory_space<vmem>>) target_semaphore(%arg20 : memref<!tpu.dma_semaphore, #tpu.memory_space<semaphore_mem>>)
    %mul3A_171 = arith.constant 512 : i32
    %mul3A_172 = arith.muli %arg1, %mul3A_171 : i32
    %add3A_173 = arith.constant 294912 : i32
    %add3A_174 = arith.addi %add3A_173, %mul3A_172 : i32
    %dma_start3A_175 = arith.constant 6144 : i32
    %dma_start3A_176 = tpu.memref_slice %arg16[%dma_start3A_175] : memref<8192xf32, #tpu.memory_space<vmem>> -> memref<512xf32, #tpu.memory_space<vmem>>
    %dma_start3A_177 = tpu.memref_slice %arg15[%add3A_174] : memref<393216xf32, #tpu.memory_space<vmem_shared>> -> memref<512xf32, #tpu.memory_space<vmem_shared>>
    %dma_start3A_178 = arith.constant 6144 : i32
    %dma_start3A_179 = tpu.memref_slice %arg16[%dma_start3A_178] : memref<8192xf32, #tpu.memory_space<vmem>> -> memref<512xf32, #tpu.memory_space<vmem>>
    %dma_start3A_180 = tpu.memref_slice %arg15[%add3A_174] : memref<393216xf32, #tpu.memory_space<vmem_shared>> -> memref<512xf32, #tpu.memory_space<vmem_shared>>
    tpu.enqueue_dma source(%dma_start3A_180 : memref<512xf32, #tpu.memory_space<vmem_shared>>) target(%dma_start3A_179 : memref<512xf32, #tpu.memory_space<vmem>>) target_semaphore(%arg20 : memref<!tpu.dma_semaphore, #tpu.memory_space<semaphore_mem>>)
    %mul3A_181 = arith.constant 512 : i32
    %mul3A_182 = arith.muli %arg1, %mul3A_181 : i32
    %add3A_183 = arith.constant 319488 : i32
    %add3A_184 = arith.addi %add3A_183, %mul3A_182 : i32
    %dma_start3A_185 = arith.constant 6656 : i32
    %dma_start3A_186 = tpu.memref_slice %arg16[%dma_start3A_185] : memref<8192xf32, #tpu.memory_space<vmem>> -> memref<512xf32, #tpu.memory_space<vmem>>
    %dma_start3A_187 = tpu.memref_slice %arg15[%add3A_184] : memref<393216xf32, #tpu.memory_space<vmem_shared>> -> memref<512xf32, #tpu.memory_space<vmem_shared>>
    %dma_start3A_188 = arith.constant 6656 : i32
    %dma_start3A_189 = tpu.memref_slice %arg16[%dma_start3A_188] : memref<8192xf32, #tpu.memory_space<vmem>> -> memref<512xf32, #tpu.memory_space<vmem>>
    %dma_start3A_190 = tpu.memref_slice %arg15[%add3A_184] : memref<393216xf32, #tpu.memory_space<vmem_shared>> -> memref<512xf32, #tpu.memory_space<vmem_shared>>
    tpu.enqueue_dma source(%dma_start3A_190 : memref<512xf32, #tpu.memory_space<vmem_shared>>) target(%dma_start3A_189 : memref<512xf32, #tpu.memory_space<vmem>>) target_semaphore(%arg20 : memref<!tpu.dma_semaphore, #tpu.memory_space<semaphore_mem>>)
    %mul3A_191 = arith.constant 512 : i32
    %mul3A_192 = arith.muli %arg1, %mul3A_191 : i32
    %add3A_193 = arith.constant 344064 : i32
    %add3A_194 = arith.addi %add3A_193, %mul3A_192 : i32
    %dma_start3A_195 = arith.constant 7168 : i32
    %dma_start3A_196 = tpu.memref_slice %arg16[%dma_start3A_195] : memref<8192xf32, #tpu.memory_space<vmem>> -> memref<512xf32, #tpu.memory_space<vmem>>
    %dma_start3A_197 = tpu.memref_slice %arg15[%add3A_194] : memref<393216xf32, #tpu.memory_space<vmem_shared>> -> memref<512xf32, #tpu.memory_space<vmem_shared>>
    %dma_start3A_198 = arith.constant 7168 : i32
    %dma_start3A_199 = tpu.memref_slice %arg16[%dma_start3A_198] : memref<8192xf32, #tpu.memory_space<vmem>> -> memref<512xf32, #tpu.memory_space<vmem>>
    %dma_start3A_200 = tpu.memref_slice %arg15[%add3A_194] : memref<393216xf32, #tpu.memory_space<vmem_shared>> -> memref<512xf32, #tpu.memory_space<vmem_shared>>
    tpu.enqueue_dma source(%dma_start3A_200 : memref<512xf32, #tpu.memory_space<vmem_shared>>) target(%dma_start3A_199 : memref<512xf32, #tpu.memory_space<vmem>>) target_semaphore(%arg20 : memref<!tpu.dma_semaphore, #tpu.memory_space<semaphore_mem>>)
    %mul3A_201 = arith.constant 512 : i32
    %mul3A_202 = arith.muli %arg1, %mul3A_201 : i32
    %add3A_203 = arith.constant 368640 : i32
    %add3A_204 = arith.addi %add3A_203, %mul3A_202 : i32
    %dma_start3A_205 = arith.constant 7680 : i32
    %dma_start3A_206 = tpu.memref_slice %arg16[%dma_start3A_205] : memref<8192xf32, #tpu.memory_space<vmem>> -> memref<512xf32, #tpu.memory_space<vmem>>
    %dma_start3A_207 = tpu.memref_slice %arg15[%add3A_204] : memref<393216xf32, #tpu.memory_space<vmem_shared>> -> memref<512xf32, #tpu.memory_space<vmem_shared>>
    %dma_start3A_208 = arith.constant 7680 : i32
    %dma_start3A_209 = tpu.memref_slice %arg16[%dma_start3A_208] : memref<8192xf32, #tpu.memory_space<vmem>> -> memref<512xf32, #tpu.memory_space<vmem>>
    %dma_start3A_210 = tpu.memref_slice %arg15[%add3A_204] : memref<393216xf32, #tpu.memory_space<vmem_shared>> -> memref<512xf32, #tpu.memory_space<vmem_shared>>
    tpu.enqueue_dma source(%dma_start3A_210 : memref<512xf32, #tpu.memory_space<vmem_shared>>) target(%dma_start3A_209 : memref<512xf32, #tpu.memory_space<vmem>>) target_semaphore(%arg20 : memref<!tpu.dma_semaphore, #tpu.memory_space<semaphore_mem>>)
    %dma_wait3A_211 = arith.constant 0 : i32
    %dma_wait3A_212 = tpu.memref_slice %arg16[%dma_wait3A_211] : memref<8192xf32, #tpu.memory_space<vmem>> -> memref<512xf32, #tpu.memory_space<vmem>>
    %dma_wait3A_213 = tpu.memref_slice %arg15[%add3A_54] : memref<393216xf32, #tpu.memory_space<vmem_shared>> -> memref<512xf32, #tpu.memory_space<vmem_shared>>
    %dma_wait3A_214 = arith.constant 0 : i32
    %dma_wait3A_215 = tpu.memref_slice %arg16[%dma_wait3A_214] : memref<8192xf32, #tpu.memory_space<vmem>> -> memref<512xf32, #tpu.memory_space<vmem>>
    %dma_wait3A_216 = tpu.memref_slice %arg15[%add3A_54] : memref<393216xf32, #tpu.memory_space<vmem_shared>> -> memref<512xf32, #tpu.memory_space<vmem_shared>>
    tpu.wait_dma2 semaphore(%arg20 : memref<!tpu.dma_semaphore, #tpu.memory_space<semaphore_mem>>) src(%dma_wait3A_216 : memref<512xf32, #tpu.memory_space<vmem_shared>>) dst(%dma_wait3A_215 : memref<512xf32, #tpu.memory_space<vmem>>)
    %dma_wait3A_217 = arith.constant 512 : i32
    %dma_wait3A_218 = tpu.memref_slice %arg16[%dma_wait3A_217] : memref<8192xf32, #tpu.memory_space<vmem>> -> memref<512xf32, #tpu.memory_space<vmem>>
    %dma_wait3A_219 = tpu.memref_slice %arg15[%add3A_64] : memref<393216xf32, #tpu.memory_space<vmem_shared>> -> memref<512xf32, #tpu.memory_space<vmem_shared>>
    %dma_wait3A_220 = arith.constant 512 : i32
    %dma_wait3A_221 = tpu.memref_slice %arg16[%dma_wait3A_220] : memref<8192xf32, #tpu.memory_space<vmem>> -> memref<512xf32, #tpu.memory_space<vmem>>
    %dma_wait3A_222 = tpu.memref_slice %arg15[%add3A_64] : memref<393216xf32, #tpu.memory_space<vmem_shared>> -> memref<512xf32, #tpu.memory_space<vmem_shared>>
    tpu.wait_dma2 semaphore(%arg20 : memref<!tpu.dma_semaphore, #tpu.memory_space<semaphore_mem>>) src(%dma_wait3A_222 : memref<512xf32, #tpu.memory_space<vmem_shared>>) dst(%dma_wait3A_221 : memref<512xf32, #tpu.memory_space<vmem>>)
    %dma_wait3A_223 = arith.constant 1024 : i32
    %dma_wait3A_224 = tpu.memref_slice %arg16[%dma_wait3A_223] : memref<8192xf32, #tpu.memory_space<vmem>> -> memref<512xf32, #tpu.memory_space<vmem>>
    %dma_wait3A_225 = tpu.memref_slice %arg15[%add3A_74] : memref<393216xf32, #tpu.memory_space<vmem_shared>> -> memref<512xf32, #tpu.memory_space<vmem_shared>>
    %dma_wait3A_226 = arith.constant 1024 : i32
    %dma_wait3A_227 = tpu.memref_slice %arg16[%dma_wait3A_226] : memref<8192xf32, #tpu.memory_space<vmem>> -> memref<512xf32, #tpu.memory_space<vmem>>
    %dma_wait3A_228 = tpu.memref_slice %arg15[%add3A_74] : memref<393216xf32, #tpu.memory_space<vmem_shared>> -> memref<512xf32, #tpu.memory_space<vmem_shared>>
    tpu.wait_dma2 semaphore(%arg20 : memref<!tpu.dma_semaphore, #tpu.memory_space<semaphore_mem>>) src(%dma_wait3A_228 : memref<512xf32, #tpu.memory_space<vmem_shared>>) dst(%dma_wait3A_227 : memref<512xf32, #tpu.memory_space<vmem>>)
    %dma_wait3A_229 = arith.constant 1536 : i32
    %dma_wait3A_230 = tpu.memref_slice %arg16[%dma_wait3A_229] : memref<8192xf32, #tpu.memory_space<vmem>> -> memref<512xf32, #tpu.memory_space<vmem>>
    %dma_wait3A_231 = tpu.memref_slice %arg15[%add3A_84] : memref<393216xf32, #tpu.memory_space<vmem_shared>> -> memref<512xf32, #tpu.memory_space<vmem_shared>>
    %dma_wait3A_232 = arith.constant 1536 : i32
    %dma_wait3A_233 = tpu.memref_slice %arg16[%dma_wait3A_232] : memref<8192xf32, #tpu.memory_space<vmem>> -> memref<512xf32, #tpu.memory_space<vmem>>
    %dma_wait3A_234 = tpu.memref_slice %arg15[%add3A_84] : memref<393216xf32, #tpu.memory_space<vmem_shared>> -> memref<512xf32, #tpu.memory_space<vmem_shared>>
    tpu.wait_dma2 semaphore(%arg20 : memref<!tpu.dma_semaphore, #tpu.memory_space<semaphore_mem>>) src(%dma_wait3A_234 : memref<512xf32, #tpu.memory_space<vmem_shared>>) dst(%dma_wait3A_233 : memref<512xf32, #tpu.memory_space<vmem>>)
    %dma_wait3A_235 = arith.constant 2048 : i32
    %dma_wait3A_236 = tpu.memref_slice %arg16[%dma_wait3A_235] : memref<8192xf32, #tpu.memory_space<vmem>> -> memref<512xf32, #tpu.memory_space<vmem>>
    %dma_wait3A_237 = tpu.memref_slice %arg15[%add3A_94] : memref<393216xf32, #tpu.memory_space<vmem_shared>> -> memref<512xf32, #tpu.memory_space<vmem_shared>>
    %dma_wait3A_238 = arith.constant 2048 : i32
    %dma_wait3A_239 = tpu.memref_slice %arg16[%dma_wait3A_238] : memref<8192xf32, #tpu.memory_space<vmem>> -> memref<512xf32, #tpu.memory_space<vmem>>
    %dma_wait3A_240 = tpu.memref_slice %arg15[%add3A_94] : memref<393216xf32, #tpu.memory_space<vmem_shared>> -> memref<512xf32, #tpu.memory_space<vmem_shared>>
    tpu.wait_dma2 semaphore(%arg20 : memref<!tpu.dma_semaphore, #tpu.memory_space<semaphore_mem>>) src(%dma_wait3A_240 : memref<512xf32, #tpu.memory_space<vmem_shared>>) dst(%dma_wait3A_239 : memref<512xf32, #tpu.memory_space<vmem>>)
    %dma_wait3A_241 = arith.constant 2560 : i32
    %dma_wait3A_242 = tpu.memref_slice %arg16[%dma_wait3A_241] : memref<8192xf32, #tpu.memory_space<vmem>> -> memref<512xf32, #tpu.memory_space<vmem>>
    %dma_wait3A_243 = tpu.memref_slice %arg15[%add3A_104] : memref<393216xf32, #tpu.memory_space<vmem_shared>> -> memref<512xf32, #tpu.memory_space<vmem_shared>>
    %dma_wait3A_244 = arith.constant 2560 : i32
    %dma_wait3A_245 = tpu.memref_slice %arg16[%dma_wait3A_244] : memref<8192xf32, #tpu.memory_space<vmem>> -> memref<512xf32, #tpu.memory_space<vmem>>
    %dma_wait3A_246 = tpu.memref_slice %arg15[%add3A_104] : memref<393216xf32, #tpu.memory_space<vmem_shared>> -> memref<512xf32, #tpu.memory_space<vmem_shared>>
    tpu.wait_dma2 semaphore(%arg20 : memref<!tpu.dma_semaphore, #tpu.memory_space<semaphore_mem>>) src(%dma_wait3A_246 : memref<512xf32, #tpu.memory_space<vmem_shared>>) dst(%dma_wait3A_245 : memref<512xf32, #tpu.memory_space<vmem>>)
    %dma_wait3A_247 = arith.constant 3072 : i32
    %dma_wait3A_248 = tpu.memref_slice %arg16[%dma_wait3A_247] : memref<8192xf32, #tpu.memory_space<vmem>> -> memref<512xf32, #tpu.memory_space<vmem>>
    %dma_wait3A_249 = tpu.memref_slice %arg15[%add3A_114] : memref<393216xf32, #tpu.memory_space<vmem_shared>> -> memref<512xf32, #tpu.memory_space<vmem_shared>>
    %dma_wait3A_250 = arith.constant 3072 : i32
    %dma_wait3A_251 = tpu.memref_slice %arg16[%dma_wait3A_250] : memref<8192xf32, #tpu.memory_space<vmem>> -> memref<512xf32, #tpu.memory_space<vmem>>
    %dma_wait3A_252 = tpu.memref_slice %arg15[%add3A_114] : memref<393216xf32, #tpu.memory_space<vmem_shared>> -> memref<512xf32, #tpu.memory_space<vmem_shared>>
    tpu.wait_dma2 semaphore(%arg20 : memref<!tpu.dma_semaphore, #tpu.memory_space<semaphore_mem>>) src(%dma_wait3A_252 : memref<512xf32, #tpu.memory_space<vmem_shared>>) dst(%dma_wait3A_251 : memref<512xf32, #tpu.memory_space<vmem>>)
    %dma_wait3A_253 = arith.constant 3584 : i32
    %dma_wait3A_254 = tpu.memref_slice %arg16[%dma_wait3A_253] : memref<8192xf32, #tpu.memory_space<vmem>> -> memref<512xf32, #tpu.memory_space<vmem>>
    %dma_wait3A_255 = tpu.memref_slice %arg15[%add3A_124] : memref<393216xf32, #tpu.memory_space<vmem_shared>> -> memref<512xf32, #tpu.memory_space<vmem_shared>>
    %dma_wait3A_256 = arith.constant 3584 : i32
    %dma_wait3A_257 = tpu.memref_slice %arg16[%dma_wait3A_256] : memref<8192xf32, #tpu.memory_space<vmem>> -> memref<512xf32, #tpu.memory_space<vmem>>
    %dma_wait3A_258 = tpu.memref_slice %arg15[%add3A_124] : memref<393216xf32, #tpu.memory_space<vmem_shared>> -> memref<512xf32, #tpu.memory_space<vmem_shared>>
    tpu.wait_dma2 semaphore(%arg20 : memref<!tpu.dma_semaphore, #tpu.memory_space<semaphore_mem>>) src(%dma_wait3A_258 : memref<512xf32, #tpu.memory_space<vmem_shared>>) dst(%dma_wait3A_257 : memref<512xf32, #tpu.memory_space<vmem>>)
    %dma_wait3A_259 = arith.constant 4096 : i32
    %dma_wait3A_260 = tpu.memref_slice %arg16[%dma_wait3A_259] : memref<8192xf32, #tpu.memory_space<vmem>> -> memref<512xf32, #tpu.memory_space<vmem>>
    %dma_wait3A_261 = tpu.memref_slice %arg15[%add3A_134] : memref<393216xf32, #tpu.memory_space<vmem_shared>> -> memref<512xf32, #tpu.memory_space<vmem_shared>>
    %dma_wait3A_262 = arith.constant 4096 : i32
    %dma_wait3A_263 = tpu.memref_slice %arg16[%dma_wait3A_262] : memref<8192xf32, #tpu.memory_space<vmem>> -> memref<512xf32, #tpu.memory_space<vmem>>
    %dma_wait3A_264 = tpu.memref_slice %arg15[%add3A_134] : memref<393216xf32, #tpu.memory_space<vmem_shared>> -> memref<512xf32, #tpu.memory_space<vmem_shared>>
    tpu.wait_dma2 semaphore(%arg20 : memref<!tpu.dma_semaphore, #tpu.memory_space<semaphore_mem>>) src(%dma_wait3A_264 : memref<512xf32, #tpu.memory_space<vmem_shared>>) dst(%dma_wait3A_263 : memref<512xf32, #tpu.memory_space<vmem>>)
    %dma_wait3A_265 = arith.constant 4608 : i32
    %dma_wait3A_266 = tpu.memref_slice %arg16[%dma_wait3A_265] : memref<8192xf32, #tpu.memory_space<vmem>> -> memref<512xf32, #tpu.memory_space<vmem>>
    %dma_wait3A_267 = tpu.memref_slice %arg15[%add3A_144] : memref<393216xf32, #tpu.memory_space<vmem_shared>> -> memref<512xf32, #tpu.memory_space<vmem_shared>>
    %dma_wait3A_268 = arith.constant 4608 : i32
    %dma_wait3A_269 = tpu.memref_slice %arg16[%dma_wait3A_268] : memref<8192xf32, #tpu.memory_space<vmem>> -> memref<512xf32, #tpu.memory_space<vmem>>
    %dma_wait3A_270 = tpu.memref_slice %arg15[%add3A_144] : memref<393216xf32, #tpu.memory_space<vmem_shared>> -> memref<512xf32, #tpu.memory_space<vmem_shared>>
    tpu.wait_dma2 semaphore(%arg20 : memref<!tpu.dma_semaphore, #tpu.memory_space<semaphore_mem>>) src(%dma_wait3A_270 : memref<512xf32, #tpu.memory_space<vmem_shared>>) dst(%dma_wait3A_269 : memref<512xf32, #tpu.memory_space<vmem>>)
    %dma_wait3A_271 = arith.constant 5120 : i32
    %dma_wait3A_272 = tpu.memref_slice %arg16[%dma_wait3A_271] : memref<8192xf32, #tpu.memory_space<vmem>> -> memref<512xf32, #tpu.memory_space<vmem>>
    %dma_wait3A_273 = tpu.memref_slice %arg15[%add3A_154] : memref<393216xf32, #tpu.memory_space<vmem_shared>> -> memref<512xf32, #tpu.memory_space<vmem_shared>>
    %dma_wait3A_274 = arith.constant 5120 : i32
    %dma_wait3A_275 = tpu.memref_slice %arg16[%dma_wait3A_274] : memref<8192xf32, #tpu.memory_space<vmem>> -> memref<512xf32, #tpu.memory_space<vmem>>
    %dma_wait3A_276 = tpu.memref_slice %arg15[%add3A_154] : memref<393216xf32, #tpu.memory_space<vmem_shared>> -> memref<512xf32, #tpu.memory_space<vmem_shared>>
    tpu.wait_dma2 semaphore(%arg20 : memref<!tpu.dma_semaphore, #tpu.memory_space<semaphore_mem>>) src(%dma_wait3A_276 : memref<512xf32, #tpu.memory_space<vmem_shared>>) dst(%dma_wait3A_275 : memref<512xf32, #tpu.memory_space<vmem>>)
    %dma_wait3A_277 = arith.constant 5632 : i32
    %dma_wait3A_278 = tpu.memref_slice %arg16[%dma_wait3A_277] : memref<8192xf32, #tpu.memory_space<vmem>> -> memref<512xf32, #tpu.memory_space<vmem>>
    %dma_wait3A_279 = tpu.memref_slice %arg15[%add3A_164] : memref<393216xf32, #tpu.memory_space<vmem_shared>> -> memref<512xf32, #tpu.memory_space<vmem_shared>>
    %dma_wait3A_280 = arith.constant 5632 : i32
    %dma_wait3A_281 = tpu.memref_slice %arg16[%dma_wait3A_280] : memref<8192xf32, #tpu.memory_space<vmem>> -> memref<512xf32, #tpu.memory_space<vmem>>
    %dma_wait3A_282 = tpu.memref_slice %arg15[%add3A_164] : memref<393216xf32, #tpu.memory_space<vmem_shared>> -> memref<512xf32, #tpu.memory_space<vmem_shared>>
    tpu.wait_dma2 semaphore(%arg20 : memref<!tpu.dma_semaphore, #tpu.memory_space<semaphore_mem>>) src(%dma_wait3A_282 : memref<512xf32, #tpu.memory_space<vmem_shared>>) dst(%dma_wait3A_281 : memref<512xf32, #tpu.memory_space<vmem>>)
    %dma_wait3A_283 = arith.constant 6144 : i32
    %dma_wait3A_284 = tpu.memref_slice %arg16[%dma_wait3A_283] : memref<8192xf32, #tpu.memory_space<vmem>> -> memref<512xf32, #tpu.memory_space<vmem>>
    %dma_wait3A_285 = tpu.memref_slice %arg15[%add3A_174] : memref<393216xf32, #tpu.memory_space<vmem_shared>> -> memref<512xf32, #tpu.memory_space<vmem_shared>>
    %dma_wait3A_286 = arith.constant 6144 : i32
    %dma_wait3A_287 = tpu.memref_slice %arg16[%dma_wait3A_286] : memref<8192xf32, #tpu.memory_space<vmem>> -> memref<512xf32, #tpu.memory_space<vmem>>
    %dma_wait3A_288 = tpu.memref_slice %arg15[%add3A_174] : memref<393216xf32, #tpu.memory_space<vmem_shared>> -> memref<512xf32, #tpu.memory_space<vmem_shared>>
    tpu.wait_dma2 semaphore(%arg20 : memref<!tpu.dma_semaphore, #tpu.memory_space<semaphore_mem>>) src(%dma_wait3A_288 : memref<512xf32, #tpu.memory_space<vmem_shared>>) dst(%dma_wait3A_287 : memref<512xf32, #tpu.memory_space<vmem>>)
    %dma_wait3A_289 = arith.constant 6656 : i32
    %dma_wait3A_290 = tpu.memref_slice %arg16[%dma_wait3A_289] : memref<8192xf32, #tpu.memory_space<vmem>> -> memref<512xf32, #tpu.memory_space<vmem>>
    %dma_wait3A_291 = tpu.memref_slice %arg15[%add3A_184] : memref<393216xf32, #tpu.memory_space<vmem_shared>> -> memref<512xf32, #tpu.memory_space<vmem_shared>>
    %dma_wait3A_292 = arith.constant 6656 : i32
    %dma_wait3A_293 = tpu.memref_slice %arg16[%dma_wait3A_292] : memref<8192xf32, #tpu.memory_space<vmem>> -> memref<512xf32, #tpu.memory_space<vmem>>
    %dma_wait3A_294 = tpu.memref_slice %arg15[%add3A_184] : memref<393216xf32, #tpu.memory_space<vmem_shared>> -> memref<512xf32, #tpu.memory_space<vmem_shared>>
    tpu.wait_dma2 semaphore(%arg20 : memref<!tpu.dma_semaphore, #tpu.memory_space<semaphore_mem>>) src(%dma_wait3A_294 : memref<512xf32, #tpu.memory_space<vmem_shared>>) dst(%dma_wait3A_293 : memref<512xf32, #tpu.memory_space<vmem>>)
    %dma_wait3A_295 = arith.constant 7168 : i32
    %dma_wait3A_296 = tpu.memref_slice %arg16[%dma_wait3A_295] : memref<8192xf32, #tpu.memory_space<vmem>> -> memref<512xf32, #tpu.memory_space<vmem>>
    %dma_wait3A_297 = tpu.memref_slice %arg15[%add3A_194] : memref<393216xf32, #tpu.memory_space<vmem_shared>> -> memref<512xf32, #tpu.memory_space<vmem_shared>>
    %dma_wait3A_298 = arith.constant 7168 : i32
    %dma_wait3A_299 = tpu.memref_slice %arg16[%dma_wait3A_298] : memref<8192xf32, #tpu.memory_space<vmem>> -> memref<512xf32, #tpu.memory_space<vmem>>
    %dma_wait3A_300 = tpu.memref_slice %arg15[%add3A_194] : memref<393216xf32, #tpu.memory_space<vmem_shared>> -> memref<512xf32, #tpu.memory_space<vmem_shared>>
    tpu.wait_dma2 semaphore(%arg20 : memref<!tpu.dma_semaphore, #tpu.memory_space<semaphore_mem>>) src(%dma_wait3A_300 : memref<512xf32, #tpu.memory_space<vmem_shared>>) dst(%dma_wait3A_299 : memref<512xf32, #tpu.memory_space<vmem>>)
    %dma_wait3A_301 = arith.constant 7680 : i32
    %dma_wait3A_302 = tpu.memref_slice %arg16[%dma_wait3A_301] : memref<8192xf32, #tpu.memory_space<vmem>> -> memref<512xf32, #tpu.memory_space<vmem>>
    %dma_wait3A_303 = tpu.memref_slice %arg15[%add3A_204] : memref<393216xf32, #tpu.memory_space<vmem_shared>> -> memref<512xf32, #tpu.memory_space<vmem_shared>>
    %dma_wait3A_304 = arith.constant 7680 : i32
    %dma_wait3A_305 = tpu.memref_slice %arg16[%dma_wait3A_304] : memref<8192xf32, #tpu.memory_space<vmem>> -> memref<512xf32, #tpu.memory_space<vmem>>
    %dma_wait3A_306 = tpu.memref_slice %arg15[%add3A_204] : memref<393216xf32, #tpu.memory_space<vmem_shared>> -> memref<512xf32, #tpu.memory_space<vmem_shared>>
    tpu.wait_dma2 semaphore(%arg20 : memref<!tpu.dma_semaphore, #tpu.memory_space<semaphore_mem>>) src(%dma_wait3A_306 : memref<512xf32, #tpu.memory_space<vmem_shared>>) dst(%dma_wait3A_305 : memref<512xf32, #tpu.memory_space<vmem>>)
    %scan3A_307 = arith.constant 0 : i32
    %scan3A_308 = arith.constant 32 : i32
    %scan3A_309 = arith.addi %scan3A_307, %scan3A_308 : i32
    %scan3A_310 = arith.constant 1 : i32
    scf.for %scan3A_861 = %scan3A_307 to %scan3A_309 step %scan3A_310  : i32 {
      %mul3A_862 = arith.constant 1 : i32
      %mul3A_863 = arith.muli %scan3A_861, %mul3A_862 : i32
      %add3A_864 = arith.constant 0 : i32
      %add3A_865 = arith.addi %add3A_864, %mul3A_863 : i32
      %mul3A_866 = arith.constant 16 : i32
      %mul3A_867 = arith.muli %add3A_865, %mul3A_866 : i32
      %add3A_868 = arith.constant 0 : i32
      %add3A_869 = arith.addi %add3A_868, %mul3A_867 : i32
      %get3A = arith.index_cast %add3A_869 : i32 to index
      %get3A_870 = tpu.vector_load %arg16[%get3A] {strides = array<i32>} : memref<8192xf32, #tpu.memory_space<vmem>>, vector<16xf32>,
      %mul3A_871 = arith.constant 16 : i32
      %mul3A_872 = arith.muli %add3A_865, %mul3A_871 : i32
      %add3A_873 = arith.constant 512 : i32
      %add3A_874 = arith.addi %add3A_873, %mul3A_872 : i32
      %get3A_875 = arith.index_cast %add3A_874 : i32 to index
      %get3A_876 = tpu.vector_load %arg16[%get3A_875] {strides = array<i32>} : memref<8192xf32, #tpu.memory_space<vmem>>, vector<16xf32>,
      %add3A_877 = arith.addf %get3A_870, %get3A_876 : vector<16xf32>
      %mul3A_878 = arith.constant 16 : i32
      %mul3A_879 = arith.muli %add3A_865, %mul3A_878 : i32
      %add3A_880 = arith.constant 1024 : i32
      %add3A_881 = arith.addi %add3A_880, %mul3A_879 : i32
      %get3A_882 = arith.index_cast %add3A_881 : i32 to index
      %get3A_883 = tpu.vector_load %arg16[%get3A_882] {strides = array<i32>} : memref<8192xf32, #tpu.memory_space<vmem>>, vector<16xf32>,
      %add3A_884 = arith.addf %add3A_877, %get3A_883 : vector<16xf32>
      %mul3A_885 = arith.constant 16 : i32
      %mul3A_886 = arith.muli %add3A_865, %mul3A_885 : i32
      %add3A_887 = arith.constant 1536 : i32
      %add3A_888 = arith.addi %add3A_887, %mul3A_886 : i32
      %get3A_889 = arith.index_cast %add3A_888 : i32 to index
      %get3A_890 = tpu.vector_load %arg16[%get3A_889] {strides = array<i32>} : memref<8192xf32, #tpu.memory_space<vmem>>, vector<16xf32>,
      %add3A_891 = arith.addf %add3A_884, %get3A_890 : vector<16xf32>
      %mul3A_892 = arith.constant 16 : i32
      %mul3A_893 = arith.muli %add3A_865, %mul3A_892 : i32
      %add3A_894 = arith.constant 2048 : i32
      %add3A_895 = arith.addi %add3A_894, %mul3A_893 : i32
      %get3A_896 = arith.index_cast %add3A_895 : i32 to index
      %get3A_897 = tpu.vector_load %arg16[%get3A_896] {strides = array<i32>} : memref<8192xf32, #tpu.memory_space<vmem>>, vector<16xf32>,
      %add3A_898 = arith.addf %add3A_891, %get3A_897 : vector<16xf32>
      %mul3A_899 = arith.constant 16 : i32
      %mul3A_900 = arith.muli %add3A_865, %mul3A_899 : i32
      %add3A_901 = arith.constant 2560 : i32
      %add3A_902 = arith.addi %add3A_901, %mul3A_900 : i32
      %get3A_903 = arith.index_cast %add3A_902 : i32 to index
      %get3A_904 = tpu.vector_load %arg16[%get3A_903] {strides = array<i32>} : memref<8192xf32, #tpu.memory_space<vmem>>, vector<16xf32>,
      %add3A_905 = arith.addf %add3A_898, %get3A_904 : vector<16xf32>
      %mul3A_906 = arith.constant 16 : i32
      %mul3A_907 = arith.muli %add3A_865, %mul3A_906 : i32
      %add3A_908 = arith.constant 3072 : i32
      %add3A_909 = arith.addi %add3A_908, %mul3A_907 : i32
      %get3A_910 = arith.index_cast %add3A_909 : i32 to index
      %get3A_911 = tpu.vector_load %arg16[%get3A_910] {strides = array<i32>} : memref<8192xf32, #tpu.memory_space<vmem>>, vector<16xf32>,
      %add3A_912 = arith.addf %add3A_905, %get3A_911 : vector<16xf32>
      %mul3A_913 = arith.constant 16 : i32
      %mul3A_914 = arith.muli %add3A_865, %mul3A_913 : i32
      %add3A_915 = arith.constant 3584 : i32
      %add3A_916 = arith.addi %add3A_915, %mul3A_914 : i32
      %get3A_917 = arith.index_cast %add3A_916 : i32 to index
      %get3A_918 = tpu.vector_load %arg16[%get3A_917] {strides = array<i32>} : memref<8192xf32, #tpu.memory_space<vmem>>, vector<16xf32>,
      %add3A_919 = arith.addf %add3A_912, %get3A_918 : vector<16xf32>
      %mul3A_920 = arith.constant 16 : i32
      %mul3A_921 = arith.muli %add3A_865, %mul3A_920 : i32
      %add3A_922 = arith.constant 4096 : i32
      %add3A_923 = arith.addi %add3A_922, %mul3A_921 : i32
      %get3A_924 = arith.index_cast %add3A_923 : i32 to index
      %get3A_925 = tpu.vector_load %arg16[%get3A_924] {strides = array<i32>} : memref<8192xf32, #tpu.memory_space<vmem>>, vector<16xf32>,
      %add3A_926 = arith.addf %add3A_919, %get3A_925 : vector<16xf32>
      %mul3A_927 = arith.constant 16 : i32
      %mul3A_928 = arith.muli %add3A_865, %mul3A_927 : i32
      %add3A_929 = arith.constant 4608 : i32
      %add3A_930 = arith.addi %add3A_929, %mul3A_928 : i32
      %get3A_931 = arith.index_cast %add3A_930 : i32 to index
      %get3A_932 = tpu.vector_load %arg16[%get3A_931] {strides = array<i32>} : memref<8192xf32, #tpu.memory_space<vmem>>, vector<16xf32>,
      %add3A_933 = arith.addf %add3A_926, %get3A_932 : vector<16xf32>
      %mul3A_934 = arith.constant 16 : i32
      %mul3A_935 = arith.muli %add3A_865, %mul3A_934 : i32
      %add3A_936 = arith.constant 5120 : i32
      %add3A_937 = arith.addi %add3A_936, %mul3A_935 : i32
      %get3A_938 = arith.index_cast %add3A_937 : i32 to index
      %get3A_939 = tpu.vector_load %arg16[%get3A_938] {strides = array<i32>} : memref<8192xf32, #tpu.memory_space<vmem>>, vector<16xf32>,
      %add3A_940 = arith.addf %add3A_933, %get3A_939 : vector<16xf32>
      %mul3A_941 = arith.constant 16 : i32
      %mul3A_942 = arith.muli %add3A_865, %mul3A_941 : i32
      %add3A_943 = arith.constant 5632 : i32
      %add3A_944 = arith.addi %add3A_943, %mul3A_942 : i32
      %get3A_945 = arith.index_cast %add3A_944 : i32 to index
      %get3A_946 = tpu.vector_load %arg16[%get3A_945] {strides = array<i32>} : memref<8192xf32, #tpu.memory_space<vmem>>, vector<16xf32>,
      %add3A_947 = arith.addf %add3A_940, %get3A_946 : vector<16xf32>
      %mul3A_948 = arith.constant 16 : i32
      %mul3A_949 = arith.muli %add3A_865, %mul3A_948 : i32
      %add3A_950 = arith.constant 6144 : i32
      %add3A_951 = arith.addi %add3A_950, %mul3A_949 : i32
      %get3A_952 = arith.index_cast %add3A_951 : i32 to index
      %get3A_953 = tpu.vector_load %arg16[%get3A_952] {strides = array<i32>} : memref<8192xf32, #tpu.memory_space<vmem>>, vector<16xf32>,
      %add3A_954 = arith.addf %add3A_947, %get3A_953 : vector<16xf32>
      %mul3A_955 = arith.constant 16 : i32
      %mul3A_956 = arith.muli %add3A_865, %mul3A_955 : i32
      %add3A_957 = arith.constant 6656 : i32
      %add3A_958 = arith.addi %add3A_957, %mul3A_956 : i32
      %get3A_959 = arith.index_cast %add3A_958 : i32 to index
      %get3A_960 = tpu.vector_load %arg16[%get3A_959] {strides = array<i32>} : memref<8192xf32, #tpu.memory_space<vmem>>, vector<16xf32>,
      %add3A_961 = arith.addf %add3A_954, %get3A_960 : vector<16xf32>
      %mul3A_962 = arith.constant 16 : i32
      %mul3A_963 = arith.muli %add3A_865, %mul3A_962 : i32
      %add3A_964 = arith.constant 7168 : i32
      %add3A_965 = arith.addi %add3A_964, %mul3A_963 : i32
      %get3A_966 = arith.index_cast %add3A_965 : i32 to index
      %get3A_967 = tpu.vector_load %arg16[%get3A_966] {strides = array<i32>} : memref<8192xf32, #tpu.memory_space<vmem>>, vector<16xf32>,
      %add3A_968 = arith.addf %add3A_961, %get3A_967 : vector<16xf32>
      %mul3A_969 = arith.constant 16 : i32
      %mul3A_970 = arith.muli %add3A_865, %mul3A_969 : i32
      %add3A_971 = arith.constant 7680 : i32
      %add3A_972 = arith.addi %add3A_971, %mul3A_970 : i32
      %get3A_973 = arith.index_cast %add3A_972 : i32 to index
      %get3A_974 = tpu.vector_load %arg16[%get3A_973] {strides = array<i32>} : memref<8192xf32, #tpu.memory_space<vmem>>, vector<16xf32>,
      %add3A_975 = arith.addf %add3A_968, %get3A_974 : vector<16xf32>
      %mul3A_976 = arith.constant 16 : i32
      %mul3A_977 = arith.muli %add3A_865, %mul3A_976 : i32
      %swap3A = arith.index_cast %mul3A_977 : i32 to index
      %swap3A_978 = tpu.vector_load %arg17[%swap3A] {strides = array<i32>} : memref<512xf32, #tpu.memory_space<vmem>>, vector<16xf32>,
      tpu.vector_store %arg17[%swap3A], %add3A_975 {strides = array<i32>} : memref<512xf32, #tpu.memory_space<vmem>>, vector<16xf32>,
    }
    %scan3A_311 = arith.constant 32 : i32
    %mul3A_312 = arith.constant 3 : i32
    %mul3A_313 = arith.muli %arg0, %mul3A_312 : i32
    %mul3A_314 = arith.constant 8192 : i32
    %mul3A_315 = arith.muli %mul3A_313, %mul3A_314 : i32
    %add3A_316 = arith.constant 0 : i32
    %add3A_317 = arith.addi %mul3A_315, %add3A_316 : i32
    %mul3A_318 = arith.constant 512 : i32
    %mul3A_319 = arith.muli %arg1, %mul3A_318 : i32
    %add3A_320 = arith.addi %add3A_317, %mul3A_319 : i32
    "tpu.region"() ({
      %run_scoped3A = tpu.sem_alloc : memref<!tpu.dma_semaphore, #tpu.memory_space<semaphore_mem>>
      %dma_start3A_861 = tpu.memref_slice %arg7[%add3A_320] : memref<49152xf32, #tpu.memory_space<hbm>> -> memref<512xf32, #tpu.memory_space<hbm>>
      %dma_start3A_862 = tpu.memref_slice %arg7[%add3A_320] : memref<49152xf32, #tpu.memory_space<hbm>> -> memref<512xf32, #tpu.memory_space<hbm>>
      tpu.enqueue_dma source(%arg17 : memref<512xf32, #tpu.memory_space<vmem>>) target(%dma_start3A_862 : memref<512xf32, #tpu.memory_space<hbm>>) target_semaphore(%run_scoped3A : memref<!tpu.dma_semaphore, #tpu.memory_space<semaphore_mem>>)
      %dma_wait3A_863 = tpu.memref_slice %arg7[%add3A_320] : memref<49152xf32, #tpu.memory_space<hbm>> -> memref<512xf32, #tpu.memory_space<hbm>>
      %dma_wait3A_864 = tpu.memref_slice %arg7[%add3A_320] : memref<49152xf32, #tpu.memory_space<hbm>> -> memref<512xf32, #tpu.memory_space<hbm>>
      tpu.wait_dma2 semaphore(%run_scoped3A : memref<!tpu.dma_semaphore, #tpu.memory_space<semaphore_mem>>) src(%arg17 : memref<512xf32, #tpu.memory_space<vmem>>) dst(%dma_wait3A_864 : memref<512xf32, #tpu.memory_space<hbm>>)
      tpu.yield
    }) : () -> ()
    %mul3A_321 = arith.constant 512 : i32
    %mul3A_322 = arith.muli %arg1, %mul3A_321 : i32
    %add3A_323 = arith.constant 8192 : i32
    %add3A_324 = arith.addi %add3A_323, %mul3A_322 : i32
    %dma_start3A_325 = arith.constant 0 : i32
    %dma_start3A_326 = tpu.memref_slice %arg16[%dma_start3A_325] : memref<8192xf32, #tpu.memory_space<vmem>> -> memref<512xf32, #tpu.memory_space<vmem>>
    %dma_start3A_327 = tpu.memref_slice %arg15[%add3A_324] : memref<393216xf32, #tpu.memory_space<vmem_shared>> -> memref<512xf32, #tpu.memory_space<vmem_shared>>
    %dma_start3A_328 = arith.constant 0 : i32
    %dma_start3A_329 = tpu.memref_slice %arg16[%dma_start3A_328] : memref<8192xf32, #tpu.memory_space<vmem>> -> memref<512xf32, #tpu.memory_space<vmem>>
    %dma_start3A_330 = tpu.memref_slice %arg15[%add3A_324] : memref<393216xf32, #tpu.memory_space<vmem_shared>> -> memref<512xf32, #tpu.memory_space<vmem_shared>>
    tpu.enqueue_dma source(%dma_start3A_330 : memref<512xf32, #tpu.memory_space<vmem_shared>>) target(%dma_start3A_329 : memref<512xf32, #tpu.memory_space<vmem>>) target_semaphore(%arg20 : memref<!tpu.dma_semaphore, #tpu.memory_space<semaphore_mem>>)
    %mul3A_331 = arith.constant 512 : i32
    %mul3A_332 = arith.muli %arg1, %mul3A_331 : i32
    %add3A_333 = arith.constant 32768 : i32
    %add3A_334 = arith.addi %add3A_333, %mul3A_332 : i32
    %dma_start3A_335 = arith.constant 512 : i32
    %dma_start3A_336 = tpu.memref_slice %arg16[%dma_start3A_335] : memref<8192xf32, #tpu.memory_space<vmem>> -> memref<512xf32, #tpu.memory_space<vmem>>
    %dma_start3A_337 = tpu.memref_slice %arg15[%add3A_334] : memref<393216xf32, #tpu.memory_space<vmem_shared>> -> memref<512xf32, #tpu.memory_space<vmem_shared>>
    %dma_start3A_338 = arith.constant 512 : i32
    %dma_start3A_339 = tpu.memref_slice %arg16[%dma_start3A_338] : memref<8192xf32, #tpu.memory_space<vmem>> -> memref<512xf32, #tpu.memory_space<vmem>>
    %dma_start3A_340 = tpu.memref_slice %arg15[%add3A_334] : memref<393216xf32, #tpu.memory_space<vmem_shared>> -> memref<512xf32, #tpu.memory_space<vmem_shared>>
    tpu.enqueue_dma source(%dma_start3A_340 : memref<512xf32, #tpu.memory_space<vmem_shared>>) target(%dma_start3A_339 : memref<512xf32, #tpu.memory_space<vmem>>) target_semaphore(%arg20 : memref<!tpu.dma_semaphore, #tpu.memory_space<semaphore_mem>>)
    %mul3A_341 = arith.constant 512 : i32
    %mul3A_342 = arith.muli %arg1, %mul3A_341 : i32
    %add3A_343 = arith.constant 57344 : i32
    %add3A_344 = arith.addi %add3A_343, %mul3A_342 : i32
    %dma_start3A_345 = arith.constant 1024 : i32
    %dma_start3A_346 = tpu.memref_slice %arg16[%dma_start3A_345] : memref<8192xf32, #tpu.memory_space<vmem>> -> memref<512xf32, #tpu.memory_space<vmem>>
    %dma_start3A_347 = tpu.memref_slice %arg15[%add3A_344] : memref<393216xf32, #tpu.memory_space<vmem_shared>> -> memref<512xf32, #tpu.memory_space<vmem_shared>>
    %dma_start3A_348 = arith.constant 1024 : i32
    %dma_start3A_349 = tpu.memref_slice %arg16[%dma_start3A_348] : memref<8192xf32, #tpu.memory_space<vmem>> -> memref<512xf32, #tpu.memory_space<vmem>>
    %dma_start3A_350 = tpu.memref_slice %arg15[%add3A_344] : memref<393216xf32, #tpu.memory_space<vmem_shared>> -> memref<512xf32, #tpu.memory_space<vmem_shared>>
    tpu.enqueue_dma source(%dma_start3A_350 : memref<512xf32, #tpu.memory_space<vmem_shared>>) target(%dma_start3A_349 : memref<512xf32, #tpu.memory_space<vmem>>) target_semaphore(%arg20 : memref<!tpu.dma_semaphore, #tpu.memory_space<semaphore_mem>>)
    %mul3A_351 = arith.constant 512 : i32
    %mul3A_352 = arith.muli %arg1, %mul3A_351 : i32
    %add3A_353 = arith.constant 81920 : i32
    %add3A_354 = arith.addi %add3A_353, %mul3A_352 : i32
    %dma_start3A_355 = arith.constant 1536 : i32
    %dma_start3A_356 = tpu.memref_slice %arg16[%dma_start3A_355] : memref<8192xf32, #tpu.memory_space<vmem>> -> memref<512xf32, #tpu.memory_space<vmem>>
    %dma_start3A_357 = tpu.memref_slice %arg15[%add3A_354] : memref<393216xf32, #tpu.memory_space<vmem_shared>> -> memref<512xf32, #tpu.memory_space<vmem_shared>>
    %dma_start3A_358 = arith.constant 1536 : i32
    %dma_start3A_359 = tpu.memref_slice %arg16[%dma_start3A_358] : memref<8192xf32, #tpu.memory_space<vmem>> -> memref<512xf32, #tpu.memory_space<vmem>>
    %dma_start3A_360 = tpu.memref_slice %arg15[%add3A_354] : memref<393216xf32, #tpu.memory_space<vmem_shared>> -> memref<512xf32, #tpu.memory_space<vmem_shared>>
    tpu.enqueue_dma source(%dma_start3A_360 : memref<512xf32, #tpu.memory_space<vmem_shared>>) target(%dma_start3A_359 : memref<512xf32, #tpu.memory_space<vmem>>) target_semaphore(%arg20 : memref<!tpu.dma_semaphore, #tpu.memory_space<semaphore_mem>>)
    %mul3A_361 = arith.constant 512 : i32
    %mul3A_362 = arith.muli %arg1, %mul3A_361 : i32
    %add3A_363 = arith.constant 106496 : i32
    %add3A_364 = arith.addi %add3A_363, %mul3A_362 : i32
    %dma_start3A_365 = arith.constant 2048 : i32
    %dma_start3A_366 = tpu.memref_slice %arg16[%dma_start3A_365] : memref<8192xf32, #tpu.memory_space<vmem>> -> memref<512xf32, #tpu.memory_space<vmem>>
    %dma_start3A_367 = tpu.memref_slice %arg15[%add3A_364] : memref<393216xf32, #tpu.memory_space<vmem_shared>> -> memref<512xf32, #tpu.memory_space<vmem_shared>>
    %dma_start3A_368 = arith.constant 2048 : i32
    %dma_start3A_369 = tpu.memref_slice %arg16[%dma_start3A_368] : memref<8192xf32, #tpu.memory_space<vmem>> -> memref<512xf32, #tpu.memory_space<vmem>>
    %dma_start3A_370 = tpu.memref_slice %arg15[%add3A_364] : memref<393216xf32, #tpu.memory_space<vmem_shared>> -> memref<512xf32, #tpu.memory_space<vmem_shared>>
    tpu.enqueue_dma source(%dma_start3A_370 : memref<512xf32, #tpu.memory_space<vmem_shared>>) target(%dma_start3A_369 : memref<512xf32, #tpu.memory_space<vmem>>) target_semaphore(%arg20 : memref<!tpu.dma_semaphore, #tpu.memory_space<semaphore_mem>>)
    %mul3A_371 = arith.constant 512 : i32
    %mul3A_372 = arith.muli %arg1, %mul3A_371 : i32
    %add3A_373 = arith.constant 131072 : i32
    %add3A_374 = arith.addi %add3A_373, %mul3A_372 : i32
    %dma_start3A_375 = arith.constant 2560 : i32
    %dma_start3A_376 = tpu.memref_slice %arg16[%dma_start3A_375] : memref<8192xf32, #tpu.memory_space<vmem>> -> memref<512xf32, #tpu.memory_space<vmem>>
    %dma_start3A_377 = tpu.memref_slice %arg15[%add3A_374] : memref<393216xf32, #tpu.memory_space<vmem_shared>> -> memref<512xf32, #tpu.memory_space<vmem_shared>>
    %dma_start3A_378 = arith.constant 2560 : i32
    %dma_start3A_379 = tpu.memref_slice %arg16[%dma_start3A_378] : memref<8192xf32, #tpu.memory_space<vmem>> -> memref<512xf32, #tpu.memory_space<vmem>>
    %dma_start3A_380 = tpu.memref_slice %arg15[%add3A_374] : memref<393216xf32, #tpu.memory_space<vmem_shared>> -> memref<512xf32, #tpu.memory_space<vmem_shared>>
    tpu.enqueue_dma source(%dma_start3A_380 : memref<512xf32, #tpu.memory_space<vmem_shared>>) target(%dma_start3A_379 : memref<512xf32, #tpu.memory_space<vmem>>) target_semaphore(%arg20 : memref<!tpu.dma_semaphore, #tpu.memory_space<semaphore_mem>>)
    %mul3A_381 = arith.constant 512 : i32
    %mul3A_382 = arith.muli %arg1, %mul3A_381 : i32
    %add3A_383 = arith.constant 155648 : i32
    %add3A_384 = arith.addi %add3A_383, %mul3A_382 : i32
    %dma_start3A_385 = arith.constant 3072 : i32
    %dma_start3A_386 = tpu.memref_slice %arg16[%dma_start3A_385] : memref<8192xf32, #tpu.memory_space<vmem>> -> memref<512xf32, #tpu.memory_space<vmem>>
    %dma_start3A_387 = tpu.memref_slice %arg15[%add3A_384] : memref<393216xf32, #tpu.memory_space<vmem_shared>> -> memref<512xf32, #tpu.memory_space<vmem_shared>>
    %dma_start3A_388 = arith.constant 3072 : i32
    %dma_start3A_389 = tpu.memref_slice %arg16[%dma_start3A_388] : memref<8192xf32, #tpu.memory_space<vmem>> -> memref<512xf32, #tpu.memory_space<vmem>>
    %dma_start3A_390 = tpu.memref_slice %arg15[%add3A_384] : memref<393216xf32, #tpu.memory_space<vmem_shared>> -> memref<512xf32, #tpu.memory_space<vmem_shared>>
    tpu.enqueue_dma source(%dma_start3A_390 : memref<512xf32, #tpu.memory_space<vmem_shared>>) target(%dma_start3A_389 : memref<512xf32, #tpu.memory_space<vmem>>) target_semaphore(%arg20 : memref<!tpu.dma_semaphore, #tpu.memory_space<semaphore_mem>>)
    %mul3A_391 = arith.constant 512 : i32
    %mul3A_392 = arith.muli %arg1, %mul3A_391 : i32
    %add3A_393 = arith.constant 180224 : i32
    %add3A_394 = arith.addi %add3A_393, %mul3A_392 : i32
    %dma_start3A_395 = arith.constant 3584 : i32
    %dma_start3A_396 = tpu.memref_slice %arg16[%dma_start3A_395] : memref<8192xf32, #tpu.memory_space<vmem>> -> memref<512xf32, #tpu.memory_space<vmem>>
    %dma_start3A_397 = tpu.memref_slice %arg15[%add3A_394] : memref<393216xf32, #tpu.memory_space<vmem_shared>> -> memref<512xf32, #tpu.memory_space<vmem_shared>>
    %dma_start3A_398 = arith.constant 3584 : i32
    %dma_start3A_399 = tpu.memref_slice %arg16[%dma_start3A_398] : memref<8192xf32, #tpu.memory_space<vmem>> -> memref<512xf32, #tpu.memory_space<vmem>>
    %dma_start3A_400 = tpu.memref_slice %arg15[%add3A_394] : memref<393216xf32, #tpu.memory_space<vmem_shared>> -> memref<512xf32, #tpu.memory_space<vmem_shared>>
    tpu.enqueue_dma source(%dma_start3A_400 : memref<512xf32, #tpu.memory_space<vmem_shared>>) target(%dma_start3A_399 : memref<512xf32, #tpu.memory_space<vmem>>) target_semaphore(%arg20 : memref<!tpu.dma_semaphore, #tpu.memory_space<semaphore_mem>>)
    %mul3A_401 = arith.constant 512 : i32
    %mul3A_402 = arith.muli %arg1, %mul3A_401 : i32
    %add3A_403 = arith.constant 204800 : i32
    %add3A_404 = arith.addi %add3A_403, %mul3A_402 : i32
    %dma_start3A_405 = arith.constant 4096 : i32
    %dma_start3A_406 = tpu.memref_slice %arg16[%dma_start3A_405] : memref<8192xf32, #tpu.memory_space<vmem>> -> memref<512xf32, #tpu.memory_space<vmem>>
    %dma_start3A_407 = tpu.memref_slice %arg15[%add3A_404] : memref<393216xf32, #tpu.memory_space<vmem_shared>> -> memref<512xf32, #tpu.memory_space<vmem_shared>>
    %dma_start3A_408 = arith.constant 4096 : i32
    %dma_start3A_409 = tpu.memref_slice %arg16[%dma_start3A_408] : memref<8192xf32, #tpu.memory_space<vmem>> -> memref<512xf32, #tpu.memory_space<vmem>>
    %dma_start3A_410 = tpu.memref_slice %arg15[%add3A_404] : memref<393216xf32, #tpu.memory_space<vmem_shared>> -> memref<512xf32, #tpu.memory_space<vmem_shared>>
    tpu.enqueue_dma source(%dma_start3A_410 : memref<512xf32, #tpu.memory_space<vmem_shared>>) target(%dma_start3A_409 : memref<512xf32, #tpu.memory_space<vmem>>) target_semaphore(%arg20 : memref<!tpu.dma_semaphore, #tpu.memory_space<semaphore_mem>>)
    %mul3A_411 = arith.constant 512 : i32
    %mul3A_412 = arith.muli %arg1, %mul3A_411 : i32
    %add3A_413 = arith.constant 229376 : i32
    %add3A_414 = arith.addi %add3A_413, %mul3A_412 : i32
    %dma_start3A_415 = arith.constant 4608 : i32
    %dma_start3A_416 = tpu.memref_slice %arg16[%dma_start3A_415] : memref<8192xf32, #tpu.memory_space<vmem>> -> memref<512xf32, #tpu.memory_space<vmem>>
    %dma_start3A_417 = tpu.memref_slice %arg15[%add3A_414] : memref<393216xf32, #tpu.memory_space<vmem_shared>> -> memref<512xf32, #tpu.memory_space<vmem_shared>>
    %dma_start3A_418 = arith.constant 4608 : i32
    %dma_start3A_419 = tpu.memref_slice %arg16[%dma_start3A_418] : memref<8192xf32, #tpu.memory_space<vmem>> -> memref<512xf32, #tpu.memory_space<vmem>>
    %dma_start3A_420 = tpu.memref_slice %arg15[%add3A_414] : memref<393216xf32, #tpu.memory_space<vmem_shared>> -> memref<512xf32, #tpu.memory_space<vmem_shared>>
    tpu.enqueue_dma source(%dma_start3A_420 : memref<512xf32, #tpu.memory_space<vmem_shared>>) target(%dma_start3A_419 : memref<512xf32, #tpu.memory_space<vmem>>) target_semaphore(%arg20 : memref<!tpu.dma_semaphore, #tpu.memory_space<semaphore_mem>>)
    %mul3A_421 = arith.constant 512 : i32
    %mul3A_422 = arith.muli %arg1, %mul3A_421 : i32
    %add3A_423 = arith.constant 253952 : i32
    %add3A_424 = arith.addi %add3A_423, %mul3A_422 : i32
    %dma_start3A_425 = arith.constant 5120 : i32
    %dma_start3A_426 = tpu.memref_slice %arg16[%dma_start3A_425] : memref<8192xf32, #tpu.memory_space<vmem>> -> memref<512xf32, #tpu.memory_space<vmem>>
    %dma_start3A_427 = tpu.memref_slice %arg15[%add3A_424] : memref<393216xf32, #tpu.memory_space<vmem_shared>> -> memref<512xf32, #tpu.memory_space<vmem_shared>>
    %dma_start3A_428 = arith.constant 5120 : i32
    %dma_start3A_429 = tpu.memref_slice %arg16[%dma_start3A_428] : memref<8192xf32, #tpu.memory_space<vmem>> -> memref<512xf32, #tpu.memory_space<vmem>>
    %dma_start3A_430 = tpu.memref_slice %arg15[%add3A_424] : memref<393216xf32, #tpu.memory_space<vmem_shared>> -> memref<512xf32, #tpu.memory_space<vmem_shared>>
    tpu.enqueue_dma source(%dma_start3A_430 : memref<512xf32, #tpu.memory_space<vmem_shared>>) target(%dma_start3A_429 : memref<512xf32, #tpu.memory_space<vmem>>) target_semaphore(%arg20 : memref<!tpu.dma_semaphore, #tpu.memory_space<semaphore_mem>>)
    %mul3A_431 = arith.constant 512 : i32
    %mul3A_432 = arith.muli %arg1, %mul3A_431 : i32
    %add3A_433 = arith.constant 278528 : i32
    %add3A_434 = arith.addi %add3A_433, %mul3A_432 : i32
    %dma_start3A_435 = arith.constant 5632 : i32
    %dma_start3A_436 = tpu.memref_slice %arg16[%dma_start3A_435] : memref<8192xf32, #tpu.memory_space<vmem>> -> memref<512xf32, #tpu.memory_space<vmem>>
    %dma_start3A_437 = tpu.memref_slice %arg15[%add3A_434] : memref<393216xf32, #tpu.memory_space<vmem_shared>> -> memref<512xf32, #tpu.memory_space<vmem_shared>>
    %dma_start3A_438 = arith.constant 5632 : i32
    %dma_start3A_439 = tpu.memref_slice %arg16[%dma_start3A_438] : memref<8192xf32, #tpu.memory_space<vmem>> -> memref<512xf32, #tpu.memory_space<vmem>>
    %dma_start3A_440 = tpu.memref_slice %arg15[%add3A_434] : memref<393216xf32, #tpu.memory_space<vmem_shared>> -> memref<512xf32, #tpu.memory_space<vmem_shared>>
    tpu.enqueue_dma source(%dma_start3A_440 : memref<512xf32, #tpu.memory_space<vmem_shared>>) target(%dma_start3A_439 : memref<512xf32, #tpu.memory_space<vmem>>) target_semaphore(%arg20 : memref<!tpu.dma_semaphore, #tpu.memory_space<semaphore_mem>>)
    %mul3A_441 = arith.constant 512 : i32
    %mul3A_442 = arith.muli %arg1, %mul3A_441 : i32
    %add3A_443 = arith.constant 303104 : i32
    %add3A_444 = arith.addi %add3A_443, %mul3A_442 : i32
    %dma_start3A_445 = arith.constant 6144 : i32
    %dma_start3A_446 = tpu.memref_slice %arg16[%dma_start3A_445] : memref<8192xf32, #tpu.memory_space<vmem>> -> memref<512xf32, #tpu.memory_space<vmem>>
    %dma_start3A_447 = tpu.memref_slice %arg15[%add3A_444] : memref<393216xf32, #tpu.memory_space<vmem_shared>> -> memref<512xf32, #tpu.memory_space<vmem_shared>>
    %dma_start3A_448 = arith.constant 6144 : i32
    %dma_start3A_449 = tpu.memref_slice %arg16[%dma_start3A_448] : memref<8192xf32, #tpu.memory_space<vmem>> -> memref<512xf32, #tpu.memory_space<vmem>>
    %dma_start3A_450 = tpu.memref_slice %arg15[%add3A_444] : memref<393216xf32, #tpu.memory_space<vmem_shared>> -> memref<512xf32, #tpu.memory_space<vmem_shared>>
    tpu.enqueue_dma source(%dma_start3A_450 : memref<512xf32, #tpu.memory_space<vmem_shared>>) target(%dma_start3A_449 : memref<512xf32, #tpu.memory_space<vmem>>) target_semaphore(%arg20 : memref<!tpu.dma_semaphore, #tpu.memory_space<semaphore_mem>>)
    %mul3A_451 = arith.constant 512 : i32
    %mul3A_452 = arith.muli %arg1, %mul3A_451 : i32
    %add3A_453 = arith.constant 327680 : i32
    %add3A_454 = arith.addi %add3A_453, %mul3A_452 : i32
    %dma_start3A_455 = arith.constant 6656 : i32
    %dma_start3A_456 = tpu.memref_slice %arg16[%dma_start3A_455] : memref<8192xf32, #tpu.memory_space<vmem>> -> memref<512xf32, #tpu.memory_space<vmem>>
    %dma_start3A_457 = tpu.memref_slice %arg15[%add3A_454] : memref<393216xf32, #tpu.memory_space<vmem_shared>> -> memref<512xf32, #tpu.memory_space<vmem_shared>>
    %dma_start3A_458 = arith.constant 6656 : i32
    %dma_start3A_459 = tpu.memref_slice %arg16[%dma_start3A_458] : memref<8192xf32, #tpu.memory_space<vmem>> -> memref<512xf32, #tpu.memory_space<vmem>>
    %dma_start3A_460 = tpu.memref_slice %arg15[%add3A_454] : memref<393216xf32, #tpu.memory_space<vmem_shared>> -> memref<512xf32, #tpu.memory_space<vmem_shared>>
    tpu.enqueue_dma source(%dma_start3A_460 : memref<512xf32, #tpu.memory_space<vmem_shared>>) target(%dma_start3A_459 : memref<512xf32, #tpu.memory_space<vmem>>) target_semaphore(%arg20 : memref<!tpu.dma_semaphore, #tpu.memory_space<semaphore_mem>>)
    %mul3A_461 = arith.constant 512 : i32
    %mul3A_462 = arith.muli %arg1, %mul3A_461 : i32
    %add3A_463 = arith.constant 352256 : i32
    %add3A_464 = arith.addi %add3A_463, %mul3A_462 : i32
    %dma_start3A_465 = arith.constant 7168 : i32
    %dma_start3A_466 = tpu.memref_slice %arg16[%dma_start3A_465] : memref<8192xf32, #tpu.memory_space<vmem>> -> memref<512xf32, #tpu.memory_space<vmem>>
    %dma_start3A_467 = tpu.memref_slice %arg15[%add3A_464] : memref<393216xf32, #tpu.memory_space<vmem_shared>> -> memref<512xf32, #tpu.memory_space<vmem_shared>>
    %dma_start3A_468 = arith.constant 7168 : i32
    %dma_start3A_469 = tpu.memref_slice %arg16[%dma_start3A_468] : memref<8192xf32, #tpu.memory_space<vmem>> -> memref<512xf32, #tpu.memory_space<vmem>>
    %dma_start3A_470 = tpu.memref_slice %arg15[%add3A_464] : memref<393216xf32, #tpu.memory_space<vmem_shared>> -> memref<512xf32, #tpu.memory_space<vmem_shared>>
    tpu.enqueue_dma source(%dma_start3A_470 : memref<512xf32, #tpu.memory_space<vmem_shared>>) target(%dma_start3A_469 : memref<512xf32, #tpu.memory_space<vmem>>) target_semaphore(%arg20 : memref<!tpu.dma_semaphore, #tpu.memory_space<semaphore_mem>>)
    %mul3A_471 = arith.constant 512 : i32
    %mul3A_472 = arith.muli %arg1, %mul3A_471 : i32
    %add3A_473 = arith.constant 376832 : i32
    %add3A_474 = arith.addi %add3A_473, %mul3A_472 : i32
    %dma_start3A_475 = arith.constant 7680 : i32
    %dma_start3A_476 = tpu.memref_slice %arg16[%dma_start3A_475] : memref<8192xf32, #tpu.memory_space<vmem>> -> memref<512xf32, #tpu.memory_space<vmem>>
    %dma_start3A_477 = tpu.memref_slice %arg15[%add3A_474] : memref<393216xf32, #tpu.memory_space<vmem_shared>> -> memref<512xf32, #tpu.memory_space<vmem_shared>>
    %dma_start3A_478 = arith.constant 7680 : i32
    %dma_start3A_479 = tpu.memref_slice %arg16[%dma_start3A_478] : memref<8192xf32, #tpu.memory_space<vmem>> -> memref<512xf32, #tpu.memory_space<vmem>>
    %dma_start3A_480 = tpu.memref_slice %arg15[%add3A_474] : memref<393216xf32, #tpu.memory_space<vmem_shared>> -> memref<512xf32, #tpu.memory_space<vmem_shared>>
    tpu.enqueue_dma source(%dma_start3A_480 : memref<512xf32, #tpu.memory_space<vmem_shared>>) target(%dma_start3A_479 : memref<512xf32, #tpu.memory_space<vmem>>) target_semaphore(%arg20 : memref<!tpu.dma_semaphore, #tpu.memory_space<semaphore_mem>>)
    %dma_wait3A_481 = arith.constant 0 : i32
    %dma_wait3A_482 = tpu.memref_slice %arg16[%dma_wait3A_481] : memref<8192xf32, #tpu.memory_space<vmem>> -> memref<512xf32, #tpu.memory_space<vmem>>
    %dma_wait3A_483 = tpu.memref_slice %arg15[%add3A_324] : memref<393216xf32, #tpu.memory_space<vmem_shared>> -> memref<512xf32, #tpu.memory_space<vmem_shared>>
    %dma_wait3A_484 = arith.constant 0 : i32
    %dma_wait3A_485 = tpu.memref_slice %arg16[%dma_wait3A_484] : memref<8192xf32, #tpu.memory_space<vmem>> -> memref<512xf32, #tpu.memory_space<vmem>>
    %dma_wait3A_486 = tpu.memref_slice %arg15[%add3A_324] : memref<393216xf32, #tpu.memory_space<vmem_shared>> -> memref<512xf32, #tpu.memory_space<vmem_shared>>
    tpu.wait_dma2 semaphore(%arg20 : memref<!tpu.dma_semaphore, #tpu.memory_space<semaphore_mem>>) src(%dma_wait3A_486 : memref<512xf32, #tpu.memory_space<vmem_shared>>) dst(%dma_wait3A_485 : memref<512xf32, #tpu.memory_space<vmem>>)
    %dma_wait3A_487 = arith.constant 512 : i32
    %dma_wait3A_488 = tpu.memref_slice %arg16[%dma_wait3A_487] : memref<8192xf32, #tpu.memory_space<vmem>> -> memref<512xf32, #tpu.memory_space<vmem>>
    %dma_wait3A_489 = tpu.memref_slice %arg15[%add3A_334] : memref<393216xf32, #tpu.memory_space<vmem_shared>> -> memref<512xf32, #tpu.memory_space<vmem_shared>>
    %dma_wait3A_490 = arith.constant 512 : i32
    %dma_wait3A_491 = tpu.memref_slice %arg16[%dma_wait3A_490] : memref<8192xf32, #tpu.memory_space<vmem>> -> memref<512xf32, #tpu.memory_space<vmem>>
    %dma_wait3A_492 = tpu.memref_slice %arg15[%add3A_334] : memref<393216xf32, #tpu.memory_space<vmem_shared>> -> memref<512xf32, #tpu.memory_space<vmem_shared>>
    tpu.wait_dma2 semaphore(%arg20 : memref<!tpu.dma_semaphore, #tpu.memory_space<semaphore_mem>>) src(%dma_wait3A_492 : memref<512xf32, #tpu.memory_space<vmem_shared>>) dst(%dma_wait3A_491 : memref<512xf32, #tpu.memory_space<vmem>>)
    %dma_wait3A_493 = arith.constant 1024 : i32
    %dma_wait3A_494 = tpu.memref_slice %arg16[%dma_wait3A_493] : memref<8192xf32, #tpu.memory_space<vmem>> -> memref<512xf32, #tpu.memory_space<vmem>>
    %dma_wait3A_495 = tpu.memref_slice %arg15[%add3A_344] : memref<393216xf32, #tpu.memory_space<vmem_shared>> -> memref<512xf32, #tpu.memory_space<vmem_shared>>
    %dma_wait3A_496 = arith.constant 1024 : i32
    %dma_wait3A_497 = tpu.memref_slice %arg16[%dma_wait3A_496] : memref<8192xf32, #tpu.memory_space<vmem>> -> memref<512xf32, #tpu.memory_space<vmem>>
    %dma_wait3A_498 = tpu.memref_slice %arg15[%add3A_344] : memref<393216xf32, #tpu.memory_space<vmem_shared>> -> memref<512xf32, #tpu.memory_space<vmem_shared>>
    tpu.wait_dma2 semaphore(%arg20 : memref<!tpu.dma_semaphore, #tpu.memory_space<semaphore_mem>>) src(%dma_wait3A_498 : memref<512xf32, #tpu.memory_space<vmem_shared>>) dst(%dma_wait3A_497 : memref<512xf32, #tpu.memory_space<vmem>>)
    %dma_wait3A_499 = arith.constant 1536 : i32
    %dma_wait3A_500 = tpu.memref_slice %arg16[%dma_wait3A_499] : memref<8192xf32, #tpu.memory_space<vmem>> -> memref<512xf32, #tpu.memory_space<vmem>>
    %dma_wait3A_501 = tpu.memref_slice %arg15[%add3A_354] : memref<393216xf32, #tpu.memory_space<vmem_shared>> -> memref<512xf32, #tpu.memory_space<vmem_shared>>
    %dma_wait3A_502 = arith.constant 1536 : i32
    %dma_wait3A_503 = tpu.memref_slice %arg16[%dma_wait3A_502] : memref<8192xf32, #tpu.memory_space<vmem>> -> memref<512xf32, #tpu.memory_space<vmem>>
    %dma_wait3A_504 = tpu.memref_slice %arg15[%add3A_354] : memref<393216xf32, #tpu.memory_space<vmem_shared>> -> memref<512xf32, #tpu.memory_space<vmem_shared>>
    tpu.wait_dma2 semaphore(%arg20 : memref<!tpu.dma_semaphore, #tpu.memory_space<semaphore_mem>>) src(%dma_wait3A_504 : memref<512xf32, #tpu.memory_space<vmem_shared>>) dst(%dma_wait3A_503 : memref<512xf32, #tpu.memory_space<vmem>>)
    %dma_wait3A_505 = arith.constant 2048 : i32
    %dma_wait3A_506 = tpu.memref_slice %arg16[%dma_wait3A_505] : memref<8192xf32, #tpu.memory_space<vmem>> -> memref<512xf32, #tpu.memory_space<vmem>>
    %dma_wait3A_507 = tpu.memref_slice %arg15[%add3A_364] : memref<393216xf32, #tpu.memory_space<vmem_shared>> -> memref<512xf32, #tpu.memory_space<vmem_shared>>
    %dma_wait3A_508 = arith.constant 2048 : i32
    %dma_wait3A_509 = tpu.memref_slice %arg16[%dma_wait3A_508] : memref<8192xf32, #tpu.memory_space<vmem>> -> memref<512xf32, #tpu.memory_space<vmem>>
    %dma_wait3A_510 = tpu.memref_slice %arg15[%add3A_364] : memref<393216xf32, #tpu.memory_space<vmem_shared>> -> memref<512xf32, #tpu.memory_space<vmem_shared>>
    tpu.wait_dma2 semaphore(%arg20 : memref<!tpu.dma_semaphore, #tpu.memory_space<semaphore_mem>>) src(%dma_wait3A_510 : memref<512xf32, #tpu.memory_space<vmem_shared>>) dst(%dma_wait3A_509 : memref<512xf32, #tpu.memory_space<vmem>>)
    %dma_wait3A_511 = arith.constant 2560 : i32
    %dma_wait3A_512 = tpu.memref_slice %arg16[%dma_wait3A_511] : memref<8192xf32, #tpu.memory_space<vmem>> -> memref<512xf32, #tpu.memory_space<vmem>>
    %dma_wait3A_513 = tpu.memref_slice %arg15[%add3A_374] : memref<393216xf32, #tpu.memory_space<vmem_shared>> -> memref<512xf32, #tpu.memory_space<vmem_shared>>
    %dma_wait3A_514 = arith.constant 2560 : i32
    %dma_wait3A_515 = tpu.memref_slice %arg16[%dma_wait3A_514] : memref<8192xf32, #tpu.memory_space<vmem>> -> memref<512xf32, #tpu.memory_space<vmem>>
    %dma_wait3A_516 = tpu.memref_slice %arg15[%add3A_374] : memref<393216xf32, #tpu.memory_space<vmem_shared>> -> memref<512xf32, #tpu.memory_space<vmem_shared>>
    tpu.wait_dma2 semaphore(%arg20 : memref<!tpu.dma_semaphore, #tpu.memory_space<semaphore_mem>>) src(%dma_wait3A_516 : memref<512xf32, #tpu.memory_space<vmem_shared>>) dst(%dma_wait3A_515 : memref<512xf32, #tpu.memory_space<vmem>>)
    %dma_wait3A_517 = arith.constant 3072 : i32
    %dma_wait3A_518 = tpu.memref_slice %arg16[%dma_wait3A_517] : memref<8192xf32, #tpu.memory_space<vmem>> -> memref<512xf32, #tpu.memory_space<vmem>>
    %dma_wait3A_519 = tpu.memref_slice %arg15[%add3A_384] : memref<393216xf32, #tpu.memory_space<vmem_shared>> -> memref<512xf32, #tpu.memory_space<vmem_shared>>
    %dma_wait3A_520 = arith.constant 3072 : i32
    %dma_wait3A_521 = tpu.memref_slice %arg16[%dma_wait3A_520] : memref<8192xf32, #tpu.memory_space<vmem>> -> memref<512xf32, #tpu.memory_space<vmem>>
    %dma_wait3A_522 = tpu.memref_slice %arg15[%add3A_384] : memref<393216xf32, #tpu.memory_space<vmem_shared>> -> memref<512xf32, #tpu.memory_space<vmem_shared>>
    tpu.wait_dma2 semaphore(%arg20 : memref<!tpu.dma_semaphore, #tpu.memory_space<semaphore_mem>>) src(%dma_wait3A_522 : memref<512xf32, #tpu.memory_space<vmem_shared>>) dst(%dma_wait3A_521 : memref<512xf32, #tpu.memory_space<vmem>>)
    %dma_wait3A_523 = arith.constant 3584 : i32
    %dma_wait3A_524 = tpu.memref_slice %arg16[%dma_wait3A_523] : memref<8192xf32, #tpu.memory_space<vmem>> -> memref<512xf32, #tpu.memory_space<vmem>>
    %dma_wait3A_525 = tpu.memref_slice %arg15[%add3A_394] : memref<393216xf32, #tpu.memory_space<vmem_shared>> -> memref<512xf32, #tpu.memory_space<vmem_shared>>
    %dma_wait3A_526 = arith.constant 3584 : i32
    %dma_wait3A_527 = tpu.memref_slice %arg16[%dma_wait3A_526] : memref<8192xf32, #tpu.memory_space<vmem>> -> memref<512xf32, #tpu.memory_space<vmem>>
    %dma_wait3A_528 = tpu.memref_slice %arg15[%add3A_394] : memref<393216xf32, #tpu.memory_space<vmem_shared>> -> memref<512xf32, #tpu.memory_space<vmem_shared>>
    tpu.wait_dma2 semaphore(%arg20 : memref<!tpu.dma_semaphore, #tpu.memory_space<semaphore_mem>>) src(%dma_wait3A_528 : memref<512xf32, #tpu.memory_space<vmem_shared>>) dst(%dma_wait3A_527 : memref<512xf32, #tpu.memory_space<vmem>>)
    %dma_wait3A_529 = arith.constant 4096 : i32
    %dma_wait3A_530 = tpu.memref_slice %arg16[%dma_wait3A_529] : memref<8192xf32, #tpu.memory_space<vmem>> -> memref<512xf32, #tpu.memory_space<vmem>>
    %dma_wait3A_531 = tpu.memref_slice %arg15[%add3A_404] : memref<393216xf32, #tpu.memory_space<vmem_shared>> -> memref<512xf32, #tpu.memory_space<vmem_shared>>
    %dma_wait3A_532 = arith.constant 4096 : i32
    %dma_wait3A_533 = tpu.memref_slice %arg16[%dma_wait3A_532] : memref<8192xf32, #tpu.memory_space<vmem>> -> memref<512xf32, #tpu.memory_space<vmem>>
    %dma_wait3A_534 = tpu.memref_slice %arg15[%add3A_404] : memref<393216xf32, #tpu.memory_space<vmem_shared>> -> memref<512xf32, #tpu.memory_space<vmem_shared>>
    tpu.wait_dma2 semaphore(%arg20 : memref<!tpu.dma_semaphore, #tpu.memory_space<semaphore_mem>>) src(%dma_wait3A_534 : memref<512xf32, #tpu.memory_space<vmem_shared>>) dst(%dma_wait3A_533 : memref<512xf32, #tpu.memory_space<vmem>>)
    %dma_wait3A_535 = arith.constant 4608 : i32
    %dma_wait3A_536 = tpu.memref_slice %arg16[%dma_wait3A_535] : memref<8192xf32, #tpu.memory_space<vmem>> -> memref<512xf32, #tpu.memory_space<vmem>>
    %dma_wait3A_537 = tpu.memref_slice %arg15[%add3A_414] : memref<393216xf32, #tpu.memory_space<vmem_shared>> -> memref<512xf32, #tpu.memory_space<vmem_shared>>
    %dma_wait3A_538 = arith.constant 4608 : i32
    %dma_wait3A_539 = tpu.memref_slice %arg16[%dma_wait3A_538] : memref<8192xf32, #tpu.memory_space<vmem>> -> memref<512xf32, #tpu.memory_space<vmem>>
    %dma_wait3A_540 = tpu.memref_slice %arg15[%add3A_414] : memref<393216xf32, #tpu.memory_space<vmem_shared>> -> memref<512xf32, #tpu.memory_space<vmem_shared>>
    tpu.wait_dma2 semaphore(%arg20 : memref<!tpu.dma_semaphore, #tpu.memory_space<semaphore_mem>>) src(%dma_wait3A_540 : memref<512xf32, #tpu.memory_space<vmem_shared>>) dst(%dma_wait3A_539 : memref<512xf32, #tpu.memory_space<vmem>>)
    %dma_wait3A_541 = arith.constant 5120 : i32
    %dma_wait3A_542 = tpu.memref_slice %arg16[%dma_wait3A_541] : memref<8192xf32, #tpu.memory_space<vmem>> -> memref<512xf32, #tpu.memory_space<vmem>>
    %dma_wait3A_543 = tpu.memref_slice %arg15[%add3A_424] : memref<393216xf32, #tpu.memory_space<vmem_shared>> -> memref<512xf32, #tpu.memory_space<vmem_shared>>
    %dma_wait3A_544 = arith.constant 5120 : i32
    %dma_wait3A_545 = tpu.memref_slice %arg16[%dma_wait3A_544] : memref<8192xf32, #tpu.memory_space<vmem>> -> memref<512xf32, #tpu.memory_space<vmem>>
    %dma_wait3A_546 = tpu.memref_slice %arg15[%add3A_424] : memref<393216xf32, #tpu.memory_space<vmem_shared>> -> memref<512xf32, #tpu.memory_space<vmem_shared>>
    tpu.wait_dma2 semaphore(%arg20 : memref<!tpu.dma_semaphore, #tpu.memory_space<semaphore_mem>>) src(%dma_wait3A_546 : memref<512xf32, #tpu.memory_space<vmem_shared>>) dst(%dma_wait3A_545 : memref<512xf32, #tpu.memory_space<vmem>>)
    %dma_wait3A_547 = arith.constant 5632 : i32
    %dma_wait3A_548 = tpu.memref_slice %arg16[%dma_wait3A_547] : memref<8192xf32, #tpu.memory_space<vmem>> -> memref<512xf32, #tpu.memory_space<vmem>>
    %dma_wait3A_549 = tpu.memref_slice %arg15[%add3A_434] : memref<393216xf32, #tpu.memory_space<vmem_shared>> -> memref<512xf32, #tpu.memory_space<vmem_shared>>
    %dma_wait3A_550 = arith.constant 5632 : i32
    %dma_wait3A_551 = tpu.memref_slice %arg16[%dma_wait3A_550] : memref<8192xf32, #tpu.memory_space<vmem>> -> memref<512xf32, #tpu.memory_space<vmem>>
    %dma_wait3A_552 = tpu.memref_slice %arg15[%add3A_434] : memref<393216xf32, #tpu.memory_space<vmem_shared>> -> memref<512xf32, #tpu.memory_space<vmem_shared>>
    tpu.wait_dma2 semaphore(%arg20 : memref<!tpu.dma_semaphore, #tpu.memory_space<semaphore_mem>>) src(%dma_wait3A_552 : memref<512xf32, #tpu.memory_space<vmem_shared>>) dst(%dma_wait3A_551 : memref<512xf32, #tpu.memory_space<vmem>>)
    %dma_wait3A_553 = arith.constant 6144 : i32
    %dma_wait3A_554 = tpu.memref_slice %arg16[%dma_wait3A_553] : memref<8192xf32, #tpu.memory_space<vmem>> -> memref<512xf32, #tpu.memory_space<vmem>>
    %dma_wait3A_555 = tpu.memref_slice %arg15[%add3A_444] : memref<393216xf32, #tpu.memory_space<vmem_shared>> -> memref<512xf32, #tpu.memory_space<vmem_shared>>
    %dma_wait3A_556 = arith.constant 6144 : i32
    %dma_wait3A_557 = tpu.memref_slice %arg16[%dma_wait3A_556] : memref<8192xf32, #tpu.memory_space<vmem>> -> memref<512xf32, #tpu.memory_space<vmem>>
    %dma_wait3A_558 = tpu.memref_slice %arg15[%add3A_444] : memref<393216xf32, #tpu.memory_space<vmem_shared>> -> memref<512xf32, #tpu.memory_space<vmem_shared>>
    tpu.wait_dma2 semaphore(%arg20 : memref<!tpu.dma_semaphore, #tpu.memory_space<semaphore_mem>>) src(%dma_wait3A_558 : memref<512xf32, #tpu.memory_space<vmem_shared>>) dst(%dma_wait3A_557 : memref<512xf32, #tpu.memory_space<vmem>>)
    %dma_wait3A_559 = arith.constant 6656 : i32
    %dma_wait3A_560 = tpu.memref_slice %arg16[%dma_wait3A_559] : memref<8192xf32, #tpu.memory_space<vmem>> -> memref<512xf32, #tpu.memory_space<vmem>>
    %dma_wait3A_561 = tpu.memref_slice %arg15[%add3A_454] : memref<393216xf32, #tpu.memory_space<vmem_shared>> -> memref<512xf32, #tpu.memory_space<vmem_shared>>
    %dma_wait3A_562 = arith.constant 6656 : i32
    %dma_wait3A_563 = tpu.memref_slice %arg16[%dma_wait3A_562] : memref<8192xf32, #tpu.memory_space<vmem>> -> memref<512xf32, #tpu.memory_space<vmem>>
    %dma_wait3A_564 = tpu.memref_slice %arg15[%add3A_454] : memref<393216xf32, #tpu.memory_space<vmem_shared>> -> memref<512xf32, #tpu.memory_space<vmem_shared>>
    tpu.wait_dma2 semaphore(%arg20 : memref<!tpu.dma_semaphore, #tpu.memory_space<semaphore_mem>>) src(%dma_wait3A_564 : memref<512xf32, #tpu.memory_space<vmem_shared>>) dst(%dma_wait3A_563 : memref<512xf32, #tpu.memory_space<vmem>>)
    %dma_wait3A_565 = arith.constant 7168 : i32
    %dma_wait3A_566 = tpu.memref_slice %arg16[%dma_wait3A_565] : memref<8192xf32, #tpu.memory_space<vmem>> -> memref<512xf32, #tpu.memory_space<vmem>>
    %dma_wait3A_567 = tpu.memref_slice %arg15[%add3A_464] : memref<393216xf32, #tpu.memory_space<vmem_shared>> -> memref<512xf32, #tpu.memory_space<vmem_shared>>
    %dma_wait3A_568 = arith.constant 7168 : i32
    %dma_wait3A_569 = tpu.memref_slice %arg16[%dma_wait3A_568] : memref<8192xf32, #tpu.memory_space<vmem>> -> memref<512xf32, #tpu.memory_space<vmem>>
    %dma_wait3A_570 = tpu.memref_slice %arg15[%add3A_464] : memref<393216xf32, #tpu.memory_space<vmem_shared>> -> memref<512xf32, #tpu.memory_space<vmem_shared>>
    tpu.wait_dma2 semaphore(%arg20 : memref<!tpu.dma_semaphore, #tpu.memory_space<semaphore_mem>>) src(%dma_wait3A_570 : memref<512xf32, #tpu.memory_space<vmem_shared>>) dst(%dma_wait3A_569 : memref<512xf32, #tpu.memory_space<vmem>>)
    %dma_wait3A_571 = arith.constant 7680 : i32
    %dma_wait3A_572 = tpu.memref_slice %arg16[%dma_wait3A_571] : memref<8192xf32, #tpu.memory_space<vmem>> -> memref<512xf32, #tpu.memory_space<vmem>>
    %dma_wait3A_573 = tpu.memref_slice %arg15[%add3A_474] : memref<393216xf32, #tpu.memory_space<vmem_shared>> -> memref<512xf32, #tpu.memory_space<vmem_shared>>
    %dma_wait3A_574 = arith.constant 7680 : i32
    %dma_wait3A_575 = tpu.memref_slice %arg16[%dma_wait3A_574] : memref<8192xf32, #tpu.memory_space<vmem>> -> memref<512xf32, #tpu.memory_space<vmem>>
    %dma_wait3A_576 = tpu.memref_slice %arg15[%add3A_474] : memref<393216xf32, #tpu.memory_space<vmem_shared>> -> memref<512xf32, #tpu.memory_space<vmem_shared>>
    tpu.wait_dma2 semaphore(%arg20 : memref<!tpu.dma_semaphore, #tpu.memory_space<semaphore_mem>>) src(%dma_wait3A_576 : memref<512xf32, #tpu.memory_space<vmem_shared>>) dst(%dma_wait3A_575 : memref<512xf32, #tpu.memory_space<vmem>>)
    %scan3A_577 = arith.constant 0 : i32
    %scan3A_578 = arith.constant 32 : i32
    %scan3A_579 = arith.addi %scan3A_577, %scan3A_578 : i32
    %scan3A_580 = arith.constant 1 : i32
    scf.for %scan3A_861 = %scan3A_577 to %scan3A_579 step %scan3A_580  : i32 {
      %mul3A_862 = arith.constant 1 : i32
      %mul3A_863 = arith.muli %scan3A_861, %mul3A_862 : i32
      %add3A_864 = arith.constant 0 : i32
      %add3A_865 = arith.addi %add3A_864, %mul3A_863 : i32
      %mul3A_866 = arith.constant 16 : i32
      %mul3A_867 = arith.muli %add3A_865, %mul3A_866 : i32
      %add3A_868 = arith.constant 0 : i32
      %add3A_869 = arith.addi %add3A_868, %mul3A_867 : i32
      %get3A = arith.index_cast %add3A_869 : i32 to index
      %get3A_870 = tpu.vector_load %arg16[%get3A] {strides = array<i32>} : memref<8192xf32, #tpu.memory_space<vmem>>, vector<16xf32>,
      %mul3A_871 = arith.constant 16 : i32
      %mul3A_872 = arith.muli %add3A_865, %mul3A_871 : i32
      %add3A_873 = arith.constant 512 : i32
      %add3A_874 = arith.addi %add3A_873, %mul3A_872 : i32
      %get3A_875 = arith.index_cast %add3A_874 : i32 to index
      %get3A_876 = tpu.vector_load %arg16[%get3A_875] {strides = array<i32>} : memref<8192xf32, #tpu.memory_space<vmem>>, vector<16xf32>,
      %add3A_877 = arith.addf %get3A_870, %get3A_876 : vector<16xf32>
      %mul3A_878 = arith.constant 16 : i32
      %mul3A_879 = arith.muli %add3A_865, %mul3A_878 : i32
      %add3A_880 = arith.constant 1024 : i32
      %add3A_881 = arith.addi %add3A_880, %mul3A_879 : i32
      %get3A_882 = arith.index_cast %add3A_881 : i32 to index
      %get3A_883 = tpu.vector_load %arg16[%get3A_882] {strides = array<i32>} : memref<8192xf32, #tpu.memory_space<vmem>>, vector<16xf32>,
      %add3A_884 = arith.addf %add3A_877, %get3A_883 : vector<16xf32>
      %mul3A_885 = arith.constant 16 : i32
      %mul3A_886 = arith.muli %add3A_865, %mul3A_885 : i32
      %add3A_887 = arith.constant 1536 : i32
      %add3A_888 = arith.addi %add3A_887, %mul3A_886 : i32
      %get3A_889 = arith.index_cast %add3A_888 : i32 to index
      %get3A_890 = tpu.vector_load %arg16[%get3A_889] {strides = array<i32>} : memref<8192xf32, #tpu.memory_space<vmem>>, vector<16xf32>,
      %add3A_891 = arith.addf %add3A_884, %get3A_890 : vector<16xf32>
      %mul3A_892 = arith.constant 16 : i32
      %mul3A_893 = arith.muli %add3A_865, %mul3A_892 : i32
      %add3A_894 = arith.constant 2048 : i32
      %add3A_895 = arith.addi %add3A_894, %mul3A_893 : i32
      %get3A_896 = arith.index_cast %add3A_895 : i32 to index
      %get3A_897 = tpu.vector_load %arg16[%get3A_896] {strides = array<i32>} : memref<8192xf32, #tpu.memory_space<vmem>>, vector<16xf32>,
      %add3A_898 = arith.addf %add3A_891, %get3A_897 : vector<16xf32>
      %mul3A_899 = arith.constant 16 : i32
      %mul3A_900 = arith.muli %add3A_865, %mul3A_899 : i32
      %add3A_901 = arith.constant 2560 : i32
      %add3A_902 = arith.addi %add3A_901, %mul3A_900 : i32
      %get3A_903 = arith.index_cast %add3A_902 : i32 to index
      %get3A_904 = tpu.vector_load %arg16[%get3A_903] {strides = array<i32>} : memref<8192xf32, #tpu.memory_space<vmem>>, vector<16xf32>,
      %add3A_905 = arith.addf %add3A_898, %get3A_904 : vector<16xf32>
      %mul3A_906 = arith.constant 16 : i32
      %mul3A_907 = arith.muli %add3A_865, %mul3A_906 : i32
      %add3A_908 = arith.constant 3072 : i32
      %add3A_909 = arith.addi %add3A_908, %mul3A_907 : i32
      %get3A_910 = arith.index_cast %add3A_909 : i32 to index
      %get3A_911 = tpu.vector_load %arg16[%get3A_910] {strides = array<i32>} : memref<8192xf32, #tpu.memory_space<vmem>>, vector<16xf32>,
      %add3A_912 = arith.addf %add3A_905, %get3A_911 : vector<16xf32>
      %mul3A_913 = arith.constant 16 : i32
      %mul3A_914 = arith.muli %add3A_865, %mul3A_913 : i32
      %add3A_915 = arith.constant 3584 : i32
      %add3A_916 = arith.addi %add3A_915, %mul3A_914 : i32
      %get3A_917 = arith.index_cast %add3A_916 : i32 to index
      %get3A_918 = tpu.vector_load %arg16[%get3A_917] {strides = array<i32>} : memref<8192xf32, #tpu.memory_space<vmem>>, vector<16xf32>,
      %add3A_919 = arith.addf %add3A_912, %get3A_918 : vector<16xf32>
      %mul3A_920 = arith.constant 16 : i32
      %mul3A_921 = arith.muli %add3A_865, %mul3A_920 : i32
      %add3A_922 = arith.constant 4096 : i32
      %add3A_923 = arith.addi %add3A_922, %mul3A_921 : i32
      %get3A_924 = arith.index_cast %add3A_923 : i32 to index
      %get3A_925 = tpu.vector_load %arg16[%get3A_924] {strides = array<i32>} : memref<8192xf32, #tpu.memory_space<vmem>>, vector<16xf32>,
      %add3A_926 = arith.addf %add3A_919, %get3A_925 : vector<16xf32>
      %mul3A_927 = arith.constant 16 : i32
      %mul3A_928 = arith.muli %add3A_865, %mul3A_927 : i32
      %add3A_929 = arith.constant 4608 : i32
      %add3A_930 = arith.addi %add3A_929, %mul3A_928 : i32
      %get3A_931 = arith.index_cast %add3A_930 : i32 to index
      %get3A_932 = tpu.vector_load %arg16[%get3A_931] {strides = array<i32>} : memref<8192xf32, #tpu.memory_space<vmem>>, vector<16xf32>,
      %add3A_933 = arith.addf %add3A_926, %get3A_932 : vector<16xf32>
      %mul3A_934 = arith.constant 16 : i32
      %mul3A_935 = arith.muli %add3A_865, %mul3A_934 : i32
      %add3A_936 = arith.constant 5120 : i32
      %add3A_937 = arith.addi %add3A_936, %mul3A_935 : i32
      %get3A_938 = arith.index_cast %add3A_937 : i32 to index
      %get3A_939 = tpu.vector_load %arg16[%get3A_938] {strides = array<i32>} : memref<8192xf32, #tpu.memory_space<vmem>>, vector<16xf32>,
      %add3A_940 = arith.addf %add3A_933, %get3A_939 : vector<16xf32>
      %mul3A_941 = arith.constant 16 : i32
      %mul3A_942 = arith.muli %add3A_865, %mul3A_941 : i32
      %add3A_943 = arith.constant 5632 : i32
      %add3A_944 = arith.addi %add3A_943, %mul3A_942 : i32
      %get3A_945 = arith.index_cast %add3A_944 : i32 to index
      %get3A_946 = tpu.vector_load %arg16[%get3A_945] {strides = array<i32>} : memref<8192xf32, #tpu.memory_space<vmem>>, vector<16xf32>,
      %add3A_947 = arith.addf %add3A_940, %get3A_946 : vector<16xf32>
      %mul3A_948 = arith.constant 16 : i32
      %mul3A_949 = arith.muli %add3A_865, %mul3A_948 : i32
      %add3A_950 = arith.constant 6144 : i32
      %add3A_951 = arith.addi %add3A_950, %mul3A_949 : i32
      %get3A_952 = arith.index_cast %add3A_951 : i32 to index
      %get3A_953 = tpu.vector_load %arg16[%get3A_952] {strides = array<i32>} : memref<8192xf32, #tpu.memory_space<vmem>>, vector<16xf32>,
      %add3A_954 = arith.addf %add3A_947, %get3A_953 : vector<16xf32>
      %mul3A_955 = arith.constant 16 : i32
      %mul3A_956 = arith.muli %add3A_865, %mul3A_955 : i32
      %add3A_957 = arith.constant 6656 : i32
      %add3A_958 = arith.addi %add3A_957, %mul3A_956 : i32
      %get3A_959 = arith.index_cast %add3A_958 : i32 to index
      %get3A_960 = tpu.vector_load %arg16[%get3A_959] {strides = array<i32>} : memref<8192xf32, #tpu.memory_space<vmem>>, vector<16xf32>,
      %add3A_961 = arith.addf %add3A_954, %get3A_960 : vector<16xf32>
      %mul3A_962 = arith.constant 16 : i32
      %mul3A_963 = arith.muli %add3A_865, %mul3A_962 : i32
      %add3A_964 = arith.constant 7168 : i32
      %add3A_965 = arith.addi %add3A_964, %mul3A_963 : i32
      %get3A_966 = arith.index_cast %add3A_965 : i32 to index
      %get3A_967 = tpu.vector_load %arg16[%get3A_966] {strides = array<i32>} : memref<8192xf32, #tpu.memory_space<vmem>>, vector<16xf32>,
      %add3A_968 = arith.addf %add3A_961, %get3A_967 : vector<16xf32>
      %mul3A_969 = arith.constant 16 : i32
      %mul3A_970 = arith.muli %add3A_865, %mul3A_969 : i32
      %add3A_971 = arith.constant 7680 : i32
      %add3A_972 = arith.addi %add3A_971, %mul3A_970 : i32
      %get3A_973 = arith.index_cast %add3A_972 : i32 to index
      %get3A_974 = tpu.vector_load %arg16[%get3A_973] {strides = array<i32>} : memref<8192xf32, #tpu.memory_space<vmem>>, vector<16xf32>,
      %add3A_975 = arith.addf %add3A_968, %get3A_974 : vector<16xf32>
      %mul3A_976 = arith.constant 16 : i32
      %mul3A_977 = arith.muli %add3A_865, %mul3A_976 : i32
      %swap3A = arith.index_cast %mul3A_977 : i32 to index
      %swap3A_978 = tpu.vector_load %arg18[%swap3A] {strides = array<i32>} : memref<512xf32, #tpu.memory_space<vmem>>, vector<16xf32>,
      tpu.vector_store %arg18[%swap3A], %add3A_975 {strides = array<i32>} : memref<512xf32, #tpu.memory_space<vmem>>, vector<16xf32>,
    }
    %scan3A_581 = arith.constant 32 : i32
    %mul3A_582 = arith.constant 3 : i32
    %mul3A_583 = arith.muli %arg0, %mul3A_582 : i32
    %mul3A_584 = arith.constant 8192 : i32
    %mul3A_585 = arith.muli %mul3A_583, %mul3A_584 : i32
    %add3A_586 = arith.constant 8192 : i32
    %add3A_587 = arith.addi %mul3A_585, %add3A_586 : i32
    %mul3A_588 = arith.constant 512 : i32
    %mul3A_589 = arith.muli %arg1, %mul3A_588 : i32
    %add3A_590 = arith.addi %add3A_587, %mul3A_589 : i32
    "tpu.region"() ({
      %run_scoped3A = tpu.sem_alloc : memref<!tpu.dma_semaphore, #tpu.memory_space<semaphore_mem>>
      %dma_start3A_861 = tpu.memref_slice %arg7[%add3A_590] : memref<49152xf32, #tpu.memory_space<hbm>> -> memref<512xf32, #tpu.memory_space<hbm>>
      %dma_start3A_862 = tpu.memref_slice %arg7[%add3A_590] : memref<49152xf32, #tpu.memory_space<hbm>> -> memref<512xf32, #tpu.memory_space<hbm>>
      tpu.enqueue_dma source(%arg18 : memref<512xf32, #tpu.memory_space<vmem>>) target(%dma_start3A_862 : memref<512xf32, #tpu.memory_space<hbm>>) target_semaphore(%run_scoped3A : memref<!tpu.dma_semaphore, #tpu.memory_space<semaphore_mem>>)
      %dma_wait3A_863 = tpu.memref_slice %arg7[%add3A_590] : memref<49152xf32, #tpu.memory_space<hbm>> -> memref<512xf32, #tpu.memory_space<hbm>>
      %dma_wait3A_864 = tpu.memref_slice %arg7[%add3A_590] : memref<49152xf32, #tpu.memory_space<hbm>> -> memref<512xf32, #tpu.memory_space<hbm>>
      tpu.wait_dma2 semaphore(%run_scoped3A : memref<!tpu.dma_semaphore, #tpu.memory_space<semaphore_mem>>) src(%arg18 : memref<512xf32, #tpu.memory_space<vmem>>) dst(%dma_wait3A_864 : memref<512xf32, #tpu.memory_space<hbm>>)
      tpu.yield
    }) : () -> ()
    %mul3A_591 = arith.constant 512 : i32
    %mul3A_592 = arith.muli %arg1, %mul3A_591 : i32
    %add3A_593 = arith.constant 16384 : i32
    %add3A_594 = arith.addi %add3A_593, %mul3A_592 : i32
    %dma_start3A_595 = arith.constant 0 : i32
    %dma_start3A_596 = tpu.memref_slice %arg16[%dma_start3A_595] : memref<8192xf32, #tpu.memory_space<vmem>> -> memref<512xf32, #tpu.memory_space<vmem>>
    %dma_start3A_597 = tpu.memref_slice %arg15[%add3A_594] : memref<393216xf32, #tpu.memory_space<vmem_shared>> -> memref<512xf32, #tpu.memory_space<vmem_shared>>
    %dma_start3A_598 = arith.constant 0 : i32
    %dma_start3A_599 = tpu.memref_slice %arg16[%dma_start3A_598] : memref<8192xf32, #tpu.memory_space<vmem>> -> memref<512xf32, #tpu.memory_space<vmem>>
    %dma_start3A_600 = tpu.memref_slice %arg15[%add3A_594] : memref<393216xf32, #tpu.memory_space<vmem_shared>> -> memref<512xf32, #tpu.memory_space<vmem_shared>>
    tpu.enqueue_dma source(%dma_start3A_600 : memref<512xf32, #tpu.memory_space<vmem_shared>>) target(%dma_start3A_599 : memref<512xf32, #tpu.memory_space<vmem>>) target_semaphore(%arg20 : memref<!tpu.dma_semaphore, #tpu.memory_space<semaphore_mem>>)
    %mul3A_601 = arith.constant 512 : i32
    %mul3A_602 = arith.muli %arg1, %mul3A_601 : i32
    %add3A_603 = arith.constant 40960 : i32
    %add3A_604 = arith.addi %add3A_603, %mul3A_602 : i32
    %dma_start3A_605 = arith.constant 512 : i32
    %dma_start3A_606 = tpu.memref_slice %arg16[%dma_start3A_605] : memref<8192xf32, #tpu.memory_space<vmem>> -> memref<512xf32, #tpu.memory_space<vmem>>
    %dma_start3A_607 = tpu.memref_slice %arg15[%add3A_604] : memref<393216xf32, #tpu.memory_space<vmem_shared>> -> memref<512xf32, #tpu.memory_space<vmem_shared>>
    %dma_start3A_608 = arith.constant 512 : i32
    %dma_start3A_609 = tpu.memref_slice %arg16[%dma_start3A_608] : memref<8192xf32, #tpu.memory_space<vmem>> -> memref<512xf32, #tpu.memory_space<vmem>>
    %dma_start3A_610 = tpu.memref_slice %arg15[%add3A_604] : memref<393216xf32, #tpu.memory_space<vmem_shared>> -> memref<512xf32, #tpu.memory_space<vmem_shared>>
    tpu.enqueue_dma source(%dma_start3A_610 : memref<512xf32, #tpu.memory_space<vmem_shared>>) target(%dma_start3A_609 : memref<512xf32, #tpu.memory_space<vmem>>) target_semaphore(%arg20 : memref<!tpu.dma_semaphore, #tpu.memory_space<semaphore_mem>>)
    %mul3A_611 = arith.constant 512 : i32
    %mul3A_612 = arith.muli %arg1, %mul3A_611 : i32
    %add3A_613 = arith.constant 65536 : i32
    %add3A_614 = arith.addi %add3A_613, %mul3A_612 : i32
    %dma_start3A_615 = arith.constant 1024 : i32
    %dma_start3A_616 = tpu.memref_slice %arg16[%dma_start3A_615] : memref<8192xf32, #tpu.memory_space<vmem>> -> memref<512xf32, #tpu.memory_space<vmem>>
    %dma_start3A_617 = tpu.memref_slice %arg15[%add3A_614] : memref<393216xf32, #tpu.memory_space<vmem_shared>> -> memref<512xf32, #tpu.memory_space<vmem_shared>>
    %dma_start3A_618 = arith.constant 1024 : i32
    %dma_start3A_619 = tpu.memref_slice %arg16[%dma_start3A_618] : memref<8192xf32, #tpu.memory_space<vmem>> -> memref<512xf32, #tpu.memory_space<vmem>>
    %dma_start3A_620 = tpu.memref_slice %arg15[%add3A_614] : memref<393216xf32, #tpu.memory_space<vmem_shared>> -> memref<512xf32, #tpu.memory_space<vmem_shared>>
    tpu.enqueue_dma source(%dma_start3A_620 : memref<512xf32, #tpu.memory_space<vmem_shared>>) target(%dma_start3A_619 : memref<512xf32, #tpu.memory_space<vmem>>) target_semaphore(%arg20 : memref<!tpu.dma_semaphore, #tpu.memory_space<semaphore_mem>>)
    %mul3A_621 = arith.constant 512 : i32
    %mul3A_622 = arith.muli %arg1, %mul3A_621 : i32
    %add3A_623 = arith.constant 90112 : i32
    %add3A_624 = arith.addi %add3A_623, %mul3A_622 : i32
    %dma_start3A_625 = arith.constant 1536 : i32
    %dma_start3A_626 = tpu.memref_slice %arg16[%dma_start3A_625] : memref<8192xf32, #tpu.memory_space<vmem>> -> memref<512xf32, #tpu.memory_space<vmem>>
    %dma_start3A_627 = tpu.memref_slice %arg15[%add3A_624] : memref<393216xf32, #tpu.memory_space<vmem_shared>> -> memref<512xf32, #tpu.memory_space<vmem_shared>>
    %dma_start3A_628 = arith.constant 1536 : i32
    %dma_start3A_629 = tpu.memref_slice %arg16[%dma_start3A_628] : memref<8192xf32, #tpu.memory_space<vmem>> -> memref<512xf32, #tpu.memory_space<vmem>>
    %dma_start3A_630 = tpu.memref_slice %arg15[%add3A_624] : memref<393216xf32, #tpu.memory_space<vmem_shared>> -> memref<512xf32, #tpu.memory_space<vmem_shared>>
    tpu.enqueue_dma source(%dma_start3A_630 : memref<512xf32, #tpu.memory_space<vmem_shared>>) target(%dma_start3A_629 : memref<512xf32, #tpu.memory_space<vmem>>) target_semaphore(%arg20 : memref<!tpu.dma_semaphore, #tpu.memory_space<semaphore_mem>>)
    %mul3A_631 = arith.constant 512 : i32
    %mul3A_632 = arith.muli %arg1, %mul3A_631 : i32
    %add3A_633 = arith.constant 114688 : i32
    %add3A_634 = arith.addi %add3A_633, %mul3A_632 : i32
    %dma_start3A_635 = arith.constant 2048 : i32
    %dma_start3A_636 = tpu.memref_slice %arg16[%dma_start3A_635] : memref<8192xf32, #tpu.memory_space<vmem>> -> memref<512xf32, #tpu.memory_space<vmem>>
    %dma_start3A_637 = tpu.memref_slice %arg15[%add3A_634] : memref<393216xf32, #tpu.memory_space<vmem_shared>> -> memref<512xf32, #tpu.memory_space<vmem_shared>>
    %dma_start3A_638 = arith.constant 2048 : i32
    %dma_start3A_639 = tpu.memref_slice %arg16[%dma_start3A_638] : memref<8192xf32, #tpu.memory_space<vmem>> -> memref<512xf32, #tpu.memory_space<vmem>>
    %dma_start3A_640 = tpu.memref_slice %arg15[%add3A_634] : memref<393216xf32, #tpu.memory_space<vmem_shared>> -> memref<512xf32, #tpu.memory_space<vmem_shared>>
    tpu.enqueue_dma source(%dma_start3A_640 : memref<512xf32, #tpu.memory_space<vmem_shared>>) target(%dma_start3A_639 : memref<512xf32, #tpu.memory_space<vmem>>) target_semaphore(%arg20 : memref<!tpu.dma_semaphore, #tpu.memory_space<semaphore_mem>>)
    %mul3A_641 = arith.constant 512 : i32
    %mul3A_642 = arith.muli %arg1, %mul3A_641 : i32
    %add3A_643 = arith.constant 139264 : i32
    %add3A_644 = arith.addi %add3A_643, %mul3A_642 : i32
    %dma_start3A_645 = arith.constant 2560 : i32
    %dma_start3A_646 = tpu.memref_slice %arg16[%dma_start3A_645] : memref<8192xf32, #tpu.memory_space<vmem>> -> memref<512xf32, #tpu.memory_space<vmem>>
    %dma_start3A_647 = tpu.memref_slice %arg15[%add3A_644] : memref<393216xf32, #tpu.memory_space<vmem_shared>> -> memref<512xf32, #tpu.memory_space<vmem_shared>>
    %dma_start3A_648 = arith.constant 2560 : i32
    %dma_start3A_649 = tpu.memref_slice %arg16[%dma_start3A_648] : memref<8192xf32, #tpu.memory_space<vmem>> -> memref<512xf32, #tpu.memory_space<vmem>>
    %dma_start3A_650 = tpu.memref_slice %arg15[%add3A_644] : memref<393216xf32, #tpu.memory_space<vmem_shared>> -> memref<512xf32, #tpu.memory_space<vmem_shared>>
    tpu.enqueue_dma source(%dma_start3A_650 : memref<512xf32, #tpu.memory_space<vmem_shared>>) target(%dma_start3A_649 : memref<512xf32, #tpu.memory_space<vmem>>) target_semaphore(%arg20 : memref<!tpu.dma_semaphore, #tpu.memory_space<semaphore_mem>>)
    %mul3A_651 = arith.constant 512 : i32
    %mul3A_652 = arith.muli %arg1, %mul3A_651 : i32
    %add3A_653 = arith.constant 163840 : i32
    %add3A_654 = arith.addi %add3A_653, %mul3A_652 : i32
    %dma_start3A_655 = arith.constant 3072 : i32
    %dma_start3A_656 = tpu.memref_slice %arg16[%dma_start3A_655] : memref<8192xf32, #tpu.memory_space<vmem>> -> memref<512xf32, #tpu.memory_space<vmem>>
    %dma_start3A_657 = tpu.memref_slice %arg15[%add3A_654] : memref<393216xf32, #tpu.memory_space<vmem_shared>> -> memref<512xf32, #tpu.memory_space<vmem_shared>>
    %dma_start3A_658 = arith.constant 3072 : i32
    %dma_start3A_659 = tpu.memref_slice %arg16[%dma_start3A_658] : memref<8192xf32, #tpu.memory_space<vmem>> -> memref<512xf32, #tpu.memory_space<vmem>>
    %dma_start3A_660 = tpu.memref_slice %arg15[%add3A_654] : memref<393216xf32, #tpu.memory_space<vmem_shared>> -> memref<512xf32, #tpu.memory_space<vmem_shared>>
    tpu.enqueue_dma source(%dma_start3A_660 : memref<512xf32, #tpu.memory_space<vmem_shared>>) target(%dma_start3A_659 : memref<512xf32, #tpu.memory_space<vmem>>) target_semaphore(%arg20 : memref<!tpu.dma_semaphore, #tpu.memory_space<semaphore_mem>>)
    %mul3A_661 = arith.constant 512 : i32
    %mul3A_662 = arith.muli %arg1, %mul3A_661 : i32
    %add3A_663 = arith.constant 188416 : i32
    %add3A_664 = arith.addi %add3A_663, %mul3A_662 : i32
    %dma_start3A_665 = arith.constant 3584 : i32
    %dma_start3A_666 = tpu.memref_slice %arg16[%dma_start3A_665] : memref<8192xf32, #tpu.memory_space<vmem>> -> memref<512xf32, #tpu.memory_space<vmem>>
    %dma_start3A_667 = tpu.memref_slice %arg15[%add3A_664] : memref<393216xf32, #tpu.memory_space<vmem_shared>> -> memref<512xf32, #tpu.memory_space<vmem_shared>>
    %dma_start3A_668 = arith.constant 3584 : i32
    %dma_start3A_669 = tpu.memref_slice %arg16[%dma_start3A_668] : memref<8192xf32, #tpu.memory_space<vmem>> -> memref<512xf32, #tpu.memory_space<vmem>>
    %dma_start3A_670 = tpu.memref_slice %arg15[%add3A_664] : memref<393216xf32, #tpu.memory_space<vmem_shared>> -> memref<512xf32, #tpu.memory_space<vmem_shared>>
    tpu.enqueue_dma source(%dma_start3A_670 : memref<512xf32, #tpu.memory_space<vmem_shared>>) target(%dma_start3A_669 : memref<512xf32, #tpu.memory_space<vmem>>) target_semaphore(%arg20 : memref<!tpu.dma_semaphore, #tpu.memory_space<semaphore_mem>>)
    %mul3A_671 = arith.constant 512 : i32
    %mul3A_672 = arith.muli %arg1, %mul3A_671 : i32
    %add3A_673 = arith.constant 212992 : i32
    %add3A_674 = arith.addi %add3A_673, %mul3A_672 : i32
    %dma_start3A_675 = arith.constant 4096 : i32
    %dma_start3A_676 = tpu.memref_slice %arg16[%dma_start3A_675] : memref<8192xf32, #tpu.memory_space<vmem>> -> memref<512xf32, #tpu.memory_space<vmem>>
    %dma_start3A_677 = tpu.memref_slice %arg15[%add3A_674] : memref<393216xf32, #tpu.memory_space<vmem_shared>> -> memref<512xf32, #tpu.memory_space<vmem_shared>>
    %dma_start3A_678 = arith.constant 4096 : i32
    %dma_start3A_679 = tpu.memref_slice %arg16[%dma_start3A_678] : memref<8192xf32, #tpu.memory_space<vmem>> -> memref<512xf32, #tpu.memory_space<vmem>>
    %dma_start3A_680 = tpu.memref_slice %arg15[%add3A_674] : memref<393216xf32, #tpu.memory_space<vmem_shared>> -> memref<512xf32, #tpu.memory_space<vmem_shared>>
    tpu.enqueue_dma source(%dma_start3A_680 : memref<512xf32, #tpu.memory_space<vmem_shared>>) target(%dma_start3A_679 : memref<512xf32, #tpu.memory_space<vmem>>) target_semaphore(%arg20 : memref<!tpu.dma_semaphore, #tpu.memory_space<semaphore_mem>>)
    %mul3A_681 = arith.constant 512 : i32
    %mul3A_682 = arith.muli %arg1, %mul3A_681 : i32
    %add3A_683 = arith.constant 237568 : i32
    %add3A_684 = arith.addi %add3A_683, %mul3A_682 : i32
    %dma_start3A_685 = arith.constant 4608 : i32
    %dma_start3A_686 = tpu.memref_slice %arg16[%dma_start3A_685] : memref<8192xf32, #tpu.memory_space<vmem>> -> memref<512xf32, #tpu.memory_space<vmem>>
    %dma_start3A_687 = tpu.memref_slice %arg15[%add3A_684] : memref<393216xf32, #tpu.memory_space<vmem_shared>> -> memref<512xf32, #tpu.memory_space<vmem_shared>>
    %dma_start3A_688 = arith.constant 4608 : i32
    %dma_start3A_689 = tpu.memref_slice %arg16[%dma_start3A_688] : memref<8192xf32, #tpu.memory_space<vmem>> -> memref<512xf32, #tpu.memory_space<vmem>>
    %dma_start3A_690 = tpu.memref_slice %arg15[%add3A_684] : memref<393216xf32, #tpu.memory_space<vmem_shared>> -> memref<512xf32, #tpu.memory_space<vmem_shared>>
    tpu.enqueue_dma source(%dma_start3A_690 : memref<512xf32, #tpu.memory_space<vmem_shared>>) target(%dma_start3A_689 : memref<512xf32, #tpu.memory_space<vmem>>) target_semaphore(%arg20 : memref<!tpu.dma_semaphore, #tpu.memory_space<semaphore_mem>>)
    %mul3A_691 = arith.constant 512 : i32
    %mul3A_692 = arith.muli %arg1, %mul3A_691 : i32
    %add3A_693 = arith.constant 262144 : i32
    %add3A_694 = arith.addi %add3A_693, %mul3A_692 : i32
    %dma_start3A_695 = arith.constant 5120 : i32
    %dma_start3A_696 = tpu.memref_slice %arg16[%dma_start3A_695] : memref<8192xf32, #tpu.memory_space<vmem>> -> memref<512xf32, #tpu.memory_space<vmem>>
    %dma_start3A_697 = tpu.memref_slice %arg15[%add3A_694] : memref<393216xf32, #tpu.memory_space<vmem_shared>> -> memref<512xf32, #tpu.memory_space<vmem_shared>>
    %dma_start3A_698 = arith.constant 5120 : i32
    %dma_start3A_699 = tpu.memref_slice %arg16[%dma_start3A_698] : memref<8192xf32, #tpu.memory_space<vmem>> -> memref<512xf32, #tpu.memory_space<vmem>>
    %dma_start3A_700 = tpu.memref_slice %arg15[%add3A_694] : memref<393216xf32, #tpu.memory_space<vmem_shared>> -> memref<512xf32, #tpu.memory_space<vmem_shared>>
    tpu.enqueue_dma source(%dma_start3A_700 : memref<512xf32, #tpu.memory_space<vmem_shared>>) target(%dma_start3A_699 : memref<512xf32, #tpu.memory_space<vmem>>) target_semaphore(%arg20 : memref<!tpu.dma_semaphore, #tpu.memory_space<semaphore_mem>>)
    %mul3A_701 = arith.constant 512 : i32
    %mul3A_702 = arith.muli %arg1, %mul3A_701 : i32
    %add3A_703 = arith.constant 286720 : i32
    %add3A_704 = arith.addi %add3A_703, %mul3A_702 : i32
    %dma_start3A_705 = arith.constant 5632 : i32
    %dma_start3A_706 = tpu.memref_slice %arg16[%dma_start3A_705] : memref<8192xf32, #tpu.memory_space<vmem>> -> memref<512xf32, #tpu.memory_space<vmem>>
    %dma_start3A_707 = tpu.memref_slice %arg15[%add3A_704] : memref<393216xf32, #tpu.memory_space<vmem_shared>> -> memref<512xf32, #tpu.memory_space<vmem_shared>>
    %dma_start3A_708 = arith.constant 5632 : i32
    %dma_start3A_709 = tpu.memref_slice %arg16[%dma_start3A_708] : memref<8192xf32, #tpu.memory_space<vmem>> -> memref<512xf32, #tpu.memory_space<vmem>>
    %dma_start3A_710 = tpu.memref_slice %arg15[%add3A_704] : memref<393216xf32, #tpu.memory_space<vmem_shared>> -> memref<512xf32, #tpu.memory_space<vmem_shared>>
    tpu.enqueue_dma source(%dma_start3A_710 : memref<512xf32, #tpu.memory_space<vmem_shared>>) target(%dma_start3A_709 : memref<512xf32, #tpu.memory_space<vmem>>) target_semaphore(%arg20 : memref<!tpu.dma_semaphore, #tpu.memory_space<semaphore_mem>>)
    %mul3A_711 = arith.constant 512 : i32
    %mul3A_712 = arith.muli %arg1, %mul3A_711 : i32
    %add3A_713 = arith.constant 311296 : i32
    %add3A_714 = arith.addi %add3A_713, %mul3A_712 : i32
    %dma_start3A_715 = arith.constant 6144 : i32
    %dma_start3A_716 = tpu.memref_slice %arg16[%dma_start3A_715] : memref<8192xf32, #tpu.memory_space<vmem>> -> memref<512xf32, #tpu.memory_space<vmem>>
    %dma_start3A_717 = tpu.memref_slice %arg15[%add3A_714] : memref<393216xf32, #tpu.memory_space<vmem_shared>> -> memref<512xf32, #tpu.memory_space<vmem_shared>>
    %dma_start3A_718 = arith.constant 6144 : i32
    %dma_start3A_719 = tpu.memref_slice %arg16[%dma_start3A_718] : memref<8192xf32, #tpu.memory_space<vmem>> -> memref<512xf32, #tpu.memory_space<vmem>>
    %dma_start3A_720 = tpu.memref_slice %arg15[%add3A_714] : memref<393216xf32, #tpu.memory_space<vmem_shared>> -> memref<512xf32, #tpu.memory_space<vmem_shared>>
    tpu.enqueue_dma source(%dma_start3A_720 : memref<512xf32, #tpu.memory_space<vmem_shared>>) target(%dma_start3A_719 : memref<512xf32, #tpu.memory_space<vmem>>) target_semaphore(%arg20 : memref<!tpu.dma_semaphore, #tpu.memory_space<semaphore_mem>>)
    %mul3A_721 = arith.constant 512 : i32
    %mul3A_722 = arith.muli %arg1, %mul3A_721 : i32
    %add3A_723 = arith.constant 335872 : i32
    %add3A_724 = arith.addi %add3A_723, %mul3A_722 : i32
    %dma_start3A_725 = arith.constant 6656 : i32
    %dma_start3A_726 = tpu.memref_slice %arg16[%dma_start3A_725] : memref<8192xf32, #tpu.memory_space<vmem>> -> memref<512xf32, #tpu.memory_space<vmem>>
    %dma_start3A_727 = tpu.memref_slice %arg15[%add3A_724] : memref<393216xf32, #tpu.memory_space<vmem_shared>> -> memref<512xf32, #tpu.memory_space<vmem_shared>>
    %dma_start3A_728 = arith.constant 6656 : i32
    %dma_start3A_729 = tpu.memref_slice %arg16[%dma_start3A_728] : memref<8192xf32, #tpu.memory_space<vmem>> -> memref<512xf32, #tpu.memory_space<vmem>>
    %dma_start3A_730 = tpu.memref_slice %arg15[%add3A_724] : memref<393216xf32, #tpu.memory_space<vmem_shared>> -> memref<512xf32, #tpu.memory_space<vmem_shared>>
    tpu.enqueue_dma source(%dma_start3A_730 : memref<512xf32, #tpu.memory_space<vmem_shared>>) target(%dma_start3A_729 : memref<512xf32, #tpu.memory_space<vmem>>) target_semaphore(%arg20 : memref<!tpu.dma_semaphore, #tpu.memory_space<semaphore_mem>>)
    %mul3A_731 = arith.constant 512 : i32
    %mul3A_732 = arith.muli %arg1, %mul3A_731 : i32
    %add3A_733 = arith.constant 360448 : i32
    %add3A_734 = arith.addi %add3A_733, %mul3A_732 : i32
    %dma_start3A_735 = arith.constant 7168 : i32
    %dma_start3A_736 = tpu.memref_slice %arg16[%dma_start3A_735] : memref<8192xf32, #tpu.memory_space<vmem>> -> memref<512xf32, #tpu.memory_space<vmem>>
    %dma_start3A_737 = tpu.memref_slice %arg15[%add3A_734] : memref<393216xf32, #tpu.memory_space<vmem_shared>> -> memref<512xf32, #tpu.memory_space<vmem_shared>>
    %dma_start3A_738 = arith.constant 7168 : i32
    %dma_start3A_739 = tpu.memref_slice %arg16[%dma_start3A_738] : memref<8192xf32, #tpu.memory_space<vmem>> -> memref<512xf32, #tpu.memory_space<vmem>>
    %dma_start3A_740 = tpu.memref_slice %arg15[%add3A_734] : memref<393216xf32, #tpu.memory_space<vmem_shared>> -> memref<512xf32, #tpu.memory_space<vmem_shared>>
    tpu.enqueue_dma source(%dma_start3A_740 : memref<512xf32, #tpu.memory_space<vmem_shared>>) target(%dma_start3A_739 : memref<512xf32, #tpu.memory_space<vmem>>) target_semaphore(%arg20 : memref<!tpu.dma_semaphore, #tpu.memory_space<semaphore_mem>>)
    %mul3A_741 = arith.constant 512 : i32
    %mul3A_742 = arith.muli %arg1, %mul3A_741 : i32
    %add3A_743 = arith.constant 385024 : i32
    %add3A_744 = arith.addi %add3A_743, %mul3A_742 : i32
    %dma_start3A_745 = arith.constant 7680 : i32
    %dma_start3A_746 = tpu.memref_slice %arg16[%dma_start3A_745] : memref<8192xf32, #tpu.memory_space<vmem>> -> memref<512xf32, #tpu.memory_space<vmem>>
    %dma_start3A_747 = tpu.memref_slice %arg15[%add3A_744] : memref<393216xf32, #tpu.memory_space<vmem_shared>> -> memref<512xf32, #tpu.memory_space<vmem_shared>>
    %dma_start3A_748 = arith.constant 7680 : i32
    %dma_start3A_749 = tpu.memref_slice %arg16[%dma_start3A_748] : memref<8192xf32, #tpu.memory_space<vmem>> -> memref<512xf32, #tpu.memory_space<vmem>>
    %dma_start3A_750 = tpu.memref_slice %arg15[%add3A_744] : memref<393216xf32, #tpu.memory_space<vmem_shared>> -> memref<512xf32, #tpu.memory_space<vmem_shared>>
    tpu.enqueue_dma source(%dma_start3A_750 : memref<512xf32, #tpu.memory_space<vmem_shared>>) target(%dma_start3A_749 : memref<512xf32, #tpu.memory_space<vmem>>) target_semaphore(%arg20 : memref<!tpu.dma_semaphore, #tpu.memory_space<semaphore_mem>>)
    %dma_wait3A_751 = arith.constant 0 : i32
    %dma_wait3A_752 = tpu.memref_slice %arg16[%dma_wait3A_751] : memref<8192xf32, #tpu.memory_space<vmem>> -> memref<512xf32, #tpu.memory_space<vmem>>
    %dma_wait3A_753 = tpu.memref_slice %arg15[%add3A_594] : memref<393216xf32, #tpu.memory_space<vmem_shared>> -> memref<512xf32, #tpu.memory_space<vmem_shared>>
    %dma_wait3A_754 = arith.constant 0 : i32
    %dma_wait3A_755 = tpu.memref_slice %arg16[%dma_wait3A_754] : memref<8192xf32, #tpu.memory_space<vmem>> -> memref<512xf32, #tpu.memory_space<vmem>>
    %dma_wait3A_756 = tpu.memref_slice %arg15[%add3A_594] : memref<393216xf32, #tpu.memory_space<vmem_shared>> -> memref<512xf32, #tpu.memory_space<vmem_shared>>
    tpu.wait_dma2 semaphore(%arg20 : memref<!tpu.dma_semaphore, #tpu.memory_space<semaphore_mem>>) src(%dma_wait3A_756 : memref<512xf32, #tpu.memory_space<vmem_shared>>) dst(%dma_wait3A_755 : memref<512xf32, #tpu.memory_space<vmem>>)
    %dma_wait3A_757 = arith.constant 512 : i32
    %dma_wait3A_758 = tpu.memref_slice %arg16[%dma_wait3A_757] : memref<8192xf32, #tpu.memory_space<vmem>> -> memref<512xf32, #tpu.memory_space<vmem>>
    %dma_wait3A_759 = tpu.memref_slice %arg15[%add3A_604] : memref<393216xf32, #tpu.memory_space<vmem_shared>> -> memref<512xf32, #tpu.memory_space<vmem_shared>>
    %dma_wait3A_760 = arith.constant 512 : i32
    %dma_wait3A_761 = tpu.memref_slice %arg16[%dma_wait3A_760] : memref<8192xf32, #tpu.memory_space<vmem>> -> memref<512xf32, #tpu.memory_space<vmem>>
    %dma_wait3A_762 = tpu.memref_slice %arg15[%add3A_604] : memref<393216xf32, #tpu.memory_space<vmem_shared>> -> memref<512xf32, #tpu.memory_space<vmem_shared>>
    tpu.wait_dma2 semaphore(%arg20 : memref<!tpu.dma_semaphore, #tpu.memory_space<semaphore_mem>>) src(%dma_wait3A_762 : memref<512xf32, #tpu.memory_space<vmem_shared>>) dst(%dma_wait3A_761 : memref<512xf32, #tpu.memory_space<vmem>>)
    %dma_wait3A_763 = arith.constant 1024 : i32
    %dma_wait3A_764 = tpu.memref_slice %arg16[%dma_wait3A_763] : memref<8192xf32, #tpu.memory_space<vmem>> -> memref<512xf32, #tpu.memory_space<vmem>>
    %dma_wait3A_765 = tpu.memref_slice %arg15[%add3A_614] : memref<393216xf32, #tpu.memory_space<vmem_shared>> -> memref<512xf32, #tpu.memory_space<vmem_shared>>
    %dma_wait3A_766 = arith.constant 1024 : i32
    %dma_wait3A_767 = tpu.memref_slice %arg16[%dma_wait3A_766] : memref<8192xf32, #tpu.memory_space<vmem>> -> memref<512xf32, #tpu.memory_space<vmem>>
    %dma_wait3A_768 = tpu.memref_slice %arg15[%add3A_614] : memref<393216xf32, #tpu.memory_space<vmem_shared>> -> memref<512xf32, #tpu.memory_space<vmem_shared>>
    tpu.wait_dma2 semaphore(%arg20 : memref<!tpu.dma_semaphore, #tpu.memory_space<semaphore_mem>>) src(%dma_wait3A_768 : memref<512xf32, #tpu.memory_space<vmem_shared>>) dst(%dma_wait3A_767 : memref<512xf32, #tpu.memory_space<vmem>>)
    %dma_wait3A_769 = arith.constant 1536 : i32
    %dma_wait3A_770 = tpu.memref_slice %arg16[%dma_wait3A_769] : memref<8192xf32, #tpu.memory_space<vmem>> -> memref<512xf32, #tpu.memory_space<vmem>>
    %dma_wait3A_771 = tpu.memref_slice %arg15[%add3A_624] : memref<393216xf32, #tpu.memory_space<vmem_shared>> -> memref<512xf32, #tpu.memory_space<vmem_shared>>
    %dma_wait3A_772 = arith.constant 1536 : i32
    %dma_wait3A_773 = tpu.memref_slice %arg16[%dma_wait3A_772] : memref<8192xf32, #tpu.memory_space<vmem>> -> memref<512xf32, #tpu.memory_space<vmem>>
    %dma_wait3A_774 = tpu.memref_slice %arg15[%add3A_624] : memref<393216xf32, #tpu.memory_space<vmem_shared>> -> memref<512xf32, #tpu.memory_space<vmem_shared>>
    tpu.wait_dma2 semaphore(%arg20 : memref<!tpu.dma_semaphore, #tpu.memory_space<semaphore_mem>>) src(%dma_wait3A_774 : memref<512xf32, #tpu.memory_space<vmem_shared>>) dst(%dma_wait3A_773 : memref<512xf32, #tpu.memory_space<vmem>>)
    %dma_wait3A_775 = arith.constant 2048 : i32
    %dma_wait3A_776 = tpu.memref_slice %arg16[%dma_wait3A_775] : memref<8192xf32, #tpu.memory_space<vmem>> -> memref<512xf32, #tpu.memory_space<vmem>>
    %dma_wait3A_777 = tpu.memref_slice %arg15[%add3A_634] : memref<393216xf32, #tpu.memory_space<vmem_shared>> -> memref<512xf32, #tpu.memory_space<vmem_shared>>
    %dma_wait3A_778 = arith.constant 2048 : i32
    %dma_wait3A_779 = tpu.memref_slice %arg16[%dma_wait3A_778] : memref<8192xf32, #tpu.memory_space<vmem>> -> memref<512xf32, #tpu.memory_space<vmem>>
    %dma_wait3A_780 = tpu.memref_slice %arg15[%add3A_634] : memref<393216xf32, #tpu.memory_space<vmem_shared>> -> memref<512xf32, #tpu.memory_space<vmem_shared>>
    tpu.wait_dma2 semaphore(%arg20 : memref<!tpu.dma_semaphore, #tpu.memory_space<semaphore_mem>>) src(%dma_wait3A_780 : memref<512xf32, #tpu.memory_space<vmem_shared>>) dst(%dma_wait3A_779 : memref<512xf32, #tpu.memory_space<vmem>>)
    %dma_wait3A_781 = arith.constant 2560 : i32
    %dma_wait3A_782 = tpu.memref_slice %arg16[%dma_wait3A_781] : memref<8192xf32, #tpu.memory_space<vmem>> -> memref<512xf32, #tpu.memory_space<vmem>>
    %dma_wait3A_783 = tpu.memref_slice %arg15[%add3A_644] : memref<393216xf32, #tpu.memory_space<vmem_shared>> -> memref<512xf32, #tpu.memory_space<vmem_shared>>
    %dma_wait3A_784 = arith.constant 2560 : i32
    %dma_wait3A_785 = tpu.memref_slice %arg16[%dma_wait3A_784] : memref<8192xf32, #tpu.memory_space<vmem>> -> memref<512xf32, #tpu.memory_space<vmem>>
    %dma_wait3A_786 = tpu.memref_slice %arg15[%add3A_644] : memref<393216xf32, #tpu.memory_space<vmem_shared>> -> memref<512xf32, #tpu.memory_space<vmem_shared>>
    tpu.wait_dma2 semaphore(%arg20 : memref<!tpu.dma_semaphore, #tpu.memory_space<semaphore_mem>>) src(%dma_wait3A_786 : memref<512xf32, #tpu.memory_space<vmem_shared>>) dst(%dma_wait3A_785 : memref<512xf32, #tpu.memory_space<vmem>>)
    %dma_wait3A_787 = arith.constant 3072 : i32
    %dma_wait3A_788 = tpu.memref_slice %arg16[%dma_wait3A_787] : memref<8192xf32, #tpu.memory_space<vmem>> -> memref<512xf32, #tpu.memory_space<vmem>>
    %dma_wait3A_789 = tpu.memref_slice %arg15[%add3A_654] : memref<393216xf32, #tpu.memory_space<vmem_shared>> -> memref<512xf32, #tpu.memory_space<vmem_shared>>
    %dma_wait3A_790 = arith.constant 3072 : i32
    %dma_wait3A_791 = tpu.memref_slice %arg16[%dma_wait3A_790] : memref<8192xf32, #tpu.memory_space<vmem>> -> memref<512xf32, #tpu.memory_space<vmem>>
    %dma_wait3A_792 = tpu.memref_slice %arg15[%add3A_654] : memref<393216xf32, #tpu.memory_space<vmem_shared>> -> memref<512xf32, #tpu.memory_space<vmem_shared>>
    tpu.wait_dma2 semaphore(%arg20 : memref<!tpu.dma_semaphore, #tpu.memory_space<semaphore_mem>>) src(%dma_wait3A_792 : memref<512xf32, #tpu.memory_space<vmem_shared>>) dst(%dma_wait3A_791 : memref<512xf32, #tpu.memory_space<vmem>>)
    %dma_wait3A_793 = arith.constant 3584 : i32
    %dma_wait3A_794 = tpu.memref_slice %arg16[%dma_wait3A_793] : memref<8192xf32, #tpu.memory_space<vmem>> -> memref<512xf32, #tpu.memory_space<vmem>>
    %dma_wait3A_795 = tpu.memref_slice %arg15[%add3A_664] : memref<393216xf32, #tpu.memory_space<vmem_shared>> -> memref<512xf32, #tpu.memory_space<vmem_shared>>
    %dma_wait3A_796 = arith.constant 3584 : i32
    %dma_wait3A_797 = tpu.memref_slice %arg16[%dma_wait3A_796] : memref<8192xf32, #tpu.memory_space<vmem>> -> memref<512xf32, #tpu.memory_space<vmem>>
    %dma_wait3A_798 = tpu.memref_slice %arg15[%add3A_664] : memref<393216xf32, #tpu.memory_space<vmem_shared>> -> memref<512xf32, #tpu.memory_space<vmem_shared>>
    tpu.wait_dma2 semaphore(%arg20 : memref<!tpu.dma_semaphore, #tpu.memory_space<semaphore_mem>>) src(%dma_wait3A_798 : memref<512xf32, #tpu.memory_space<vmem_shared>>) dst(%dma_wait3A_797 : memref<512xf32, #tpu.memory_space<vmem>>)
    %dma_wait3A_799 = arith.constant 4096 : i32
    %dma_wait3A_800 = tpu.memref_slice %arg16[%dma_wait3A_799] : memref<8192xf32, #tpu.memory_space<vmem>> -> memref<512xf32, #tpu.memory_space<vmem>>
    %dma_wait3A_801 = tpu.memref_slice %arg15[%add3A_674] : memref<393216xf32, #tpu.memory_space<vmem_shared>> -> memref<512xf32, #tpu.memory_space<vmem_shared>>
    %dma_wait3A_802 = arith.constant 4096 : i32
    %dma_wait3A_803 = tpu.memref_slice %arg16[%dma_wait3A_802] : memref<8192xf32, #tpu.memory_space<vmem>> -> memref<512xf32, #tpu.memory_space<vmem>>
    %dma_wait3A_804 = tpu.memref_slice %arg15[%add3A_674] : memref<393216xf32, #tpu.memory_space<vmem_shared>> -> memref<512xf32, #tpu.memory_space<vmem_shared>>
    tpu.wait_dma2 semaphore(%arg20 : memref<!tpu.dma_semaphore, #tpu.memory_space<semaphore_mem>>) src(%dma_wait3A_804 : memref<512xf32, #tpu.memory_space<vmem_shared>>) dst(%dma_wait3A_803 : memref<512xf32, #tpu.memory_space<vmem>>)
    %dma_wait3A_805 = arith.constant 4608 : i32
    %dma_wait3A_806 = tpu.memref_slice %arg16[%dma_wait3A_805] : memref<8192xf32, #tpu.memory_space<vmem>> -> memref<512xf32, #tpu.memory_space<vmem>>
    %dma_wait3A_807 = tpu.memref_slice %arg15[%add3A_684] : memref<393216xf32, #tpu.memory_space<vmem_shared>> -> memref<512xf32, #tpu.memory_space<vmem_shared>>
    %dma_wait3A_808 = arith.constant 4608 : i32
    %dma_wait3A_809 = tpu.memref_slice %arg16[%dma_wait3A_808] : memref<8192xf32, #tpu.memory_space<vmem>> -> memref<512xf32, #tpu.memory_space<vmem>>
    %dma_wait3A_810 = tpu.memref_slice %arg15[%add3A_684] : memref<393216xf32, #tpu.memory_space<vmem_shared>> -> memref<512xf32, #tpu.memory_space<vmem_shared>>
    tpu.wait_dma2 semaphore(%arg20 : memref<!tpu.dma_semaphore, #tpu.memory_space<semaphore_mem>>) src(%dma_wait3A_810 : memref<512xf32, #tpu.memory_space<vmem_shared>>) dst(%dma_wait3A_809 : memref<512xf32, #tpu.memory_space<vmem>>)
    %dma_wait3A_811 = arith.constant 5120 : i32
    %dma_wait3A_812 = tpu.memref_slice %arg16[%dma_wait3A_811] : memref<8192xf32, #tpu.memory_space<vmem>> -> memref<512xf32, #tpu.memory_space<vmem>>
    %dma_wait3A_813 = tpu.memref_slice %arg15[%add3A_694] : memref<393216xf32, #tpu.memory_space<vmem_shared>> -> memref<512xf32, #tpu.memory_space<vmem_shared>>
    %dma_wait3A_814 = arith.constant 5120 : i32
    %dma_wait3A_815 = tpu.memref_slice %arg16[%dma_wait3A_814] : memref<8192xf32, #tpu.memory_space<vmem>> -> memref<512xf32, #tpu.memory_space<vmem>>
    %dma_wait3A_816 = tpu.memref_slice %arg15[%add3A_694] : memref<393216xf32, #tpu.memory_space<vmem_shared>> -> memref<512xf32, #tpu.memory_space<vmem_shared>>
    tpu.wait_dma2 semaphore(%arg20 : memref<!tpu.dma_semaphore, #tpu.memory_space<semaphore_mem>>) src(%dma_wait3A_816 : memref<512xf32, #tpu.memory_space<vmem_shared>>) dst(%dma_wait3A_815 : memref<512xf32, #tpu.memory_space<vmem>>)
    %dma_wait3A_817 = arith.constant 5632 : i32
    %dma_wait3A_818 = tpu.memref_slice %arg16[%dma_wait3A_817] : memref<8192xf32, #tpu.memory_space<vmem>> -> memref<512xf32, #tpu.memory_space<vmem>>
    %dma_wait3A_819 = tpu.memref_slice %arg15[%add3A_704] : memref<393216xf32, #tpu.memory_space<vmem_shared>> -> memref<512xf32, #tpu.memory_space<vmem_shared>>
    %dma_wait3A_820 = arith.constant 5632 : i32
    %dma_wait3A_821 = tpu.memref_slice %arg16[%dma_wait3A_820] : memref<8192xf32, #tpu.memory_space<vmem>> -> memref<512xf32, #tpu.memory_space<vmem>>
    %dma_wait3A_822 = tpu.memref_slice %arg15[%add3A_704] : memref<393216xf32, #tpu.memory_space<vmem_shared>> -> memref<512xf32, #tpu.memory_space<vmem_shared>>
    tpu.wait_dma2 semaphore(%arg20 : memref<!tpu.dma_semaphore, #tpu.memory_space<semaphore_mem>>) src(%dma_wait3A_822 : memref<512xf32, #tpu.memory_space<vmem_shared>>) dst(%dma_wait3A_821 : memref<512xf32, #tpu.memory_space<vmem>>)
    %dma_wait3A_823 = arith.constant 6144 : i32
    %dma_wait3A_824 = tpu.memref_slice %arg16[%dma_wait3A_823] : memref<8192xf32, #tpu.memory_space<vmem>> -> memref<512xf32, #tpu.memory_space<vmem>>
    %dma_wait3A_825 = tpu.memref_slice %arg15[%add3A_714] : memref<393216xf32, #tpu.memory_space<vmem_shared>> -> memref<512xf32, #tpu.memory_space<vmem_shared>>
    %dma_wait3A_826 = arith.constant 6144 : i32
    %dma_wait3A_827 = tpu.memref_slice %arg16[%dma_wait3A_826] : memref<8192xf32, #tpu.memory_space<vmem>> -> memref<512xf32, #tpu.memory_space<vmem>>
    %dma_wait3A_828 = tpu.memref_slice %arg15[%add3A_714] : memref<393216xf32, #tpu.memory_space<vmem_shared>> -> memref<512xf32, #tpu.memory_space<vmem_shared>>
    tpu.wait_dma2 semaphore(%arg20 : memref<!tpu.dma_semaphore, #tpu.memory_space<semaphore_mem>>) src(%dma_wait3A_828 : memref<512xf32, #tpu.memory_space<vmem_shared>>) dst(%dma_wait3A_827 : memref<512xf32, #tpu.memory_space<vmem>>)
    %dma_wait3A_829 = arith.constant 6656 : i32
    %dma_wait3A_830 = tpu.memref_slice %arg16[%dma_wait3A_829] : memref<8192xf32, #tpu.memory_space<vmem>> -> memref<512xf32, #tpu.memory_space<vmem>>
    %dma_wait3A_831 = tpu.memref_slice %arg15[%add3A_724] : memref<393216xf32, #tpu.memory_space<vmem_shared>> -> memref<512xf32, #tpu.memory_space<vmem_shared>>
    %dma_wait3A_832 = arith.constant 6656 : i32
    %dma_wait3A_833 = tpu.memref_slice %arg16[%dma_wait3A_832] : memref<8192xf32, #tpu.memory_space<vmem>> -> memref<512xf32, #tpu.memory_space<vmem>>
    %dma_wait3A_834 = tpu.memref_slice %arg15[%add3A_724] : memref<393216xf32, #tpu.memory_space<vmem_shared>> -> memref<512xf32, #tpu.memory_space<vmem_shared>>
    tpu.wait_dma2 semaphore(%arg20 : memref<!tpu.dma_semaphore, #tpu.memory_space<semaphore_mem>>) src(%dma_wait3A_834 : memref<512xf32, #tpu.memory_space<vmem_shared>>) dst(%dma_wait3A_833 : memref<512xf32, #tpu.memory_space<vmem>>)
    %dma_wait3A_835 = arith.constant 7168 : i32
    %dma_wait3A_836 = tpu.memref_slice %arg16[%dma_wait3A_835] : memref<8192xf32, #tpu.memory_space<vmem>> -> memref<512xf32, #tpu.memory_space<vmem>>
    %dma_wait3A_837 = tpu.memref_slice %arg15[%add3A_734] : memref<393216xf32, #tpu.memory_space<vmem_shared>> -> memref<512xf32, #tpu.memory_space<vmem_shared>>
    %dma_wait3A_838 = arith.constant 7168 : i32
    %dma_wait3A_839 = tpu.memref_slice %arg16[%dma_wait3A_838] : memref<8192xf32, #tpu.memory_space<vmem>> -> memref<512xf32, #tpu.memory_space<vmem>>
    %dma_wait3A_840 = tpu.memref_slice %arg15[%add3A_734] : memref<393216xf32, #tpu.memory_space<vmem_shared>> -> memref<512xf32, #tpu.memory_space<vmem_shared>>
    tpu.wait_dma2 semaphore(%arg20 : memref<!tpu.dma_semaphore, #tpu.memory_space<semaphore_mem>>) src(%dma_wait3A_840 : memref<512xf32, #tpu.memory_space<vmem_shared>>) dst(%dma_wait3A_839 : memref<512xf32, #tpu.memory_space<vmem>>)
    %dma_wait3A_841 = arith.constant 7680 : i32
    %dma_wait3A_842 = tpu.memref_slice %arg16[%dma_wait3A_841] : memref<8192xf32, #tpu.memory_space<vmem>> -> memref<512xf32, #tpu.memory_space<vmem>>
    %dma_wait3A_843 = tpu.memref_slice %arg15[%add3A_744] : memref<393216xf32, #tpu.memory_space<vmem_shared>> -> memref<512xf32, #tpu.memory_space<vmem_shared>>
    %dma_wait3A_844 = arith.constant 7680 : i32
    %dma_wait3A_845 = tpu.memref_slice %arg16[%dma_wait3A_844] : memref<8192xf32, #tpu.memory_space<vmem>> -> memref<512xf32, #tpu.memory_space<vmem>>
    %dma_wait3A_846 = tpu.memref_slice %arg15[%add3A_744] : memref<393216xf32, #tpu.memory_space<vmem_shared>> -> memref<512xf32, #tpu.memory_space<vmem_shared>>
    tpu.wait_dma2 semaphore(%arg20 : memref<!tpu.dma_semaphore, #tpu.memory_space<semaphore_mem>>) src(%dma_wait3A_846 : memref<512xf32, #tpu.memory_space<vmem_shared>>) dst(%dma_wait3A_845 : memref<512xf32, #tpu.memory_space<vmem>>)
    %scan3A_847 = arith.constant 0 : i32
    %scan3A_848 = arith.constant 32 : i32
    %scan3A_849 = arith.addi %scan3A_847, %scan3A_848 : i32
    %scan3A_850 = arith.constant 1 : i32
    scf.for %scan3A_861 = %scan3A_847 to %scan3A_849 step %scan3A_850  : i32 {
      %mul3A_862 = arith.constant 1 : i32
      %mul3A_863 = arith.muli %scan3A_861, %mul3A_862 : i32
      %add3A_864 = arith.constant 0 : i32
      %add3A_865 = arith.addi %add3A_864, %mul3A_863 : i32
      %mul3A_866 = arith.constant 16 : i32
      %mul3A_867 = arith.muli %add3A_865, %mul3A_866 : i32
      %add3A_868 = arith.constant 0 : i32
      %add3A_869 = arith.addi %add3A_868, %mul3A_867 : i32
      %get3A = arith.index_cast %add3A_869 : i32 to index
      %get3A_870 = tpu.vector_load %arg16[%get3A] {strides = array<i32>} : memref<8192xf32, #tpu.memory_space<vmem>>, vector<16xf32>,
      %mul3A_871 = arith.constant 16 : i32
      %mul3A_872 = arith.muli %add3A_865, %mul3A_871 : i32
      %add3A_873 = arith.constant 512 : i32
      %add3A_874 = arith.addi %add3A_873, %mul3A_872 : i32
      %get3A_875 = arith.index_cast %add3A_874 : i32 to index
      %get3A_876 = tpu.vector_load %arg16[%get3A_875] {strides = array<i32>} : memref<8192xf32, #tpu.memory_space<vmem>>, vector<16xf32>,
      %add3A_877 = arith.addf %get3A_870, %get3A_876 : vector<16xf32>
      %mul3A_878 = arith.constant 16 : i32
      %mul3A_879 = arith.muli %add3A_865, %mul3A_878 : i32
      %add3A_880 = arith.constant 1024 : i32
      %add3A_881 = arith.addi %add3A_880, %mul3A_879 : i32
      %get3A_882 = arith.index_cast %add3A_881 : i32 to index
      %get3A_883 = tpu.vector_load %arg16[%get3A_882] {strides = array<i32>} : memref<8192xf32, #tpu.memory_space<vmem>>, vector<16xf32>,
      %add3A_884 = arith.addf %add3A_877, %get3A_883 : vector<16xf32>
      %mul3A_885 = arith.constant 16 : i32
      %mul3A_886 = arith.muli %add3A_865, %mul3A_885 : i32
      %add3A_887 = arith.constant 1536 : i32
      %add3A_888 = arith.addi %add3A_887, %mul3A_886 : i32
      %get3A_889 = arith.index_cast %add3A_888 : i32 to index
      %get3A_890 = tpu.vector_load %arg16[%get3A_889] {strides = array<i32>} : memref<8192xf32, #tpu.memory_space<vmem>>, vector<16xf32>,
      %add3A_891 = arith.addf %add3A_884, %get3A_890 : vector<16xf32>
      %mul3A_892 = arith.constant 16 : i32
      %mul3A_893 = arith.muli %add3A_865, %mul3A_892 : i32
      %add3A_894 = arith.constant 2048 : i32
      %add3A_895 = arith.addi %add3A_894, %mul3A_893 : i32
      %get3A_896 = arith.index_cast %add3A_895 : i32 to index
      %get3A_897 = tpu.vector_load %arg16[%get3A_896] {strides = array<i32>} : memref<8192xf32, #tpu.memory_space<vmem>>, vector<16xf32>,
      %add3A_898 = arith.addf %add3A_891, %get3A_897 : vector<16xf32>
      %mul3A_899 = arith.constant 16 : i32
      %mul3A_900 = arith.muli %add3A_865, %mul3A_899 : i32
      %add3A_901 = arith.constant 2560 : i32
      %add3A_902 = arith.addi %add3A_901, %mul3A_900 : i32
      %get3A_903 = arith.index_cast %add3A_902 : i32 to index
      %get3A_904 = tpu.vector_load %arg16[%get3A_903] {strides = array<i32>} : memref<8192xf32, #tpu.memory_space<vmem>>, vector<16xf32>,
      %add3A_905 = arith.addf %add3A_898, %get3A_904 : vector<16xf32>
      %mul3A_906 = arith.constant 16 : i32
      %mul3A_907 = arith.muli %add3A_865, %mul3A_906 : i32
      %add3A_908 = arith.constant 3072 : i32
      %add3A_909 = arith.addi %add3A_908, %mul3A_907 : i32
      %get3A_910 = arith.index_cast %add3A_909 : i32 to index
      %get3A_911 = tpu.vector_load %arg16[%get3A_910] {strides = array<i32>} : memref<8192xf32, #tpu.memory_space<vmem>>, vector<16xf32>,
      %add3A_912 = arith.addf %add3A_905, %get3A_911 : vector<16xf32>
      %mul3A_913 = arith.constant 16 : i32
      %mul3A_914 = arith.muli %add3A_865, %mul3A_913 : i32
      %add3A_915 = arith.constant 3584 : i32
      %add3A_916 = arith.addi %add3A_915, %mul3A_914 : i32
      %get3A_917 = arith.index_cast %add3A_916 : i32 to index
      %get3A_918 = tpu.vector_load %arg16[%get3A_917] {strides = array<i32>} : memref<8192xf32, #tpu.memory_space<vmem>>, vector<16xf32>,
      %add3A_919 = arith.addf %add3A_912, %get3A_918 : vector<16xf32>
      %mul3A_920 = arith.constant 16 : i32
      %mul3A_921 = arith.muli %add3A_865, %mul3A_920 : i32
      %add3A_922 = arith.constant 4096 : i32
      %add3A_923 = arith.addi %add3A_922, %mul3A_921 : i32
      %get3A_924 = arith.index_cast %add3A_923 : i32 to index
      %get3A_925 = tpu.vector_load %arg16[%get3A_924] {strides = array<i32>} : memref<8192xf32, #tpu.memory_space<vmem>>, vector<16xf32>,
      %add3A_926 = arith.addf %add3A_919, %get3A_925 : vector<16xf32>
      %mul3A_927 = arith.constant 16 : i32
      %mul3A_928 = arith.muli %add3A_865, %mul3A_927 : i32
      %add3A_929 = arith.constant 4608 : i32
      %add3A_930 = arith.addi %add3A_929, %mul3A_928 : i32
      %get3A_931 = arith.index_cast %add3A_930 : i32 to index
      %get3A_932 = tpu.vector_load %arg16[%get3A_931] {strides = array<i32>} : memref<8192xf32, #tpu.memory_space<vmem>>, vector<16xf32>,
      %add3A_933 = arith.addf %add3A_926, %get3A_932 : vector<16xf32>
      %mul3A_934 = arith.constant 16 : i32
      %mul3A_935 = arith.muli %add3A_865, %mul3A_934 : i32
      %add3A_936 = arith.constant 5120 : i32
      %add3A_937 = arith.addi %add3A_936, %mul3A_935 : i32
      %get3A_938 = arith.index_cast %add3A_937 : i32 to index
      %get3A_939 = tpu.vector_load %arg16[%get3A_938] {strides = array<i32>} : memref<8192xf32, #tpu.memory_space<vmem>>, vector<16xf32>,
      %add3A_940 = arith.addf %add3A_933, %get3A_939 : vector<16xf32>
      %mul3A_941 = arith.constant 16 : i32
      %mul3A_942 = arith.muli %add3A_865, %mul3A_941 : i32
      %add3A_943 = arith.constant 5632 : i32
      %add3A_944 = arith.addi %add3A_943, %mul3A_942 : i32
      %get3A_945 = arith.index_cast %add3A_944 : i32 to index
      %get3A_946 = tpu.vector_load %arg16[%get3A_945] {strides = array<i32>} : memref<8192xf32, #tpu.memory_space<vmem>>, vector<16xf32>,
      %add3A_947 = arith.addf %add3A_940, %get3A_946 : vector<16xf32>
      %mul3A_948 = arith.constant 16 : i32
      %mul3A_949 = arith.muli %add3A_865, %mul3A_948 : i32
      %add3A_950 = arith.constant 6144 : i32
      %add3A_951 = arith.addi %add3A_950, %mul3A_949 : i32
      %get3A_952 = arith.index_cast %add3A_951 : i32 to index
      %get3A_953 = tpu.vector_load %arg16[%get3A_952] {strides = array<i32>} : memref<8192xf32, #tpu.memory_space<vmem>>, vector<16xf32>,
      %add3A_954 = arith.addf %add3A_947, %get3A_953 : vector<16xf32>
      %mul3A_955 = arith.constant 16 : i32
      %mul3A_956 = arith.muli %add3A_865, %mul3A_955 : i32
      %add3A_957 = arith.constant 6656 : i32
      %add3A_958 = arith.addi %add3A_957, %mul3A_956 : i32
      %get3A_959 = arith.index_cast %add3A_958 : i32 to index
      %get3A_960 = tpu.vector_load %arg16[%get3A_959] {strides = array<i32>} : memref<8192xf32, #tpu.memory_space<vmem>>, vector<16xf32>,
      %add3A_961 = arith.addf %add3A_954, %get3A_960 : vector<16xf32>
      %mul3A_962 = arith.constant 16 : i32
      %mul3A_963 = arith.muli %add3A_865, %mul3A_962 : i32
      %add3A_964 = arith.constant 7168 : i32
      %add3A_965 = arith.addi %add3A_964, %mul3A_963 : i32
      %get3A_966 = arith.index_cast %add3A_965 : i32 to index
      %get3A_967 = tpu.vector_load %arg16[%get3A_966] {strides = array<i32>} : memref<8192xf32, #tpu.memory_space<vmem>>, vector<16xf32>,
      %add3A_968 = arith.addf %add3A_961, %get3A_967 : vector<16xf32>
      %mul3A_969 = arith.constant 16 : i32
      %mul3A_970 = arith.muli %add3A_865, %mul3A_969 : i32
      %add3A_971 = arith.constant 7680 : i32
      %add3A_972 = arith.addi %add3A_971, %mul3A_970 : i32
      %get3A_973 = arith.index_cast %add3A_972 : i32 to index
      %get3A_974 = tpu.vector_load %arg16[%get3A_973] {strides = array<i32>} : memref<8192xf32, #tpu.memory_space<vmem>>, vector<16xf32>,
      %add3A_975 = arith.addf %add3A_968, %get3A_974 : vector<16xf32>
      %mul3A_976 = arith.constant 16 : i32
      %mul3A_977 = arith.muli %add3A_865, %mul3A_976 : i32
      %swap3A = arith.index_cast %mul3A_977 : i32 to index
      %swap3A_978 = tpu.vector_load %arg19[%swap3A] {strides = array<i32>} : memref<512xf32, #tpu.memory_space<vmem>>, vector<16xf32>,
      tpu.vector_store %arg19[%swap3A], %add3A_975 {strides = array<i32>} : memref<512xf32, #tpu.memory_space<vmem>>, vector<16xf32>,
    }
    %scan3A_851 = arith.constant 32 : i32
    %mul3A_852 = arith.constant 3 : i32
    %mul3A_853 = arith.muli %arg0, %mul3A_852 : i32
    %mul3A_854 = arith.constant 8192 : i32
    %mul3A_855 = arith.muli %mul3A_853, %mul3A_854 : i32
    %add3A_856 = arith.constant 16384 : i32
    %add3A_857 = arith.addi %mul3A_855, %add3A_856 : i32
    %mul3A_858 = arith.constant 512 : i32
    %mul3A_859 = arith.muli %arg1, %mul3A_858 : i32
    %add3A_860 = arith.addi %add3A_857, %mul3A_859 : i32
    "tpu.region"() ({
      %run_scoped3A = tpu.sem_alloc : memref<!tpu.dma_semaphore, #tpu.memory_space<semaphore_mem>>
      %dma_start3A_861 = tpu.memref_slice %arg7[%add3A_860] : memref<49152xf32, #tpu.memory_space<hbm>> -> memref<512xf32, #tpu.memory_space<hbm>>
      %dma_start3A_862 = tpu.memref_slice %arg7[%add3A_860] : memref<49152xf32, #tpu.memory_space<hbm>> -> memref<512xf32, #tpu.memory_space<hbm>>
      tpu.enqueue_dma source(%arg19 : memref<512xf32, #tpu.memory_space<vmem>>) target(%dma_start3A_862 : memref<512xf32, #tpu.memory_space<hbm>>) target_semaphore(%run_scoped3A : memref<!tpu.dma_semaphore, #tpu.memory_space<semaphore_mem>>)
      %dma_wait3A_863 = tpu.memref_slice %arg7[%add3A_860] : memref<49152xf32, #tpu.memory_space<hbm>> -> memref<512xf32, #tpu.memory_space<hbm>>
      %dma_wait3A_864 = tpu.memref_slice %arg7[%add3A_860] : memref<49152xf32, #tpu.memory_space<hbm>> -> memref<512xf32, #tpu.memory_space<hbm>>
      tpu.wait_dma2 semaphore(%run_scoped3A : memref<!tpu.dma_semaphore, #tpu.memory_space<semaphore_mem>>) src(%arg19 : memref<512xf32, #tpu.memory_space<vmem>>) dst(%dma_wait3A_864 : memref<512xf32, #tpu.memory_space<hbm>>)
      tpu.yield
    }) : () -> ()
    return
  }
}

module attributes {stable_mosaic.version = 14 : i64} {
  func.func @_tc_body(%arg0: i32, %arg1: memref<3x2000x128xf32, #tpu.memory_space<vmem>>, %arg2: memref<1x128xf32, #tpu.memory_space<vmem>>, %arg3: memref<25x6000xf32, #tpu.memory_space<vmem>>) attributes {dimension_semantics = [#tpu.dimension_semantics<arbitrary>], iteration_bounds = array<i64: 25>, scalar_prefetch = 0 : i64, scratch_operands = 0 : i64, tpu.core_type = #tpu.core_type<tc>, window_params = [{transform_indices = @transform_0, window_bounds = array<i64: 3, 2000, 128>}, {pipeline_mode = #tpu.pipeline_mode<synchronous>, transform_indices = @transform_1, window_bounds = array<i64: 1, 128>}, {pipeline_mode = #tpu.pipeline_mode<synchronous>, transform_indices = @transform_2, window_bounds = array<i64: 25, 6000>}]} {
    %get3A = arith.constant 0 : index
    %get3A_0 = arith.constant 0 : index
    %get3A_1 = arith.constant 0 : index
    %get3A_2 = vector.load %arg1[%get3A, %get3A_0, %get3A_1] : memref<3x2000x128xf32, #tpu.memory_space<vmem>>, vector<3x2000x128xf32>
    %reshape3A = vector.shape_cast %get3A_2 : vector<3x2000x128xf32> to vector<6000x128xf32>
    %get3A_3 = arith.constant 0 : index
    %get3A_4 = arith.constant 0 : index
    %get3A_5 = vector.load %arg2[%get3A_3, %get3A_4] : memref<1x128xf32, #tpu.memory_space<vmem>>, vector<1x128xf32>
    %dot_general3A = arith.constant dense<0.000000e+00> : vector<1x6000xf32>
    %dot_general3A_6 = tpu.matmul %get3A_5, %reshape3A, %dot_general3A {dimension_numbers = #tpu.dot_dimension_numbers<[1], [1], [0], [0], [0, 0, 1, 0], [], []>, transpose_lhs_hint = false} : vector<1x128xf32>, vector<6000x128xf32>, vector<1x6000xf32> -> vector<1x6000xf32>
    %squeeze3A = vector.shape_cast %dot_general3A_6 : vector<1x6000xf32> to vector<6000xf32>
    %swap3A = arith.index_cast %arg0 : i32 to index
    %swap3A_7 = arith.constant 0 : index
    %swap3A_8 = vector.load %arg3[%swap3A, %swap3A_7] : memref<25x6000xf32, #tpu.memory_space<vmem>>, vector<1x6000xf32>
    %swap3A_9 = vector.shape_cast %swap3A_8 : vector<1x6000xf32> to vector<6000xf32>
    %swap3A_10 = vector.shape_cast %squeeze3A : vector<6000xf32> to vector<1x6000xf32>
    tpu.vector_store %arg3[%swap3A, %swap3A_7], %swap3A_10 {strides = array<i32>} : memref<25x6000xf32, #tpu.memory_space<vmem>>, vector<1x6000xf32>,
    return
  }
  func.func @transform_0(%arg0: i32) -> (i32, i32, i32) {
    %add3A = arith.constant 25 : i32
    %add3A_0 = arith.addi %add3A, %arg0 : i32
    %c0_i32 = arith.constant 0 : i32
    %c0_i32_1 = arith.constant 0 : i32
    %c0_i32_2 = arith.constant 0 : i32
    return %c0_i32, %add3A_0, %c0_i32_1 : i32, i32, i32
  }
  func.func @transform_1(%arg0: i32) -> (i32, i32) {
    %c0_i32 = arith.constant 0 : i32
    %c0_i32_0 = arith.constant 0 : i32
    %c0_i32_1 = arith.constant 0 : i32
    return %c0_i32, %c0_i32_0 : i32, i32
  }
  func.func @transform_2(%arg0: i32) -> (i32, i32) {
    %c0_i32 = arith.constant 0 : i32
    %c0_i32_0 = arith.constant 0 : i32
    %c0_i32_1 = arith.constant 0 : i32
    return %c0_i32, %c0_i32_0 : i32, i32
  }
}

module attributes {stable_mosaic.version = 14 : i64} {
  func.func @_tc_body(%arg0: i32, %arg1: memref<3x2000x128xf32, #tpu.memory_space<vmem>>, %arg2: memref<1x128xf32, #tpu.memory_space<vmem>>, %arg3: memref<25x6000xf32, #tpu.memory_space<vmem>>) attributes {dimension_semantics = [#tpu.dimension_semantics<arbitrary>], iteration_bounds = array<i64: 25>, scalar_prefetch = 0 : i64, scratch_operands = 0 : i64, tpu.core_type = #tpu.core_type<tc>, window_params = [{transform_indices = @transform_0, window_bounds = array<i64: 3, 2000, 128>}, {pipeline_mode = #tpu.pipeline_mode<synchronous>, transform_indices = @transform_1, window_bounds = array<i64: 1, 128>}, {pipeline_mode = #tpu.pipeline_mode<synchronous>, transform_indices = @transform_2, window_bounds = array<i64: 25, 6000>}]} {
    %get3A = arith.constant 0 : index
    %get3A_0 = arith.constant 0 : index
    %get3A_1 = arith.constant 0 : index
    %get3A_2 = vector.load %arg1[%get3A, %get3A_0, %get3A_1] : memref<3x2000x128xf32, #tpu.memory_space<vmem>>, vector<3x2000x128xf32>
    %reshape3A = vector.shape_cast %get3A_2 : vector<3x2000x128xf32> to vector<6000x128xf32>
    %get3A_3 = arith.constant 0 : index
    %get3A_4 = arith.constant 0 : index
    %get3A_5 = vector.load %arg2[%get3A_3, %get3A_4] : memref<1x128xf32, #tpu.memory_space<vmem>>, vector<1x128xf32>
    %dot_general3A = arith.constant dense<0.000000e+00> : vector<1x6000xf32>
    %dot_general3A_6 = tpu.matmul %get3A_5, %reshape3A, %dot_general3A {dimension_numbers = #tpu.dot_dimension_numbers<[1], [1], [0], [0], [0, 0, 1, 0], [], []>, transpose_lhs_hint = false} : vector<1x128xf32>, vector<6000x128xf32>, vector<1x6000xf32> -> vector<1x6000xf32>
    %squeeze3A = vector.shape_cast %dot_general3A_6 : vector<1x6000xf32> to vector<6000xf32>
    %swap3A = arith.index_cast %arg0 : i32 to index
    %swap3A_7 = arith.constant 0 : index
    %swap3A_8 = vector.load %arg3[%swap3A, %swap3A_7] : memref<25x6000xf32, #tpu.memory_space<vmem>>, vector<1x6000xf32>
    %swap3A_9 = vector.shape_cast %swap3A_8 : vector<1x6000xf32> to vector<6000xf32>
    %swap3A_10 = vector.shape_cast %squeeze3A : vector<6000xf32> to vector<1x6000xf32>
    tpu.vector_store %arg3[%swap3A, %swap3A_7], %swap3A_10 {strides = array<i32>} : memref<25x6000xf32, #tpu.memory_space<vmem>>, vector<1x6000xf32>,
    return
  }
  func.func @transform_0(%arg0: i32) -> (i32, i32, i32) {
    %add3A = arith.constant 0 : i32
    %add3A_0 = arith.addi %add3A, %arg0 : i32
    %c0_i32 = arith.constant 0 : i32
    %c0_i32_1 = arith.constant 0 : i32
    %c0_i32_2 = arith.constant 0 : i32
    return %c0_i32, %add3A_0, %c0_i32_1 : i32, i32, i32
  }
  func.func @transform_1(%arg0: i32) -> (i32, i32) {
    %c0_i32 = arith.constant 0 : i32
    %c0_i32_0 = arith.constant 0 : i32
    %c0_i32_1 = arith.constant 0 : i32
    return %c0_i32, %c0_i32_0 : i32, i32
  }
  func.func @transform_2(%arg0: i32) -> (i32, i32) {
    %c0_i32 = arith.constant 0 : i32
    %c0_i32_0 = arith.constant 0 : i32
    %c0_i32_1 = arith.constant 0 : i32
    return %c0_i32, %c0_i32_0 : i32, i32
  }
}

</mosaic_0001>

<sc_bundles>
// kernel: kernel.6.cloned.1.call-start
scs
__scs_entry_jumppad:
0x0: {  	(pc) =	sbr.rel $0x88, $3  }
0x1: {  	(tag) =	ssettag $0x0;
	lr =	simm.s32 $0x1  }
0x2: {  	[smem:$0x3F9E] =	sst lr;
	_ =	strace $0xD0000000  }
0x3: {  	_ = 	snop  }
0x4: {  	_ = 	snop  }
0x5: {  	_ = 	snop  }
0x6: {  	_ = 	snop  }
0x7: {  	_ = 	snop  }
__scs_overlays_trampoline_lowered:
0x8: {  	[smem:$0x3FAD] =	sst s0  }
0x9: {  	[smem:$0x3FAE] =	sst s1  }
0xa: {  	[smem:$0x3FAF] =	sst s2  }
0xb: {  	[smem:$0x3FB0] =	sst s3  }
0xc: {  	[smem:$0x3FB1] =	sst s4  }
0xd: {  	[smem:$0x3FB2] =	sst s5  }
0xe: {  	[smem:$0x3FB3] =	sst s6  }
0xf: {  	[smem:$0x3FB4] =	sst s7  }
0x10: {  	[smem:$0x3FB5] =	sst s8  }
0x11: {  	[smem:$0x3FB6] =	sst s9;
	s0 =	simm.s32 @!p0 $0x0  }
0x12: {  	s1 =	sld [smem:$0x3F9C];
	s0 =	simm.s32 @p0 $0x1  }
0x13: {  	[smem:$0x3FB7] =	sst s0;
	s0 =	simm.s32 @!p1 $0x0  }
0x14: {  	s2 =	sld [smem:$0x3F9B];
	s0 =	simm.s32 @p1 $0x1  }
0x15: {  	[smem:$0x3FB8] =	sst s0;
	s0 =	simm.s32 @!p2 $0x0  }
0x16: {  	s3 =	sld [smem:$0x3FDB];
	s0 =	simm.s32 @p2 $0x1  }
0x17: {  	s4 =	simm.s32 $0x1BF5;
	[smem:$0x3FBA] =	sst s0  }
0x18: {  	s0 =	sld [smem:$0x3F9D];
	_ =	swait.ge [sflag:s4], $0x0  }
0x19: {  	s7 =	sld [smem:$0x3F9E]  }
0x1a: {  	s8 =	sadd.s32 $0xFFFFE003, lr  }
0x1b: {  	s9 =	sadd.s32 $0xFFFFFEF7, lr;
	s5 =	simm.s32 $0xFFFFFFFF;
	p2 =	slt.u32 s8, $0xFFFFF086  }
0x1c: {  	p1 =	slt.u32 s9, $0xF7A;
	s5 =	simm.s32 @!p2 $0x0  }
0x1d: {  	s5 =	simm.s32 @p1 $0x1;
	p0 =	seq.s32 s7, s2  }
0x1e: {  	s7 =	smul.u32 @!p0 $0xF7A, s2;
	p2 =	seq.s32 @!p0 s5, $0x0  }
0x1f: {  	s9 =	smul.u32 $0xF7A, s1;
	s8 =	simm.s32 @!p0 $0x1BF5;
	p2 =	por !p2, p0  }
0x20: {  	[sflag:s8] =	ssyncset.s32 @!p0 $0xFFFFF086;
	s6 =	sadd.s32 @!p0 s3, s7;
	s7 =	simm.s32 @!p0 $0x108  }
0x21: {  	s3 =	sadd.s32 s3, s9;
	s6 =	sadd.s32 @!p0 $0x88, s6;
	s7 =	simm.s32 @p2 $0x1082  }
0x22: {  	[simem:s7], [sflag:s8] =	dma.local @!p0 [hbm:s6], $0xF7A  }
0x23: {  	s9 =	sor.u32 $0xD0000000, s2;
	s6 =	simm.s32 $0x108;
	_ =	swait.ge @!p0 [sflag:s8], $0x0  }
0x24: {  	s3 =	sadd.s32 $0x88, s3;
	s6 =	simm.s32 @!p1 $0x1082;
	[sflag:s4] =	ssyncset.s32 $0xFFFFF086  }
0x25: {  	[simem:s6], [sflag:s4] =	dma.local [hbm:s3], $0xF7A  }
0x26: {  	[smem:$0x3F9E] =	sst s1;
	(tag) =	ssettag s2;
	_ =	strace s9  }
0x27: {  	s1 =	sld [smem:$0x3FAE]  }
0x28: {  	s2 =	sld [smem:$0x3FAF]  }
0x29: {  	s4 =	sld [smem:$0x3FB1]  }
0x2a: {  	p0 =	seq.s32 s5, $0x0;
	s5 =	sld [smem:$0x3FB2]  }
0x2b: {  	s6 =	sld [smem:$0x3FB3]  }
0x2c: {  	s7 =	sld [smem:$0x3FB4]  }
0x2d: {  	s3 =	simm.s32 $0x108;
	s8 =	sld [smem:$0x3FB5]  }
0x2e: {  	s3 =	simm.s32 @!p0 $0x1082;
	s9 =	sld [smem:$0x3FB6]  }
0x2f: {  	lr =	sadd.s32 s0, s3;
	s0 =	sld [smem:$0x3FAD]  }
0x30: {  	s3 =	sld [smem:$0x3FB0]  }
0x31: {  	[smem:$0x3FB9] =	sst s10  }
0x32: {  	s10 =	sld [smem:$0x3FB7];
	_ =	sdelay $0x3  }
0x33: {  	p0 =	seq.s32 s10, $0x1;
	s10 =	sld [smem:$0x3FB9];
	_ =	sdelay $0x3  }
0x34: {  	[smem:$0x3FB9] =	sst s10  }
0x35: {  	s10 =	sld [smem:$0x3FB8];
	_ =	sdelay $0x3  }
0x36: {  	p1 =	seq.s32 s10, $0x1;
	s10 =	sld [smem:$0x3FB9];
	_ =	sdelay $0x3  }
0x37: {  	[smem:$0x3FB9] =	sst s10  }
0x38: {  	s10 =	sld [smem:$0x3FBA]  }
0x39: {  	_ = 	snop;
	(pc) =	sbr.ind lr, $3  }
0x3a: {  	_ = 	snop  }
0x3b: {  	_ = 	snop  }
0x3c: {  	p2 =	seq.s32 s10, $0x1;
	s10 =	sld [smem:$0x3FB9]  }
0x3d: {  	_ =	shalt  }
0x3e: {  	_ =	shalt  }
0x3f: {  	_ =	shalt  }
0x40: {  	_ =	shalt  }
0x41: {  	_ =	shalt  }
0x42: {  	_ =	shalt  }
0x43: {  	_ =	shalt  }
0x44: {  	_ =	shalt  }
0x45: {  	_ =	shalt  }
0x46: {  	_ =	shalt  }
0x47: {  	_ =	shalt  }
0x48: {  	_ =	shalt  }
0x49: {  	_ =	shalt  }
0x4a: {  	_ =	shalt  }
0x4b: {  	_ =	shalt  }
0x4c: {  	_ =	shalt  }
0x4d: {  	_ =	shalt  }
0x4e: {  	_ =	shalt  }
0x4f: {  	_ =	shalt  }
0x50: {  	_ =	shalt  }
0x51: {  	_ =	shalt  }
0x52: {  	_ =	shalt  }
0x53: {  	_ =	shalt  }
0x54: {  	_ =	shalt  }
0x55: {  	_ =	shalt  }
0x56: {  	_ =	shalt  }
0x57: {  	_ =	shalt  }
0x58: {  	_ =	shalt  }
0x59: {  	_ =	shalt  }
0x5a: {  	_ =	shalt  }
0x5b: {  	_ =	shalt  }
0x5c: {  	_ =	shalt  }
0x5d: {  	_ =	shalt  }
0x5e: {  	_ =	shalt  }
0x5f: {  	_ =	shalt  }
0x60: {  	_ =	shalt  }
0x61: {  	_ =	shalt  }
0x62: {  	_ =	shalt  }
0x63: {  	_ =	shalt  }
0x64: {  	_ =	shalt  }
0x65: {  	_ =	shalt  }
0x66: {  	_ =	shalt  }
0x67: {  	_ =	shalt  }
0x68: {  	_ =	shalt  }
0x69: {  	_ =	shalt  }
0x6a: {  	_ =	shalt  }
0x6b: {  	_ =	shalt  }
0x6c: {  	_ =	shalt  }
0x6d: {  	_ =	shalt  }
0x6e: {  	_ =	shalt  }
0x6f: {  	_ =	shalt  }
0x70: {  	_ =	shalt  }
0x71: {  	_ =	shalt  }
0x72: {  	_ =	shalt  }
0x73: {  	_ =	shalt  }
0x74: {  	_ =	shalt  }
0x75: {  	_ =	shalt  }
0x76: {  	_ =	shalt  }
0x77: {  	_ =	shalt  }
0x78: {  	_ =	shalt  }
0x79: {  	_ =	shalt  }
0x7a: {  	_ =	shalt  }
0x7b: {  	_ =	shalt  }
0x7c: {  	_ =	shalt  }
0x7d: {  	_ =	shalt  }
0x7e: {  	_ =	shalt  }
0x7f: {  	_ =	shalt  }
0x80: {  	_ =	shalt  }
0x81: {  	_ =	shalt  }
0x82: {  	_ =	shalt  }
0x83: {  	_ =	shalt  }
0x84: {  	_ =	shalt  }
0x85: {  	_ =	shalt  }
0x86: {  	_ =	shalt  }
0x87: {  	_ =	shalt  }
.Lfunc_end0:
.L_simem_size_0:
called_computation_lowered:
.L_overlay_start_0:
0x88: {  	s2 =	sld [smem:$0x3FD9]  }
0x89: {  	s3 =	sld [smem:$0x3FFE];
	_ =	sdelay $0x1  }
0x8a: {  	s1 =	srdreg.scid  }
0x8b: {  	s0 =	sand.u32 $0x1, s1  }
0x8c: {  	s17 =	sshll.u32 s0, $0xA;
	s2 =	sadd.s32 s3, s2  }
0x8d: {  	s2 =	sadd.s32 s2, s17  }
0x8e: {  	[smem:$0x3FC5] =	sst s2  }
0x8f: {  	_ = 	snop  }
0x90: {  	s18 =	sld [smem:$0x3FD0];
	(tm) =	ssettm $0x1  }
0x91: {  	s19 =	sld [smem:$0x3FFB];
	_ =	sdelay $0x3  }
0x92: {  	_ =	strace s19  }
0x93: {  	s2 =	sld [smem:$0x3FFC];
	_ =	sdelay $0x3  }
0x94: {  	_ =	strace s2  }
0x95: {  	s2 =	sld [smem:$0x3FFD];
	_ =	sdelay $0x3  }
0x96: {  	_ =	strace s2  }
0x97: {  	_ =	strace $0x8FFFFFFF  }
0x98: {  	s20 =	sld [smem:$0x3FDB];
	_ =	sdelay $0x1  }
0x99: {  	s4 =	simm.s32 $_scs_section_size  }
0x9a: {  	s5 =	simm.s32 $_size__tile_overlayer_lowered;
	s6 =	simm.s32 $_tile_overlayer_lowered  }
0x9b: {  	s7 =	simm.s32 $0x1BFF;
	s21 =	sshll.u32 s6, $0x1;
	s4 =	sadd.s32 s4, s20  }
0x9c: {  	s22 =	simm.s32 $0x0;
	s5 =	sshll.u32 s5, $0x1;
	s6 =	sadd.s32 s21, s4  }
0x9d: {  	[timem:s22], [sflag:s7] =	dma.local [hbm:s6], s5  }
0x9e: {  	_ =	swait.ge [sflag:s7], s5  }
0x9f: {  	s5 =	ssub.s32 $0x0, s5;
	[sflag:s7] =	ssyncset.done $0x0  }
0xa0: {  	[sflag:s7] =	ssyncadd.s32 s5;
	_ =	sdelay $0x1  }
0xa1: {  	s23 =	simm.s32 $0x1B8B  }
0xa2: {  	_ =	swait.ge [sflag:s23], $0x1  }
0xa3: {  	[sflag:s23] =	ssyncset.done $0x0  }
0xa4: {  	[sflag:s23] =	ssyncadd.s32 $0xFFFFFFFF  }
0xa5: {  	s5 =	sld [smem:$0x0]  }
0xa6: {  	s6 =	sand.u32 $0xFFFFFFFE, s1  }
0xa7: {  	p0 =	sne.s32 s1, s6  }
0xa8: {  	s6 =	sshll.u32 @p0 s6, $0xE  }
0xa9: {  	s6 =	sadd.s32 @p0 $0x11B8D, s6;
	s7 =	sshll.u32 @p0 s5, $0x11  }
0xaa: {  	s6 =	sor.u32 @p0 s7, s6  }
0xab: {  	[sflag:s6] =	ssyncadd.remote.s32 @p0 $0x1;
	_ =	sdelay $0x1  }
0xac: {  	s6 =	simm.s32 @p0 $0x1B8D  }
0xad: {  	_ =	swait.eq @p0 [sflag:s6], $0x1  }
0xae: {  	[sflag:s6] =	ssyncadd.s32 @p0 $0xFFFFFFFF  }
0xaf: {  	s7 =	sshll.u32 @!p0 s1, $0xE  }
0xb0: {  	s7 =	sor.u32 @!p0 $0x4000, s7;
	s6 =	simm.s32 @!p0 $0x1B8D  }
0xb1: {  	s5 =	sshll.u32 @!p0 s5, $0x11;
	s7 =	sadd.s32 @!p0 $0x11B8D, s7;
	_ =	swait.eq @!p0 [sflag:s6], $0x1  }
0xb2: {  	s5 =	sor.u32 @!p0 s5, s7;
	[sflag:s6] =	ssyncadd.s32 @!p0 $0xFFFFFFFF  }
0xb3: {  	s25 =	simm.s32 $0x1B8E;
	s24 =	sld [smem:$0x3FFE];
	[sflag:s5] =	ssyncadd.remote.s32 @!p0 $0x1  }
0xb4: {  	s26 =	simm.s32 $execute0_lowered;
	[smem:$0x3FD2] =	sst s25  }
0xb5: {  	s6 =	sshll.u32 s26, $0x1;
	_ =	strace $0x80000049;
	[dreg:$0x1] =	wrdreg $0xFFFFFFFF  }
0xb6: {  	s28 =	simm.s32 $_size_execute0_lowered;
	s4 =	sadd.s32 s4, s6;
	[dreg:$0x0] =	wrdreg $0x0  }
0xb7: {  	s6 =	sshll.u32 s28, $0x1;
	[dreg:$0x2] =	wrdreg s4  }
0xb8: {  	[dreg:$0x3] =	wrdreg s6  }
0xb9: {  	[dreg:$0x4] =	wrdreg $0xC0  }
0xba: {  	_ =	task [dreg:s22], $0x5FFFF  }
0xbb: {  	[dreg:$0x1] =	wrdreg $0xFFFFFFFF  }
0xbc: {  	[dreg:$0x0] =	wrdreg $0x60  }
0xbd: {  	[dreg:$0x2] =	wrdreg s24  }
0xbe: {  	[dreg:$0x3] =	wrdreg s18  }
0xbf: {  	[dreg:$0x4] =	wrdreg $0x7A000  }
0xc0: {  	[dreg:$0x5] =	wrdreg $0x9  }
0xc1: {  	_ =	task.clear_ibuf [dreg:s22], $0x6FFFF;
	_ =	strace $0x90000049  }
0xc2: {  	s29 =	simm.s32 $0x9;
	_ =	strace $0x8000004B  }
0xc3: {  	_ =	swait.ge [sflag:s29], $0x1  }
0xc4: {  	[sflag:s29] =	ssyncadd.s32 $0xFFFFFFFF  }
0xc5: {  	_ =	strace $0x9000004B  }
0xc6: {  	_ =	sfence  }
0xc7: {  	s30 =	sld [smem:$0x0];
	_ =	sdelay $0x2  }
0xc8: {  	s31 =	sshll.u32 s1, $0xD;
	s1 =	sshrl.u32 s1, $0x2  }
0xc9: {  	s4 =	sand.u32 $0x4000, s31;
	s1 =	sadd.s32 s1, s30  }
0xca: {  	s0 =	sor.u32 s4, s0;
	s1 =	sshll.u32 s1, $0x11  }
0xcb: {  	s0 =	sor.u32 s1, s0  }
0xcc: {  	s0 =	sadd.s32 $0x8F2B, s0  }
0xcd: {  	[sflag:s0] =	ssyncadd.remote.s32 $0x1  }
0xce: {  	_ =	sfence.sel $0xFFFF  }
0xcf: {  	[dreg:$0x0] =	wrdreg $0xFFFFFFFF;
	(pc) =	sbr.abs _section_cstart, $3  }
0xd0: {  	[dreg:$0x1] =	wrdreg $0xFFFFFFFF  }
0xd1: {  	_ =	task.clear_ibuf [dreg:s22], $0x2FFFF;
	_ =	strace $0x9FFFFFFF  }
0xd2: {  	(tm) =	ssettm $0x7FFFFFFF  }
0xd3: {  	_ =	shalt  }
tec
execute0_lowered:
.L_overlay_start_1:
0x0: {  	(tag) =	ssettag $0x1  }
0x1: {  	s0 =	rddreg [dreg:$0x0]  }
0x2: {  	s1 =	srdreg.scid;
	s2 =	rddreg [dreg:$0x1]  }
0x3: {  	s9 =	stileid.u32;
	s4 =	rddreg [dreg:$0x2];
	s1 =	sand.u32 $0x1, s1  }
0x4: {  	s3 =	sshll.u32 s9, $0x1;
	s8 =	smul.u32 $0x18000, s9;
	s23 =	sshll.u32 s9, $0x9  }
0x5: {  	s5 =	sor.u32 s1, s3;
	s3 =	simm.s32 $0x0;
	s9 =	sadd.s32 s23, s4  }
0x6: {  	[smem:$0x7FF] =	sst s3;
	s30 =	sadd.s32 $0x6000, s9  }
0x7: {  	s31 =	sadd.s32 $0xC000, s9;
	_ =	strace $0x8000004A;
	[dreg:$0xb] =	wrdreg s30  }
0x8: {  	s10 =	sadd.s32 $0x1E000, s9;
	[dreg:$0xc] =	wrdreg s31  }
0x9: {  	s11 =	sadd.s32 $0x24000, s9;
	[dreg:$0xf] =	wrdreg s10  }
0xa: {  	s12 =	sadd.s32 $0x2A000, s9;
	[dreg:$0x10] =	wrdreg s11  }
0xb: {  	s13 =	sadd.s32 $0x30000, s9;
	[dreg:$0x11] =	wrdreg s12  }
0xc: {  	s6 =	ssub.s32 $0x2, s1;
	s14 =	sadd.s32 $0x36000, s9;
	[dreg:$0x12] =	wrdreg s13  }
0xd: {  	s1 =	smul.u32 $0x6000, s1;
	s18 =	sadd.s32 $0x3C000, s9;
	[dreg:$0x13] =	wrdreg s14  }
0xe: {  	s22 =	sshrl.u32 s8, $0x2;
	s8 =	sadd.s32 $0x38000, s9;
	[dreg:$0x17] =	wrdreg s18  }
0xf: {  	s7 =	sshrl.u32 s6, $0x1;
	s24 =	sadd.s32 s22, s4;
	[smem:$0x7EA] =	sst s8  }
0x10: {  	s6 =	ssub.s32 s6, s7;
	s7 =	sadd.s32 $0x18000, s9;
	[dreg:$0x8] =	wrdreg s24  }
0x11: {  	s22 =	sadd.s32 $0x4E000, s9;
	[dreg:$0xe] =	wrdreg s7  }
0x12: {  	s1 =	sor.u32 s23, s1;
	s23 =	sadd.s32 $0x54000, s9;
	[dreg:$0x1b] =	wrdreg s22  }
0x13: {  	s30 =	sadd.s32 $0xE000, s9;
	[dreg:$0x1c] =	wrdreg s23  }
0x14: {  	s31 =	sadd.s32 $0x14000, s9;
	[smem:$0x7E3] =	sst s30  }
0x15: {  	s10 =	sadd.s32 $0x3E000, s9;
	[smem:$0x7E4] =	sst s31  }
0x16: {  	s11 =	sadd.s32 $0x44000, s9;
	[smem:$0x7EB] =	sst s10  }
0x17: {  	s12 =	sadd.s32 $0x4A000, s9;
	[smem:$0x7EC] =	sst s11  }
0x18: {  	s13 =	sadd.s32 $0x50000, s9;
	[smem:$0x7ED] =	sst s12  }
0x19: {  	s14 =	sadd.s32 $0x56000, s9;
	[smem:$0x7EE] =	sst s13  }
0x1a: {  	s18 =	sadd.s32 $0x10000, s9;
	[smem:$0x7EF] =	sst s14  }
0x1b: {  	s25 =	sadd.s32 $0x2000, s24;
	[smem:$0x7F3] =	sst s18  }
0x1c: {  	s26 =	sadd.s32 $0x4000, s24;
	[dreg:$0x9] =	wrdreg s25  }
0x1d: {  	s24 =	sadd.s32 $0x5A000, s9;
	[dreg:$0xa] =	wrdreg s26  }
0x1e: {  	s7 =	sadd.s32 $0x32000, s9;
	[dreg:$0x1d] =	wrdreg s24  }
0x1f: {  	s28 =	simm.s32 $0x2;
	s22 =	sadd.s32 $0x28000, s9;
	[smem:$0x7E9] =	sst s7  }
0x20: {  	s5 =	smul.u32 $0xC4, s5;
	s23 =	sadd.s32 $0x2E000, s9;
	[smem:$0x7F7] =	sst s22  }
0x21: {  	s29 =	simm.s32 $0x0;
	s30 =	sadd.s32 $0x46000, s9;
	[smem:$0x7F8] =	sst s23  }
0x22: {  	s5 =	sadd.s32 s5, s0;
	s31 =	sadd.s32 $0x4C000, s9;
	[smem:$0x7FC] =	sst s30  }
0x23: {  	s0 =	sadd.s32 $0xFA00, s0;
	s19 =	sadd.s32 $0x9200, s5;
	[smem:$0x7FD] =	sst s31  }
0x24: {  	s15 =	sadd.s32 $0x2000, s1;
	s20 =	sadd.s32 $0xE000, s5;
	[dreg:$0x4] =	wrdreg s19  }
0x25: {  	s16 =	sadd.s32 $0x4000, s1;
	s21 =	sadd.s32 $0xC600, s5;
	[dreg:$0x5] =	wrdreg s20  }
0x26: {  	s1 =	sshrl.u32 s1, $0x3;
	s5 =	sadd.s32 $0xAC00, s5;
	[dreg:$0x6] =	wrdreg s21  }
0x27: {  	s8 =	simm.s32 $0xF200;
	s1 =	sadd.s32 s0, s1;
	[dreg:$0x7] =	wrdreg s5  }
0x28: {  	s10 =	simm.s32 $0x3A00;
	s25 =	sadd.s32 $0x2000, s9;
	[dreg:$0x14] =	wrdreg s1  }
0x29: {  	s11 =	simm.s32 $0x5A00;
	s26 =	sadd.s32 $0x8000, s9;
	[dreg:$0x1e] =	wrdreg s25  }
0x2a: {  	s4 =	sshrl.u32 s15, $0x3;
	s15 =	sadd.s32 $0x5C000, s9;
	[dreg:$0x1f] =	wrdreg s26  }
0x2b: {  	s12 =	simm.s32 $0x1;
	s24 =	sadd.s32 $0x34000, s9;
	[smem:$0x7F0] =	sst s15  }
0x2c: {  	s13 =	simm.s32 $0xDC00;
	s5 =	sadd.s32 $0x12000, s9;
	[smem:$0x7F9] =	sst s24  }
0x2d: {  	s14 =	simm.s32 $0xDE00;
	s17 =	sadd.s32 s0, s4;
	[dreg:$0xd] =	wrdreg s5  }
0x2e: {  	s18 =	simm.s32 $0xE600;
	s19 =	smax.u32 s6, $0x1;
	[dreg:$0x15] =	wrdreg s17  }
0x2f: {  	s7 =	simm.s32 $0x1A00;
	s20 =	sadd.s32 $0x42000, s9;
	[dreg:$0x18] =	wrdreg s19  }
0x30: {  	s22 =	simm.s32 $0xEE00;
	s21 =	sadd.s32 $0x48000, s9;
	[dreg:$0x19] =	wrdreg s20  }
0x31: {  	s23 =	simm.s32 $0xF000;
	s1 =	sadd.s32 $0x1A000, s9;
	[dreg:$0x1a] =	wrdreg s21  }
0x32: {  	s4 =	sadd.s32 $0x20000, s9;
	s6 =	sadd.s32 $0x2C000, s9;
	[smem:$0x7E5] =	sst s1  }
0x33: {  	s25 =	sadd.s32 $0x3A000, s9;
	s26 =	sadd.s32 $0x40000, s9;
	[smem:$0x7E6] =	sst s4  }
0x34: {  	s15 =	simm.s32 $0xE000;
	s24 =	simm.s32 $0xF400;
	[smem:$0x7E8] =	sst s6  }
0x35: {  	s5 =	sshrl.u32 s16, $0x3;
	s16 =	sadd.s32 $0x4000, s9;
	[smem:$0x7FA] =	sst s25  }
0x36: {  	s17 =	sadd.s32 $0xA000, s9;
	s19 =	sadd.s32 $0x16000, s9;
	[smem:$0x7FB] =	sst s26  }
0x37: {  	s20 =	sadd.s32 $0x1C000, s9;
	s21 =	sadd.s32 $0x22000, s9;
	[smem:$0x7F1] =	sst s16  }
0x38: {  	s4 =	sadd.s32 $0x52000, s9;
	s6 =	sadd.s32 $0x5E000, s9;
	[smem:$0x7F2] =	sst s17  }
0x39: {  	s25 =	simm.s32 $0xF600;
	s26 =	simm.s32 $0xF800;
	[smem:$0x7F4] =	sst s19  }
0x3a: {  	s0 =	sadd.s32 s0, s5;
	s5 =	sadd.s32 $0x26000, s9;
	[smem:$0x7F5] =	sst s20  }
0x3b: {  	[smem:$0x7F6] =	sst s21;
	s16 =	simm.s32 $0xE200;
	s17 =	simm.s32 $0xE400  }
0x3c: {  	s19 =	simm.s32 $0xE800;
	s20 =	simm.s32 $0xEA00;
	[dreg:$0x16] =	wrdreg s0  }
0x3d: {  	s21 =	simm.s32 $0xEC00;
	[smem:$0x7E7] =	sst s5;
	s5 =	sadd.s32 $0x58000, s9  }
.LBB2_1:
0x3e: {  	s0 =	rddreg [dreg:$0x4]  }
0x3f: {  	[tilespmem:s3], [sflag:$0x1] =	stream.linear.gather [hbm4b:s0+s3], $0x620, $0x38;
	[tilespmem:$0x10000] =	vst v63  }
0x40: {  	s31 =	rddreg [dreg:$0x5];
	s1 =	simm.s32 $0x680  }
0x41: {  	[tilespmem:s1], [sflag:$0x1] =	stream.linear.gather [hbm4b:s31+s3], $0x620, $0x38;
	[tilespmem:$0x10000] =	vst v63  }
0x42: {  	s30 =	rddreg [dreg:$0x6];
	s31 =	simm.s32 $0xD00  }
0x43: {  	[tilespmem:s31], [sflag:$0x1] =	stream.linear.gather [hbm4b:s30+s3], $0x620, $0x38;
	[tilespmem:$0x10000] =	vst v63  }
0x44: {  	s30 =	rddreg [dreg:$0x7];
	s31 =	simm.s32 $0x1380  }
0x45: {  	[tilespmem:s31], [sflag:$0x1] =	stream.linear.gather [hbm4b:s30+s3], $0x620, $0x38;
	[tilespmem:$0x10000] =	vst v63  }
0x46: {  	_ = 	snop  }
0x47: {  	[tilespmem:s7], [sflag:$0x1] =	stream.linear.gather [hbm4b:s2+s3], $0x2000, $0x38;
	[tilespmem:$0x10000] =	vst v63  }
0x48: {  	_ = 	snop  }
0x49: {  	[tilespmem:s10], [sflag:$0x1] =	stream.linear.gather [hbm4b:s2+s3], $0x2000, $0x38;
	[tilespmem:$0x10000] =	vst v63  }
0x4a: {  	_ = 	snop  }
0x4b: {  	[tilespmem:s11], [sflag:$0x1] =	stream.linear.gather [hbm4b:s2+s3], $0x2000, $0x38;
	[tilespmem:$0x10000] =	vst v63  }
0x4c: {  	_ =	swait.ge [sflag:s12], $0x620  }
0x4d: {  	[sflag:s12] =	ssyncset.done $0x0  }
0x4e: {  	[sflag:s12] =	ssyncadd.s32 $0xFFFFF9E0  }
0x4f: {  	_ =	swait.ge [sflag:s12], $0x620  }
0x50: {  	[sflag:s12] =	ssyncset.done $0x0  }
0x51: {  	[sflag:s12] =	ssyncadd.s32 $0xFFFFF9E0  }
0x52: {  	_ =	swait.ge [sflag:s12], $0x620  }
0x53: {  	[sflag:s12] =	ssyncset.done $0x0  }
0x54: {  	[sflag:s12] =	ssyncadd.s32 $0xFFFFF9E0  }
0x55: {  	_ =	swait.ge [sflag:s12], $0x620  }
0x56: {  	[sflag:s12] =	ssyncset.done $0x0  }
0x57: {  	[sflag:s12] =	ssyncadd.s32 $0xFFFFF9E0  }
0x58: {  	_ =	swait.ge [sflag:s12], $0x2000  }
0x59: {  	[sflag:s12] =	ssyncset.done $0x0  }
0x5a: {  	[sflag:s12] =	ssyncadd.s32 $0xFFFFE000  }
0x5b: {  	_ =	swait.ge [sflag:s12], $0x2000  }
0x5c: {  	[sflag:s12] =	ssyncset.done $0x0  }
0x5d: {  	[sflag:s12] =	ssyncadd.s32 $0xFFFFE000  }
0x5e: {  	_ =	swait.ge [sflag:s12], $0x2000  }
0x5f: {  	[sflag:s12] =	ssyncset.done $0x0  }
0x60: {  	s30 =	simm.s32 $0x0;
	[sflag:s12] =	ssyncadd.s32 $0xFFFFE000  }
0x61: {  	v0 =	vld [tilespmem:s30+$0x0];
	_ =	sdelay $0x2  }
0x62: {  	v1 =	vld [tilespmem:s30+$0x680];
	_ =	sdelay $0x4  }
0x63: {  	[tilespmem:v0+s7+$0x0] =	vst.idx.add.f32.msk $0xffff, v1  }
0x64: {  	v1 =	vld [tilespmem:s30+$0xD00];
	_ =	sdelay $0x4  }
0x65: {  	[tilespmem:v0+s10+$0x0] =	vst.idx.add.f32.msk $0xffff, v1  }
0x66: {  	s0 =	simm.s32 $0x40;
	s1 =	simm.s32 $0x80;
	v1 =	vld [tilespmem:s30+$0x1380]  }
.LBB2_2:
0x67: {  	_ =	sdelay $0x2  }
0x68: {  	p0 =	sne.s32 s1, $0x1840  }
0x69: {  	s30 =	sshra.s32 s0, $0x2;
	s0 =	smov.u32 s1;
	s1 =	sadd.s32 $0x40, s1;
	[tilespmem:v0+s11+$0x0] =	vst.idx.add.f32.msk $0xffff, v1  }
0x6a: {  	v0 =	vld [tilespmem:s30+$0x0];
	_ =	sdelay $0x2  }
0x6b: {  	v1 =	vld [tilespmem:s30+$0x680];
	_ =	sdelay $0x4  }
0x6c: {  	[tilespmem:v0+s7+$0x0] =	vst.idx.add.f32.msk $0xffff, v1  }
0x6d: {  	v1 =	vld [tilespmem:s30+$0xD00];
	_ =	sdelay $0x1  }
.Ltmp0:
0x6e: {  	(pc) =	sbr.rel @p0 .LBB2_2-.Ltmp0, $3  }
0x6f: {  	_ =	sdelay $0x1  }
0x70: {  	[tilespmem:v0+s10+$0x0] =	vst.idx.add.f32.msk $0xffff, v1  }
0x71: {  	v1 =	vld [tilespmem:s30+$0x1380]  }
0x72: {  	_ =	sdelay $0x3  }
0x73: {  	s0 =	sshra.s32 s0, $0x2;
	[tilespmem:v0+s11+$0x0] =	vst.idx.add.f32.msk $0xffff, v1  }
0x74: {  	v0 =	vld [tilespmem:s0+$0x0];
	_ =	sdelay $0x2  }
0x75: {  	v1 =	vld [tilespmem:s0+$0x680];
	_ =	sdelay $0x4  }
0x76: {  	[tilespmem:v0+s7+$0x0] =	vst.idx.add.f32.msk $0xffff, v1  }
0x77: {  	v1 =	vld [tilespmem:s0+$0xD00];
	_ =	sdelay $0x4  }
0x78: {  	[tilespmem:v0+s10+$0x0] =	vst.idx.add.f32.msk $0xffff, v1  }
0x79: {  	v1 =	vld [tilespmem:s0+$0x1380];
	_ =	sdelay $0x4  }
0x7a: {  	s1 =	rddreg [dreg:$0x8];
	[tilespmem:v0+s11+$0x0] =	vst.idx.add.f32.msk $0xffff, v1  }
0x7b: {  	[spmem:s1] =	stream.linear.scatter [tilespmem:s7], [sflag:$0x1], $0x2000, $0x38;
	[tilespmem:$0x10000] =	vst v63  }
0x7c: {  	s1 =	rddreg [dreg:$0x9]  }
0x7d: {  	[spmem:s1] =	stream.linear.scatter [tilespmem:s10], [sflag:$0x1], $0x2000, $0x38;
	[tilespmem:$0x10000] =	vst v63  }
0x7e: {  	s1 =	rddreg [dreg:$0xa]  }
0x7f: {  	[spmem:s1] =	stream.linear.scatter [tilespmem:s11], [sflag:$0x1], $0x2000, $0x38;
	[tilespmem:$0x10000] =	vst v63  }
0x80: {  	_ =	swait.ge [sflag:s12], $0x2000  }
0x81: {  	[sflag:s12] =	ssyncset.done $0x0  }
0x82: {  	[sflag:s12] =	ssyncadd.s32 $0xFFFFE000  }
0x83: {  	_ =	swait.ge [sflag:s12], $0x2000  }
0x84: {  	[sflag:s12] =	ssyncset.done $0x0  }
0x85: {  	[sflag:s12] =	ssyncadd.s32 $0xFFFFE000  }
0x86: {  	_ =	swait.ge [sflag:s12], $0x2000  }
0x87: {  	[sflag:s12] =	ssyncset.done $0x0  }
0x88: {  	[sflag:s12] =	ssyncadd.s32 $0xFFFFE000  }
0x89: {  	s0 =	simm.s32 $0xDA00;
	[bflag:$0x0] =	sbarrier.arrive $0xFFFF  }
0x8a: {  	[tilespmem:s0], [sflag:$0x1] =	stream.linear.gather [spmem:s9], $0x200, $0x38;
	[tilespmem:$0x10000] =	vst v63  }
0x8b: {  	s1 =	rddreg [dreg:$0xb]  }
0x8c: {  	[tilespmem:s13], [sflag:$0x1] =	stream.linear.gather [spmem:s1], $0x200, $0x38;
	[tilespmem:$0x10000] =	vst v63  }
0x8d: {  	s1 =	rddreg [dreg:$0xc]  }
0x8e: {  	[tilespmem:s14], [sflag:$0x1] =	stream.linear.gather [spmem:s1], $0x200, $0x38;
	[tilespmem:$0x10000] =	vst v63  }
0x8f: {  	s1 =	rddreg [dreg:$0xd]  }
0x90: {  	[tilespmem:s15], [sflag:$0x1] =	stream.linear.gather [spmem:s1], $0x200, $0x38;
	[tilespmem:$0x10000] =	vst v63  }
0x91: {  	s1 =	rddreg [dreg:$0xe]  }
0x92: {  	[tilespmem:s16], [sflag:$0x1] =	stream.linear.gather [spmem:s1], $0x200, $0x38;
	[tilespmem:$0x10000] =	vst v63  }
0x93: {  	s1 =	rddreg [dreg:$0xf]  }
0x94: {  	[tilespmem:s17], [sflag:$0x1] =	stream.linear.gather [spmem:s1], $0x200, $0x38;
	[tilespmem:$0x10000] =	vst v63  }
0x95: {  	s1 =	rddreg [dreg:$0x10]  }
0x96: {  	[tilespmem:s18], [sflag:$0x1] =	stream.linear.gather [spmem:s1], $0x200, $0x38;
	[tilespmem:$0x10000] =	vst v63  }
0x97: {  	s1 =	rddreg [dreg:$0x11]  }
0x98: {  	[tilespmem:s19], [sflag:$0x1] =	stream.linear.gather [spmem:s1], $0x200, $0x38;
	[tilespmem:$0x10000] =	vst v63  }
0x99: {  	s1 =	rddreg [dreg:$0x12]  }
0x9a: {  	[tilespmem:s20], [sflag:$0x1] =	stream.linear.gather [spmem:s1], $0x200, $0x38;
	[tilespmem:$0x10000] =	vst v63  }
0x9b: {  	s1 =	rddreg [dreg:$0x13]  }
0x9c: {  	[tilespmem:s21], [sflag:$0x1] =	stream.linear.gather [spmem:s1], $0x200, $0x38;
	[tilespmem:$0x10000] =	vst v63  }
0x9d: {  	s1 =	rddreg [dreg:$0x17]  }
0x9e: {  	[tilespmem:s22], [sflag:$0x1] =	stream.linear.gather [spmem:s1], $0x200, $0x38;
	[tilespmem:$0x10000] =	vst v63  }
0x9f: {  	s1 =	rddreg [dreg:$0x19]  }
0xa0: {  	[tilespmem:s23], [sflag:$0x1] =	stream.linear.gather [spmem:s1], $0x200, $0x38;
	[tilespmem:$0x10000] =	vst v63  }
0xa1: {  	s1 =	rddreg [dreg:$0x1a]  }
0xa2: {  	[tilespmem:s8], [sflag:$0x1] =	stream.linear.gather [spmem:s1], $0x200, $0x38;
	[tilespmem:$0x10000] =	vst v63  }
0xa3: {  	s1 =	rddreg [dreg:$0x1b]  }
0xa4: {  	[tilespmem:s24], [sflag:$0x1] =	stream.linear.gather [spmem:s1], $0x200, $0x38;
	[tilespmem:$0x10000] =	vst v63  }
0xa5: {  	s1 =	rddreg [dreg:$0x1c]  }
0xa6: {  	[tilespmem:s25], [sflag:$0x1] =	stream.linear.gather [spmem:s1], $0x200, $0x38;
	[tilespmem:$0x10000] =	vst v63  }
0xa7: {  	s1 =	rddreg [dreg:$0x1d]  }
0xa8: {  	[tilespmem:s26], [sflag:$0x1] =	stream.linear.gather [spmem:s1], $0x200, $0x38;
	[tilespmem:$0x10000] =	vst v63  }
0xa9: {  	_ =	swait.ge [sflag:s12], $0x200  }
0xaa: {  	[sflag:s12] =	ssyncset.done $0x0  }
0xab: {  	[sflag:s12] =	ssyncadd.s32 $0xFFFFFE00  }
0xac: {  	_ =	swait.ge [sflag:s12], $0x200  }
0xad: {  	[sflag:s12] =	ssyncset.done $0x0  }
0xae: {  	[sflag:s12] =	ssyncadd.s32 $0xFFFFFE00  }
0xaf: {  	_ =	swait.ge [sflag:s12], $0x200  }
0xb0: {  	[sflag:s12] =	ssyncset.done $0x0  }
0xb1: {  	[sflag:s12] =	ssyncadd.s32 $0xFFFFFE00  }
0xb2: {  	_ =	swait.ge [sflag:s12], $0x200  }
0xb3: {  	[sflag:s12] =	ssyncset.done $0x0  }
0xb4: {  	[sflag:s12] =	ssyncadd.s32 $0xFFFFFE00  }
0xb5: {  	_ =	swait.ge [sflag:s12], $0x200  }
0xb6: {  	[sflag:s12] =	ssyncset.done $0x0  }
0xb7: {  	[sflag:s12] =	ssyncadd.s32 $0xFFFFFE00  }
0xb8: {  	_ =	swait.ge [sflag:s12], $0x200  }
0xb9: {  	[sflag:s12] =	ssyncset.done $0x0  }
0xba: {  	[sflag:s12] =	ssyncadd.s32 $0xFFFFFE00  }
0xbb: {  	_ =	swait.ge [sflag:s12], $0x200  }
0xbc: {  	[sflag:s12] =	ssyncset.done $0x0  }
0xbd: {  	[sflag:s12] =	ssyncadd.s32 $0xFFFFFE00  }
0xbe: {  	_ =	swait.ge [sflag:s12], $0x200  }
0xbf: {  	[sflag:s12] =	ssyncset.done $0x0  }
0xc0: {  	[sflag:s12] =	ssyncadd.s32 $0xFFFFFE00  }
0xc1: {  	_ =	swait.ge [sflag:s12], $0x200  }
0xc2: {  	[sflag:s12] =	ssyncset.done $0x0  }
0xc3: {  	[sflag:s12] =	ssyncadd.s32 $0xFFFFFE00  }
0xc4: {  	_ =	swait.ge [sflag:s12], $0x200  }
0xc5: {  	[sflag:s12] =	ssyncset.done $0x0  }
0xc6: {  	[sflag:s12] =	ssyncadd.s32 $0xFFFFFE00  }
0xc7: {  	_ =	swait.ge [sflag:s12], $0x200  }
0xc8: {  	[sflag:s12] =	ssyncset.done $0x0  }
0xc9: {  	[sflag:s12] =	ssyncadd.s32 $0xFFFFFE00  }
0xca: {  	_ =	swait.ge [sflag:s12], $0x200  }
0xcb: {  	[sflag:s12] =	ssyncset.done $0x0  }
0xcc: {  	[sflag:s12] =	ssyncadd.s32 $0xFFFFFE00  }
0xcd: {  	_ =	swait.ge [sflag:s12], $0x200  }
0xce: {  	[sflag:s12] =	ssyncset.done $0x0  }
0xcf: {  	[sflag:s12] =	ssyncadd.s32 $0xFFFFFE00  }
0xd0: {  	_ =	swait.ge [sflag:s12], $0x200  }
0xd1: {  	[sflag:s12] =	ssyncset.done $0x0  }
0xd2: {  	[sflag:s12] =	ssyncadd.s32 $0xFFFFFE00  }
0xd3: {  	_ =	swait.ge [sflag:s12], $0x200  }
0xd4: {  	[sflag:s12] =	ssyncset.done $0x0  }
0xd5: {  	[sflag:s12] =	ssyncadd.s32 $0xFFFFFE00  }
0xd6: {  	_ =	swait.ge [sflag:s12], $0x200  }
0xd7: {  	s1 =	simm.s32 $0x0;
	[sflag:s12] =	ssyncset.done $0x0  }
0xd8: {  	s1 =	sand.u32 $0x1F0, s1;
	[sflag:s12] =	ssyncadd.s32 $0xFFFFFE00  }
0xd9: {  	v0 =	vld [tilespmem:s1+$0xDC00]  }
0xda: {  	v1 =	vld [tilespmem:s0+$0x0];
	_ =	sdelay $0x1  }
0xdb: {  	v2 =	vld [tilespmem:s1+$0xDE00];
	_ =	sdelay $0x1  }
0xdc: {  	v3 =	vld [tilespmem:s1+$0xE000]  }
0xdd: {  	v0 =	vadd.f32 v0, v1  }
0xde: {  	v1 =	vld [tilespmem:s1+$0xE200]  }
0xdf: {  	v0 =	vadd.f32 v2, v0  }
0xe0: {  	v2 =	vld [tilespmem:s1+$0xE400]  }
0xe1: {  	v0 =	vadd.f32 v3, v0  }
0xe2: {  	v3 =	vld [tilespmem:s1+$0xE600]  }
0xe3: {  	v0 =	vadd.f32 v1, v0  }
0xe4: {  	v1 =	vld [tilespmem:s1+$0xE800]  }
0xe5: {  	v0 =	vadd.f32 v2, v0  }
0xe6: {  	v2 =	vld [tilespmem:s1+$0xEA00]  }
0xe7: {  	v0 =	vadd.f32 v3, v0  }
0xe8: {  	v3 =	vld [tilespmem:s1+$0xEC00]  }
0xe9: {  	v0 =	vadd.f32 v1, v0  }
0xea: {  	v1 =	vld [tilespmem:s1+$0xEE00]  }
0xeb: {  	v0 =	vadd.f32 v2, v0  }
0xec: {  	v2 =	vld [tilespmem:s1+$0xF000]  }
0xed: {  	v0 =	vadd.f32 v3, v0  }
0xee: {  	v3 =	vld [tilespmem:s1+$0xF200]  }
0xef: {  	v0 =	vadd.f32 v1, v0  }
0xf0: {  	v1 =	vld [tilespmem:s1+$0xF400]  }
0xf1: {  	v0 =	vadd.f32 v2, v0  }
0xf2: {  	v2 =	vld [tilespmem:s1+$0xF600]  }
0xf3: {  	v0 =	vadd.f32 v3, v0  }
0xf4: {  	v3 =	vld [tilespmem:s1+$0xF800]  }
0xf5: {  	v0 =	vadd.f32 v1, v0;
	_ =	sdelay $0x1  }
0xf6: {  	v0 =	vadd.f32 v2, v0;
	_ =	sdelay $0x1  }
0xf7: {  	v0 =	vadd.f32 v3, v0  }
0xf8: {  	s30 =	simm.s32 $0xFA00;
	s1 =	simm.s32 $0x10  }
0xf9: {  	s31 =	sand.u32 $0x1F0, s1;
	[tilespmem:s30+$0x0] =	vst v0  }
0xfa: {  	s0 =	simm.s32 $0x20;
	s1 =	simm.s32 $0xDA10;
	v0 =	vld [tilespmem:s31+$0xDC00]  }
.LBB2_4:
0xfb: {  	p0 =	sne.s32 s0, $0x1F0;
	v1 =	vld [tilespmem:s1+$0x0];
	_ =	sdelay $0x1  }
0xfc: {  	v2 =	vld [tilespmem:s31+$0xDE00];
	_ =	sdelay $0x1  }
0xfd: {  	v3 =	vld [tilespmem:s31+$0xE000]  }
0xfe: {  	v0 =	vadd.f32 v0, v1  }
0xff: {  	v1 =	vld [tilespmem:s31+$0xE200]  }
0x100: {  	v0 =	vadd.f32 v2, v0  }
0x101: {  	v2 =	vld [tilespmem:s31+$0xE400]  }
0x102: {  	v0 =	vadd.f32 v3, v0  }
0x103: {  	v3 =	vld [tilespmem:s31+$0xE600]  }
0x104: {  	v0 =	vadd.f32 v1, v0  }
0x105: {  	v1 =	vld [tilespmem:s31+$0xE800]  }
0x106: {  	v0 =	vadd.f32 v2, v0  }
0x107: {  	v2 =	vld [tilespmem:s31+$0xEA00]  }
0x108: {  	v0 =	vadd.f32 v3, v0  }
0x109: {  	v3 =	vld [tilespmem:s31+$0xEC00]  }
0x10a: {  	v0 =	vadd.f32 v1, v0  }
0x10b: {  	v1 =	vld [tilespmem:s31+$0xEE00]  }
0x10c: {  	v0 =	vadd.f32 v2, v0  }
0x10d: {  	v2 =	vld [tilespmem:s31+$0xF000]  }
0x10e: {  	v0 =	vadd.f32 v3, v0  }
0x10f: {  	v3 =	vld [tilespmem:s31+$0xF200]  }
0x110: {  	v0 =	vadd.f32 v1, v0  }
0x111: {  	v1 =	vld [tilespmem:s31+$0xF400]  }
0x112: {  	v0 =	vadd.f32 v2, v0  }
0x113: {  	v2 =	vld [tilespmem:s31+$0xF600]  }
0x114: {  	v0 =	vadd.f32 v3, v0  }
0x115: {  	v3 =	vld [tilespmem:s31+$0xF800]  }
0x116: {  	v0 =	vadd.f32 v1, v0;
	_ =	sdelay $0x1  }
0x117: {  	v0 =	vadd.f32 v2, v0  }
.Ltmp1:
0x118: {  	(pc) =	sbr.rel @p0 .LBB2_4-.Ltmp1, $4  }
0x119: {  	v0 =	vadd.f32 v3, v0  }
0x11a: {  	s30 =	sadd.s32 $0x10, s30  }
0x11b: {  	s31 =	sand.u32 $0x1F0, s0;
	[tilespmem:s30+$0x0] =	vst v0  }
0x11c: {  	s1 =	sadd.s32 $0x10, s1;
	s0 =	sadd.s32 $0x10, s0;
	v0 =	vld [tilespmem:s31+$0xDC00]  }
0x11d: {  	v1 =	vld [tilespmem:s1+$0x0];
	_ =	sdelay $0x1  }
0x11e: {  	v2 =	vld [tilespmem:s31+$0xDE00];
	_ =	sdelay $0x1  }
0x11f: {  	v3 =	vld [tilespmem:s31+$0xE000]  }
0x120: {  	v0 =	vadd.f32 v0, v1  }
0x121: {  	v1 =	vld [tilespmem:s31+$0xE200]  }
0x122: {  	v0 =	vadd.f32 v2, v0  }
0x123: {  	v2 =	vld [tilespmem:s31+$0xE400]  }
0x124: {  	v0 =	vadd.f32 v3, v0  }
0x125: {  	v3 =	vld [tilespmem:s31+$0xE600]  }
0x126: {  	v0 =	vadd.f32 v1, v0  }
0x127: {  	v1 =	vld [tilespmem:s31+$0xE800]  }
0x128: {  	v0 =	vadd.f32 v2, v0  }
0x129: {  	v2 =	vld [tilespmem:s31+$0xEA00]  }
0x12a: {  	v0 =	vadd.f32 v3, v0  }
0x12b: {  	v3 =	vld [tilespmem:s31+$0xEC00]  }
0x12c: {  	v0 =	vadd.f32 v1, v0  }
0x12d: {  	v1 =	vld [tilespmem:s31+$0xEE00]  }
0x12e: {  	v0 =	vadd.f32 v2, v0  }
0x12f: {  	v2 =	vld [tilespmem:s31+$0xF000]  }
0x130: {  	v0 =	vadd.f32 v3, v0  }
0x131: {  	v3 =	vld [tilespmem:s31+$0xF200]  }
0x132: {  	v0 =	vadd.f32 v1, v0  }
0x133: {  	v1 =	vld [tilespmem:s31+$0xF400]  }
0x134: {  	v0 =	vadd.f32 v2, v0  }
0x135: {  	v2 =	vld [tilespmem:s31+$0xF600]  }
0x136: {  	v0 =	vadd.f32 v3, v0  }
0x137: {  	v3 =	vld [tilespmem:s31+$0xF800]  }
0x138: {  	v0 =	vadd.f32 v1, v0;
	_ =	sdelay $0x1  }
0x139: {  	v0 =	vadd.f32 v2, v0;
	_ =	sdelay $0x1  }
0x13a: {  	v0 =	vadd.f32 v3, v0  }
0x13b: {  	s0 =	sadd.s32 $0x10, s30  }
0x13c: {  	s1 =	rddreg [dreg:$0x14];
	s30 =	simm.s32 $0xFA00;
	[tilespmem:s0+$0x0] =	vst v0;
	s0 =	simm.s32 $0x0  }
0x13d: {  	[hbm4b:s1+s0] =	stream.linear.scatter [tilespmem:s30], [sflag:$0x2], $0x200, $0x38;
	[tilespmem:$0x10000] =	vst v63  }
0x13e: {  	_ =	swait.ge [sflag:s28], $0x200  }
0x13f: {  	[sflag:s28] =	ssyncset.done $0x0  }
0x140: {  	s1 =	simm.s32 $0xDA00;
	s30 =	rddreg [dreg:$0x1e];
	[sflag:s28] =	ssyncadd.s32 $0xFFFFFE00  }
0x141: {  	[tilespmem:s1], [sflag:$0x1] =	stream.linear.gather [spmem:s30], $0x200, $0x38;
	[tilespmem:$0x10000] =	vst v63  }
0x142: {  	s30 =	rddreg [dreg:$0x1f]  }
0x143: {  	[tilespmem:s13], [sflag:$0x1] =	stream.linear.gather [spmem:s30], $0x200, $0x38;
	[tilespmem:$0x10000] =	vst v63  }
0x144: {  	s30 =	sld [smem:$0x7E3];
	_ =	sdelay $0x2  }
0x145: {  	[tilespmem:s14], [sflag:$0x1] =	stream.linear.gather [spmem:s30], $0x200, $0x38;
	[tilespmem:$0x10000] =	vst v63  }
0x146: {  	s30 =	sld [smem:$0x7E4];
	_ =	sdelay $0x2  }
0x147: {  	[tilespmem:s15], [sflag:$0x1] =	stream.linear.gather [spmem:s30], $0x200, $0x38;
	[tilespmem:$0x10000] =	vst v63  }
0x148: {  	s30 =	sld [smem:$0x7E5];
	_ =	sdelay $0x2  }
0x149: {  	[tilespmem:s16], [sflag:$0x1] =	stream.linear.gather [spmem:s30], $0x200, $0x38;
	[tilespmem:$0x10000] =	vst v63  }
0x14a: {  	s30 =	sld [smem:$0x7E6];
	_ =	sdelay $0x2  }
0x14b: {  	[tilespmem:s17], [sflag:$0x1] =	stream.linear.gather [spmem:s30], $0x200, $0x38;
	[tilespmem:$0x10000] =	vst v63  }
0x14c: {  	s30 =	sld [smem:$0x7E7];
	_ =	sdelay $0x2  }
0x14d: {  	[tilespmem:s18], [sflag:$0x1] =	stream.linear.gather [spmem:s30], $0x200, $0x38;
	[tilespmem:$0x10000] =	vst v63  }
0x14e: {  	s30 =	sld [smem:$0x7E8];
	_ =	sdelay $0x2  }
0x14f: {  	[tilespmem:s19], [sflag:$0x1] =	stream.linear.gather [spmem:s30], $0x200, $0x38;
	[tilespmem:$0x10000] =	vst v63  }
0x150: {  	s30 =	sld [smem:$0x7E9];
	_ =	sdelay $0x2  }
0x151: {  	[tilespmem:s20], [sflag:$0x1] =	stream.linear.gather [spmem:s30], $0x200, $0x38;
	[tilespmem:$0x10000] =	vst v63  }
0x152: {  	s30 =	sld [smem:$0x7EA];
	_ =	sdelay $0x2  }
0x153: {  	[tilespmem:s21], [sflag:$0x1] =	stream.linear.gather [spmem:s30], $0x200, $0x38;
	[tilespmem:$0x10000] =	vst v63  }
0x154: {  	s30 =	sld [smem:$0x7EB];
	_ =	sdelay $0x2  }
0x155: {  	[tilespmem:s22], [sflag:$0x1] =	stream.linear.gather [spmem:s30], $0x200, $0x38;
	[tilespmem:$0x10000] =	vst v63  }
0x156: {  	s30 =	sld [smem:$0x7EC];
	_ =	sdelay $0x2  }
0x157: {  	[tilespmem:s23], [sflag:$0x1] =	stream.linear.gather [spmem:s30], $0x200, $0x38;
	[tilespmem:$0x10000] =	vst v63  }
0x158: {  	s30 =	sld [smem:$0x7ED];
	_ =	sdelay $0x2  }
0x159: {  	[tilespmem:s8], [sflag:$0x1] =	stream.linear.gather [spmem:s30], $0x200, $0x38;
	[tilespmem:$0x10000] =	vst v63  }
0x15a: {  	s30 =	sld [smem:$0x7EE];
	_ =	sdelay $0x2  }
0x15b: {  	[tilespmem:s24], [sflag:$0x1] =	stream.linear.gather [spmem:s30], $0x200, $0x38;
	[tilespmem:$0x10000] =	vst v63  }
0x15c: {  	s30 =	sld [smem:$0x7EF];
	_ =	sdelay $0x2  }
0x15d: {  	[tilespmem:s25], [sflag:$0x1] =	stream.linear.gather [spmem:s30], $0x200, $0x38;
	[tilespmem:$0x10000] =	vst v63  }
0x15e: {  	s30 =	sld [smem:$0x7F0];
	_ =	sdelay $0x2  }
0x15f: {  	[tilespmem:s26], [sflag:$0x1] =	stream.linear.gather [spmem:s30], $0x200, $0x38;
	[tilespmem:$0x10000] =	vst v63  }
0x160: {  	_ =	swait.ge [sflag:s12], $0x200  }
0x161: {  	[sflag:s12] =	ssyncset.done $0x0  }
0x162: {  	[sflag:s12] =	ssyncadd.s32 $0xFFFFFE00  }
0x163: {  	_ =	swait.ge [sflag:s12], $0x200  }
0x164: {  	[sflag:s12] =	ssyncset.done $0x0  }
0x165: {  	[sflag:s12] =	ssyncadd.s32 $0xFFFFFE00  }
0x166: {  	_ =	swait.ge [sflag:s12], $0x200  }
0x167: {  	[sflag:s12] =	ssyncset.done $0x0  }
0x168: {  	[sflag:s12] =	ssyncadd.s32 $0xFFFFFE00  }
0x169: {  	_ =	swait.ge [sflag:s12], $0x200  }
0x16a: {  	[sflag:s12] =	ssyncset.done $0x0  }
0x16b: {  	[sflag:s12] =	ssyncadd.s32 $0xFFFFFE00  }
0x16c: {  	_ =	swait.ge [sflag:s12], $0x200  }
0x16d: {  	[sflag:s12] =	ssyncset.done $0x0  }
0x16e: {  	[sflag:s12] =	ssyncadd.s32 $0xFFFFFE00  }
0x16f: {  	_ =	swait.ge [sflag:s12], $0x200  }
0x170: {  	[sflag:s12] =	ssyncset.done $0x0  }
0x171: {  	[sflag:s12] =	ssyncadd.s32 $0xFFFFFE00  }
0x172: {  	_ =	swait.ge [sflag:s12], $0x200  }
0x173: {  	[sflag:s12] =	ssyncset.done $0x0  }
0x174: {  	[sflag:s12] =	ssyncadd.s32 $0xFFFFFE00  }
0x175: {  	_ =	swait.ge [sflag:s12], $0x200  }
0x176: {  	[sflag:s12] =	ssyncset.done $0x0  }
0x177: {  	[sflag:s12] =	ssyncadd.s32 $0xFFFFFE00  }
0x178: {  	_ =	swait.ge [sflag:s12], $0x200  }
0x179: {  	[sflag:s12] =	ssyncset.done $0x0  }
0x17a: {  	[sflag:s12] =	ssyncadd.s32 $0xFFFFFE00  }
0x17b: {  	_ =	swait.ge [sflag:s12], $0x200  }
0x17c: {  	[sflag:s12] =	ssyncset.done $0x0  }
0x17d: {  	[sflag:s12] =	ssyncadd.s32 $0xFFFFFE00  }
0x17e: {  	_ =	swait.ge [sflag:s12], $0x200  }
0x17f: {  	[sflag:s12] =	ssyncset.done $0x0  }
0x180: {  	[sflag:s12] =	ssyncadd.s32 $0xFFFFFE00  }
0x181: {  	_ =	swait.ge [sflag:s12], $0x200  }
0x182: {  	[sflag:s12] =	ssyncset.done $0x0  }
0x183: {  	[sflag:s12] =	ssyncadd.s32 $0xFFFFFE00  }
0x184: {  	_ =	swait.ge [sflag:s12], $0x200  }
0x185: {  	[sflag:s12] =	ssyncset.done $0x0  }
0x186: {  	[sflag:s12] =	ssyncadd.s32 $0xFFFFFE00  }
0x187: {  	_ =	swait.ge [sflag:s12], $0x200  }
0x188: {  	[sflag:s12] =	ssyncset.done $0x0  }
0x189: {  	[sflag:s12] =	ssyncadd.s32 $0xFFFFFE00  }
0x18a: {  	_ =	swait.ge [sflag:s12], $0x200  }
0x18b: {  	[sflag:s12] =	ssyncset.done $0x0  }
0x18c: {  	[sflag:s12] =	ssyncadd.s32 $0xFFFFFE00  }
0x18d: {  	_ =	swait.ge [sflag:s12], $0x200  }
0x18e: {  	[sflag:s12] =	ssyncset.done $0x0  }
0x18f: {  	s0 =	sand.u32 $0x1F0, s0;
	[sflag:s12] =	ssyncadd.s32 $0xFFFFFE00  }
0x190: {  	v0 =	vld [tilespmem:s0+$0xDC00]  }
0x191: {  	v1 =	vld [tilespmem:s1+$0x0];
	_ =	sdelay $0x1  }
0x192: {  	v2 =	vld [tilespmem:s0+$0xDE00];
	_ =	sdelay $0x1  }
0x193: {  	v3 =	vld [tilespmem:s0+$0xE000]  }
0x194: {  	v0 =	vadd.f32 v0, v1  }
0x195: {  	v1 =	vld [tilespmem:s0+$0xE200]  }
0x196: {  	v0 =	vadd.f32 v2, v0  }
0x197: {  	v2 =	vld [tilespmem:s0+$0xE400]  }
0x198: {  	v0 =	vadd.f32 v3, v0  }
0x199: {  	v3 =	vld [tilespmem:s0+$0xE600]  }
0x19a: {  	v0 =	vadd.f32 v1, v0  }
0x19b: {  	v1 =	vld [tilespmem:s0+$0xE800]  }
0x19c: {  	v0 =	vadd.f32 v2, v0  }
0x19d: {  	v2 =	vld [tilespmem:s0+$0xEA00]  }
0x19e: {  	v0 =	vadd.f32 v3, v0  }
0x19f: {  	v3 =	vld [tilespmem:s0+$0xEC00]  }
0x1a0: {  	v0 =	vadd.f32 v1, v0  }
0x1a1: {  	v1 =	vld [tilespmem:s0+$0xEE00]  }
0x1a2: {  	v0 =	vadd.f32 v2, v0  }
0x1a3: {  	v2 =	vld [tilespmem:s0+$0xF000]  }
0x1a4: {  	v0 =	vadd.f32 v3, v0  }
0x1a5: {  	v3 =	vld [tilespmem:s0+$0xF200]  }
0x1a6: {  	v0 =	vadd.f32 v1, v0  }
0x1a7: {  	v1 =	vld [tilespmem:s0+$0xF400]  }
0x1a8: {  	v0 =	vadd.f32 v2, v0  }
0x1a9: {  	v2 =	vld [tilespmem:s0+$0xF600]  }
0x1aa: {  	v0 =	vadd.f32 v3, v0  }
0x1ab: {  	v3 =	vld [tilespmem:s0+$0xF800]  }
0x1ac: {  	v0 =	vadd.f32 v1, v0;
	_ =	sdelay $0x1  }
0x1ad: {  	v0 =	vadd.f32 v2, v0;
	_ =	sdelay $0x1  }
0x1ae: {  	v0 =	vadd.f32 v3, v0  }
0x1af: {  	s30 =	simm.s32 $0xFC00;
	s1 =	simm.s32 $0x10  }
0x1b0: {  	s31 =	sand.u32 $0x1F0, s1;
	[tilespmem:s30+$0x0] =	vst v0  }
0x1b1: {  	s1 =	simm.s32 $0xDA10;
	s0 =	simm.s32 $0x20;
	v0 =	vld [tilespmem:s31+$0xDC00]  }
.LBB2_6:
0x1b2: {  	p0 =	sne.s32 s0, $0x1F0;
	v1 =	vld [tilespmem:s1+$0x0];
	_ =	sdelay $0x1  }
0x1b3: {  	v2 =	vld [tilespmem:s31+$0xDE00];
	_ =	sdelay $0x1  }
0x1b4: {  	v3 =	vld [tilespmem:s31+$0xE000]  }
0x1b5: {  	v0 =	vadd.f32 v0, v1  }
0x1b6: {  	v1 =	vld [tilespmem:s31+$0xE200]  }
0x1b7: {  	v0 =	vadd.f32 v2, v0  }
0x1b8: {  	v2 =	vld [tilespmem:s31+$0xE400]  }
0x1b9: {  	v0 =	vadd.f32 v3, v0  }
0x1ba: {  	v3 =	vld [tilespmem:s31+$0xE600]  }
0x1bb: {  	v0 =	vadd.f32 v1, v0  }
0x1bc: {  	v1 =	vld [tilespmem:s31+$0xE800]  }
0x1bd: {  	v0 =	vadd.f32 v2, v0  }
0x1be: {  	v2 =	vld [tilespmem:s31+$0xEA00]  }
0x1bf: {  	v0 =	vadd.f32 v3, v0  }
0x1c0: {  	v3 =	vld [tilespmem:s31+$0xEC00]  }
0x1c1: {  	v0 =	vadd.f32 v1, v0  }
0x1c2: {  	v1 =	vld [tilespmem:s31+$0xEE00]  }
0x1c3: {  	v0 =	vadd.f32 v2, v0  }
0x1c4: {  	v2 =	vld [tilespmem:s31+$0xF000]  }
0x1c5: {  	v0 =	vadd.f32 v3, v0  }
0x1c6: {  	v3 =	vld [tilespmem:s31+$0xF200]  }
0x1c7: {  	v0 =	vadd.f32 v1, v0  }
0x1c8: {  	v1 =	vld [tilespmem:s31+$0xF400]  }
0x1c9: {  	v0 =	vadd.f32 v2, v0  }
0x1ca: {  	v2 =	vld [tilespmem:s31+$0xF600]  }
0x1cb: {  	v0 =	vadd.f32 v3, v0  }
0x1cc: {  	v3 =	vld [tilespmem:s31+$0xF800]  }
0x1cd: {  	v0 =	vadd.f32 v1, v0;
	_ =	sdelay $0x1  }
0x1ce: {  	v0 =	vadd.f32 v2, v0  }
.Ltmp2:
0x1cf: {  	(pc) =	sbr.rel @p0 .LBB2_6-.Ltmp2, $4  }
0x1d0: {  	v0 =	vadd.f32 v3, v0  }
0x1d1: {  	s30 =	sadd.s32 $0x10, s30  }
0x1d2: {  	s31 =	sand.u32 $0x1F0, s0;
	[tilespmem:s30+$0x0] =	vst v0  }
0x1d3: {  	s1 =	sadd.s32 $0x10, s1;
	s0 =	sadd.s32 $0x10, s0;
	v0 =	vld [tilespmem:s31+$0xDC00]  }
0x1d4: {  	v1 =	vld [tilespmem:s1+$0x0];
	_ =	sdelay $0x1  }
0x1d5: {  	v2 =	vld [tilespmem:s31+$0xDE00];
	_ =	sdelay $0x1  }
0x1d6: {  	v3 =	vld [tilespmem:s31+$0xE000]  }
0x1d7: {  	v0 =	vadd.f32 v0, v1  }
0x1d8: {  	v1 =	vld [tilespmem:s31+$0xE200]  }
0x1d9: {  	v0 =	vadd.f32 v2, v0  }
0x1da: {  	v2 =	vld [tilespmem:s31+$0xE400]  }
0x1db: {  	v0 =	vadd.f32 v3, v0  }
0x1dc: {  	v3 =	vld [tilespmem:s31+$0xE600]  }
0x1dd: {  	v0 =	vadd.f32 v1, v0  }
0x1de: {  	v1 =	vld [tilespmem:s31+$0xE800]  }
0x1df: {  	v0 =	vadd.f32 v2, v0  }
0x1e0: {  	v2 =	vld [tilespmem:s31+$0xEA00]  }
0x1e1: {  	v0 =	vadd.f32 v3, v0  }
0x1e2: {  	v3 =	vld [tilespmem:s31+$0xEC00]  }
0x1e3: {  	v0 =	vadd.f32 v1, v0  }
0x1e4: {  	v1 =	vld [tilespmem:s31+$0xEE00]  }
0x1e5: {  	v0 =	vadd.f32 v2, v0  }
0x1e6: {  	v2 =	vld [tilespmem:s31+$0xF000]  }
0x1e7: {  	v0 =	vadd.f32 v3, v0  }
0x1e8: {  	v3 =	vld [tilespmem:s31+$0xF200]  }
0x1e9: {  	v0 =	vadd.f32 v1, v0  }
0x1ea: {  	v1 =	vld [tilespmem:s31+$0xF400]  }
0x1eb: {  	v0 =	vadd.f32 v2, v0  }
0x1ec: {  	v2 =	vld [tilespmem:s31+$0xF600]  }
0x1ed: {  	v0 =	vadd.f32 v3, v0  }
0x1ee: {  	v3 =	vld [tilespmem:s31+$0xF800]  }
0x1ef: {  	v0 =	vadd.f32 v1, v0;
	_ =	sdelay $0x1  }
0x1f0: {  	v0 =	vadd.f32 v2, v0;
	_ =	sdelay $0x1  }
0x1f1: {  	v0 =	vadd.f32 v3, v0  }
0x1f2: {  	s0 =	sadd.s32 $0x10, s30  }
0x1f3: {  	s1 =	rddreg [dreg:$0x15];
	s30 =	simm.s32 $0xFC00;
	[tilespmem:s0+$0x0] =	vst v0;
	s0 =	simm.s32 $0x0  }
0x1f4: {  	[hbm4b:s1+s0] =	stream.linear.scatter [tilespmem:s30], [sflag:$0x2], $0x200, $0x38;
	[tilespmem:$0x10000] =	vst v63  }
0x1f5: {  	_ =	swait.ge [sflag:s28], $0x200  }
0x1f6: {  	s30 =	sld [smem:$0x7F1]  }
0x1f7: {  	[sflag:s28] =	ssyncset.done $0x0  }
0x1f8: {  	s1 =	simm.s32 $0xDA00;
	[sflag:s28] =	ssyncadd.s32 $0xFFFFFE00  }
0x1f9: {  	[tilespmem:s1], [sflag:$0x1] =	stream.linear.gather [spmem:s30], $0x200, $0x38;
	[tilespmem:$0x10000] =	vst v63  }
0x1fa: {  	s30 =	sld [smem:$0x7F2];
	_ =	sdelay $0x2  }
0x1fb: {  	[tilespmem:s13], [sflag:$0x1] =	stream.linear.gather [spmem:s30], $0x200, $0x38;
	[tilespmem:$0x10000] =	vst v63  }
0x1fc: {  	s30 =	sld [smem:$0x7F3];
	_ =	sdelay $0x2  }
0x1fd: {  	[tilespmem:s14], [sflag:$0x1] =	stream.linear.gather [spmem:s30], $0x200, $0x38;
	[tilespmem:$0x10000] =	vst v63  }
0x1fe: {  	s30 =	sld [smem:$0x7F4];
	_ =	sdelay $0x2  }
0x1ff: {  	[tilespmem:s15], [sflag:$0x1] =	stream.linear.gather [spmem:s30], $0x200, $0x38;
	[tilespmem:$0x10000] =	vst v63  }
0x200: {  	s30 =	sld [smem:$0x7F5];
	_ =	sdelay $0x2  }
0x201: {  	[tilespmem:s16], [sflag:$0x1] =	stream.linear.gather [spmem:s30], $0x200, $0x38;
	[tilespmem:$0x10000] =	vst v63  }
0x202: {  	s30 =	sld [smem:$0x7F6];
	_ =	sdelay $0x2  }
0x203: {  	[tilespmem:s17], [sflag:$0x1] =	stream.linear.gather [spmem:s30], $0x200, $0x38;
	[tilespmem:$0x10000] =	vst v63  }
0x204: {  	s30 =	sld [smem:$0x7F7];
	_ =	sdelay $0x2  }
0x205: {  	[tilespmem:s18], [sflag:$0x1] =	stream.linear.gather [spmem:s30], $0x200, $0x38;
	[tilespmem:$0x10000] =	vst v63  }
0x206: {  	s30 =	sld [smem:$0x7F8];
	_ =	sdelay $0x2  }
0x207: {  	[tilespmem:s19], [sflag:$0x1] =	stream.linear.gather [spmem:s30], $0x200, $0x38;
	[tilespmem:$0x10000] =	vst v63  }
0x208: {  	s30 =	sld [smem:$0x7F9];
	_ =	sdelay $0x2  }
0x209: {  	[tilespmem:s20], [sflag:$0x1] =	stream.linear.gather [spmem:s30], $0x200, $0x38;
	[tilespmem:$0x10000] =	vst v63  }
0x20a: {  	s30 =	sld [smem:$0x7FA];
	_ =	sdelay $0x2  }
0x20b: {  	[tilespmem:s21], [sflag:$0x1] =	stream.linear.gather [spmem:s30], $0x200, $0x38;
	[tilespmem:$0x10000] =	vst v63  }
0x20c: {  	s30 =	sld [smem:$0x7FB];
	_ =	sdelay $0x2  }
0x20d: {  	[tilespmem:s22], [sflag:$0x1] =	stream.linear.gather [spmem:s30], $0x200, $0x38;
	[tilespmem:$0x10000] =	vst v63  }
0x20e: {  	s30 =	sld [smem:$0x7FC];
	_ =	sdelay $0x2  }
0x20f: {  	[tilespmem:s23], [sflag:$0x1] =	stream.linear.gather [spmem:s30], $0x200, $0x38;
	[tilespmem:$0x10000] =	vst v63  }
0x210: {  	s30 =	sld [smem:$0x7FD];
	_ =	sdelay $0x2  }
0x211: {  	[tilespmem:s8], [sflag:$0x1] =	stream.linear.gather [spmem:s30], $0x200, $0x38;
	[tilespmem:$0x10000] =	vst v63  }
0x212: {  	_ = 	snop  }
0x213: {  	[tilespmem:s24], [sflag:$0x1] =	stream.linear.gather [spmem:s4], $0x200, $0x38;
	[tilespmem:$0x10000] =	vst v63  }
0x214: {  	_ = 	snop  }
0x215: {  	[tilespmem:s25], [sflag:$0x1] =	stream.linear.gather [spmem:s5], $0x200, $0x38;
	[tilespmem:$0x10000] =	vst v63  }
0x216: {  	_ = 	snop  }
0x217: {  	[tilespmem:s26], [sflag:$0x1] =	stream.linear.gather [spmem:s6], $0x200, $0x38;
	[tilespmem:$0x10000] =	vst v63  }
0x218: {  	_ =	swait.ge [sflag:s12], $0x200  }
0x219: {  	[sflag:s12] =	ssyncset.done $0x0  }
0x21a: {  	[sflag:s12] =	ssyncadd.s32 $0xFFFFFE00  }
0x21b: {  	_ =	swait.ge [sflag:s12], $0x200  }
0x21c: {  	[sflag:s12] =	ssyncset.done $0x0  }
0x21d: {  	[sflag:s12] =	ssyncadd.s32 $0xFFFFFE00  }
0x21e: {  	_ =	swait.ge [sflag:s12], $0x200  }
0x21f: {  	[sflag:s12] =	ssyncset.done $0x0  }
0x220: {  	[sflag:s12] =	ssyncadd.s32 $0xFFFFFE00  }
0x221: {  	_ =	swait.ge [sflag:s12], $0x200  }
0x222: {  	[sflag:s12] =	ssyncset.done $0x0  }
0x223: {  	[sflag:s12] =	ssyncadd.s32 $0xFFFFFE00  }
0x224: {  	_ =	swait.ge [sflag:s12], $0x200  }
0x225: {  	[sflag:s12] =	ssyncset.done $0x0  }
0x226: {  	[sflag:s12] =	ssyncadd.s32 $0xFFFFFE00  }
0x227: {  	_ =	swait.ge [sflag:s12], $0x200  }
0x228: {  	[sflag:s12] =	ssyncset.done $0x0  }
0x229: {  	[sflag:s12] =	ssyncadd.s32 $0xFFFFFE00  }
0x22a: {  	_ =	swait.ge [sflag:s12], $0x200  }
0x22b: {  	[sflag:s12] =	ssyncset.done $0x0  }
0x22c: {  	[sflag:s12] =	ssyncadd.s32 $0xFFFFFE00  }
0x22d: {  	_ =	swait.ge [sflag:s12], $0x200  }
0x22e: {  	[sflag:s12] =	ssyncset.done $0x0  }
0x22f: {  	[sflag:s12] =	ssyncadd.s32 $0xFFFFFE00  }
0x230: {  	_ =	swait.ge [sflag:s12], $0x200  }
0x231: {  	[sflag:s12] =	ssyncset.done $0x0  }
0x232: {  	[sflag:s12] =	ssyncadd.s32 $0xFFFFFE00  }
0x233: {  	_ =	swait.ge [sflag:s12], $0x200  }
0x234: {  	[sflag:s12] =	ssyncset.done $0x0  }
0x235: {  	[sflag:s12] =	ssyncadd.s32 $0xFFFFFE00  }
0x236: {  	_ =	swait.ge [sflag:s12], $0x200  }
0x237: {  	[sflag:s12] =	ssyncset.done $0x0  }
0x238: {  	[sflag:s12] =	ssyncadd.s32 $0xFFFFFE00  }
0x239: {  	_ =	swait.ge [sflag:s12], $0x200  }
0x23a: {  	[sflag:s12] =	ssyncset.done $0x0  }
0x23b: {  	[sflag:s12] =	ssyncadd.s32 $0xFFFFFE00  }
0x23c: {  	_ =	swait.ge [sflag:s12], $0x200  }
0x23d: {  	[sflag:s12] =	ssyncset.done $0x0  }
0x23e: {  	[sflag:s12] =	ssyncadd.s32 $0xFFFFFE00  }
0x23f: {  	_ =	swait.ge [sflag:s12], $0x200  }
0x240: {  	[sflag:s12] =	ssyncset.done $0x0  }
0x241: {  	[sflag:s12] =	ssyncadd.s32 $0xFFFFFE00  }
0x242: {  	_ =	swait.ge [sflag:s12], $0x200  }
0x243: {  	[sflag:s12] =	ssyncset.done $0x0  }
0x244: {  	[sflag:s12] =	ssyncadd.s32 $0xFFFFFE00  }
0x245: {  	_ =	swait.ge [sflag:s12], $0x200  }
0x246: {  	[sflag:s12] =	ssyncset.done $0x0  }
0x247: {  	s0 =	sand.u32 $0x1F0, s0;
	[sflag:s12] =	ssyncadd.s32 $0xFFFFFE00  }
0x248: {  	v0 =	vld [tilespmem:s0+$0xDC00]  }
0x249: {  	v1 =	vld [tilespmem:s1+$0x0];
	_ =	sdelay $0x1  }
0x24a: {  	v2 =	vld [tilespmem:s0+$0xDE00];
	_ =	sdelay $0x1  }
0x24b: {  	v3 =	vld [tilespmem:s0+$0xE000]  }
0x24c: {  	v0 =	vadd.f32 v0, v1  }
0x24d: {  	v1 =	vld [tilespmem:s0+$0xE200]  }
0x24e: {  	v0 =	vadd.f32 v2, v0  }
0x24f: {  	v2 =	vld [tilespmem:s0+$0xE400]  }
0x250: {  	v0 =	vadd.f32 v3, v0  }
0x251: {  	v3 =	vld [tilespmem:s0+$0xE600]  }
0x252: {  	v0 =	vadd.f32 v1, v0  }
0x253: {  	v1 =	vld [tilespmem:s0+$0xE800]  }
0x254: {  	v0 =	vadd.f32 v2, v0  }
0x255: {  	v2 =	vld [tilespmem:s0+$0xEA00]  }
0x256: {  	v0 =	vadd.f32 v3, v0  }
0x257: {  	v3 =	vld [tilespmem:s0+$0xEC00]  }
0x258: {  	v0 =	vadd.f32 v1, v0  }
0x259: {  	v1 =	vld [tilespmem:s0+$0xEE00]  }
0x25a: {  	v0 =	vadd.f32 v2, v0  }
0x25b: {  	v2 =	vld [tilespmem:s0+$0xF000]  }
0x25c: {  	v0 =	vadd.f32 v3, v0  }
0x25d: {  	v3 =	vld [tilespmem:s0+$0xF200]  }
0x25e: {  	v0 =	vadd.f32 v1, v0  }
0x25f: {  	v1 =	vld [tilespmem:s0+$0xF400]  }
0x260: {  	v0 =	vadd.f32 v2, v0  }
0x261: {  	v2 =	vld [tilespmem:s0+$0xF600]  }
0x262: {  	v0 =	vadd.f32 v3, v0  }
0x263: {  	v3 =	vld [tilespmem:s0+$0xF800]  }
0x264: {  	v0 =	vadd.f32 v1, v0;
	_ =	sdelay $0x1  }
0x265: {  	v0 =	vadd.f32 v2, v0;
	_ =	sdelay $0x1  }
0x266: {  	v0 =	vadd.f32 v3, v0  }
0x267: {  	s30 =	simm.s32 $0xFE00;
	s1 =	simm.s32 $0x10  }
0x268: {  	s31 =	sand.u32 $0x1F0, s1;
	[tilespmem:s30+$0x0] =	vst v0  }
0x269: {  	s1 =	simm.s32 $0xDA10;
	s0 =	simm.s32 $0x20;
	v0 =	vld [tilespmem:s31+$0xDC00]  }
.LBB2_8:
0x26a: {  	p0 =	sne.s32 s0, $0x1F0;
	v1 =	vld [tilespmem:s1+$0x0];
	_ =	sdelay $0x1  }
0x26b: {  	v2 =	vld [tilespmem:s31+$0xDE00];
	_ =	sdelay $0x1  }
0x26c: {  	v3 =	vld [tilespmem:s31+$0xE000]  }
0x26d: {  	v0 =	vadd.f32 v0, v1  }
0x26e: {  	v1 =	vld [tilespmem:s31+$0xE200]  }
0x26f: {  	v0 =	vadd.f32 v2, v0  }
0x270: {  	v2 =	vld [tilespmem:s31+$0xE400]  }
0x271: {  	v0 =	vadd.f32 v3, v0  }
0x272: {  	v3 =	vld [tilespmem:s31+$0xE600]  }
0x273: {  	v0 =	vadd.f32 v1, v0  }
0x274: {  	v1 =	vld [tilespmem:s31+$0xE800]  }
0x275: {  	v0 =	vadd.f32 v2, v0  }
0x276: {  	v2 =	vld [tilespmem:s31+$0xEA00]  }
0x277: {  	v0 =	vadd.f32 v3, v0  }
0x278: {  	v3 =	vld [tilespmem:s31+$0xEC00]  }
0x279: {  	v0 =	vadd.f32 v1, v0  }
0x27a: {  	v1 =	vld [tilespmem:s31+$0xEE00]  }
0x27b: {  	v0 =	vadd.f32 v2, v0  }
0x27c: {  	v2 =	vld [tilespmem:s31+$0xF000]  }
0x27d: {  	v0 =	vadd.f32 v3, v0  }
0x27e: {  	v3 =	vld [tilespmem:s31+$0xF200]  }
0x27f: {  	v0 =	vadd.f32 v1, v0  }
0x280: {  	v1 =	vld [tilespmem:s31+$0xF400]  }
0x281: {  	v0 =	vadd.f32 v2, v0  }
0x282: {  	v2 =	vld [tilespmem:s31+$0xF600]  }
0x283: {  	v0 =	vadd.f32 v3, v0  }
0x284: {  	v3 =	vld [tilespmem:s31+$0xF800]  }
0x285: {  	v0 =	vadd.f32 v1, v0;
	_ =	sdelay $0x1  }
0x286: {  	v0 =	vadd.f32 v2, v0  }
.Ltmp3:
0x287: {  	(pc) =	sbr.rel @p0 .LBB2_8-.Ltmp3, $4  }
0x288: {  	v0 =	vadd.f32 v3, v0  }
0x289: {  	s30 =	sadd.s32 $0x10, s30  }
0x28a: {  	s31 =	sand.u32 $0x1F0, s0;
	[tilespmem:s30+$0x0] =	vst v0  }
0x28b: {  	s1 =	sadd.s32 $0x10, s1;
	s0 =	sadd.s32 $0x10, s0;
	v0 =	vld [tilespmem:s31+$0xDC00]  }
0x28c: {  	v1 =	vld [tilespmem:s1+$0x0];
	_ =	sdelay $0x1  }
0x28d: {  	v2 =	vld [tilespmem:s31+$0xDE00];
	_ =	sdelay $0x1  }
0x28e: {  	v3 =	vld [tilespmem:s31+$0xE000]  }
0x28f: {  	v0 =	vadd.f32 v0, v1  }
0x290: {  	v52 =	vld [tilespmem:s31+$0xE200]  }
0x291: {  	v0 =	vadd.f32 v2, v0  }
0x292: {  	v53 =	vld [tilespmem:s31+$0xE400]  }
0x293: {  	v0 =	vadd.f32 v3, v0  }
0x294: {  	v54 =	vld [tilespmem:s31+$0xE600]  }
0x295: {  	v0 =	vadd.f32 v52, v0  }
0x296: {  	v55 =	vld [tilespmem:s31+$0xE800]  }
0x297: {  	v0 =	vadd.f32 v53, v0  }
0x298: {  	v56 =	vld [tilespmem:s31+$0xEA00]  }
0x299: {  	v0 =	vadd.f32 v54, v0  }
0x29a: {  	v57 =	vld [tilespmem:s31+$0xEC00]  }
0x29b: {  	v0 =	vadd.f32 v55, v0  }
0x29c: {  	v58 =	vld [tilespmem:s31+$0xEE00]  }
0x29d: {  	v0 =	vadd.f32 v56, v0  }
0x29e: {  	v59 =	vld [tilespmem:s31+$0xF000]  }
0x29f: {  	v0 =	vadd.f32 v57, v0  }
0x2a0: {  	v60 =	vld [tilespmem:s31+$0xF200]  }
0x2a1: {  	v0 =	vadd.f32 v58, v0  }
0x2a2: {  	v61 =	vld [tilespmem:s31+$0xF400]  }
0x2a3: {  	v0 =	vadd.f32 v59, v0  }
0x2a4: {  	v62 =	vld [tilespmem:s31+$0xF600]  }
0x2a5: {  	v0 =	vadd.f32 v60, v0  }
0x2a6: {  	v63 =	vld [tilespmem:s31+$0xF800]  }
0x2a7: {  	v0 =	vadd.f32 v61, v0;
	_ =	sdelay $0x1  }
0x2a8: {  	v0 =	vadd.f32 v62, v0;
	_ =	sdelay $0x1  }
0x2a9: {  	v0 =	vadd.f32 v63, v0  }
0x2aa: {  	s0 =	sadd.s32 $0x10, s30  }
0x2ab: {  	s1 =	rddreg [dreg:$0x16];
	s30 =	simm.s32 $0xFE00;
	[tilespmem:s0+$0x0] =	vst v0  }
0x2ac: {  	[hbm4b:s1+s3] =	stream.linear.scatter [tilespmem:s30], [sflag:$0x2], $0x200, $0x38;
	[tilespmem:$0x10000] =	vst v63  }
0x2ad: {  	_ =	swait.ge [sflag:s28], $0x200  }
0x2ae: {  	s29 =	sadd.s32 $0x1, s29;
	s31 =	rddreg [dreg:$0x18]  }
0x2af: {  	p0 =	sne.s32 s29, s31  }
.Ltmp4:
0x2b0: {  	_ = 	snop;
	(pc) =	sbr.rel @p0 .LBB2_1-.Ltmp4, $3  }
0x2b1: {  	_ =	sdelay $0x1  }
0x2b2: {  	[sflag:s28] =	ssyncset.done $0x0  }
0x2b3: {  	[sflag:s28] =	ssyncadd.s32 $0xFFFFFE00  }
0x2b4: {  	_ =	sfence.sel $0x180000  }
0x2b5: {  	[bflag:$0x0] =	sbarrier.arrive $0xFFFF  }
0x2b6: {  	_ =	strace $0x9000004A  }
0x2b7: {  	s0 =	stileid.u32;
	[bflag:$0x2] =	sbarrier.arrive $0xFFFF  }
0x2b8: {  	p0 =	sne.s32 s0, $0x0;
	s0 =	rddreg [dreg:$0x3]  }
0x2b9: {  	s0 =	sadd.s32 @!p0 $0x100000, s0  }
0x2ba: {  	[sflag:s0] =	ssyncadd.tile.s32 @!p0 $0x1;
	_ =	shalt  }
.Lfunc_end2:
_tile_overlayer_lowered:
.L_overlay_start_2:
0x2bb: {  	(tag) =	ssettag $0x2  }
0x2bc: {  	s0 =	rddreg [dreg:$0x0];
	s2 =	stileid.u32  }
0x2bd: {  	s1 =	rddreg [dreg:$0x1];
	p0 =	sne.s32 s2, $0x0  }
0x2be: {  	s3 =	rddreg [dreg:$0x2];
	[bflag:$0x3] =	sbarrier.arrive $0xFFFF;
	s2 =	simm.s32 @!p0 $0x1C02  }
0x2bf: {  	[timem:s3], [sflag:s2] =	dma.local @!p0 [hbm:s0], s1  }
0x2c0: {  	s0 =	simm.s32 @!p0 $0x2  }
0x2c1: {  	_ =	swait.ge @!p0 [sflag:s0], s1  }
0x2c2: {  	s1 =	ssub.s32 @!p0 $0x0, s1;
	[sflag:s0] =	ssyncset.done @!p0 $0x0  }
0x2c3: {  	[sflag:s0] =	ssyncadd.s32 @!p0 s1  }
0x2c4: {  	[bflag:$0x3] =	sbarrier.arrive $0xFFFF  }
0x2c5: {  	_ =	shalt  }

// kernel: kernel.9.cloned.1.call-start
scs
__scs_entry_jumppad:
0x0: {  	(pc) =	sbr.rel $0x88, $3  }
0x1: {  	(tag) =	ssettag $0x0;
	lr =	simm.s32 $0x1  }
0x2: {  	[smem:$0x3F9E] =	sst lr;
	_ =	strace $0xD0000000  }
0x3: {  	_ = 	snop  }
0x4: {  	_ = 	snop  }
0x5: {  	_ = 	snop  }
0x6: {  	_ = 	snop  }
0x7: {  	_ = 	snop  }
__scs_overlays_trampoline_lowered:
0x8: {  	[smem:$0x3FAD] =	sst s0  }
0x9: {  	[smem:$0x3FAE] =	sst s1  }
0xa: {  	[smem:$0x3FAF] =	sst s2  }
0xb: {  	[smem:$0x3FB0] =	sst s3  }
0xc: {  	[smem:$0x3FB1] =	sst s4  }
0xd: {  	[smem:$0x3FB2] =	sst s5  }
0xe: {  	[smem:$0x3FB3] =	sst s6  }
0xf: {  	[smem:$0x3FB4] =	sst s7  }
0x10: {  	[smem:$0x3FB5] =	sst s8  }
0x11: {  	[smem:$0x3FB6] =	sst s9;
	s0 =	simm.s32 @!p0 $0x0  }
0x12: {  	s1 =	sld [smem:$0x3F9C];
	s0 =	simm.s32 @p0 $0x1  }
0x13: {  	[smem:$0x3FB7] =	sst s0;
	s0 =	simm.s32 @!p1 $0x0  }
0x14: {  	s2 =	sld [smem:$0x3F9B];
	s0 =	simm.s32 @p1 $0x1  }
0x15: {  	[smem:$0x3FB8] =	sst s0;
	s0 =	simm.s32 @!p2 $0x0  }
0x16: {  	s3 =	sld [smem:$0x3FDB];
	s0 =	simm.s32 @p2 $0x1  }
0x17: {  	s4 =	simm.s32 $0x1BF5;
	[smem:$0x3FBA] =	sst s0  }
0x18: {  	s0 =	sld [smem:$0x3F9D];
	_ =	swait.ge [sflag:s4], $0x0  }
0x19: {  	s7 =	sld [smem:$0x3F9E]  }
0x1a: {  	s8 =	sadd.s32 $0xFFFFE003, lr  }
0x1b: {  	s9 =	sadd.s32 $0xFFFFFEF7, lr;
	s5 =	simm.s32 $0xFFFFFFFF;
	p2 =	slt.u32 s8, $0xFFFFF086  }
0x1c: {  	p1 =	slt.u32 s9, $0xF7A;
	s5 =	simm.s32 @!p2 $0x0  }
0x1d: {  	s5 =	simm.s32 @p1 $0x1;
	p0 =	seq.s32 s7, s2  }
0x1e: {  	s7 =	smul.u32 @!p0 $0xF7A, s2;
	p2 =	seq.s32 @!p0 s5, $0x0  }
0x1f: {  	s9 =	smul.u32 $0xF7A, s1;
	s8 =	simm.s32 @!p0 $0x1BF5;
	p2 =	por !p2, p0  }
0x20: {  	[sflag:s8] =	ssyncset.s32 @!p0 $0xFFFFF086;
	s6 =	sadd.s32 @!p0 s3, s7;
	s7 =	simm.s32 @!p0 $0x108  }
0x21: {  	s3 =	sadd.s32 s3, s9;
	s6 =	sadd.s32 @!p0 $0x88, s6;
	s7 =	simm.s32 @p2 $0x1082  }
0x22: {  	[simem:s7], [sflag:s8] =	dma.local @!p0 [hbm:s6], $0xF7A  }
0x23: {  	s9 =	sor.u32 $0xD0000000, s2;
	s6 =	simm.s32 $0x108;
	_ =	swait.ge @!p0 [sflag:s8], $0x0  }
0x24: {  	s3 =	sadd.s32 $0x88, s3;
	s6 =	simm.s32 @!p1 $0x1082;
	[sflag:s4] =	ssyncset.s32 $0xFFFFF086  }
0x25: {  	[simem:s6], [sflag:s4] =	dma.local [hbm:s3], $0xF7A  }
0x26: {  	[smem:$0x3F9E] =	sst s1;
	(tag) =	ssettag s2;
	_ =	strace s9  }
0x27: {  	s1 =	sld [smem:$0x3FAE]  }
0x28: {  	s2 =	sld [smem:$0x3FAF]  }
0x29: {  	s4 =	sld [smem:$0x3FB1]  }
0x2a: {  	p0 =	seq.s32 s5, $0x0;
	s5 =	sld [smem:$0x3FB2]  }
0x2b: {  	s6 =	sld [smem:$0x3FB3]  }
0x2c: {  	s7 =	sld [smem:$0x3FB4]  }
0x2d: {  	s3 =	simm.s32 $0x108;
	s8 =	sld [smem:$0x3FB5]  }
0x2e: {  	s3 =	simm.s32 @!p0 $0x1082;
	s9 =	sld [smem:$0x3FB6]  }
0x2f: {  	lr =	sadd.s32 s0, s3;
	s0 =	sld [smem:$0x3FAD]  }
0x30: {  	s3 =	sld [smem:$0x3FB0]  }
0x31: {  	[smem:$0x3FB9] =	sst s10  }
0x32: {  	s10 =	sld [smem:$0x3FB7];
	_ =	sdelay $0x3  }
0x33: {  	p0 =	seq.s32 s10, $0x1;
	s10 =	sld [smem:$0x3FB9];
	_ =	sdelay $0x3  }
0x34: {  	[smem:$0x3FB9] =	sst s10  }
0x35: {  	s10 =	sld [smem:$0x3FB8];
	_ =	sdelay $0x3  }
0x36: {  	p1 =	seq.s32 s10, $0x1;
	s10 =	sld [smem:$0x3FB9];
	_ =	sdelay $0x3  }
0x37: {  	[smem:$0x3FB9] =	sst s10  }
0x38: {  	s10 =	sld [smem:$0x3FBA]  }
0x39: {  	_ = 	snop;
	(pc) =	sbr.ind lr, $3  }
0x3a: {  	_ = 	snop  }
0x3b: {  	_ = 	snop  }
0x3c: {  	p2 =	seq.s32 s10, $0x1;
	s10 =	sld [smem:$0x3FB9]  }
0x3d: {  	_ =	shalt  }
0x3e: {  	_ =	shalt  }
0x3f: {  	_ =	shalt  }
0x40: {  	_ =	shalt  }
0x41: {  	_ =	shalt  }
0x42: {  	_ =	shalt  }
0x43: {  	_ =	shalt  }
0x44: {  	_ =	shalt  }
0x45: {  	_ =	shalt  }
0x46: {  	_ =	shalt  }
0x47: {  	_ =	shalt  }
0x48: {  	_ =	shalt  }
0x49: {  	_ =	shalt  }
0x4a: {  	_ =	shalt  }
0x4b: {  	_ =	shalt  }
0x4c: {  	_ =	shalt  }
0x4d: {  	_ =	shalt  }
0x4e: {  	_ =	shalt  }
0x4f: {  	_ =	shalt  }
0x50: {  	_ =	shalt  }
0x51: {  	_ =	shalt  }
0x52: {  	_ =	shalt  }
0x53: {  	_ =	shalt  }
0x54: {  	_ =	shalt  }
0x55: {  	_ =	shalt  }
0x56: {  	_ =	shalt  }
0x57: {  	_ =	shalt  }
0x58: {  	_ =	shalt  }
0x59: {  	_ =	shalt  }
0x5a: {  	_ =	shalt  }
0x5b: {  	_ =	shalt  }
0x5c: {  	_ =	shalt  }
0x5d: {  	_ =	shalt  }
0x5e: {  	_ =	shalt  }
0x5f: {  	_ =	shalt  }
0x60: {  	_ =	shalt  }
0x61: {  	_ =	shalt  }
0x62: {  	_ =	shalt  }
0x63: {  	_ =	shalt  }
0x64: {  	_ =	shalt  }
0x65: {  	_ =	shalt  }
0x66: {  	_ =	shalt  }
0x67: {  	_ =	shalt  }
0x68: {  	_ =	shalt  }
0x69: {  	_ =	shalt  }
0x6a: {  	_ =	shalt  }
0x6b: {  	_ =	shalt  }
0x6c: {  	_ =	shalt  }
0x6d: {  	_ =	shalt  }
0x6e: {  	_ =	shalt  }
0x6f: {  	_ =	shalt  }
0x70: {  	_ =	shalt  }
0x71: {  	_ =	shalt  }
0x72: {  	_ =	shalt  }
0x73: {  	_ =	shalt  }
0x74: {  	_ =	shalt  }
0x75: {  	_ =	shalt  }
0x76: {  	_ =	shalt  }
0x77: {  	_ =	shalt  }
0x78: {  	_ =	shalt  }
0x79: {  	_ =	shalt  }
0x7a: {  	_ =	shalt  }
0x7b: {  	_ =	shalt  }
0x7c: {  	_ =	shalt  }
0x7d: {  	_ =	shalt  }
0x7e: {  	_ =	shalt  }
0x7f: {  	_ =	shalt  }
0x80: {  	_ =	shalt  }
0x81: {  	_ =	shalt  }
0x82: {  	_ =	shalt  }
0x83: {  	_ =	shalt  }
0x84: {  	_ =	shalt  }
0x85: {  	_ =	shalt  }
0x86: {  	_ =	shalt  }
0x87: {  	_ =	shalt  }
.Lfunc_end0:
.L_simem_size_0:
called_computation.1_lowered:
.L_overlay_start_0:
0x88: {  	s2 =	sld [smem:$0x3FD9]  }
0x89: {  	s3 =	sld [smem:$0x3FFE];
	_ =	sdelay $0x1  }
0x8a: {  	s1 =	srdreg.scid  }
0x8b: {  	s0 =	sand.u32 $0x1, s1  }
0x8c: {  	s17 =	sshll.u32 s0, $0xA;
	s2 =	sadd.s32 s3, s2  }
0x8d: {  	s2 =	sadd.s32 s2, s17  }
0x8e: {  	[smem:$0x3FC5] =	sst s2  }
0x8f: {  	_ = 	snop  }
0x90: {  	s2 =	sld [smem:$0x3FD0];
	(tm) =	ssettm $0x1  }
0x91: {  	s18 =	sld [smem:$0x3FFB];
	_ =	sdelay $0x3  }
0x92: {  	_ =	strace s18  }
0x93: {  	s3 =	sld [smem:$0x3FFC];
	_ =	sdelay $0x3  }
0x94: {  	_ =	strace s3  }
0x95: {  	s3 =	sld [smem:$0x3FFD];
	_ =	sdelay $0x3  }
0x96: {  	_ =	strace s3  }
0x97: {  	_ =	strace $0x8FFFFFFF  }
0x98: {  	s19 =	sld [smem:$0x3FDB];
	_ =	sdelay $0x1  }
0x99: {  	s4 =	simm.s32 $_scs_section_size  }
0x9a: {  	s5 =	simm.s32 $_size__tile_overlayer_lowered;
	s6 =	simm.s32 $_tile_overlayer_lowered  }
0x9b: {  	s22 =	simm.s32 $0x1BFF;
	s21 =	sshll.u32 s6, $0x1;
	s3 =	sadd.s32 s4, s19  }
0x9c: {  	s7 =	simm.s32 $0x0;
	s20 =	sshll.u32 s5, $0x1;
	s5 =	sadd.s32 s21, s3  }
0x9d: {  	[timem:s7], [sflag:s22] =	dma.local [hbm:s5], s20  }
0x9e: {  	_ =	swait.ge [sflag:s22], s20  }
0x9f: {  	s4 =	ssub.s32 $0x0, s20;
	[sflag:s22] =	ssyncset.done $0x0  }
0xa0: {  	[sflag:s22] =	ssyncadd.s32 s4;
	_ =	sdelay $0x1  }
0xa1: {  	s23 =	simm.s32 $0x1B8B  }
0xa2: {  	_ =	swait.ge [sflag:s23], $0x1  }
0xa3: {  	[sflag:s23] =	ssyncset.done $0x0  }
0xa4: {  	s25 =	simm.s32 $0x1B8E;
	s24 =	sld [smem:$0x3FFE];
	[sflag:s23] =	ssyncadd.s32 $0xFFFFFFFF  }
0xa5: {  	s26 =	simm.s32 $execute0_lowered;
	[smem:$0x3FD2] =	sst s25  }
0xa6: {  	s5 =	sshll.u32 s26, $0x1;
	_ =	strace $0x80000046;
	[dreg:$0x1] =	wrdreg $0xFFFFFFFF  }
0xa7: {  	s28 =	simm.s32 $_size_execute0_lowered;
	s3 =	sadd.s32 s3, s5;
	[dreg:$0x0] =	wrdreg $0x0  }
0xa8: {  	s5 =	sshll.u32 s28, $0x1;
	[dreg:$0x2] =	wrdreg s3  }
0xa9: {  	[dreg:$0x3] =	wrdreg s5  }
0xaa: {  	[dreg:$0x4] =	wrdreg $0xC0  }
0xab: {  	_ =	task [dreg:s7], $0x5FFFF  }
0xac: {  	[dreg:$0x1] =	wrdreg $0xFFFFFFFF  }
0xad: {  	[dreg:$0x0] =	wrdreg $0x60  }
0xae: {  	[dreg:$0x2] =	wrdreg s24  }
0xaf: {  	[dreg:$0x3] =	wrdreg s2  }
0xb0: {  	[dreg:$0x4] =	wrdreg $0x7A000  }
0xb1: {  	[dreg:$0x5] =	wrdreg $0xA  }
0xb2: {  	_ =	task.clear_ibuf [dreg:s7], $0x6FFFF;
	_ =	strace $0x90000046  }
0xb3: {  	s29 =	simm.s32 $0xA;
	_ =	strace $0x80000048  }
0xb4: {  	_ =	swait.ge [sflag:s29], $0x1  }
0xb5: {  	[sflag:s29] =	ssyncadd.s32 $0xFFFFFFFF  }
0xb6: {  	_ =	strace $0x90000048  }
0xb7: {  	_ =	sfence  }
0xb8: {  	s30 =	sld [smem:$0x0];
	_ =	sdelay $0x2  }
0xb9: {  	s31 =	sshll.u32 s1, $0xD;
	s1 =	sshrl.u32 s1, $0x2  }
0xba: {  	s3 =	sand.u32 $0x4000, s31;
	s1 =	sadd.s32 s1, s30  }
0xbb: {  	s0 =	sor.u32 s3, s0;
	s1 =	sshll.u32 s1, $0x11  }
0xbc: {  	s0 =	sor.u32 s1, s0  }
0xbd: {  	s0 =	sadd.s32 $0x8F2B, s0  }
0xbe: {  	[sflag:s0] =	ssyncadd.remote.s32 $0x1  }
0xbf: {  	_ =	sfence.sel $0xFFFF  }
0xc0: {  	[dreg:$0x0] =	wrdreg $0xFFFFFFFF;
	(pc) =	sbr.abs _section_cstart, $3  }
0xc1: {  	[dreg:$0x1] =	wrdreg $0xFFFFFFFF  }
0xc2: {  	_ =	task.clear_ibuf [dreg:s7], $0x2FFFF;
	_ =	strace $0x9FFFFFFF  }
0xc3: {  	(tm) =	ssettm $0x7FFFFFFF  }
tec
execute0_lowered:
.L_overlay_start_1:
0x0: {  	(tag) =	ssettag $0x1  }
0x1: {  	s0 =	rddreg [dreg:$0x0]  }
0x2: {  	s1 =	srdreg.scid;
	s2 =	rddreg [dreg:$0x1]  }
0x3: {  	s9 =	stileid.u32;
	s4 =	rddreg [dreg:$0x2];
	s1 =	sand.u32 $0x1, s1  }
0x4: {  	s3 =	sshll.u32 s9, $0x1;
	s8 =	smul.u32 $0x18000, s9;
	s23 =	sshll.u32 s9, $0x9  }
0x5: {  	s5 =	sor.u32 s1, s3;
	s3 =	simm.s32 $0x0;
	s9 =	sadd.s32 s23, s4  }
0x6: {  	[smem:$0x7FF] =	sst s3;
	s30 =	sadd.s32 $0x6000, s9  }
0x7: {  	s31 =	sadd.s32 $0xC000, s9;
	_ =	strace $0x80000047;
	[dreg:$0xb] =	wrdreg s30  }
0x8: {  	s10 =	sadd.s32 $0x1E000, s9;
	[dreg:$0xc] =	wrdreg s31  }
0x9: {  	s11 =	sadd.s32 $0x24000, s9;
	[dreg:$0xf] =	wrdreg s10  }
0xa: {  	s12 =	sadd.s32 $0x2A000, s9;
	[dreg:$0x10] =	wrdreg s11  }
0xb: {  	s13 =	sadd.s32 $0x30000, s9;
	[dreg:$0x11] =	wrdreg s12  }
0xc: {  	s6 =	ssub.s32 $0x2, s1;
	s14 =	sadd.s32 $0x36000, s9;
	[dreg:$0x12] =	wrdreg s13  }
0xd: {  	s1 =	smul.u32 $0x6000, s1;
	s18 =	sadd.s32 $0x3C000, s9;
	[dreg:$0x13] =	wrdreg s14  }
0xe: {  	s22 =	sshrl.u32 s8, $0x2;
	s8 =	sadd.s32 $0x38000, s9;
	[dreg:$0x17] =	wrdreg s18  }
0xf: {  	s7 =	sshrl.u32 s6, $0x1;
	s24 =	sadd.s32 s22, s4;
	[smem:$0x7EA] =	sst s8  }
0x10: {  	s6 =	ssub.s32 s6, s7;
	s7 =	sadd.s32 $0x18000, s9;
	[dreg:$0x8] =	wrdreg s24  }
0x11: {  	s22 =	sadd.s32 $0x4E000, s9;
	[dreg:$0xe] =	wrdreg s7  }
0x12: {  	s1 =	sor.u32 s23, s1;
	s23 =	sadd.s32 $0x54000, s9;
	[dreg:$0x1b] =	wrdreg s22  }
0x13: {  	s30 =	sadd.s32 $0xE000, s9;
	[dreg:$0x1c] =	wrdreg s23  }
0x14: {  	s31 =	sadd.s32 $0x14000, s9;
	[smem:$0x7E3] =	sst s30  }
0x15: {  	s10 =	sadd.s32 $0x3E000, s9;
	[smem:$0x7E4] =	sst s31  }
0x16: {  	s11 =	sadd.s32 $0x44000, s9;
	[smem:$0x7EB] =	sst s10  }
0x17: {  	s12 =	sadd.s32 $0x4A000, s9;
	[smem:$0x7EC] =	sst s11  }
0x18: {  	s13 =	sadd.s32 $0x50000, s9;
	[smem:$0x7ED] =	sst s12  }
0x19: {  	s14 =	sadd.s32 $0x56000, s9;
	[smem:$0x7EE] =	sst s13  }
0x1a: {  	s18 =	sadd.s32 $0x10000, s9;
	[smem:$0x7EF] =	sst s14  }
0x1b: {  	s25 =	sadd.s32 $0x2000, s24;
	[smem:$0x7F3] =	sst s18  }
0x1c: {  	s26 =	sadd.s32 $0x4000, s24;
	[dreg:$0x9] =	wrdreg s25  }
0x1d: {  	s24 =	sadd.s32 $0x5A000, s9;
	[dreg:$0xa] =	wrdreg s26  }
0x1e: {  	s7 =	sadd.s32 $0x32000, s9;
	[dreg:$0x1d] =	wrdreg s24  }
0x1f: {  	s28 =	simm.s32 $0x2;
	s22 =	sadd.s32 $0x28000, s9;
	[smem:$0x7E9] =	sst s7  }
0x20: {  	s5 =	smul.u32 $0xC4, s5;
	s23 =	sadd.s32 $0x2E000, s9;
	[smem:$0x7F7] =	sst s22  }
0x21: {  	s29 =	simm.s32 $0x0;
	s30 =	sadd.s32 $0x46000, s9;
	[smem:$0x7F8] =	sst s23  }
0x22: {  	s5 =	sadd.s32 s5, s0;
	s31 =	sadd.s32 $0x4C000, s9;
	[smem:$0x7FC] =	sst s30  }
0x23: {  	s0 =	sadd.s32 $0x7A00, s0;
	s19 =	sadd.s32 $0x6000, s5;
	[smem:$0x7FD] =	sst s31  }
0x24: {  	s15 =	sadd.s32 $0x2000, s1;
	s20 =	sadd.s32 $0x4600, s5;
	[dreg:$0x4] =	wrdreg s19  }
0x25: {  	s16 =	sadd.s32 $0x4000, s1;
	s21 =	sadd.s32 $0x2C00, s5;
	[dreg:$0x5] =	wrdreg s20  }
0x26: {  	s1 =	sshrl.u32 s1, $0x3;
	s5 =	sadd.s32 $0x1200, s5;
	[dreg:$0x6] =	wrdreg s21  }
0x27: {  	s8 =	simm.s32 $0xF200;
	s1 =	sadd.s32 s0, s1;
	[dreg:$0x7] =	wrdreg s5  }
0x28: {  	s10 =	simm.s32 $0x3A00;
	s25 =	sadd.s32 $0x2000, s9;
	[dreg:$0x14] =	wrdreg s1  }
0x29: {  	s11 =	simm.s32 $0x5A00;
	s26 =	sadd.s32 $0x8000, s9;
	[dreg:$0x1e] =	wrdreg s25  }
0x2a: {  	s4 =	sshrl.u32 s15, $0x3;
	s15 =	sadd.s32 $0x5C000, s9;
	[dreg:$0x1f] =	wrdreg s26  }
0x2b: {  	s12 =	simm.s32 $0x1;
	s24 =	sadd.s32 $0x34000, s9;
	[smem:$0x7F0] =	sst s15  }
0x2c: {  	s13 =	simm.s32 $0xDC00;
	s5 =	sadd.s32 $0x12000, s9;
	[smem:$0x7F9] =	sst s24  }
0x2d: {  	s14 =	simm.s32 $0xDE00;
	s17 =	sadd.s32 s0, s4;
	[dreg:$0xd] =	wrdreg s5  }
0x2e: {  	s18 =	simm.s32 $0xE600;
	s19 =	smax.u32 s6, $0x1;
	[dreg:$0x15] =	wrdreg s17  }
0x2f: {  	s7 =	simm.s32 $0x1A00;
	s20 =	sadd.s32 $0x42000, s9;
	[dreg:$0x18] =	wrdreg s19  }
0x30: {  	s22 =	simm.s32 $0xEE00;
	s21 =	sadd.s32 $0x48000, s9;
	[dreg:$0x19] =	wrdreg s20  }
0x31: {  	s23 =	simm.s32 $0xF000;
	s1 =	sadd.s32 $0x1A000, s9;
	[dreg:$0x1a] =	wrdreg s21  }
0x32: {  	s4 =	sadd.s32 $0x20000, s9;
	s6 =	sadd.s32 $0x2C000, s9;
	[smem:$0x7E5] =	sst s1  }
0x33: {  	s25 =	sadd.s32 $0x3A000, s9;
	s26 =	sadd.s32 $0x40000, s9;
	[smem:$0x7E6] =	sst s4  }
0x34: {  	s15 =	simm.s32 $0xE000;
	s24 =	simm.s32 $0xF400;
	[smem:$0x7E8] =	sst s6  }
0x35: {  	s5 =	sshrl.u32 s16, $0x3;
	s16 =	sadd.s32 $0x4000, s9;
	[smem:$0x7FA] =	sst s25  }
0x36: {  	s17 =	sadd.s32 $0xA000, s9;
	s19 =	sadd.s32 $0x16000, s9;
	[smem:$0x7FB] =	sst s26  }
0x37: {  	s20 =	sadd.s32 $0x1C000, s9;
	s21 =	sadd.s32 $0x22000, s9;
	[smem:$0x7F1] =	sst s16  }
0x38: {  	s4 =	sadd.s32 $0x52000, s9;
	s6 =	sadd.s32 $0x5E000, s9;
	[smem:$0x7F2] =	sst s17  }
0x39: {  	s25 =	simm.s32 $0xF600;
	s26 =	simm.s32 $0xF800;
	[smem:$0x7F4] =	sst s19  }
0x3a: {  	s0 =	sadd.s32 s0, s5;
	s5 =	sadd.s32 $0x26000, s9;
	[smem:$0x7F5] =	sst s20  }
0x3b: {  	[smem:$0x7F6] =	sst s21;
	s16 =	simm.s32 $0xE200;
	s17 =	simm.s32 $0xE400  }
0x3c: {  	s19 =	simm.s32 $0xE800;
	s20 =	simm.s32 $0xEA00;
	[dreg:$0x16] =	wrdreg s0  }
0x3d: {  	s21 =	simm.s32 $0xEC00;
	[smem:$0x7E7] =	sst s5;
	s5 =	sadd.s32 $0x58000, s9  }
.LBB2_1:
0x3e: {  	s0 =	rddreg [dreg:$0x4]  }
0x3f: {  	[tilespmem:s3], [sflag:$0x1] =	stream.linear.gather [hbm4b:s0+s3], $0x620, $0x38;
	[tilespmem:$0x10000] =	vst v63  }
0x40: {  	s31 =	rddreg [dreg:$0x5];
	s1 =	simm.s32 $0x680  }
0x41: {  	[tilespmem:s1], [sflag:$0x1] =	stream.linear.gather [hbm4b:s31+s3], $0x620, $0x38;
	[tilespmem:$0x10000] =	vst v63  }
0x42: {  	s30 =	rddreg [dreg:$0x6];
	s31 =	simm.s32 $0xD00  }
0x43: {  	[tilespmem:s31], [sflag:$0x1] =	stream.linear.gather [hbm4b:s30+s3], $0x620, $0x38;
	[tilespmem:$0x10000] =	vst v63  }
0x44: {  	s30 =	rddreg [dreg:$0x7];
	s31 =	simm.s32 $0x1380  }
0x45: {  	[tilespmem:s31], [sflag:$0x1] =	stream.linear.gather [hbm4b:s30+s3], $0x620, $0x38;
	[tilespmem:$0x10000] =	vst v63  }
0x46: {  	_ = 	snop  }
0x47: {  	[tilespmem:s7], [sflag:$0x1] =	stream.linear.gather [hbm4b:s2+s3], $0x2000, $0x38;
	[tilespmem:$0x10000] =	vst v63  }
0x48: {  	_ = 	snop  }
0x49: {  	[tilespmem:s10], [sflag:$0x1] =	stream.linear.gather [hbm4b:s2+s3], $0x2000, $0x38;
	[tilespmem:$0x10000] =	vst v63  }
0x4a: {  	_ = 	snop  }
0x4b: {  	[tilespmem:s11], [sflag:$0x1] =	stream.linear.gather [hbm4b:s2+s3], $0x2000, $0x38;
	[tilespmem:$0x10000] =	vst v63  }
0x4c: {  	_ =	swait.ge [sflag:s12], $0x620  }
0x4d: {  	[sflag:s12] =	ssyncset.done $0x0  }
0x4e: {  	[sflag:s12] =	ssyncadd.s32 $0xFFFFF9E0  }
0x4f: {  	_ =	swait.ge [sflag:s12], $0x620  }
0x50: {  	[sflag:s12] =	ssyncset.done $0x0  }
0x51: {  	[sflag:s12] =	ssyncadd.s32 $0xFFFFF9E0  }
0x52: {  	_ =	swait.ge [sflag:s12], $0x620  }
0x53: {  	[sflag:s12] =	ssyncset.done $0x0  }
0x54: {  	[sflag:s12] =	ssyncadd.s32 $0xFFFFF9E0  }
0x55: {  	_ =	swait.ge [sflag:s12], $0x620  }
0x56: {  	[sflag:s12] =	ssyncset.done $0x0  }
0x57: {  	[sflag:s12] =	ssyncadd.s32 $0xFFFFF9E0  }
0x58: {  	_ =	swait.ge [sflag:s12], $0x2000  }
0x59: {  	[sflag:s12] =	ssyncset.done $0x0  }
0x5a: {  	[sflag:s12] =	ssyncadd.s32 $0xFFFFE000  }
0x5b: {  	_ =	swait.ge [sflag:s12], $0x2000  }
0x5c: {  	[sflag:s12] =	ssyncset.done $0x0  }
0x5d: {  	[sflag:s12] =	ssyncadd.s32 $0xFFFFE000  }
0x5e: {  	_ =	swait.ge [sflag:s12], $0x2000  }
0x5f: {  	[sflag:s12] =	ssyncset.done $0x0  }
0x60: {  	s30 =	simm.s32 $0x0;
	[sflag:s12] =	ssyncadd.s32 $0xFFFFE000  }
0x61: {  	v0 =	vld [tilespmem:s30+$0x0];
	_ =	sdelay $0x2  }
0x62: {  	v1 =	vld [tilespmem:s30+$0x680];
	_ =	sdelay $0x4  }
0x63: {  	[tilespmem:v0+s7+$0x0] =	vst.idx.add.f32.msk $0xffff, v1  }
0x64: {  	v1 =	vld [tilespmem:s30+$0xD00];
	_ =	sdelay $0x4  }
0x65: {  	[tilespmem:v0+s10+$0x0] =	vst.idx.add.f32.msk $0xffff, v1  }
0x66: {  	s0 =	simm.s32 $0x40;
	s1 =	simm.s32 $0x80;
	v1 =	vld [tilespmem:s30+$0x1380]  }
.LBB2_2:
0x67: {  	_ =	sdelay $0x2  }
0x68: {  	p0 =	sne.s32 s1, $0x1840  }
0x69: {  	s30 =	sshra.s32 s0, $0x2;
	s0 =	smov.u32 s1;
	s1 =	sadd.s32 $0x40, s1;
	[tilespmem:v0+s11+$0x0] =	vst.idx.add.f32.msk $0xffff, v1  }
0x6a: {  	v0 =	vld [tilespmem:s30+$0x0];
	_ =	sdelay $0x2  }
0x6b: {  	v1 =	vld [tilespmem:s30+$0x680];
	_ =	sdelay $0x4  }
0x6c: {  	[tilespmem:v0+s7+$0x0] =	vst.idx.add.f32.msk $0xffff, v1  }
0x6d: {  	v1 =	vld [tilespmem:s30+$0xD00];
	_ =	sdelay $0x1  }
.Ltmp0:
0x6e: {  	(pc) =	sbr.rel @p0 .LBB2_2-.Ltmp0, $3  }
0x6f: {  	_ =	sdelay $0x1  }
0x70: {  	[tilespmem:v0+s10+$0x0] =	vst.idx.add.f32.msk $0xffff, v1  }
0x71: {  	v1 =	vld [tilespmem:s30+$0x1380]  }
0x72: {  	_ =	sdelay $0x3  }
0x73: {  	s0 =	sshra.s32 s0, $0x2;
	[tilespmem:v0+s11+$0x0] =	vst.idx.add.f32.msk $0xffff, v1  }
0x74: {  	v0 =	vld [tilespmem:s0+$0x0];
	_ =	sdelay $0x2  }
0x75: {  	v1 =	vld [tilespmem:s0+$0x680];
	_ =	sdelay $0x4  }
0x76: {  	[tilespmem:v0+s7+$0x0] =	vst.idx.add.f32.msk $0xffff, v1  }
0x77: {  	v1 =	vld [tilespmem:s0+$0xD00];
	_ =	sdelay $0x4  }
0x78: {  	[tilespmem:v0+s10+$0x0] =	vst.idx.add.f32.msk $0xffff, v1  }
0x79: {  	v1 =	vld [tilespmem:s0+$0x1380];
	_ =	sdelay $0x4  }
0x7a: {  	s1 =	rddreg [dreg:$0x8];
	[tilespmem:v0+s11+$0x0] =	vst.idx.add.f32.msk $0xffff, v1  }
0x7b: {  	[spmem:s1] =	stream.linear.scatter [tilespmem:s7], [sflag:$0x1], $0x2000, $0x38;
	[tilespmem:$0x10000] =	vst v63  }
0x7c: {  	s1 =	rddreg [dreg:$0x9]  }
0x7d: {  	[spmem:s1] =	stream.linear.scatter [tilespmem:s10], [sflag:$0x1], $0x2000, $0x38;
	[tilespmem:$0x10000] =	vst v63  }
0x7e: {  	s1 =	rddreg [dreg:$0xa]  }
0x7f: {  	[spmem:s1] =	stream.linear.scatter [tilespmem:s11], [sflag:$0x1], $0x2000, $0x38;
	[tilespmem:$0x10000] =	vst v63  }
0x80: {  	_ =	swait.ge [sflag:s12], $0x2000  }
0x81: {  	[sflag:s12] =	ssyncset.done $0x0  }
0x82: {  	[sflag:s12] =	ssyncadd.s32 $0xFFFFE000  }
0x83: {  	_ =	swait.ge [sflag:s12], $0x2000  }
0x84: {  	[sflag:s12] =	ssyncset.done $0x0  }
0x85: {  	[sflag:s12] =	ssyncadd.s32 $0xFFFFE000  }
0x86: {  	_ =	swait.ge [sflag:s12], $0x2000  }
0x87: {  	[sflag:s12] =	ssyncset.done $0x0  }
0x88: {  	[sflag:s12] =	ssyncadd.s32 $0xFFFFE000  }
0x89: {  	s0 =	simm.s32 $0xDA00;
	[bflag:$0x0] =	sbarrier.arrive $0xFFFF  }
0x8a: {  	[tilespmem:s0], [sflag:$0x1] =	stream.linear.gather [spmem:s9], $0x200, $0x38;
	[tilespmem:$0x10000] =	vst v63  }
0x8b: {  	s1 =	rddreg [dreg:$0xb]  }
0x8c: {  	[tilespmem:s13], [sflag:$0x1] =	stream.linear.gather [spmem:s1], $0x200, $0x38;
	[tilespmem:$0x10000] =	vst v63  }
0x8d: {  	s1 =	rddreg [dreg:$0xc]  }
0x8e: {  	[tilespmem:s14], [sflag:$0x1] =	stream.linear.gather [spmem:s1], $0x200, $0x38;
	[tilespmem:$0x10000] =	vst v63  }
0x8f: {  	s1 =	rddreg [dreg:$0xd]  }
0x90: {  	[tilespmem:s15], [sflag:$0x1] =	stream.linear.gather [spmem:s1], $0x200, $0x38;
	[tilespmem:$0x10000] =	vst v63  }
0x91: {  	s1 =	rddreg [dreg:$0xe]  }
0x92: {  	[tilespmem:s16], [sflag:$0x1] =	stream.linear.gather [spmem:s1], $0x200, $0x38;
	[tilespmem:$0x10000] =	vst v63  }
0x93: {  	s1 =	rddreg [dreg:$0xf]  }
0x94: {  	[tilespmem:s17], [sflag:$0x1] =	stream.linear.gather [spmem:s1], $0x200, $0x38;
	[tilespmem:$0x10000] =	vst v63  }
0x95: {  	s1 =	rddreg [dreg:$0x10]  }
0x96: {  	[tilespmem:s18], [sflag:$0x1] =	stream.linear.gather [spmem:s1], $0x200, $0x38;
	[tilespmem:$0x10000] =	vst v63  }
0x97: {  	s1 =	rddreg [dreg:$0x11]  }
0x98: {  	[tilespmem:s19], [sflag:$0x1] =	stream.linear.gather [spmem:s1], $0x200, $0x38;
	[tilespmem:$0x10000] =	vst v63  }
0x99: {  	s1 =	rddreg [dreg:$0x12]  }
0x9a: {  	[tilespmem:s20], [sflag:$0x1] =	stream.linear.gather [spmem:s1], $0x200, $0x38;
	[tilespmem:$0x10000] =	vst v63  }
0x9b: {  	s1 =	rddreg [dreg:$0x13]  }
0x9c: {  	[tilespmem:s21], [sflag:$0x1] =	stream.linear.gather [spmem:s1], $0x200, $0x38;
	[tilespmem:$0x10000] =	vst v63  }
0x9d: {  	s1 =	rddreg [dreg:$0x17]  }
0x9e: {  	[tilespmem:s22], [sflag:$0x1] =	stream.linear.gather [spmem:s1], $0x200, $0x38;
	[tilespmem:$0x10000] =	vst v63  }
0x9f: {  	s1 =	rddreg [dreg:$0x19]  }
0xa0: {  	[tilespmem:s23], [sflag:$0x1] =	stream.linear.gather [spmem:s1], $0x200, $0x38;
	[tilespmem:$0x10000] =	vst v63  }
0xa1: {  	s1 =	rddreg [dreg:$0x1a]  }
0xa2: {  	[tilespmem:s8], [sflag:$0x1] =	stream.linear.gather [spmem:s1], $0x200, $0x38;
	[tilespmem:$0x10000] =	vst v63  }
0xa3: {  	s1 =	rddreg [dreg:$0x1b]  }
0xa4: {  	[tilespmem:s24], [sflag:$0x1] =	stream.linear.gather [spmem:s1], $0x200, $0x38;
	[tilespmem:$0x10000] =	vst v63  }
0xa5: {  	s1 =	rddreg [dreg:$0x1c]  }
0xa6: {  	[tilespmem:s25], [sflag:$0x1] =	stream.linear.gather [spmem:s1], $0x200, $0x38;
	[tilespmem:$0x10000] =	vst v63  }
0xa7: {  	s1 =	rddreg [dreg:$0x1d]  }
0xa8: {  	[tilespmem:s26], [sflag:$0x1] =	stream.linear.gather [spmem:s1], $0x200, $0x38;
	[tilespmem:$0x10000] =	vst v63  }
0xa9: {  	_ =	swait.ge [sflag:s12], $0x200  }
0xaa: {  	[sflag:s12] =	ssyncset.done $0x0  }
0xab: {  	[sflag:s12] =	ssyncadd.s32 $0xFFFFFE00  }
0xac: {  	_ =	swait.ge [sflag:s12], $0x200  }
0xad: {  	[sflag:s12] =	ssyncset.done $0x0  }
0xae: {  	[sflag:s12] =	ssyncadd.s32 $0xFFFFFE00  }
0xaf: {  	_ =	swait.ge [sflag:s12], $0x200  }
0xb0: {  	[sflag:s12] =	ssyncset.done $0x0  }
0xb1: {  	[sflag:s12] =	ssyncadd.s32 $0xFFFFFE00  }
0xb2: {  	_ =	swait.ge [sflag:s12], $0x200  }
0xb3: {  	[sflag:s12] =	ssyncset.done $0x0  }
0xb4: {  	[sflag:s12] =	ssyncadd.s32 $0xFFFFFE00  }
0xb5: {  	_ =	swait.ge [sflag:s12], $0x200  }
0xb6: {  	[sflag:s12] =	ssyncset.done $0x0  }
0xb7: {  	[sflag:s12] =	ssyncadd.s32 $0xFFFFFE00  }
0xb8: {  	_ =	swait.ge [sflag:s12], $0x200  }
0xb9: {  	[sflag:s12] =	ssyncset.done $0x0  }
0xba: {  	[sflag:s12] =	ssyncadd.s32 $0xFFFFFE00  }
0xbb: {  	_ =	swait.ge [sflag:s12], $0x200  }
0xbc: {  	[sflag:s12] =	ssyncset.done $0x0  }
0xbd: {  	[sflag:s12] =	ssyncadd.s32 $0xFFFFFE00  }
0xbe: {  	_ =	swait.ge [sflag:s12], $0x200  }
0xbf: {  	[sflag:s12] =	ssyncset.done $0x0  }
0xc0: {  	[sflag:s12] =	ssyncadd.s32 $0xFFFFFE00  }
0xc1: {  	_ =	swait.ge [sflag:s12], $0x200  }
0xc2: {  	[sflag:s12] =	ssyncset.done $0x0  }
0xc3: {  	[sflag:s12] =	ssyncadd.s32 $0xFFFFFE00  }
0xc4: {  	_ =	swait.ge [sflag:s12], $0x200  }
0xc5: {  	[sflag:s12] =	ssyncset.done $0x0  }
0xc6: {  	[sflag:s12] =	ssyncadd.s32 $0xFFFFFE00  }
0xc7: {  	_ =	swait.ge [sflag:s12], $0x200  }
0xc8: {  	[sflag:s12] =	ssyncset.done $0x0  }
0xc9: {  	[sflag:s12] =	ssyncadd.s32 $0xFFFFFE00  }
0xca: {  	_ =	swait.ge [sflag:s12], $0x200  }
0xcb: {  	[sflag:s12] =	ssyncset.done $0x0  }
0xcc: {  	[sflag:s12] =	ssyncadd.s32 $0xFFFFFE00  }
0xcd: {  	_ =	swait.ge [sflag:s12], $0x200  }
0xce: {  	[sflag:s12] =	ssyncset.done $0x0  }
0xcf: {  	[sflag:s12] =	ssyncadd.s32 $0xFFFFFE00  }
0xd0: {  	_ =	swait.ge [sflag:s12], $0x200  }
0xd1: {  	[sflag:s12] =	ssyncset.done $0x0  }
0xd2: {  	[sflag:s12] =	ssyncadd.s32 $0xFFFFFE00  }
0xd3: {  	_ =	swait.ge [sflag:s12], $0x200  }
0xd4: {  	[sflag:s12] =	ssyncset.done $0x0  }
0xd5: {  	[sflag:s12] =	ssyncadd.s32 $0xFFFFFE00  }
0xd6: {  	_ =	swait.ge [sflag:s12], $0x200  }
0xd7: {  	s1 =	simm.s32 $0x0;
	[sflag:s12] =	ssyncset.done $0x0  }
0xd8: {  	s1 =	sand.u32 $0x1F0, s1;
	[sflag:s12] =	ssyncadd.s32 $0xFFFFFE00  }
0xd9: {  	v0 =	vld [tilespmem:s1+$0xDC00]  }
0xda: {  	v1 =	vld [tilespmem:s0+$0x0];
	_ =	sdelay $0x1  }
0xdb: {  	v2 =	vld [tilespmem:s1+$0xDE00];
	_ =	sdelay $0x1  }
0xdc: {  	v3 =	vld [tilespmem:s1+$0xE000]  }
0xdd: {  	v0 =	vadd.f32 v0, v1  }
0xde: {  	v1 =	vld [tilespmem:s1+$0xE200]  }
0xdf: {  	v0 =	vadd.f32 v2, v0  }
0xe0: {  	v2 =	vld [tilespmem:s1+$0xE400]  }
0xe1: {  	v0 =	vadd.f32 v3, v0  }
0xe2: {  	v3 =	vld [tilespmem:s1+$0xE600]  }
0xe3: {  	v0 =	vadd.f32 v1, v0  }
0xe4: {  	v1 =	vld [tilespmem:s1+$0xE800]  }
0xe5: {  	v0 =	vadd.f32 v2, v0  }
0xe6: {  	v2 =	vld [tilespmem:s1+$0xEA00]  }
0xe7: {  	v0 =	vadd.f32 v3, v0  }
0xe8: {  	v3 =	vld [tilespmem:s1+$0xEC00]  }
0xe9: {  	v0 =	vadd.f32 v1, v0  }
0xea: {  	v1 =	vld [tilespmem:s1+$0xEE00]  }
0xeb: {  	v0 =	vadd.f32 v2, v0  }
0xec: {  	v2 =	vld [tilespmem:s1+$0xF000]  }
0xed: {  	v0 =	vadd.f32 v3, v0  }
0xee: {  	v3 =	vld [tilespmem:s1+$0xF200]  }
0xef: {  	v0 =	vadd.f32 v1, v0  }
0xf0: {  	v1 =	vld [tilespmem:s1+$0xF400]  }
0xf1: {  	v0 =	vadd.f32 v2, v0  }
0xf2: {  	v2 =	vld [tilespmem:s1+$0xF600]  }
0xf3: {  	v0 =	vadd.f32 v3, v0  }
0xf4: {  	v3 =	vld [tilespmem:s1+$0xF800]  }
0xf5: {  	v0 =	vadd.f32 v1, v0;
	_ =	sdelay $0x1  }
0xf6: {  	v0 =	vadd.f32 v2, v0;
	_ =	sdelay $0x1  }
0xf7: {  	v0 =	vadd.f32 v3, v0  }
0xf8: {  	s30 =	simm.s32 $0xFA00;
	s1 =	simm.s32 $0x10  }
0xf9: {  	s31 =	sand.u32 $0x1F0, s1;
	[tilespmem:s30+$0x0] =	vst v0  }
0xfa: {  	s0 =	simm.s32 $0x20;
	s1 =	simm.s32 $0xDA10;
	v0 =	vld [tilespmem:s31+$0xDC00]  }
.LBB2_4:
0xfb: {  	p0 =	sne.s32 s0, $0x1F0;
	v1 =	vld [tilespmem:s1+$0x0];
	_ =	sdelay $0x1  }
0xfc: {  	v2 =	vld [tilespmem:s31+$0xDE00];
	_ =	sdelay $0x1  }
0xfd: {  	v3 =	vld [tilespmem:s31+$0xE000]  }
0xfe: {  	v0 =	vadd.f32 v0, v1  }
0xff: {  	v1 =	vld [tilespmem:s31+$0xE200]  }
0x100: {  	v0 =	vadd.f32 v2, v0  }
0x101: {  	v2 =	vld [tilespmem:s31+$0xE400]  }
0x102: {  	v0 =	vadd.f32 v3, v0  }
0x103: {  	v3 =	vld [tilespmem:s31+$0xE600]  }
0x104: {  	v0 =	vadd.f32 v1, v0  }
0x105: {  	v1 =	vld [tilespmem:s31+$0xE800]  }
0x106: {  	v0 =	vadd.f32 v2, v0  }
0x107: {  	v2 =	vld [tilespmem:s31+$0xEA00]  }
0x108: {  	v0 =	vadd.f32 v3, v0  }
0x109: {  	v3 =	vld [tilespmem:s31+$0xEC00]  }
0x10a: {  	v0 =	vadd.f32 v1, v0  }
0x10b: {  	v1 =	vld [tilespmem:s31+$0xEE00]  }
0x10c: {  	v0 =	vadd.f32 v2, v0  }
0x10d: {  	v2 =	vld [tilespmem:s31+$0xF000]  }
0x10e: {  	v0 =	vadd.f32 v3, v0  }
0x10f: {  	v3 =	vld [tilespmem:s31+$0xF200]  }
0x110: {  	v0 =	vadd.f32 v1, v0  }
0x111: {  	v1 =	vld [tilespmem:s31+$0xF400]  }
0x112: {  	v0 =	vadd.f32 v2, v0  }
0x113: {  	v2 =	vld [tilespmem:s31+$0xF600]  }
0x114: {  	v0 =	vadd.f32 v3, v0  }
0x115: {  	v3 =	vld [tilespmem:s31+$0xF800]  }
0x116: {  	v0 =	vadd.f32 v1, v0;
	_ =	sdelay $0x1  }
0x117: {  	v0 =	vadd.f32 v2, v0  }
.Ltmp1:
0x118: {  	(pc) =	sbr.rel @p0 .LBB2_4-.Ltmp1, $4  }
0x119: {  	v0 =	vadd.f32 v3, v0  }
0x11a: {  	s30 =	sadd.s32 $0x10, s30  }
0x11b: {  	s31 =	sand.u32 $0x1F0, s0;
	[tilespmem:s30+$0x0] =	vst v0  }
0x11c: {  	s1 =	sadd.s32 $0x10, s1;
	s0 =	sadd.s32 $0x10, s0;
	v0 =	vld [tilespmem:s31+$0xDC00]  }
0x11d: {  	v1 =	vld [tilespmem:s1+$0x0];
	_ =	sdelay $0x1  }
0x11e: {  	v2 =	vld [tilespmem:s31+$0xDE00];
	_ =	sdelay $0x1  }
0x11f: {  	v3 =	vld [tilespmem:s31+$0xE000]  }
0x120: {  	v0 =	vadd.f32 v0, v1  }
0x121: {  	v1 =	vld [tilespmem:s31+$0xE200]  }
0x122: {  	v0 =	vadd.f32 v2, v0  }
0x123: {  	v2 =	vld [tilespmem:s31+$0xE400]  }
0x124: {  	v0 =	vadd.f32 v3, v0  }
0x125: {  	v3 =	vld [tilespmem:s31+$0xE600]  }
0x126: {  	v0 =	vadd.f32 v1, v0  }
0x127: {  	v1 =	vld [tilespmem:s31+$0xE800]  }
0x128: {  	v0 =	vadd.f32 v2, v0  }
0x129: {  	v2 =	vld [tilespmem:s31+$0xEA00]  }
0x12a: {  	v0 =	vadd.f32 v3, v0  }
0x12b: {  	v3 =	vld [tilespmem:s31+$0xEC00]  }
0x12c: {  	v0 =	vadd.f32 v1, v0  }
0x12d: {  	v1 =	vld [tilespmem:s31+$0xEE00]  }
0x12e: {  	v0 =	vadd.f32 v2, v0  }
0x12f: {  	v2 =	vld [tilespmem:s31+$0xF000]  }
0x130: {  	v0 =	vadd.f32 v3, v0  }
0x131: {  	v3 =	vld [tilespmem:s31+$0xF200]  }
0x132: {  	v0 =	vadd.f32 v1, v0  }
0x133: {  	v1 =	vld [tilespmem:s31+$0xF400]  }
0x134: {  	v0 =	vadd.f32 v2, v0  }
0x135: {  	v2 =	vld [tilespmem:s31+$0xF600]  }
0x136: {  	v0 =	vadd.f32 v3, v0  }
0x137: {  	v3 =	vld [tilespmem:s31+$0xF800]  }
0x138: {  	v0 =	vadd.f32 v1, v0;
	_ =	sdelay $0x1  }
0x139: {  	v0 =	vadd.f32 v2, v0;
	_ =	sdelay $0x1  }
0x13a: {  	v0 =	vadd.f32 v3, v0  }
0x13b: {  	s0 =	sadd.s32 $0x10, s30  }
0x13c: {  	s1 =	rddreg [dreg:$0x14];
	s30 =	simm.s32 $0xFA00;
	[tilespmem:s0+$0x0] =	vst v0;
	s0 =	simm.s32 $0x0  }
0x13d: {  	[hbm4b:s1+s0] =	stream.linear.scatter [tilespmem:s30], [sflag:$0x2], $0x200, $0x38;
	[tilespmem:$0x10000] =	vst v63  }
0x13e: {  	_ =	swait.ge [sflag:s28], $0x200  }
0x13f: {  	[sflag:s28] =	ssyncset.done $0x0  }
0x140: {  	s1 =	simm.s32 $0xDA00;
	s30 =	rddreg [dreg:$0x1e];
	[sflag:s28] =	ssyncadd.s32 $0xFFFFFE00  }
0x141: {  	[tilespmem:s1], [sflag:$0x1] =	stream.linear.gather [spmem:s30], $0x200, $0x38;
	[tilespmem:$0x10000] =	vst v63  }
0x142: {  	s30 =	rddreg [dreg:$0x1f]  }
0x143: {  	[tilespmem:s13], [sflag:$0x1] =	stream.linear.gather [spmem:s30], $0x200, $0x38;
	[tilespmem:$0x10000] =	vst v63  }
0x144: {  	s30 =	sld [smem:$0x7E3];
	_ =	sdelay $0x2  }
0x145: {  	[tilespmem:s14], [sflag:$0x1] =	stream.linear.gather [spmem:s30], $0x200, $0x38;
	[tilespmem:$0x10000] =	vst v63  }
0x146: {  	s30 =	sld [smem:$0x7E4];
	_ =	sdelay $0x2  }
0x147: {  	[tilespmem:s15], [sflag:$0x1] =	stream.linear.gather [spmem:s30], $0x200, $0x38;
	[tilespmem:$0x10000] =	vst v63  }
0x148: {  	s30 =	sld [smem:$0x7E5];
	_ =	sdelay $0x2  }
0x149: {  	[tilespmem:s16], [sflag:$0x1] =	stream.linear.gather [spmem:s30], $0x200, $0x38;
	[tilespmem:$0x10000] =	vst v63  }
0x14a: {  	s30 =	sld [smem:$0x7E6];
	_ =	sdelay $0x2  }
0x14b: {  	[tilespmem:s17], [sflag:$0x1] =	stream.linear.gather [spmem:s30], $0x200, $0x38;
	[tilespmem:$0x10000] =	vst v63  }
0x14c: {  	s30 =	sld [smem:$0x7E7];
	_ =	sdelay $0x2  }
0x14d: {  	[tilespmem:s18], [sflag:$0x1] =	stream.linear.gather [spmem:s30], $0x200, $0x38;
	[tilespmem:$0x10000] =	vst v63  }
0x14e: {  	s30 =	sld [smem:$0x7E8];
	_ =	sdelay $0x2  }
0x14f: {  	[tilespmem:s19], [sflag:$0x1] =	stream.linear.gather [spmem:s30], $0x200, $0x38;
	[tilespmem:$0x10000] =	vst v63  }
0x150: {  	s30 =	sld [smem:$0x7E9];
	_ =	sdelay $0x2  }
0x151: {  	[tilespmem:s20], [sflag:$0x1] =	stream.linear.gather [spmem:s30], $0x200, $0x38;
	[tilespmem:$0x10000] =	vst v63  }
0x152: {  	s30 =	sld [smem:$0x7EA];
	_ =	sdelay $0x2  }
0x153: {  	[tilespmem:s21], [sflag:$0x1] =	stream.linear.gather [spmem:s30], $0x200, $0x38;
	[tilespmem:$0x10000] =	vst v63  }
0x154: {  	s30 =	sld [smem:$0x7EB];
	_ =	sdelay $0x2  }
0x155: {  	[tilespmem:s22], [sflag:$0x1] =	stream.linear.gather [spmem:s30], $0x200, $0x38;
	[tilespmem:$0x10000] =	vst v63  }
0x156: {  	s30 =	sld [smem:$0x7EC];
	_ =	sdelay $0x2  }
0x157: {  	[tilespmem:s23], [sflag:$0x1] =	stream.linear.gather [spmem:s30], $0x200, $0x38;
	[tilespmem:$0x10000] =	vst v63  }
0x158: {  	s30 =	sld [smem:$0x7ED];
	_ =	sdelay $0x2  }
0x159: {  	[tilespmem:s8], [sflag:$0x1] =	stream.linear.gather [spmem:s30], $0x200, $0x38;
	[tilespmem:$0x10000] =	vst v63  }
0x15a: {  	s30 =	sld [smem:$0x7EE];
	_ =	sdelay $0x2  }
0x15b: {  	[tilespmem:s24], [sflag:$0x1] =	stream.linear.gather [spmem:s30], $0x200, $0x38;
	[tilespmem:$0x10000] =	vst v63  }
0x15c: {  	s30 =	sld [smem:$0x7EF];
	_ =	sdelay $0x2  }
0x15d: {  	[tilespmem:s25], [sflag:$0x1] =	stream.linear.gather [spmem:s30], $0x200, $0x38;
	[tilespmem:$0x10000] =	vst v63  }
0x15e: {  	s30 =	sld [smem:$0x7F0];
	_ =	sdelay $0x2  }
0x15f: {  	[tilespmem:s26], [sflag:$0x1] =	stream.linear.gather [spmem:s30], $0x200, $0x38;
	[tilespmem:$0x10000] =	vst v63  }
0x160: {  	_ =	swait.ge [sflag:s12], $0x200  }
0x161: {  	[sflag:s12] =	ssyncset.done $0x0  }
0x162: {  	[sflag:s12] =	ssyncadd.s32 $0xFFFFFE00  }
0x163: {  	_ =	swait.ge [sflag:s12], $0x200  }
0x164: {  	[sflag:s12] =	ssyncset.done $0x0  }
0x165: {  	[sflag:s12] =	ssyncadd.s32 $0xFFFFFE00  }
0x166: {  	_ =	swait.ge [sflag:s12], $0x200  }
0x167: {  	[sflag:s12] =	ssyncset.done $0x0  }
0x168: {  	[sflag:s12] =	ssyncadd.s32 $0xFFFFFE00  }
0x169: {  	_ =	swait.ge [sflag:s12], $0x200  }
0x16a: {  	[sflag:s12] =	ssyncset.done $0x0  }
0x16b: {  	[sflag:s12] =	ssyncadd.s32 $0xFFFFFE00  }
0x16c: {  	_ =	swait.ge [sflag:s12], $0x200  }
0x16d: {  	[sflag:s12] =	ssyncset.done $0x0  }
0x16e: {  	[sflag:s12] =	ssyncadd.s32 $0xFFFFFE00  }
0x16f: {  	_ =	swait.ge [sflag:s12], $0x200  }
0x170: {  	[sflag:s12] =	ssyncset.done $0x0  }
0x171: {  	[sflag:s12] =	ssyncadd.s32 $0xFFFFFE00  }
0x172: {  	_ =	swait.ge [sflag:s12], $0x200  }
0x173: {  	[sflag:s12] =	ssyncset.done $0x0  }
0x174: {  	[sflag:s12] =	ssyncadd.s32 $0xFFFFFE00  }
0x175: {  	_ =	swait.ge [sflag:s12], $0x200  }
0x176: {  	[sflag:s12] =	ssyncset.done $0x0  }
0x177: {  	[sflag:s12] =	ssyncadd.s32 $0xFFFFFE00  }
0x178: {  	_ =	swait.ge [sflag:s12], $0x200  }
0x179: {  	[sflag:s12] =	ssyncset.done $0x0  }
0x17a: {  	[sflag:s12] =	ssyncadd.s32 $0xFFFFFE00  }
0x17b: {  	_ =	swait.ge [sflag:s12], $0x200  }
0x17c: {  	[sflag:s12] =	ssyncset.done $0x0  }
0x17d: {  	[sflag:s12] =	ssyncadd.s32 $0xFFFFFE00  }
0x17e: {  	_ =	swait.ge [sflag:s12], $0x200  }
0x17f: {  	[sflag:s12] =	ssyncset.done $0x0  }
0x180: {  	[sflag:s12] =	ssyncadd.s32 $0xFFFFFE00  }
0x181: {  	_ =	swait.ge [sflag:s12], $0x200  }
0x182: {  	[sflag:s12] =	ssyncset.done $0x0  }
0x183: {  	[sflag:s12] =	ssyncadd.s32 $0xFFFFFE00  }
0x184: {  	_ =	swait.ge [sflag:s12], $0x200  }
0x185: {  	[sflag:s12] =	ssyncset.done $0x0  }
0x186: {  	[sflag:s12] =	ssyncadd.s32 $0xFFFFFE00  }
0x187: {  	_ =	swait.ge [sflag:s12], $0x200  }
0x188: {  	[sflag:s12] =	ssyncset.done $0x0  }
0x189: {  	[sflag:s12] =	ssyncadd.s32 $0xFFFFFE00  }
0x18a: {  	_ =	swait.ge [sflag:s12], $0x200  }
0x18b: {  	[sflag:s12] =	ssyncset.done $0x0  }
0x18c: {  	[sflag:s12] =	ssyncadd.s32 $0xFFFFFE00  }
0x18d: {  	_ =	swait.ge [sflag:s12], $0x200  }
0x18e: {  	[sflag:s12] =	ssyncset.done $0x0  }
0x18f: {  	s0 =	sand.u32 $0x1F0, s0;
	[sflag:s12] =	ssyncadd.s32 $0xFFFFFE00  }
0x190: {  	v0 =	vld [tilespmem:s0+$0xDC00]  }
0x191: {  	v1 =	vld [tilespmem:s1+$0x0];
	_ =	sdelay $0x1  }
0x192: {  	v2 =	vld [tilespmem:s0+$0xDE00];
	_ =	sdelay $0x1  }
0x193: {  	v3 =	vld [tilespmem:s0+$0xE000]  }
0x194: {  	v0 =	vadd.f32 v0, v1  }
0x195: {  	v1 =	vld [tilespmem:s0+$0xE200]  }
0x196: {  	v0 =	vadd.f32 v2, v0  }
0x197: {  	v2 =	vld [tilespmem:s0+$0xE400]  }
0x198: {  	v0 =	vadd.f32 v3, v0  }
0x199: {  	v3 =	vld [tilespmem:s0+$0xE600]  }
0x19a: {  	v0 =	vadd.f32 v1, v0  }
0x19b: {  	v1 =	vld [tilespmem:s0+$0xE800]  }
0x19c: {  	v0 =	vadd.f32 v2, v0  }
0x19d: {  	v2 =	vld [tilespmem:s0+$0xEA00]  }
0x19e: {  	v0 =	vadd.f32 v3, v0  }
0x19f: {  	v3 =	vld [tilespmem:s0+$0xEC00]  }
0x1a0: {  	v0 =	vadd.f32 v1, v0  }
0x1a1: {  	v1 =	vld [tilespmem:s0+$0xEE00]  }
0x1a2: {  	v0 =	vadd.f32 v2, v0  }
0x1a3: {  	v2 =	vld [tilespmem:s0+$0xF000]  }
0x1a4: {  	v0 =	vadd.f32 v3, v0  }
0x1a5: {  	v3 =	vld [tilespmem:s0+$0xF200]  }
0x1a6: {  	v0 =	vadd.f32 v1, v0  }
0x1a7: {  	v1 =	vld [tilespmem:s0+$0xF400]  }
0x1a8: {  	v0 =	vadd.f32 v2, v0  }
0x1a9: {  	v2 =	vld [tilespmem:s0+$0xF600]  }
0x1aa: {  	v0 =	vadd.f32 v3, v0  }
0x1ab: {  	v3 =	vld [tilespmem:s0+$0xF800]  }
0x1ac: {  	v0 =	vadd.f32 v1, v0;
	_ =	sdelay $0x1  }
0x1ad: {  	v0 =	vadd.f32 v2, v0;
	_ =	sdelay $0x1  }
0x1ae: {  	v0 =	vadd.f32 v3, v0  }
0x1af: {  	s30 =	simm.s32 $0xFC00;
	s1 =	simm.s32 $0x10  }
0x1b0: {  	s31 =	sand.u32 $0x1F0, s1;
	[tilespmem:s30+$0x0] =	vst v0  }
0x1b1: {  	s1 =	simm.s32 $0xDA10;
	s0 =	simm.s32 $0x20;
	v0 =	vld [tilespmem:s31+$0xDC00]  }
.LBB2_6:
0x1b2: {  	p0 =	sne.s32 s0, $0x1F0;
	v1 =	vld [tilespmem:s1+$0x0];
	_ =	sdelay $0x1  }
0x1b3: {  	v2 =	vld [tilespmem:s31+$0xDE00];
	_ =	sdelay $0x1  }
0x1b4: {  	v3 =	vld [tilespmem:s31+$0xE000]  }
0x1b5: {  	v0 =	vadd.f32 v0, v1  }
0x1b6: {  	v1 =	vld [tilespmem:s31+$0xE200]  }
0x1b7: {  	v0 =	vadd.f32 v2, v0  }
0x1b8: {  	v2 =	vld [tilespmem:s31+$0xE400]  }
0x1b9: {  	v0 =	vadd.f32 v3, v0  }
0x1ba: {  	v3 =	vld [tilespmem:s31+$0xE600]  }
0x1bb: {  	v0 =	vadd.f32 v1, v0  }
0x1bc: {  	v1 =	vld [tilespmem:s31+$0xE800]  }
0x1bd: {  	v0 =	vadd.f32 v2, v0  }
0x1be: {  	v2 =	vld [tilespmem:s31+$0xEA00]  }
0x1bf: {  	v0 =	vadd.f32 v3, v0  }
0x1c0: {  	v3 =	vld [tilespmem:s31+$0xEC00]  }
0x1c1: {  	v0 =	vadd.f32 v1, v0  }
0x1c2: {  	v1 =	vld [tilespmem:s31+$0xEE00]  }
0x1c3: {  	v0 =	vadd.f32 v2, v0  }
0x1c4: {  	v2 =	vld [tilespmem:s31+$0xF000]  }
0x1c5: {  	v0 =	vadd.f32 v3, v0  }
0x1c6: {  	v3 =	vld [tilespmem:s31+$0xF200]  }
0x1c7: {  	v0 =	vadd.f32 v1, v0  }
0x1c8: {  	v1 =	vld [tilespmem:s31+$0xF400]  }
0x1c9: {  	v0 =	vadd.f32 v2, v0  }
0x1ca: {  	v2 =	vld [tilespmem:s31+$0xF600]  }
0x1cb: {  	v0 =	vadd.f32 v3, v0  }
0x1cc: {  	v3 =	vld [tilespmem:s31+$0xF800]  }
0x1cd: {  	v0 =	vadd.f32 v1, v0;
	_ =	sdelay $0x1  }
0x1ce: {  	v0 =	vadd.f32 v2, v0  }
.Ltmp2:
0x1cf: {  	(pc) =	sbr.rel @p0 .LBB2_6-.Ltmp2, $4  }
0x1d0: {  	v0 =	vadd.f32 v3, v0  }
0x1d1: {  	s30 =	sadd.s32 $0x10, s30  }
0x1d2: {  	s31 =	sand.u32 $0x1F0, s0;
	[tilespmem:s30+$0x0] =	vst v0  }
0x1d3: {  	s1 =	sadd.s32 $0x10, s1;
	s0 =	sadd.s32 $0x10, s0;
	v0 =	vld [tilespmem:s31+$0xDC00]  }
0x1d4: {  	v1 =	vld [tilespmem:s1+$0x0];
	_ =	sdelay $0x1  }
0x1d5: {  	v2 =	vld [tilespmem:s31+$0xDE00];
	_ =	sdelay $0x1  }
0x1d6: {  	v3 =	vld [tilespmem:s31+$0xE000]  }
0x1d7: {  	v0 =	vadd.f32 v0, v1  }
0x1d8: {  	v1 =	vld [tilespmem:s31+$0xE200]  }
0x1d9: {  	v0 =	vadd.f32 v2, v0  }
0x1da: {  	v2 =	vld [tilespmem:s31+$0xE400]  }
0x1db: {  	v0 =	vadd.f32 v3, v0  }
0x1dc: {  	v3 =	vld [tilespmem:s31+$0xE600]  }
0x1dd: {  	v0 =	vadd.f32 v1, v0  }
0x1de: {  	v1 =	vld [tilespmem:s31+$0xE800]  }
0x1df: {  	v0 =	vadd.f32 v2, v0  }
0x1e0: {  	v2 =	vld [tilespmem:s31+$0xEA00]  }
0x1e1: {  	v0 =	vadd.f32 v3, v0  }
0x1e2: {  	v3 =	vld [tilespmem:s31+$0xEC00]  }
0x1e3: {  	v0 =	vadd.f32 v1, v0  }
0x1e4: {  	v1 =	vld [tilespmem:s31+$0xEE00]  }
0x1e5: {  	v0 =	vadd.f32 v2, v0  }
0x1e6: {  	v2 =	vld [tilespmem:s31+$0xF000]  }
0x1e7: {  	v0 =	vadd.f32 v3, v0  }
0x1e8: {  	v3 =	vld [tilespmem:s31+$0xF200]  }
0x1e9: {  	v0 =	vadd.f32 v1, v0  }
0x1ea: {  	v1 =	vld [tilespmem:s31+$0xF400]  }
0x1eb: {  	v0 =	vadd.f32 v2, v0  }
0x1ec: {  	v2 =	vld [tilespmem:s31+$0xF600]  }
0x1ed: {  	v0 =	vadd.f32 v3, v0  }
0x1ee: {  	v3 =	vld [tilespmem:s31+$0xF800]  }
0x1ef: {  	v0 =	vadd.f32 v1, v0;
	_ =	sdelay $0x1  }
0x1f0: {  	v0 =	vadd.f32 v2, v0;
	_ =	sdelay $0x1  }
0x1f1: {  	v0 =	vadd.f32 v3, v0  }
0x1f2: {  	s0 =	sadd.s32 $0x10, s30  }
0x1f3: {  	s1 =	rddreg [dreg:$0x15];
	s30 =	simm.s32 $0xFC00;
	[tilespmem:s0+$0x0] =	vst v0;
	s0 =	simm.s32 $0x0  }
0x1f4: {  	[hbm4b:s1+s0] =	stream.linear.scatter [tilespmem:s30], [sflag:$0x2], $0x200, $0x38;
	[tilespmem:$0x10000] =	vst v63  }
0x1f5: {  	_ =	swait.ge [sflag:s28], $0x200  }
0x1f6: {  	s30 =	sld [smem:$0x7F1]  }
0x1f7: {  	[sflag:s28] =	ssyncset.done $0x0  }
0x1f8: {  	s1 =	simm.s32 $0xDA00;
	[sflag:s28] =	ssyncadd.s32 $0xFFFFFE00  }
0x1f9: {  	[tilespmem:s1], [sflag:$0x1] =	stream.linear.gather [spmem:s30], $0x200, $0x38;
	[tilespmem:$0x10000] =	vst v63  }
0x1fa: {  	s30 =	sld [smem:$0x7F2];
	_ =	sdelay $0x2  }
0x1fb: {  	[tilespmem:s13], [sflag:$0x1] =	stream.linear.gather [spmem:s30], $0x200, $0x38;
	[tilespmem:$0x10000] =	vst v63  }
0x1fc: {  	s30 =	sld [smem:$0x7F3];
	_ =	sdelay $0x2  }
0x1fd: {  	[tilespmem:s14], [sflag:$0x1] =	stream.linear.gather [spmem:s30], $0x200, $0x38;
	[tilespmem:$0x10000] =	vst v63  }
0x1fe: {  	s30 =	sld [smem:$0x7F4];
	_ =	sdelay $0x2  }
0x1ff: {  	[tilespmem:s15], [sflag:$0x1] =	stream.linear.gather [spmem:s30], $0x200, $0x38;
	[tilespmem:$0x10000] =	vst v63  }
0x200: {  	s30 =	sld [smem:$0x7F5];
	_ =	sdelay $0x2  }
0x201: {  	[tilespmem:s16], [sflag:$0x1] =	stream.linear.gather [spmem:s30], $0x200, $0x38;
	[tilespmem:$0x10000] =	vst v63  }
0x202: {  	s30 =	sld [smem:$0x7F6];
	_ =	sdelay $0x2  }
0x203: {  	[tilespmem:s17], [sflag:$0x1] =	stream.linear.gather [spmem:s30], $0x200, $0x38;
	[tilespmem:$0x10000] =	vst v63  }
0x204: {  	s30 =	sld [smem:$0x7F7];
	_ =	sdelay $0x2  }
0x205: {  	[tilespmem:s18], [sflag:$0x1] =	stream.linear.gather [spmem:s30], $0x200, $0x38;
	[tilespmem:$0x10000] =	vst v63  }
0x206: {  	s30 =	sld [smem:$0x7F8];
	_ =	sdelay $0x2  }
0x207: {  	[tilespmem:s19], [sflag:$0x1] =	stream.linear.gather [spmem:s30], $0x200, $0x38;
	[tilespmem:$0x10000] =	vst v63  }
0x208: {  	s30 =	sld [smem:$0x7F9];
	_ =	sdelay $0x2  }
0x209: {  	[tilespmem:s20], [sflag:$0x1] =	stream.linear.gather [spmem:s30], $0x200, $0x38;
	[tilespmem:$0x10000] =	vst v63  }
0x20a: {  	s30 =	sld [smem:$0x7FA];
	_ =	sdelay $0x2  }
0x20b: {  	[tilespmem:s21], [sflag:$0x1] =	stream.linear.gather [spmem:s30], $0x200, $0x38;
	[tilespmem:$0x10000] =	vst v63  }
0x20c: {  	s30 =	sld [smem:$0x7FB];
	_ =	sdelay $0x2  }
0x20d: {  	[tilespmem:s22], [sflag:$0x1] =	stream.linear.gather [spmem:s30], $0x200, $0x38;
	[tilespmem:$0x10000] =	vst v63  }
0x20e: {  	s30 =	sld [smem:$0x7FC];
	_ =	sdelay $0x2  }
0x20f: {  	[tilespmem:s23], [sflag:$0x1] =	stream.linear.gather [spmem:s30], $0x200, $0x38;
	[tilespmem:$0x10000] =	vst v63  }
0x210: {  	s30 =	sld [smem:$0x7FD];
	_ =	sdelay $0x2  }
0x211: {  	[tilespmem:s8], [sflag:$0x1] =	stream.linear.gather [spmem:s30], $0x200, $0x38;
	[tilespmem:$0x10000] =	vst v63  }
0x212: {  	_ = 	snop  }
0x213: {  	[tilespmem:s24], [sflag:$0x1] =	stream.linear.gather [spmem:s4], $0x200, $0x38;
	[tilespmem:$0x10000] =	vst v63  }
0x214: {  	_ = 	snop  }
0x215: {  	[tilespmem:s25], [sflag:$0x1] =	stream.linear.gather [spmem:s5], $0x200, $0x38;
	[tilespmem:$0x10000] =	vst v63  }
0x216: {  	_ = 	snop  }
0x217: {  	[tilespmem:s26], [sflag:$0x1] =	stream.linear.gather [spmem:s6], $0x200, $0x38;
	[tilespmem:$0x10000] =	vst v63  }
0x218: {  	_ =	swait.ge [sflag:s12], $0x200  }
0x219: {  	[sflag:s12] =	ssyncset.done $0x0  }
0x21a: {  	[sflag:s12] =	ssyncadd.s32 $0xFFFFFE00  }
0x21b: {  	_ =	swait.ge [sflag:s12], $0x200  }
0x21c: {  	[sflag:s12] =	ssyncset.done $0x0  }
0x21d: {  	[sflag:s12] =	ssyncadd.s32 $0xFFFFFE00  }
0x21e: {  	_ =	swait.ge [sflag:s12], $0x200  }
0x21f: {  	[sflag:s12] =	ssyncset.done $0x0  }
0x220: {  	[sflag:s12] =	ssyncadd.s32 $0xFFFFFE00  }
0x221: {  	_ =	swait.ge [sflag:s12], $0x200  }
0x222: {  	[sflag:s12] =	ssyncset.done $0x0  }
0x223: {  	[sflag:s12] =	ssyncadd.s32 $0xFFFFFE00  }
0x224: {  	_ =	swait.ge [sflag:s12], $0x200  }
0x225: {  	[sflag:s12] =	ssyncset.done $0x0  }
0x226: {  	[sflag:s12] =	ssyncadd.s32 $0xFFFFFE00  }
0x227: {  	_ =	swait.ge [sflag:s12], $0x200  }
0x228: {  	[sflag:s12] =	ssyncset.done $0x0  }
0x229: {  	[sflag:s12] =	ssyncadd.s32 $0xFFFFFE00  }
0x22a: {  	_ =	swait.ge [sflag:s12], $0x200  }
0x22b: {  	[sflag:s12] =	ssyncset.done $0x0  }
0x22c: {  	[sflag:s12] =	ssyncadd.s32 $0xFFFFFE00  }
0x22d: {  	_ =	swait.ge [sflag:s12], $0x200  }
0x22e: {  	[sflag:s12] =	ssyncset.done $0x0  }
0x22f: {  	[sflag:s12] =	ssyncadd.s32 $0xFFFFFE00  }
0x230: {  	_ =	swait.ge [sflag:s12], $0x200  }
0x231: {  	[sflag:s12] =	ssyncset.done $0x0  }
0x232: {  	[sflag:s12] =	ssyncadd.s32 $0xFFFFFE00  }
0x233: {  	_ =	swait.ge [sflag:s12], $0x200  }
0x234: {  	[sflag:s12] =	ssyncset.done $0x0  }
0x235: {  	[sflag:s12] =	ssyncadd.s32 $0xFFFFFE00  }
0x236: {  	_ =	swait.ge [sflag:s12], $0x200  }
0x237: {  	[sflag:s12] =	ssyncset.done $0x0  }
0x238: {  	[sflag:s12] =	ssyncadd.s32 $0xFFFFFE00  }
0x239: {  	_ =	swait.ge [sflag:s12], $0x200  }
0x23a: {  	[sflag:s12] =	ssyncset.done $0x0  }
0x23b: {  	[sflag:s12] =	ssyncadd.s32 $0xFFFFFE00  }
0x23c: {  	_ =	swait.ge [sflag:s12], $0x200  }
0x23d: {  	[sflag:s12] =	ssyncset.done $0x0  }
0x23e: {  	[sflag:s12] =	ssyncadd.s32 $0xFFFFFE00  }
0x23f: {  	_ =	swait.ge [sflag:s12], $0x200  }
0x240: {  	[sflag:s12] =	ssyncset.done $0x0  }
0x241: {  	[sflag:s12] =	ssyncadd.s32 $0xFFFFFE00  }
0x242: {  	_ =	swait.ge [sflag:s12], $0x200  }
0x243: {  	[sflag:s12] =	ssyncset.done $0x0  }
0x244: {  	[sflag:s12] =	ssyncadd.s32 $0xFFFFFE00  }
0x245: {  	_ =	swait.ge [sflag:s12], $0x200  }
0x246: {  	[sflag:s12] =	ssyncset.done $0x0  }
0x247: {  	s0 =	sand.u32 $0x1F0, s0;
	[sflag:s12] =	ssyncadd.s32 $0xFFFFFE00  }
0x248: {  	v0 =	vld [tilespmem:s0+$0xDC00]  }
0x249: {  	v1 =	vld [tilespmem:s1+$0x0];
	_ =	sdelay $0x1  }
0x24a: {  	v2 =	vld [tilespmem:s0+$0xDE00];
	_ =	sdelay $0x1  }
0x24b: {  	v3 =	vld [tilespmem:s0+$0xE000]  }
0x24c: {  	v0 =	vadd.f32 v0, v1  }
0x24d: {  	v1 =	vld [tilespmem:s0+$0xE200]  }
0x24e: {  	v0 =	vadd.f32 v2, v0  }
0x24f: {  	v2 =	vld [tilespmem:s0+$0xE400]  }
0x250: {  	v0 =	vadd.f32 v3, v0  }
0x251: {  	v3 =	vld [tilespmem:s0+$0xE600]  }
0x252: {  	v0 =	vadd.f32 v1, v0  }
0x253: {  	v1 =	vld [tilespmem:s0+$0xE800]  }
0x254: {  	v0 =	vadd.f32 v2, v0  }
0x255: {  	v2 =	vld [tilespmem:s0+$0xEA00]  }
0x256: {  	v0 =	vadd.f32 v3, v0  }
0x257: {  	v3 =	vld [tilespmem:s0+$0xEC00]  }
0x258: {  	v0 =	vadd.f32 v1, v0  }
0x259: {  	v1 =	vld [tilespmem:s0+$0xEE00]  }
0x25a: {  	v0 =	vadd.f32 v2, v0  }
0x25b: {  	v2 =	vld [tilespmem:s0+$0xF000]  }
0x25c: {  	v0 =	vadd.f32 v3, v0  }
0x25d: {  	v3 =	vld [tilespmem:s0+$0xF200]  }
0x25e: {  	v0 =	vadd.f32 v1, v0  }
0x25f: {  	v1 =	vld [tilespmem:s0+$0xF400]  }
0x260: {  	v0 =	vadd.f32 v2, v0  }
0x261: {  	v2 =	vld [tilespmem:s0+$0xF600]  }
0x262: {  	v0 =	vadd.f32 v3, v0  }
0x263: {  	v3 =	vld [tilespmem:s0+$0xF800]  }
0x264: {  	v0 =	vadd.f32 v1, v0;
	_ =	sdelay $0x1  }
0x265: {  	v0 =	vadd.f32 v2, v0;
	_ =	sdelay $0x1  }
0x266: {  	v0 =	vadd.f32 v3, v0  }
0x267: {  	s30 =	simm.s32 $0xFE00;
	s1 =	simm.s32 $0x10  }
0x268: {  	s31 =	sand.u32 $0x1F0, s1;
	[tilespmem:s30+$0x0] =	vst v0  }
0x269: {  	s1 =	simm.s32 $0xDA10;
	s0 =	simm.s32 $0x20;
	v0 =	vld [tilespmem:s31+$0xDC00]  }
.LBB2_8:
0x26a: {  	p0 =	sne.s32 s0, $0x1F0;
	v1 =	vld [tilespmem:s1+$0x0];
	_ =	sdelay $0x1  }
0x26b: {  	v2 =	vld [tilespmem:s31+$0xDE00];
	_ =	sdelay $0x1  }
0x26c: {  	v3 =	vld [tilespmem:s31+$0xE000]  }
0x26d: {  	v0 =	vadd.f32 v0, v1  }
0x26e: {  	v1 =	vld [tilespmem:s31+$0xE200]  }
0x26f: {  	v0 =	vadd.f32 v2, v0  }
0x270: {  	v2 =	vld [tilespmem:s31+$0xE400]  }
0x271: {  	v0 =	vadd.f32 v3, v0  }
0x272: {  	v3 =	vld [tilespmem:s31+$0xE600]  }
0x273: {  	v0 =	vadd.f32 v1, v0  }
0x274: {  	v1 =	vld [tilespmem:s31+$0xE800]  }
0x275: {  	v0 =	vadd.f32 v2, v0  }
0x276: {  	v2 =	vld [tilespmem:s31+$0xEA00]  }
0x277: {  	v0 =	vadd.f32 v3, v0  }
0x278: {  	v3 =	vld [tilespmem:s31+$0xEC00]  }
0x279: {  	v0 =	vadd.f32 v1, v0  }
0x27a: {  	v1 =	vld [tilespmem:s31+$0xEE00]  }
0x27b: {  	v0 =	vadd.f32 v2, v0  }
0x27c: {  	v2 =	vld [tilespmem:s31+$0xF000]  }
0x27d: {  	v0 =	vadd.f32 v3, v0  }
0x27e: {  	v3 =	vld [tilespmem:s31+$0xF200]  }
0x27f: {  	v0 =	vadd.f32 v1, v0  }
0x280: {  	v1 =	vld [tilespmem:s31+$0xF400]  }
0x281: {  	v0 =	vadd.f32 v2, v0  }
0x282: {  	v2 =	vld [tilespmem:s31+$0xF600]  }
0x283: {  	v0 =	vadd.f32 v3, v0  }
0x284: {  	v3 =	vld [tilespmem:s31+$0xF800]  }
0x285: {  	v0 =	vadd.f32 v1, v0;
	_ =	sdelay $0x1  }
0x286: {  	v0 =	vadd.f32 v2, v0  }
.Ltmp3:
0x287: {  	(pc) =	sbr.rel @p0 .LBB2_8-.Ltmp3, $4  }
0x288: {  	v0 =	vadd.f32 v3, v0  }
0x289: {  	s30 =	sadd.s32 $0x10, s30  }
0x28a: {  	s31 =	sand.u32 $0x1F0, s0;
	[tilespmem:s30+$0x0] =	vst v0  }
0x28b: {  	s1 =	sadd.s32 $0x10, s1;
	s0 =	sadd.s32 $0x10, s0;
	v0 =	vld [tilespmem:s31+$0xDC00]  }
0x28c: {  	v1 =	vld [tilespmem:s1+$0x0];
	_ =	sdelay $0x1  }
0x28d: {  	v2 =	vld [tilespmem:s31+$0xDE00];
	_ =	sdelay $0x1  }
0x28e: {  	v3 =	vld [tilespmem:s31+$0xE000]  }
0x28f: {  	v0 =	vadd.f32 v0, v1  }
0x290: {  	v52 =	vld [tilespmem:s31+$0xE200]  }
0x291: {  	v0 =	vadd.f32 v2, v0  }
0x292: {  	v53 =	vld [tilespmem:s31+$0xE400]  }
0x293: {  	v0 =	vadd.f32 v3, v0  }
0x294: {  	v54 =	vld [tilespmem:s31+$0xE600]  }
0x295: {  	v0 =	vadd.f32 v52, v0  }
0x296: {  	v55 =	vld [tilespmem:s31+$0xE800]  }
0x297: {  	v0 =	vadd.f32 v53, v0  }
0x298: {  	v56 =	vld [tilespmem:s31+$0xEA00]  }
0x299: {  	v0 =	vadd.f32 v54, v0  }
0x29a: {  	v57 =	vld [tilespmem:s31+$0xEC00]  }
0x29b: {  	v0 =	vadd.f32 v55, v0  }
0x29c: {  	v58 =	vld [tilespmem:s31+$0xEE00]  }
0x29d: {  	v0 =	vadd.f32 v56, v0  }
0x29e: {  	v59 =	vld [tilespmem:s31+$0xF000]  }
0x29f: {  	v0 =	vadd.f32 v57, v0  }
0x2a0: {  	v60 =	vld [tilespmem:s31+$0xF200]  }
0x2a1: {  	v0 =	vadd.f32 v58, v0  }
0x2a2: {  	v61 =	vld [tilespmem:s31+$0xF400]  }
0x2a3: {  	v0 =	vadd.f32 v59, v0  }
0x2a4: {  	v62 =	vld [tilespmem:s31+$0xF600]  }
0x2a5: {  	v0 =	vadd.f32 v60, v0  }
0x2a6: {  	v63 =	vld [tilespmem:s31+$0xF800]  }
0x2a7: {  	v0 =	vadd.f32 v61, v0;
	_ =	sdelay $0x1  }
0x2a8: {  	v0 =	vadd.f32 v62, v0;
	_ =	sdelay $0x1  }
0x2a9: {  	v0 =	vadd.f32 v63, v0  }
0x2aa: {  	s0 =	sadd.s32 $0x10, s30  }
0x2ab: {  	s1 =	rddreg [dreg:$0x16];
	s30 =	simm.s32 $0xFE00;
	[tilespmem:s0+$0x0] =	vst v0  }
0x2ac: {  	[hbm4b:s1+s3] =	stream.linear.scatter [tilespmem:s30], [sflag:$0x2], $0x200, $0x38;
	[tilespmem:$0x10000] =	vst v63  }
0x2ad: {  	_ =	swait.ge [sflag:s28], $0x200  }
0x2ae: {  	s29 =	sadd.s32 $0x1, s29;
	s31 =	rddreg [dreg:$0x18]  }
0x2af: {  	p0 =	sne.s32 s29, s31  }
.Ltmp4:
0x2b0: {  	_ = 	snop;
	(pc) =	sbr.rel @p0 .LBB2_1-.Ltmp4, $3  }
0x2b1: {  	_ =	sdelay $0x1  }
0x2b2: {  	[sflag:s28] =	ssyncset.done $0x0  }
0x2b3: {  	[sflag:s28] =	ssyncadd.s32 $0xFFFFFE00  }
0x2b4: {  	_ =	sfence.sel $0x180000  }
0x2b5: {  	[bflag:$0x0] =	sbarrier.arrive $0xFFFF  }
0x2b6: {  	_ =	strace $0x90000047  }
0x2b7: {  	s0 =	stileid.u32;
	[bflag:$0x2] =	sbarrier.arrive $0xFFFF  }
0x2b8: {  	p0 =	sne.s32 s0, $0x0;
	s0 =	rddreg [dreg:$0x3]  }
0x2b9: {  	s0 =	sadd.s32 @!p0 $0x100000, s0  }
0x2ba: {  	[sflag:s0] =	ssyncadd.tile.s32 @!p0 $0x1;
	_ =	shalt  }
.Lfunc_end2:
_tile_overlayer_lowered:
.L_overlay_start_2:
0x2bb: {  	(tag) =	ssettag $0x2  }
0x2bc: {  	s0 =	rddreg [dreg:$0x0];
	s2 =	stileid.u32  }
0x2bd: {  	s1 =	rddreg [dreg:$0x1];
	p0 =	sne.s32 s2, $0x0  }
0x2be: {  	s3 =	rddreg [dreg:$0x2];
	[bflag:$0x3] =	sbarrier.arrive $0xFFFF;
	s2 =	simm.s32 @!p0 $0x1C02  }
0x2bf: {  	[timem:s3], [sflag:s2] =	dma.local @!p0 [hbm:s0], s1  }
0x2c0: {  	s0 =	simm.s32 @!p0 $0x2  }
0x2c1: {  	_ =	swait.ge @!p0 [sflag:s0], s1  }
0x2c2: {  	s1 =	ssub.s32 @!p0 $0x0, s1;
	[sflag:s0] =	ssyncset.done @!p0 $0x0  }
0x2c3: {  	[sflag:s0] =	ssyncadd.s32 @!p0 s1  }
0x2c4: {  	[bflag:$0x3] =	sbarrier.arrive $0xFFFF  }
0x2c5: {  	_ =	shalt  }

</sc_bundles>
